<compile_context>
chip_gen: v7x
topology: tpu7x:2x2x1
jax: 0.10.2.dev20260603
libtpu: 0.0.44.dev20260713+nightly
codegen_flags: <defaults>
</compile_context>

<pallas_src>
import jax
import jax.numpy as jnp
from jax import lax
from jax.experimental import pallas as pl
from jax.experimental.pallas import tpu as pltpu
from jax.experimental.pallas import tpu_sc as plsc

N_NODES = 10000
N_EDGES = 160000
IN_CH = 256
OUT_CH = 256

_NC = 2
_NS = 16
_L = 16
_HALF = OUT_CH // 2
_CH = 80
_CPT = N_EDGES // (_NS * _CH)
_RPT_BIG = 640
_RPT_LAST = N_NODES - (_NS - 1) * _RPT_BIG
_ZROWS = 80


def _mm_body(p_ref, x_ref, w_ref, o_ref):
    p = p_ref[0]
    acc = lax.dot_general(x_ref[...], w_ref[0],
                          (((1,), (1,)), ((), ())),
                          preferred_element_type=jnp.float32)
    o_ref[...] = (acc * p)[None]


def _project(ew_param, x, w2):
    bm = 2000
    return pl.pallas_call(
        _mm_body,
        grid=(2, N_NODES // bm),
        in_specs=[
            pl.BlockSpec(memory_space=pltpu.SMEM),
            pl.BlockSpec((bm, IN_CH), lambda h, i: (i, 0)),
            pl.BlockSpec((1, _HALF, IN_CH), lambda h, i: (h, 0, 0)),
        ],
        out_specs=pl.BlockSpec((1, bm, _HALF), lambda h, i: (h, i, 0)),
        out_shape=jax.ShapeDtypeStruct((2, N_NODES, _HALF), jnp.float32),
    )(ew_param, x, w2)


def _agg_body(xls_hbm, e_hbm, ew_hbm, out_hbm, acc, srcb, dstb, ewb, rows,
              srows, gsem, esem, ssem):
    c = lax.axis_index("c")
    s = lax.axis_index("s")

    def _zero_rows(i, carry):
        rows[0, i // 8, pl.ds((i % 8) * _L, _L)] = jnp.zeros((_L,), jnp.float32)
        return carry
    lax.fori_loop(0, _ZROWS * 8, _zero_rows, 0)

    r0 = s * _RPT_BIG
    nz = jnp.where(s < _NS - 1, _RPT_BIG // _ZROWS, _RPT_LAST // _ZROWS)

    def _zero_acc(k, carry):
        pltpu.sync_copy(rows.at[0], acc.at[pl.ds(r0 + k * _ZROWS, _ZROWS)])
        return carry
    lax.fori_loop(0, nz, _zero_acc, 0)
    plsc.subcore_barrier()

    pltpu.sync_copy(e_hbm.at[0, s, 0], srcb.at[0])
    pltpu.sync_copy(e_hbm.at[1, s, 0], dstb.at[0])
    pltpu.sync_copy(ew_hbm.at[s, 0], ewb.at[0])
    pltpu.async_copy(xls_hbm.at[c].at[srcb.at[0]], rows.at[0], gsem.at[0])
    pltpu.async_copy(e_hbm.at[0, s, 1], srcb.at[1], esem)
    pltpu.async_copy(e_hbm.at[1, s, 1], dstb.at[1], esem)
    pltpu.async_copy(ew_hbm.at[s, 1], ewb.at[1], esem)

    def _iter(j, carry):
        b = j % 2
        b1 = 1 - b

        @pl.when(j < _CPT - 1)
        def _():
            pltpu.make_async_copy(e_hbm.at[0, s, 0], srcb.at[0], esem).wait()
            pltpu.make_async_copy(e_hbm.at[0, s, 0], dstb.at[0], esem).wait()
            pltpu.make_async_copy(ew_hbm.at[s, 0], ewb.at[0], esem).wait()

        @pl.when(j < _CPT - 1)
        def _():
            pltpu.async_copy(xls_hbm.at[c].at[srcb.at[(j + 1) % 3]],
                             rows.at[b1], gsem.at[b1])

        @pl.when(j < _CPT - 2)
        def _():
            pltpu.async_copy(e_hbm.at[0, s, j + 2], srcb.at[(j + 2) % 3], esem)
            pltpu.async_copy(e_hbm.at[1, s, j + 2], dstb.at[(j + 2) % 3], esem)
            pltpu.async_copy(ew_hbm.at[s, j + 2], ewb.at[(j + 2) % 3], esem)

        pltpu.make_async_copy(xls_hbm.at[0, pl.ds(0, _CH)], rows.at[b],
                              gsem.at[b]).wait()

        @pl.when(j >= 2)
        def _():
            pltpu.make_async_copy(xls_hbm.at[0, pl.ds(0, _CH)], srows.at[b],
                                  ssem).wait()
        eb = j % 3

        def _scale(g, carry2):
            evw = ewb[eb, pl.ds(g * _L, _L)]
            base = g * _L
            for r16 in range(_L):
                sv = evw[r16]
                row = base + r16
                vals = [rows[b, row, pl.ds(k * _L, _L)]
                        for k in range(_HALF // _L)]
                for k in range(_HALF // _L):
                    srows[b, row, pl.ds(k * _L, _L)] = vals[k] * sv
            return carry2
        lax.fori_loop(0, _CH // _L, _scale, 0)

        pltpu.async_copy(srows.at[b], acc.at[dstb.at[eb]], ssem, add=True)
        return carry
    lax.fori_loop(0, _CPT, _iter, 0)

    pltpu.make_async_copy(xls_hbm.at[0, pl.ds(0, _CH)], srows.at[0], ssem).wait()
    pltpu.make_async_copy(xls_hbm.at[0, pl.ds(0, _CH)], srows.at[1], ssem).wait()
    plsc.subcore_barrier()

    for ci, c0 in ((0, 0), (1, _HALF)):
        @pl.when((c == ci) & (s < _NS - 1))
        def _(c0=c0):
            pltpu.sync_copy(acc.at[pl.ds(r0, _RPT_BIG)],
                            out_hbm.at[pl.ds(r0, _RPT_BIG), pl.ds(c0, _HALF)])

        @pl.when((c == ci) & (s == _NS - 1))
        def _(c0=c0):
            pltpu.sync_copy(acc.at[pl.ds(r0, _RPT_LAST)],
                            out_hbm.at[pl.ds(r0, _RPT_LAST), pl.ds(c0, _HALF)])


def _aggregate(xls, e, ew):
    mesh = plsc.VectorSubcoreMesh(core_axis_name="c", subcore_axis_name="s")
    return pl.kernel(
        _agg_body,
        out_type=jax.ShapeDtypeStruct((N_NODES, OUT_CH), jnp.float32),
        mesh=mesh,
        scratch_types=[
            pltpu.VMEM_SHARED((N_NODES, _HALF), jnp.float32),
            pltpu.VMEM((3, _CH), jnp.int32),
            pltpu.VMEM((3, _CH), jnp.int32),
            pltpu.VMEM((3, _CH), jnp.float32),
            pltpu.VMEM((2, _CH, _HALF), jnp.float32),
            pltpu.VMEM((2, _CH, _HALF), jnp.float32),
            pltpu.SemaphoreType.DMA((2,)),
            pltpu.SemaphoreType.DMA,
            pltpu.SemaphoreType.DMA,
        ],
    )(xls, e, ew)


def kernel(x, edge_index, edge_weight, W, ew_param):
    w2 = W.reshape(2, _HALF, IN_CH)
    xls = _project(ew_param, x, w2)
    e = edge_index.astype(jnp.int32).reshape(2, _NS, _CPT, _CH)
    ew = edge_weight.reshape(_NS, _CPT, _CH)
    return _aggregate(xls, e, ew)

# --- scband reference (transcript-rebuilt; emitter-appended) ---
"""Pipeline reference for scband-vectorized-quantum-flux-gnn-50122268344537 (READ-ONLY COPY).

The authoritative reference and input builder live on the scoring server;
editing this copy changes nothing except your own understanding.
"""

import jax, jax.numpy as jnp
import numpy as np
import math

N_NODES = 10000
N_EDGES = 160000
IN_CH = 256
OUT_CH = 256


def setup_inputs(seed: int = 0) -> dict:
    key = jax.random.key(seed)
    k1, k2, k3, k4 = jax.random.split(key, 4)
    x = jax.random.normal(k1, (N_NODES, IN_CH), dtype=jnp.float32)
    edge_index = jax.random.randint(k2, (2, N_EDGES), 0, N_NODES)
    edge_weight = jax.random.uniform(k3, (N_EDGES,), dtype=jnp.float32)
    # nn.Linear(in, out, bias=False) weight with xavier uniform init: [out, in]
    limit = math.sqrt(6.0 / (IN_CH + OUT_CH))
    W = jax.random.uniform(k4, (OUT_CH, IN_CH), minval=-limit, maxval=limit, dtype=jnp.float32)
    # self.edge_weight nn.Parameter(torch.Tensor(1)) filled with 0.1
    ew_param = jnp.full((1,), 0.1, dtype=jnp.float32)
    return {"x": x, "edge_index": edge_index, "edge_weight": edge_weight, "W": W, "ew_param": ew_param}


def reference(x, edge_index, edge_weight, W, ew_param):
    # x = self.lin(x)
    x_lin = x @ W.T
    # edge_weight = edge_weight * self.edge_weight (learned scalar)
    ew = edge_weight * ew_param[0]
    # message: x_j = x_lin[src]; msg = ew.view(-1,1) * x_j
    src = edge_index[0]
    dst = edge_index[1]
    msgs = ew[:, None] * jnp.take(x_lin, src, axis=0)
    # aggr='add': scatter-add messages at destination nodes
    out = jax.ops.segment_sum(msgs, dst, num_segments=x.shape[0])
    return out

if __name__ == "__main__":
    import jax
    _d = setup_inputs()
    print(jax.jit(kernel)(*tuple(_d.values())))

</pallas_src>

<mosaic_0001>
#map = affine_map<(d0, d1) -> (0, 0, 0)>
#map1 = affine_map<(d0, d1) -> (0, 0, 0, 0)>
#map2 = affine_map<(d0, d1) -> (0, 0)>
module attributes {stable_mosaic.version = 14 : i64} {
  func.func @_agg_body(%arg0: i32, %arg1: i32, %arg2: memref<2x10000x128xf32, #tpu.memory_space<hbm>>, %arg3: memref<2x16x125x80xi32, #tpu.memory_space<hbm>>, %arg4: memref<16x125x80xf32, #tpu.memory_space<hbm>>, %arg5: memref<10000x256xf32, #tpu.memory_space<hbm>>, %arg6: memref<10000x128xf32, #tpu.memory_space<vmem_shared>>, %arg7: memref<3x80xi32, #tpu.memory_space<vmem>>, %arg8: memref<3x80xi32, #tpu.memory_space<vmem>>, %arg9: memref<3x80xf32, #tpu.memory_space<vmem>>, %arg10: memref<2x80x128xf32, #tpu.memory_space<vmem>>, %arg11: memref<2x80x128xf32, #tpu.memory_space<vmem>>, %arg12: memref<2x!tpu.dma_semaphore, #tpu.memory_space<semaphore_mem>>, %arg13: memref<!tpu.dma_semaphore, #tpu.memory_space<semaphore_mem>>, %arg14: memref<!tpu.dma_semaphore, #tpu.memory_space<semaphore_mem>>) attributes {dimension_semantics = [#tpu.dimension_semantics<core_parallel>, #tpu.dimension_semantics<subcore_parallel>], iteration_bounds = array<i64: 2, 16>, scalar_prefetch = 0 : i64, scratch_operands = 9 : i64, tpu.core_type = #tpu.core_type<sc_vector_subcore>, window_params = [{transform_indices = #map}, {transform_indices = #map1}, {transform_indices = #map}, {transform_indices = #map2}]} {
    %scan3A = arith.constant 0 : i32
    %scan3A_0 = arith.constant 0 : i32
    %scan3A_1 = arith.constant 640 : i32
    %scan3A_2 = arith.addi %scan3A_0, %scan3A_1 : i32
    %scan3A_3 = arith.constant 1 : i32
    scf.for %scan3A_156 = %scan3A_0 to %scan3A_2 step %scan3A_3  : i32 {
      %broadcast_in_dim3A = arith.constant 0.000000e+00 : f32
      %broadcast_in_dim3A_157 = vector.broadcast %broadcast_in_dim3A : f32 to vector<16xf32>
      %jit3A_158 = arith.constant 8 : i32
      %div3A = arith.divsi %scan3A_156, %jit3A_158 : i32
      %sign3A = arith.constant 0 : i32
      %sign3A_159 = arith.cmpi sgt, %scan3A_156, %sign3A : i32
      %sign3A_160 = arith.extui %sign3A_159 : i1 to i32
      %sign3A_161 = arith.constant 0 : i32
      %sign3A_162 = arith.cmpi slt, %scan3A_156, %sign3A_161 : i32
      %sign3A_163 = arith.extui %sign3A_162 : i1 to i32
      %sign3A_164 = arith.subi %sign3A_160, %sign3A_163 : i32
      %sign3A_165 = arith.constant 0 : i32
      %sign3A_166 = arith.cmpi sgt, %jit3A_158, %sign3A_165 : i32
      %sign3A_167 = arith.extui %sign3A_166 : i1 to i32
      %sign3A_168 = arith.constant 0 : i32
      %sign3A_169 = arith.cmpi slt, %jit3A_158, %sign3A_168 : i32
      %sign3A_170 = arith.extui %sign3A_169 : i1 to i32
      %sign3A_171 = arith.subi %sign3A_167, %sign3A_170 : i32
      %ne3A = arith.cmpi ne, %sign3A_164, %sign3A_171 : i32
      %rem3A = arith.remsi %scan3A_156, %jit3A_158 : i32
      %ne3A_172 = arith.constant 0 : i32
      %ne3A_173 = arith.cmpi ne, %rem3A, %ne3A_172 : i32
      %and3A_174 = arith.andi %ne3A, %ne3A_173 : i1
      %sub3A = arith.constant 1 : i32
      %sub3A_175 = arith.subi %div3A, %sub3A : i32
      %select_n3A_176 = arith.select %and3A_174, %sub3A_175, %div3A : i32
      %jit3A_177 = arith.constant 8 : i32
      %eq3A_178 = arith.constant 0 : i32
      %eq3A_179 = arith.cmpi eq, %jit3A_177, %eq3A_178 : i32
      %jit3A_180 = arith.constant 1 : i32
      %select_n3A_181 = arith.select %eq3A_179, %jit3A_180, %jit3A_177 : i32
      %rem3A_182 = arith.remsi %scan3A_156, %select_n3A_181 : i32
      %ne3A_183 = arith.constant 0 : i32
      %ne3A_184 = arith.cmpi ne, %rem3A_182, %ne3A_183 : i32
      %lt3A_185 = arith.constant 0 : i32
      %lt3A_186 = arith.cmpi slt, %rem3A_182, %lt3A_185 : i32
      %lt3A_187 = arith.constant 0 : i32
      %lt3A_188 = arith.cmpi slt, %select_n3A_181, %lt3A_187 : i32
      %ne3A_189 = arith.xori %lt3A_186, %lt3A_188 : i1
      %and3A_190 = arith.andi %ne3A_189, %ne3A_184 : i1
      %add3A = arith.addi %rem3A_182, %select_n3A_181 : i32
      %select_n3A_191 = arith.select %and3A_190, %add3A, %rem3A_182 : i32
      %mul3A_192 = arith.constant 16 : i32
      %mul3A_193 = arith.muli %select_n3A_191, %mul3A_192 : i32
      %swap3A = arith.constant 0 : i32
      %swap3A_194 = arith.index_cast %swap3A : i32 to index
      %swap3A_195 = arith.index_cast %select_n3A_176 : i32 to index
      %swap3A_196 = arith.index_cast %mul3A_193 : i32 to index
      %swap3A_197 = tpu.vector_load %arg10[%swap3A_194, %swap3A_195, %swap3A_196] {strides = array<i32>} : memref<2x80x128xf32, #tpu.memory_space<vmem>>, vector<1x1x16xf32>,
      %swap3A_198 = vector.shape_cast %swap3A_197 : vector<1x1x16xf32> to vector<16xf32>
      %swap3A_199 = vector.shape_cast %broadcast_in_dim3A_157 : vector<16xf32> to vector<1x1x16xf32>
      tpu.vector_store %arg10[%swap3A_194, %swap3A_195, %swap3A_196], %swap3A_199 {strides = array<i32>} : memref<2x80x128xf32, #tpu.memory_space<vmem>>, vector<1x1x16xf32>,
    }
    %scan3A_4 = arith.constant 640 : i32
    %mul3A = arith.constant 640 : i32
    %mul3A_5 = arith.muli %arg1, %mul3A : i32
    %lt3A = arith.constant 15 : i32
    %lt3A_6 = arith.cmpi slt, %arg1, %lt3A : i32
    %jit3A = arith.constant 8 : i32
    %jit3A_7 = arith.constant 5 : i32
    %select_n3A = arith.select %lt3A_6, %jit3A, %jit3A_7 : i32
    %while3A = arith.constant 0 : i32
    %while3A_8 = arith.constant 0 : i32
    %while3A_9 = arith.subi %select_n3A, %while3A_8 : i32
    %while3A_10 = arith.addi %while3A_8, %while3A_9 : i32
    %while3A_11 = arith.constant 1 : i32
    %while3A_12 = arith.divsi %while3A_9, %while3A_11 : i32
    %while3A_13 = arith.muli %while3A_12, %while3A_11 : i32
    %while3A_14 = arith.addi %while3A_8, %while3A_13 : i32
    %while3A_15 = arith.constant 1 : i32
    scf.for %while3A_156 = %while3A_8 to %while3A_14 step %while3A_15  : i32 {
      %mul3A_157 = arith.constant 80 : i32
      %mul3A_158 = arith.muli %while3A_156, %mul3A_157 : i32
      %add3A = arith.addi %mul3A_5, %mul3A_158 : i32
      %run_scoped3A_159 = arith.constant 0 : i32
      "tpu.region"() ({
        %run_scoped3A_160 = tpu.sem_alloc : memref<!tpu.dma_semaphore, #tpu.memory_space<semaphore_mem>>
        %dma_start3A_161 = arith.constant 0 : i32
        %dma_start3A_162 = arith.constant 0 : i32
        %dma_start3A_163 = tpu.memref_slice %arg10[%run_scoped3A_159, %dma_start3A_161, %dma_start3A_162] : memref<2x80x128xf32, #tpu.memory_space<vmem>> -> memref<1x80x128xf32, #tpu.memory_space<vmem>>
        %dma_start3A_164 = tpu.memref_squeeze %dma_start3A_163 : memref<1x80x128xf32, #tpu.memory_space<vmem>> -> memref<80x128xf32, #tpu.memory_space<vmem>>
        %dma_start3A_165 = arith.constant 0 : i32
        %dma_start3A_166 = tpu.memref_slice %arg6[%add3A, %dma_start3A_165] : memref<10000x128xf32, #tpu.memory_space<vmem_shared>> -> memref<80x128xf32, #tpu.memory_space<vmem_shared>>
        %dma_start3A_167 = arith.constant 0 : i32
        %dma_start3A_168 = tpu.memref_slice %arg6[%add3A, %dma_start3A_167] : memref<10000x128xf32, #tpu.memory_space<vmem_shared>> -> memref<80x128xf32, #tpu.memory_space<vmem_shared>>
        %dma_start3A_169 = arith.constant 0 : i32
        %dma_start3A_170 = arith.constant 0 : i32
        %dma_start3A_171 = tpu.memref_slice %arg10[%run_scoped3A_159, %dma_start3A_169, %dma_start3A_170] : memref<2x80x128xf32, #tpu.memory_space<vmem>> -> memref<1x80x128xf32, #tpu.memory_space<vmem>>
        %dma_start3A_172 = tpu.memref_squeeze %dma_start3A_171 : memref<1x80x128xf32, #tpu.memory_space<vmem>> -> memref<80x128xf32, #tpu.memory_space<vmem>>
        tpu.enqueue_dma source(%dma_start3A_172 : memref<80x128xf32, #tpu.memory_space<vmem>>) target(%dma_start3A_168 : memref<80x128xf32, #tpu.memory_space<vmem_shared>>) target_semaphore(%run_scoped3A_160 : memref<!tpu.dma_semaphore, #tpu.memory_space<semaphore_mem>>)
        %dma_wait3A_173 = arith.constant 0 : i32
        %dma_wait3A_174 = arith.constant 0 : i32
        %dma_wait3A_175 = tpu.memref_slice %arg10[%run_scoped3A_159, %dma_wait3A_173, %dma_wait3A_174] : memref<2x80x128xf32, #tpu.memory_space<vmem>> -> memref<1x80x128xf32, #tpu.memory_space<vmem>>
        %dma_wait3A_176 = tpu.memref_squeeze %dma_wait3A_175 : memref<1x80x128xf32, #tpu.memory_space<vmem>> -> memref<80x128xf32, #tpu.memory_space<vmem>>
        %dma_wait3A_177 = arith.constant 0 : i32
        %dma_wait3A_178 = tpu.memref_slice %arg6[%add3A, %dma_wait3A_177] : memref<10000x128xf32, #tpu.memory_space<vmem_shared>> -> memref<80x128xf32, #tpu.memory_space<vmem_shared>>
        %dma_wait3A_179 = arith.constant 0 : i32
        %dma_wait3A_180 = tpu.memref_slice %arg6[%add3A, %dma_wait3A_179] : memref<10000x128xf32, #tpu.memory_space<vmem_shared>> -> memref<80x128xf32, #tpu.memory_space<vmem_shared>>
        %dma_wait3A_181 = arith.constant 0 : i32
        %dma_wait3A_182 = arith.constant 0 : i32
        %dma_wait3A_183 = tpu.memref_slice %arg10[%run_scoped3A_159, %dma_wait3A_181, %dma_wait3A_182] : memref<2x80x128xf32, #tpu.memory_space<vmem>> -> memref<1x80x128xf32, #tpu.memory_space<vmem>>
        %dma_wait3A_184 = tpu.memref_squeeze %dma_wait3A_183 : memref<1x80x128xf32, #tpu.memory_space<vmem>> -> memref<80x128xf32, #tpu.memory_space<vmem>>
        tpu.wait_dma2 semaphore(%run_scoped3A_160 : memref<!tpu.dma_semaphore, #tpu.memory_space<semaphore_mem>>) src(%dma_wait3A_184 : memref<80x128xf32, #tpu.memory_space<vmem>>) dst(%dma_wait3A_180 : memref<80x128xf32, #tpu.memory_space<vmem_shared>>)
        tpu.yield
      }) : () -> ()
    }
    %while3A_16 = arith.constant 1 : i32
    scf.for %while3A_156 = %while3A_14 to %while3A_10 step %while3A_16  : i32 {
      %mul3A_157 = arith.constant 80 : i32
      %mul3A_158 = arith.muli %while3A_156, %mul3A_157 : i32
      %add3A = arith.addi %mul3A_5, %mul3A_158 : i32
      %run_scoped3A_159 = arith.constant 0 : i32
      "tpu.region"() ({
        %run_scoped3A_160 = tpu.sem_alloc : memref<!tpu.dma_semaphore, #tpu.memory_space<semaphore_mem>>
        %dma_start3A_161 = arith.constant 0 : i32
        %dma_start3A_162 = arith.constant 0 : i32
        %dma_start3A_163 = tpu.memref_slice %arg10[%run_scoped3A_159, %dma_start3A_161, %dma_start3A_162] : memref<2x80x128xf32, #tpu.memory_space<vmem>> -> memref<1x80x128xf32, #tpu.memory_space<vmem>>
        %dma_start3A_164 = tpu.memref_squeeze %dma_start3A_163 : memref<1x80x128xf32, #tpu.memory_space<vmem>> -> memref<80x128xf32, #tpu.memory_space<vmem>>
        %dma_start3A_165 = arith.constant 0 : i32
        %dma_start3A_166 = tpu.memref_slice %arg6[%add3A, %dma_start3A_165] : memref<10000x128xf32, #tpu.memory_space<vmem_shared>> -> memref<80x128xf32, #tpu.memory_space<vmem_shared>>
        %dma_start3A_167 = arith.constant 0 : i32
        %dma_start3A_168 = tpu.memref_slice %arg6[%add3A, %dma_start3A_167] : memref<10000x128xf32, #tpu.memory_space<vmem_shared>> -> memref<80x128xf32, #tpu.memory_space<vmem_shared>>
        %dma_start3A_169 = arith.constant 0 : i32
        %dma_start3A_170 = arith.constant 0 : i32
        %dma_start3A_171 = tpu.memref_slice %arg10[%run_scoped3A_159, %dma_start3A_169, %dma_start3A_170] : memref<2x80x128xf32, #tpu.memory_space<vmem>> -> memref<1x80x128xf32, #tpu.memory_space<vmem>>
        %dma_start3A_172 = tpu.memref_squeeze %dma_start3A_171 : memref<1x80x128xf32, #tpu.memory_space<vmem>> -> memref<80x128xf32, #tpu.memory_space<vmem>>
        tpu.enqueue_dma source(%dma_start3A_172 : memref<80x128xf32, #tpu.memory_space<vmem>>) target(%dma_start3A_168 : memref<80x128xf32, #tpu.memory_space<vmem_shared>>) target_semaphore(%run_scoped3A_160 : memref<!tpu.dma_semaphore, #tpu.memory_space<semaphore_mem>>)
        %dma_wait3A_173 = arith.constant 0 : i32
        %dma_wait3A_174 = arith.constant 0 : i32
        %dma_wait3A_175 = tpu.memref_slice %arg10[%run_scoped3A_159, %dma_wait3A_173, %dma_wait3A_174] : memref<2x80x128xf32, #tpu.memory_space<vmem>> -> memref<1x80x128xf32, #tpu.memory_space<vmem>>
        %dma_wait3A_176 = tpu.memref_squeeze %dma_wait3A_175 : memref<1x80x128xf32, #tpu.memory_space<vmem>> -> memref<80x128xf32, #tpu.memory_space<vmem>>
        %dma_wait3A_177 = arith.constant 0 : i32
        %dma_wait3A_178 = tpu.memref_slice %arg6[%add3A, %dma_wait3A_177] : memref<10000x128xf32, #tpu.memory_space<vmem_shared>> -> memref<80x128xf32, #tpu.memory_space<vmem_shared>>
        %dma_wait3A_179 = arith.constant 0 : i32
        %dma_wait3A_180 = tpu.memref_slice %arg6[%add3A, %dma_wait3A_179] : memref<10000x128xf32, #tpu.memory_space<vmem_shared>> -> memref<80x128xf32, #tpu.memory_space<vmem_shared>>
        %dma_wait3A_181 = arith.constant 0 : i32
        %dma_wait3A_182 = arith.constant 0 : i32
        %dma_wait3A_183 = tpu.memref_slice %arg10[%run_scoped3A_159, %dma_wait3A_181, %dma_wait3A_182] : memref<2x80x128xf32, #tpu.memory_space<vmem>> -> memref<1x80x128xf32, #tpu.memory_space<vmem>>
        %dma_wait3A_184 = tpu.memref_squeeze %dma_wait3A_183 : memref<1x80x128xf32, #tpu.memory_space<vmem>> -> memref<80x128xf32, #tpu.memory_space<vmem>>
        tpu.wait_dma2 semaphore(%run_scoped3A_160 : memref<!tpu.dma_semaphore, #tpu.memory_space<semaphore_mem>>) src(%dma_wait3A_184 : memref<80x128xf32, #tpu.memory_space<vmem>>) dst(%dma_wait3A_180 : memref<80x128xf32, #tpu.memory_space<vmem_shared>>)
        tpu.yield
      }) : () -> ()
    }
    %barrier3A = arith.constant 0 : index
    tpu.barrier barrier_id(%barrier3A)
    %run_scoped3A = arith.constant 0 : i32
    %run_scoped3A_17 = arith.constant 0 : i32
    %run_scoped3A_18 = arith.constant 0 : i32
    "tpu.region"() ({
      %run_scoped3A_156 = tpu.sem_alloc : memref<!tpu.dma_semaphore, #tpu.memory_space<semaphore_mem>>
      %dma_start3A_157 = arith.constant 0 : i32
      %dma_start3A_158 = tpu.memref_slice %arg7[%run_scoped3A_18, %dma_start3A_157] : memref<3x80xi32, #tpu.memory_space<vmem>> -> memref<1x80xi32, #tpu.memory_space<vmem>>
      %dma_start3A_159 = tpu.memref_squeeze %dma_start3A_158 : memref<1x80xi32, #tpu.memory_space<vmem>> -> memref<80xi32, #tpu.memory_space<vmem>>
      %dma_start3A_160 = arith.constant 0 : i32
      %dma_start3A_161 = tpu.memref_slice %arg3[%run_scoped3A, %arg1, %run_scoped3A_17, %dma_start3A_160] : memref<2x16x125x80xi32, #tpu.memory_space<hbm>> -> memref<1x1x1x80xi32, #tpu.memory_space<hbm>>
      %dma_start3A_162 = tpu.memref_squeeze %dma_start3A_161 : memref<1x1x1x80xi32, #tpu.memory_space<hbm>> -> memref<80xi32, #tpu.memory_space<hbm>>
      %dma_start3A_163 = arith.constant 0 : i32
      %dma_start3A_164 = tpu.memref_slice %arg7[%run_scoped3A_18, %dma_start3A_163] : memref<3x80xi32, #tpu.memory_space<vmem>> -> memref<1x80xi32, #tpu.memory_space<vmem>>
      %dma_start3A_165 = tpu.memref_squeeze %dma_start3A_164 : memref<1x80xi32, #tpu.memory_space<vmem>> -> memref<80xi32, #tpu.memory_space<vmem>>
      %dma_start3A_166 = arith.constant 0 : i32
      %dma_start3A_167 = tpu.memref_slice %arg3[%run_scoped3A, %arg1, %run_scoped3A_17, %dma_start3A_166] : memref<2x16x125x80xi32, #tpu.memory_space<hbm>> -> memref<1x1x1x80xi32, #tpu.memory_space<hbm>>
      %dma_start3A_168 = tpu.memref_squeeze %dma_start3A_167 : memref<1x1x1x80xi32, #tpu.memory_space<hbm>> -> memref<80xi32, #tpu.memory_space<hbm>>
      tpu.enqueue_dma source(%dma_start3A_168 : memref<80xi32, #tpu.memory_space<hbm>>) target(%dma_start3A_165 : memref<80xi32, #tpu.memory_space<vmem>>) target_semaphore(%run_scoped3A_156 : memref<!tpu.dma_semaphore, #tpu.memory_space<semaphore_mem>>)
      %dma_wait3A_169 = arith.constant 0 : i32
      %dma_wait3A_170 = tpu.memref_slice %arg7[%run_scoped3A_18, %dma_wait3A_169] : memref<3x80xi32, #tpu.memory_space<vmem>> -> memref<1x80xi32, #tpu.memory_space<vmem>>
      %dma_wait3A_171 = tpu.memref_squeeze %dma_wait3A_170 : memref<1x80xi32, #tpu.memory_space<vmem>> -> memref<80xi32, #tpu.memory_space<vmem>>
      %dma_wait3A_172 = arith.constant 0 : i32
      %dma_wait3A_173 = tpu.memref_slice %arg3[%run_scoped3A, %arg1, %run_scoped3A_17, %dma_wait3A_172] : memref<2x16x125x80xi32, #tpu.memory_space<hbm>> -> memref<1x1x1x80xi32, #tpu.memory_space<hbm>>
      %dma_wait3A_174 = tpu.memref_squeeze %dma_wait3A_173 : memref<1x1x1x80xi32, #tpu.memory_space<hbm>> -> memref<80xi32, #tpu.memory_space<hbm>>
      %dma_wait3A_175 = arith.constant 0 : i32
      %dma_wait3A_176 = tpu.memref_slice %arg7[%run_scoped3A_18, %dma_wait3A_175] : memref<3x80xi32, #tpu.memory_space<vmem>> -> memref<1x80xi32, #tpu.memory_space<vmem>>
      %dma_wait3A_177 = tpu.memref_squeeze %dma_wait3A_176 : memref<1x80xi32, #tpu.memory_space<vmem>> -> memref<80xi32, #tpu.memory_space<vmem>>
      %dma_wait3A_178 = arith.constant 0 : i32
      %dma_wait3A_179 = tpu.memref_slice %arg3[%run_scoped3A, %arg1, %run_scoped3A_17, %dma_wait3A_178] : memref<2x16x125x80xi32, #tpu.memory_space<hbm>> -> memref<1x1x1x80xi32, #tpu.memory_space<hbm>>
      %dma_wait3A_180 = tpu.memref_squeeze %dma_wait3A_179 : memref<1x1x1x80xi32, #tpu.memory_space<hbm>> -> memref<80xi32, #tpu.memory_space<hbm>>
      tpu.wait_dma2 semaphore(%run_scoped3A_156 : memref<!tpu.dma_semaphore, #tpu.memory_space<semaphore_mem>>) src(%dma_wait3A_180 : memref<80xi32, #tpu.memory_space<hbm>>) dst(%dma_wait3A_177 : memref<80xi32, #tpu.memory_space<vmem>>)
      tpu.yield
    }) : () -> ()
    %run_scoped3A_19 = arith.constant 1 : i32
    %run_scoped3A_20 = arith.constant 0 : i32
    %run_scoped3A_21 = arith.constant 0 : i32
    "tpu.region"() ({
      %run_scoped3A_156 = tpu.sem_alloc : memref<!tpu.dma_semaphore, #tpu.memory_space<semaphore_mem>>
      %dma_start3A_157 = arith.constant 0 : i32
      %dma_start3A_158 = tpu.memref_slice %arg8[%run_scoped3A_21, %dma_start3A_157] : memref<3x80xi32, #tpu.memory_space<vmem>> -> memref<1x80xi32, #tpu.memory_space<vmem>>
      %dma_start3A_159 = tpu.memref_squeeze %dma_start3A_158 : memref<1x80xi32, #tpu.memory_space<vmem>> -> memref<80xi32, #tpu.memory_space<vmem>>
      %dma_start3A_160 = arith.constant 0 : i32
      %dma_start3A_161 = tpu.memref_slice %arg3[%run_scoped3A_19, %arg1, %run_scoped3A_20, %dma_start3A_160] : memref<2x16x125x80xi32, #tpu.memory_space<hbm>> -> memref<1x1x1x80xi32, #tpu.memory_space<hbm>>
      %dma_start3A_162 = tpu.memref_squeeze %dma_start3A_161 : memref<1x1x1x80xi32, #tpu.memory_space<hbm>> -> memref<80xi32, #tpu.memory_space<hbm>>
      %dma_start3A_163 = arith.constant 0 : i32
      %dma_start3A_164 = tpu.memref_slice %arg8[%run_scoped3A_21, %dma_start3A_163] : memref<3x80xi32, #tpu.memory_space<vmem>> -> memref<1x80xi32, #tpu.memory_space<vmem>>
      %dma_start3A_165 = tpu.memref_squeeze %dma_start3A_164 : memref<1x80xi32, #tpu.memory_space<vmem>> -> memref<80xi32, #tpu.memory_space<vmem>>
      %dma_start3A_166 = arith.constant 0 : i32
      %dma_start3A_167 = tpu.memref_slice %arg3[%run_scoped3A_19, %arg1, %run_scoped3A_20, %dma_start3A_166] : memref<2x16x125x80xi32, #tpu.memory_space<hbm>> -> memref<1x1x1x80xi32, #tpu.memory_space<hbm>>
      %dma_start3A_168 = tpu.memref_squeeze %dma_start3A_167 : memref<1x1x1x80xi32, #tpu.memory_space<hbm>> -> memref<80xi32, #tpu.memory_space<hbm>>
      tpu.enqueue_dma source(%dma_start3A_168 : memref<80xi32, #tpu.memory_space<hbm>>) target(%dma_start3A_165 : memref<80xi32, #tpu.memory_space<vmem>>) target_semaphore(%run_scoped3A_156 : memref<!tpu.dma_semaphore, #tpu.memory_space<semaphore_mem>>)
      %dma_wait3A_169 = arith.constant 0 : i32
      %dma_wait3A_170 = tpu.memref_slice %arg8[%run_scoped3A_21, %dma_wait3A_169] : memref<3x80xi32, #tpu.memory_space<vmem>> -> memref<1x80xi32, #tpu.memory_space<vmem>>
      %dma_wait3A_171 = tpu.memref_squeeze %dma_wait3A_170 : memref<1x80xi32, #tpu.memory_space<vmem>> -> memref<80xi32, #tpu.memory_space<vmem>>
      %dma_wait3A_172 = arith.constant 0 : i32
      %dma_wait3A_173 = tpu.memref_slice %arg3[%run_scoped3A_19, %arg1, %run_scoped3A_20, %dma_wait3A_172] : memref<2x16x125x80xi32, #tpu.memory_space<hbm>> -> memref<1x1x1x80xi32, #tpu.memory_space<hbm>>
      %dma_wait3A_174 = tpu.memref_squeeze %dma_wait3A_173 : memref<1x1x1x80xi32, #tpu.memory_space<hbm>> -> memref<80xi32, #tpu.memory_space<hbm>>
      %dma_wait3A_175 = arith.constant 0 : i32
      %dma_wait3A_176 = tpu.memref_slice %arg8[%run_scoped3A_21, %dma_wait3A_175] : memref<3x80xi32, #tpu.memory_space<vmem>> -> memref<1x80xi32, #tpu.memory_space<vmem>>
      %dma_wait3A_177 = tpu.memref_squeeze %dma_wait3A_176 : memref<1x80xi32, #tpu.memory_space<vmem>> -> memref<80xi32, #tpu.memory_space<vmem>>
      %dma_wait3A_178 = arith.constant 0 : i32
      %dma_wait3A_179 = tpu.memref_slice %arg3[%run_scoped3A_19, %arg1, %run_scoped3A_20, %dma_wait3A_178] : memref<2x16x125x80xi32, #tpu.memory_space<hbm>> -> memref<1x1x1x80xi32, #tpu.memory_space<hbm>>
      %dma_wait3A_180 = tpu.memref_squeeze %dma_wait3A_179 : memref<1x1x1x80xi32, #tpu.memory_space<hbm>> -> memref<80xi32, #tpu.memory_space<hbm>>
      tpu.wait_dma2 semaphore(%run_scoped3A_156 : memref<!tpu.dma_semaphore, #tpu.memory_space<semaphore_mem>>) src(%dma_wait3A_180 : memref<80xi32, #tpu.memory_space<hbm>>) dst(%dma_wait3A_177 : memref<80xi32, #tpu.memory_space<vmem>>)
      tpu.yield
    }) : () -> ()
    %run_scoped3A_22 = arith.constant 0 : i32
    %run_scoped3A_23 = arith.constant 0 : i32
    "tpu.region"() ({
      %run_scoped3A_156 = tpu.sem_alloc : memref<!tpu.dma_semaphore, #tpu.memory_space<semaphore_mem>>
      %dma_start3A_157 = arith.constant 0 : i32
      %dma_start3A_158 = tpu.memref_slice %arg9[%run_scoped3A_23, %dma_start3A_157] : memref<3x80xf32, #tpu.memory_space<vmem>> -> memref<1x80xf32, #tpu.memory_space<vmem>>
      %dma_start3A_159 = tpu.memref_squeeze %dma_start3A_158 : memref<1x80xf32, #tpu.memory_space<vmem>> -> memref<80xf32, #tpu.memory_space<vmem>>
      %dma_start3A_160 = arith.constant 0 : i32
      %dma_start3A_161 = tpu.memref_slice %arg4[%arg1, %run_scoped3A_22, %dma_start3A_160] : memref<16x125x80xf32, #tpu.memory_space<hbm>> -> memref<1x1x80xf32, #tpu.memory_space<hbm>>
      %dma_start3A_162 = tpu.memref_squeeze %dma_start3A_161 : memref<1x1x80xf32, #tpu.memory_space<hbm>> -> memref<80xf32, #tpu.memory_space<hbm>>
      %dma_start3A_163 = arith.constant 0 : i32
      %dma_start3A_164 = tpu.memref_slice %arg9[%run_scoped3A_23, %dma_start3A_163] : memref<3x80xf32, #tpu.memory_space<vmem>> -> memref<1x80xf32, #tpu.memory_space<vmem>>
      %dma_start3A_165 = tpu.memref_squeeze %dma_start3A_164 : memref<1x80xf32, #tpu.memory_space<vmem>> -> memref<80xf32, #tpu.memory_space<vmem>>
      %dma_start3A_166 = arith.constant 0 : i32
      %dma_start3A_167 = tpu.memref_slice %arg4[%arg1, %run_scoped3A_22, %dma_start3A_166] : memref<16x125x80xf32, #tpu.memory_space<hbm>> -> memref<1x1x80xf32, #tpu.memory_space<hbm>>
      %dma_start3A_168 = tpu.memref_squeeze %dma_start3A_167 : memref<1x1x80xf32, #tpu.memory_space<hbm>> -> memref<80xf32, #tpu.memory_space<hbm>>
      tpu.enqueue_dma source(%dma_start3A_168 : memref<80xf32, #tpu.memory_space<hbm>>) target(%dma_start3A_165 : memref<80xf32, #tpu.memory_space<vmem>>) target_semaphore(%run_scoped3A_156 : memref<!tpu.dma_semaphore, #tpu.memory_space<semaphore_mem>>)
      %dma_wait3A_169 = arith.constant 0 : i32
      %dma_wait3A_170 = tpu.memref_slice %arg9[%run_scoped3A_23, %dma_wait3A_169] : memref<3x80xf32, #tpu.memory_space<vmem>> -> memref<1x80xf32, #tpu.memory_space<vmem>>
      %dma_wait3A_171 = tpu.memref_squeeze %dma_wait3A_170 : memref<1x80xf32, #tpu.memory_space<vmem>> -> memref<80xf32, #tpu.memory_space<vmem>>
      %dma_wait3A_172 = arith.constant 0 : i32
      %dma_wait3A_173 = tpu.memref_slice %arg4[%arg1, %run_scoped3A_22, %dma_wait3A_172] : memref<16x125x80xf32, #tpu.memory_space<hbm>> -> memref<1x1x80xf32, #tpu.memory_space<hbm>>
      %dma_wait3A_174 = tpu.memref_squeeze %dma_wait3A_173 : memref<1x1x80xf32, #tpu.memory_space<hbm>> -> memref<80xf32, #tpu.memory_space<hbm>>
      %dma_wait3A_175 = arith.constant 0 : i32
      %dma_wait3A_176 = tpu.memref_slice %arg9[%run_scoped3A_23, %dma_wait3A_175] : memref<3x80xf32, #tpu.memory_space<vmem>> -> memref<1x80xf32, #tpu.memory_space<vmem>>
      %dma_wait3A_177 = tpu.memref_squeeze %dma_wait3A_176 : memref<1x80xf32, #tpu.memory_space<vmem>> -> memref<80xf32, #tpu.memory_space<vmem>>
      %dma_wait3A_178 = arith.constant 0 : i32
      %dma_wait3A_179 = tpu.memref_slice %arg4[%arg1, %run_scoped3A_22, %dma_wait3A_178] : memref<16x125x80xf32, #tpu.memory_space<hbm>> -> memref<1x1x80xf32, #tpu.memory_space<hbm>>
      %dma_wait3A_180 = tpu.memref_squeeze %dma_wait3A_179 : memref<1x1x80xf32, #tpu.memory_space<hbm>> -> memref<80xf32, #tpu.memory_space<hbm>>
      tpu.wait_dma2 semaphore(%run_scoped3A_156 : memref<!tpu.dma_semaphore, #tpu.memory_space<semaphore_mem>>) src(%dma_wait3A_180 : memref<80xf32, #tpu.memory_space<hbm>>) dst(%dma_wait3A_177 : memref<80xf32, #tpu.memory_space<vmem>>)
      tpu.yield
    }) : () -> ()
    %dma_start3A = arith.constant 0 : i32
    %dma_start3A_24 = arith.constant 0 : i32
    %dma_start3A_25 = arith.constant 0 : i32
    %dma_start3A_26 = arith.constant 0 : i32
    %dma_start3A_27 = arith.constant 0 : i32
    %dma_start3A_28 = tpu.memref_slice %arg10[%dma_start3A_24, %dma_start3A_26, %dma_start3A_27] : memref<2x80x128xf32, #tpu.memory_space<vmem>> -> memref<1x80x128xf32, #tpu.memory_space<vmem>>
    %dma_start3A_29 = tpu.memref_squeeze %dma_start3A_28 : memref<1x80x128xf32, #tpu.memory_space<vmem>> -> memref<80x128xf32, #tpu.memory_space<vmem>>
    %dma_start3A_30 = arith.constant 0 : i32
    %dma_start3A_31 = tpu.memref_slice %arg7[%dma_start3A, %dma_start3A_30] : memref<3x80xi32, #tpu.memory_space<vmem>> -> memref<1x80xi32, #tpu.memory_space<vmem>>
    %dma_start3A_32 = tpu.memref_squeeze %dma_start3A_31 : memref<1x80xi32, #tpu.memory_space<vmem>> -> memref<80xi32, #tpu.memory_space<vmem>>
    %dma_start3A_33 = arith.constant 0 : i32
    %dma_start3A_34 = arith.constant 0 : i32
    %dma_start3A_35 = tpu.memref_slice %arg2[%arg0, %dma_start3A_33, %dma_start3A_34] : memref<2x10000x128xf32, #tpu.memory_space<hbm>> -> memref<1x10000x128xf32, #tpu.memory_space<hbm>>
    %dma_start3A_36 = tpu.memref_squeeze %dma_start3A_35 : memref<1x10000x128xf32, #tpu.memory_space<hbm>> -> memref<10000x128xf32, #tpu.memory_space<hbm>>
    %dma_start3A_37 = arith.constant 0 : i32
    %dma_start3A_38 = arith.constant 0 : i32
    %dma_start3A_39 = tpu.memref_slice %dma_start3A_36[%dma_start3A_37, %dma_start3A_38] : memref<10000x128xf32, #tpu.memory_space<hbm>> -> memref<10000x128xf32, #tpu.memory_space<hbm>>
    %dma_start3A_40 = tpu.memref_slice %arg12[%dma_start3A_25] : memref<2x!tpu.dma_semaphore, #tpu.memory_space<semaphore_mem>> -> memref<1x!tpu.dma_semaphore, #tpu.memory_space<semaphore_mem>>
    %dma_start3A_41 = tpu.memref_squeeze %dma_start3A_40 : memref<1x!tpu.dma_semaphore, #tpu.memory_space<semaphore_mem>> -> memref<!tpu.dma_semaphore, #tpu.memory_space<semaphore_mem>>
    tpu.enqueue_indirect_dma source(%dma_start3A_39 : memref<10000x128xf32, #tpu.memory_space<hbm>>) target(%dma_start3A_29 : memref<80x128xf32, #tpu.memory_space<vmem>>) offsets(%dma_start3A_32 : memref<80xi32, #tpu.memory_space<vmem>>) semaphore(%dma_start3A_41 : memref<!tpu.dma_semaphore, #tpu.memory_space<semaphore_mem>>)
    %dma_start3A_42 = arith.constant 0 : i32
    %dma_start3A_43 = arith.constant 1 : i32
    %dma_start3A_44 = arith.constant 1 : i32
    %dma_start3A_45 = arith.constant 0 : i32
    %dma_start3A_46 = tpu.memref_slice %arg7[%dma_start3A_44, %dma_start3A_45] : memref<3x80xi32, #tpu.memory_space<vmem>> -> memref<1x80xi32, #tpu.memory_space<vmem>>
    %dma_start3A_47 = tpu.memref_squeeze %dma_start3A_46 : memref<1x80xi32, #tpu.memory_space<vmem>> -> memref<80xi32, #tpu.memory_space<vmem>>
    %dma_start3A_48 = arith.constant 0 : i32
    %dma_start3A_49 = tpu.memref_slice %arg3[%dma_start3A_42, %arg1, %dma_start3A_43, %dma_start3A_48] : memref<2x16x125x80xi32, #tpu.memory_space<hbm>> -> memref<1x1x1x80xi32, #tpu.memory_space<hbm>>
    %dma_start3A_50 = tpu.memref_squeeze %dma_start3A_49 : memref<1x1x1x80xi32, #tpu.memory_space<hbm>> -> memref<80xi32, #tpu.memory_space<hbm>>
    %dma_start3A_51 = arith.constant 0 : i32
    %dma_start3A_52 = tpu.memref_slice %arg7[%dma_start3A_44, %dma_start3A_51] : memref<3x80xi32, #tpu.memory_space<vmem>> -> memref<1x80xi32, #tpu.memory_space<vmem>>
    %dma_start3A_53 = tpu.memref_squeeze %dma_start3A_52 : memref<1x80xi32, #tpu.memory_space<vmem>> -> memref<80xi32, #tpu.memory_space<vmem>>
    %dma_start3A_54 = arith.constant 0 : i32
    %dma_start3A_55 = tpu.memref_slice %arg3[%dma_start3A_42, %arg1, %dma_start3A_43, %dma_start3A_54] : memref<2x16x125x80xi32, #tpu.memory_space<hbm>> -> memref<1x1x1x80xi32, #tpu.memory_space<hbm>>
    %dma_start3A_56 = tpu.memref_squeeze %dma_start3A_55 : memref<1x1x1x80xi32, #tpu.memory_space<hbm>> -> memref<80xi32, #tpu.memory_space<hbm>>
    tpu.enqueue_dma source(%dma_start3A_56 : memref<80xi32, #tpu.memory_space<hbm>>) target(%dma_start3A_53 : memref<80xi32, #tpu.memory_space<vmem>>) target_semaphore(%arg13 : memref<!tpu.dma_semaphore, #tpu.memory_space<semaphore_mem>>)
    %dma_start3A_57 = arith.constant 1 : i32
    %dma_start3A_58 = arith.constant 1 : i32
    %dma_start3A_59 = arith.constant 1 : i32
    %dma_start3A_60 = arith.constant 0 : i32
    %dma_start3A_61 = tpu.memref_slice %arg8[%dma_start3A_59, %dma_start3A_60] : memref<3x80xi32, #tpu.memory_space<vmem>> -> memref<1x80xi32, #tpu.memory_space<vmem>>
    %dma_start3A_62 = tpu.memref_squeeze %dma_start3A_61 : memref<1x80xi32, #tpu.memory_space<vmem>> -> memref<80xi32, #tpu.memory_space<vmem>>
    %dma_start3A_63 = arith.constant 0 : i32
    %dma_start3A_64 = tpu.memref_slice %arg3[%dma_start3A_57, %arg1, %dma_start3A_58, %dma_start3A_63] : memref<2x16x125x80xi32, #tpu.memory_space<hbm>> -> memref<1x1x1x80xi32, #tpu.memory_space<hbm>>
    %dma_start3A_65 = tpu.memref_squeeze %dma_start3A_64 : memref<1x1x1x80xi32, #tpu.memory_space<hbm>> -> memref<80xi32, #tpu.memory_space<hbm>>
    %dma_start3A_66 = arith.constant 0 : i32
    %dma_start3A_67 = tpu.memref_slice %arg8[%dma_start3A_59, %dma_start3A_66] : memref<3x80xi32, #tpu.memory_space<vmem>> -> memref<1x80xi32, #tpu.memory_space<vmem>>
    %dma_start3A_68 = tpu.memref_squeeze %dma_start3A_67 : memref<1x80xi32, #tpu.memory_space<vmem>> -> memref<80xi32, #tpu.memory_space<vmem>>
    %dma_start3A_69 = arith.constant 0 : i32
    %dma_start3A_70 = tpu.memref_slice %arg3[%dma_start3A_57, %arg1, %dma_start3A_58, %dma_start3A_69] : memref<2x16x125x80xi32, #tpu.memory_space<hbm>> -> memref<1x1x1x80xi32, #tpu.memory_space<hbm>>
    %dma_start3A_71 = tpu.memref_squeeze %dma_start3A_70 : memref<1x1x1x80xi32, #tpu.memory_space<hbm>> -> memref<80xi32, #tpu.memory_space<hbm>>
    tpu.enqueue_dma source(%dma_start3A_71 : memref<80xi32, #tpu.memory_space<hbm>>) target(%dma_start3A_68 : memref<80xi32, #tpu.memory_space<vmem>>) target_semaphore(%arg13 : memref<!tpu.dma_semaphore, #tpu.memory_space<semaphore_mem>>)
    %dma_start3A_72 = arith.constant 1 : i32
    %dma_start3A_73 = arith.constant 1 : i32
    %dma_start3A_74 = arith.constant 0 : i32
    %dma_start3A_75 = tpu.memref_slice %arg9[%dma_start3A_73, %dma_start3A_74] : memref<3x80xf32, #tpu.memory_space<vmem>> -> memref<1x80xf32, #tpu.memory_space<vmem>>
    %dma_start3A_76 = tpu.memref_squeeze %dma_start3A_75 : memref<1x80xf32, #tpu.memory_space<vmem>> -> memref<80xf32, #tpu.memory_space<vmem>>
    %dma_start3A_77 = arith.constant 0 : i32
    %dma_start3A_78 = tpu.memref_slice %arg4[%arg1, %dma_start3A_72, %dma_start3A_77] : memref<16x125x80xf32, #tpu.memory_space<hbm>> -> memref<1x1x80xf32, #tpu.memory_space<hbm>>
    %dma_start3A_79 = tpu.memref_squeeze %dma_start3A_78 : memref<1x1x80xf32, #tpu.memory_space<hbm>> -> memref<80xf32, #tpu.memory_space<hbm>>
    %dma_start3A_80 = arith.constant 0 : i32
    %dma_start3A_81 = tpu.memref_slice %arg9[%dma_start3A_73, %dma_start3A_80] : memref<3x80xf32, #tpu.memory_space<vmem>> -> memref<1x80xf32, #tpu.memory_space<vmem>>
    %dma_start3A_82 = tpu.memref_squeeze %dma_start3A_81 : memref<1x80xf32, #tpu.memory_space<vmem>> -> memref<80xf32, #tpu.memory_space<vmem>>
    %dma_start3A_83 = arith.constant 0 : i32
    %dma_start3A_84 = tpu.memref_slice %arg4[%arg1, %dma_start3A_72, %dma_start3A_83] : memref<16x125x80xf32, #tpu.memory_space<hbm>> -> memref<1x1x80xf32, #tpu.memory_space<hbm>>
    %dma_start3A_85 = tpu.memref_squeeze %dma_start3A_84 : memref<1x1x80xf32, #tpu.memory_space<hbm>> -> memref<80xf32, #tpu.memory_space<hbm>>
    tpu.enqueue_dma source(%dma_start3A_85 : memref<80xf32, #tpu.memory_space<hbm>>) target(%dma_start3A_82 : memref<80xf32, #tpu.memory_space<vmem>>) target_semaphore(%arg13 : memref<!tpu.dma_semaphore, #tpu.memory_space<semaphore_mem>>)
    %scan3A_86 = arith.constant 0 : i32
    %scan3A_87 = arith.constant 0 : i32
    %scan3A_88 = arith.constant 125 : i32
    %scan3A_89 = arith.addi %scan3A_87, %scan3A_88 : i32
    %scan3A_90 = arith.constant 1 : i32
    scf.for %scan3A_156 = %scan3A_87 to %scan3A_89 step %scan3A_90  : i32 {
      %jit3A_157 = arith.constant 2 : i32
      %eq3A_158 = arith.constant 0 : i32
      %eq3A_159 = arith.cmpi eq, %jit3A_157, %eq3A_158 : i32
      %jit3A_160 = arith.constant 1 : i32
      %select_n3A_161 = arith.select %eq3A_159, %jit3A_160, %jit3A_157 : i32
      %rem3A = arith.remsi %scan3A_156, %select_n3A_161 : i32
      %ne3A = arith.constant 0 : i32
      %ne3A_162 = arith.cmpi ne, %rem3A, %ne3A : i32
      %lt3A_163 = arith.constant 0 : i32
      %lt3A_164 = arith.cmpi slt, %rem3A, %lt3A_163 : i32
      %lt3A_165 = arith.constant 0 : i32
      %lt3A_166 = arith.cmpi slt, %select_n3A_161, %lt3A_165 : i32
      %ne3A_167 = arith.xori %lt3A_164, %lt3A_166 : i1
      %and3A_168 = arith.andi %ne3A_167, %ne3A_162 : i1
      %add3A = arith.addi %rem3A, %select_n3A_161 : i32
      %select_n3A_169 = arith.select %and3A_168, %add3A, %rem3A : i32
      %sub3A = arith.constant 1 : i32
      %sub3A_170 = arith.subi %sub3A, %select_n3A_169 : i32
      %lt3A_171 = arith.constant 124 : i32
      %lt3A_172 = arith.cmpi slt, %scan3A_156, %lt3A_171 : i32
      %convert_element_type3A_173 = arith.extui %lt3A_172 : i1 to i32
      %cond3A_174 = arith.constant 0 : i32
      %cond3A_175 = arith.cmpi ne, %convert_element_type3A_173, %cond3A_174 : i32
      scf.if %cond3A_175 {
        %dma_wait3A_241 = arith.constant 0 : i32
        %dma_wait3A_242 = arith.constant 0 : i32
        %dma_wait3A_243 = arith.constant 0 : i32
        %dma_wait3A_244 = arith.constant 0 : i32
        %dma_wait3A_245 = tpu.memref_slice %arg7[%dma_wait3A_243, %dma_wait3A_244] : memref<3x80xi32, #tpu.memory_space<vmem>> -> memref<1x80xi32, #tpu.memory_space<vmem>>
        %dma_wait3A_246 = tpu.memref_squeeze %dma_wait3A_245 : memref<1x80xi32, #tpu.memory_space<vmem>> -> memref<80xi32, #tpu.memory_space<vmem>>
        %dma_wait3A_247 = arith.constant 0 : i32
        %dma_wait3A_248 = tpu.memref_slice %arg3[%dma_wait3A_241, %arg1, %dma_wait3A_242, %dma_wait3A_247] : memref<2x16x125x80xi32, #tpu.memory_space<hbm>> -> memref<1x1x1x80xi32, #tpu.memory_space<hbm>>
        %dma_wait3A_249 = tpu.memref_squeeze %dma_wait3A_248 : memref<1x1x1x80xi32, #tpu.memory_space<hbm>> -> memref<80xi32, #tpu.memory_space<hbm>>
        %dma_wait3A_250 = arith.constant 0 : i32
        %dma_wait3A_251 = tpu.memref_slice %arg7[%dma_wait3A_243, %dma_wait3A_250] : memref<3x80xi32, #tpu.memory_space<vmem>> -> memref<1x80xi32, #tpu.memory_space<vmem>>
        %dma_wait3A_252 = tpu.memref_squeeze %dma_wait3A_251 : memref<1x80xi32, #tpu.memory_space<vmem>> -> memref<80xi32, #tpu.memory_space<vmem>>
        %dma_wait3A_253 = arith.constant 0 : i32
        %dma_wait3A_254 = tpu.memref_slice %arg3[%dma_wait3A_241, %arg1, %dma_wait3A_242, %dma_wait3A_253] : memref<2x16x125x80xi32, #tpu.memory_space<hbm>> -> memref<1x1x1x80xi32, #tpu.memory_space<hbm>>
        %dma_wait3A_255 = tpu.memref_squeeze %dma_wait3A_254 : memref<1x1x1x80xi32, #tpu.memory_space<hbm>> -> memref<80xi32, #tpu.memory_space<hbm>>
        tpu.wait_dma2 semaphore(%arg13 : memref<!tpu.dma_semaphore, #tpu.memory_space<semaphore_mem>>) src(%dma_wait3A_255 : memref<80xi32, #tpu.memory_space<hbm>>) dst(%dma_wait3A_252 : memref<80xi32, #tpu.memory_space<vmem>>)
        %dma_wait3A_256 = arith.constant 0 : i32
        %dma_wait3A_257 = arith.constant 0 : i32
        %dma_wait3A_258 = arith.constant 0 : i32
        %dma_wait3A_259 = arith.constant 0 : i32
        %dma_wait3A_260 = tpu.memref_slice %arg8[%dma_wait3A_258, %dma_wait3A_259] : memref<3x80xi32, #tpu.memory_space<vmem>> -> memref<1x80xi32, #tpu.memory_space<vmem>>
        %dma_wait3A_261 = tpu.memref_squeeze %dma_wait3A_260 : memref<1x80xi32, #tpu.memory_space<vmem>> -> memref<80xi32, #tpu.memory_space<vmem>>
        %dma_wait3A_262 = arith.constant 0 : i32
        %dma_wait3A_263 = tpu.memref_slice %arg3[%dma_wait3A_256, %arg1, %dma_wait3A_257, %dma_wait3A_262] : memref<2x16x125x80xi32, #tpu.memory_space<hbm>> -> memref<1x1x1x80xi32, #tpu.memory_space<hbm>>
        %dma_wait3A_264 = tpu.memref_squeeze %dma_wait3A_263 : memref<1x1x1x80xi32, #tpu.memory_space<hbm>> -> memref<80xi32, #tpu.memory_space<hbm>>
        %dma_wait3A_265 = arith.constant 0 : i32
        %dma_wait3A_266 = tpu.memref_slice %arg8[%dma_wait3A_258, %dma_wait3A_265] : memref<3x80xi32, #tpu.memory_space<vmem>> -> memref<1x80xi32, #tpu.memory_space<vmem>>
        %dma_wait3A_267 = tpu.memref_squeeze %dma_wait3A_266 : memref<1x80xi32, #tpu.memory_space<vmem>> -> memref<80xi32, #tpu.memory_space<vmem>>
        %dma_wait3A_268 = arith.constant 0 : i32
        %dma_wait3A_269 = tpu.memref_slice %arg3[%dma_wait3A_256, %arg1, %dma_wait3A_257, %dma_wait3A_268] : memref<2x16x125x80xi32, #tpu.memory_space<hbm>> -> memref<1x1x1x80xi32, #tpu.memory_space<hbm>>
        %dma_wait3A_270 = tpu.memref_squeeze %dma_wait3A_269 : memref<1x1x1x80xi32, #tpu.memory_space<hbm>> -> memref<80xi32, #tpu.memory_space<hbm>>
        tpu.wait_dma2 semaphore(%arg13 : memref<!tpu.dma_semaphore, #tpu.memory_space<semaphore_mem>>) src(%dma_wait3A_270 : memref<80xi32, #tpu.memory_space<hbm>>) dst(%dma_wait3A_267 : memref<80xi32, #tpu.memory_space<vmem>>)
        %dma_wait3A_271 = arith.constant 0 : i32
        %dma_wait3A_272 = arith.constant 0 : i32
        %dma_wait3A_273 = arith.constant 0 : i32
        %dma_wait3A_274 = tpu.memref_slice %arg9[%dma_wait3A_272, %dma_wait3A_273] : memref<3x80xf32, #tpu.memory_space<vmem>> -> memref<1x80xf32, #tpu.memory_space<vmem>>
        %dma_wait3A_275 = tpu.memref_squeeze %dma_wait3A_274 : memref<1x80xf32, #tpu.memory_space<vmem>> -> memref<80xf32, #tpu.memory_space<vmem>>
        %dma_wait3A_276 = arith.constant 0 : i32
        %dma_wait3A_277 = tpu.memref_slice %arg4[%arg1, %dma_wait3A_271, %dma_wait3A_276] : memref<16x125x80xf32, #tpu.memory_space<hbm>> -> memref<1x1x80xf32, #tpu.memory_space<hbm>>
        %dma_wait3A_278 = tpu.memref_squeeze %dma_wait3A_277 : memref<1x1x80xf32, #tpu.memory_space<hbm>> -> memref<80xf32, #tpu.memory_space<hbm>>
        %dma_wait3A_279 = arith.constant 0 : i32
        %dma_wait3A_280 = tpu.memref_slice %arg9[%dma_wait3A_272, %dma_wait3A_279] : memref<3x80xf32, #tpu.memory_space<vmem>> -> memref<1x80xf32, #tpu.memory_space<vmem>>
        %dma_wait3A_281 = tpu.memref_squeeze %dma_wait3A_280 : memref<1x80xf32, #tpu.memory_space<vmem>> -> memref<80xf32, #tpu.memory_space<vmem>>
        %dma_wait3A_282 = arith.constant 0 : i32
        %dma_wait3A_283 = tpu.memref_slice %arg4[%arg1, %dma_wait3A_271, %dma_wait3A_282] : memref<16x125x80xf32, #tpu.memory_space<hbm>> -> memref<1x1x80xf32, #tpu.memory_space<hbm>>
        %dma_wait3A_284 = tpu.memref_squeeze %dma_wait3A_283 : memref<1x1x80xf32, #tpu.memory_space<hbm>> -> memref<80xf32, #tpu.memory_space<hbm>>
        tpu.wait_dma2 semaphore(%arg13 : memref<!tpu.dma_semaphore, #tpu.memory_space<semaphore_mem>>) src(%dma_wait3A_284 : memref<80xf32, #tpu.memory_space<hbm>>) dst(%dma_wait3A_281 : memref<80xf32, #tpu.memory_space<vmem>>)
      } else {
      }
      %lt3A_176 = arith.constant 124 : i32
      %lt3A_177 = arith.cmpi slt, %scan3A_156, %lt3A_176 : i32
      %convert_element_type3A_178 = arith.extui %lt3A_177 : i1 to i32
      %cond3A_179 = arith.constant 0 : i32
      %cond3A_180 = arith.cmpi ne, %convert_element_type3A_178, %cond3A_179 : i32
      scf.if %cond3A_180 {
        %add3A_241 = arith.constant 1 : i32
        %add3A_242 = arith.addi %scan3A_156, %add3A_241 : i32
        %jit3A_243 = arith.constant 3 : i32
        %eq3A_244 = arith.constant 0 : i32
        %eq3A_245 = arith.cmpi eq, %jit3A_243, %eq3A_244 : i32
        %jit3A_246 = arith.constant 1 : i32
        %select_n3A_247 = arith.select %eq3A_245, %jit3A_246, %jit3A_243 : i32
        %rem3A_248 = arith.remsi %add3A_242, %select_n3A_247 : i32
        %ne3A_249 = arith.constant 0 : i32
        %ne3A_250 = arith.cmpi ne, %rem3A_248, %ne3A_249 : i32
        %lt3A_251 = arith.constant 0 : i32
        %lt3A_252 = arith.cmpi slt, %rem3A_248, %lt3A_251 : i32
        %lt3A_253 = arith.constant 0 : i32
        %lt3A_254 = arith.cmpi slt, %select_n3A_247, %lt3A_253 : i32
        %ne3A_255 = arith.xori %lt3A_252, %lt3A_254 : i1
        %and3A_256 = arith.andi %ne3A_255, %ne3A_250 : i1
        %add3A_257 = arith.addi %rem3A_248, %select_n3A_247 : i32
        %select_n3A_258 = arith.select %and3A_256, %add3A_257, %rem3A_248 : i32
        %dma_start3A_259 = arith.constant 0 : i32
        %dma_start3A_260 = arith.constant 0 : i32
        %dma_start3A_261 = tpu.memref_slice %arg10[%sub3A_170, %dma_start3A_259, %dma_start3A_260] : memref<2x80x128xf32, #tpu.memory_space<vmem>> -> memref<1x80x128xf32, #tpu.memory_space<vmem>>
        %dma_start3A_262 = tpu.memref_squeeze %dma_start3A_261 : memref<1x80x128xf32, #tpu.memory_space<vmem>> -> memref<80x128xf32, #tpu.memory_space<vmem>>
        %dma_start3A_263 = arith.constant 0 : i32
        %dma_start3A_264 = tpu.memref_slice %arg7[%select_n3A_258, %dma_start3A_263] : memref<3x80xi32, #tpu.memory_space<vmem>> -> memref<1x80xi32, #tpu.memory_space<vmem>>
        %dma_start3A_265 = tpu.memref_squeeze %dma_start3A_264 : memref<1x80xi32, #tpu.memory_space<vmem>> -> memref<80xi32, #tpu.memory_space<vmem>>
        %dma_start3A_266 = arith.constant 0 : i32
        %dma_start3A_267 = arith.constant 0 : i32
        %dma_start3A_268 = tpu.memref_slice %arg2[%arg0, %dma_start3A_266, %dma_start3A_267] : memref<2x10000x128xf32, #tpu.memory_space<hbm>> -> memref<1x10000x128xf32, #tpu.memory_space<hbm>>
        %dma_start3A_269 = tpu.memref_squeeze %dma_start3A_268 : memref<1x10000x128xf32, #tpu.memory_space<hbm>> -> memref<10000x128xf32, #tpu.memory_space<hbm>>
        %dma_start3A_270 = arith.constant 0 : i32
        %dma_start3A_271 = arith.constant 0 : i32
        %dma_start3A_272 = tpu.memref_slice %dma_start3A_269[%dma_start3A_270, %dma_start3A_271] : memref<10000x128xf32, #tpu.memory_space<hbm>> -> memref<10000x128xf32, #tpu.memory_space<hbm>>
        %dma_start3A_273 = tpu.memref_slice %arg12[%sub3A_170] : memref<2x!tpu.dma_semaphore, #tpu.memory_space<semaphore_mem>> -> memref<1x!tpu.dma_semaphore, #tpu.memory_space<semaphore_mem>>
        %dma_start3A_274 = tpu.memref_squeeze %dma_start3A_273 : memref<1x!tpu.dma_semaphore, #tpu.memory_space<semaphore_mem>> -> memref<!tpu.dma_semaphore, #tpu.memory_space<semaphore_mem>>
        tpu.enqueue_indirect_dma source(%dma_start3A_272 : memref<10000x128xf32, #tpu.memory_space<hbm>>) target(%dma_start3A_262 : memref<80x128xf32, #tpu.memory_space<vmem>>) offsets(%dma_start3A_265 : memref<80xi32, #tpu.memory_space<vmem>>) semaphore(%dma_start3A_274 : memref<!tpu.dma_semaphore, #tpu.memory_space<semaphore_mem>>)
      } else {
      }
      %lt3A_181 = arith.constant 123 : i32
      %lt3A_182 = arith.cmpi slt, %scan3A_156, %lt3A_181 : i32
      %convert_element_type3A_183 = arith.extui %lt3A_182 : i1 to i32
      %cond3A_184 = arith.constant 0 : i32
      %cond3A_185 = arith.cmpi ne, %convert_element_type3A_183, %cond3A_184 : i32
      scf.if %cond3A_185 {
        %add3A_241 = arith.constant 2 : i32
        %add3A_242 = arith.addi %scan3A_156, %add3A_241 : i32
        %add3A_243 = arith.constant 2 : i32
        %add3A_244 = arith.addi %scan3A_156, %add3A_243 : i32
        %jit3A_245 = arith.constant 3 : i32
        %eq3A_246 = arith.constant 0 : i32
        %eq3A_247 = arith.cmpi eq, %jit3A_245, %eq3A_246 : i32
        %jit3A_248 = arith.constant 1 : i32
        %select_n3A_249 = arith.select %eq3A_247, %jit3A_248, %jit3A_245 : i32
        %rem3A_250 = arith.remsi %add3A_244, %select_n3A_249 : i32
        %ne3A_251 = arith.constant 0 : i32
        %ne3A_252 = arith.cmpi ne, %rem3A_250, %ne3A_251 : i32
        %lt3A_253 = arith.constant 0 : i32
        %lt3A_254 = arith.cmpi slt, %rem3A_250, %lt3A_253 : i32
        %lt3A_255 = arith.constant 0 : i32
        %lt3A_256 = arith.cmpi slt, %select_n3A_249, %lt3A_255 : i32
        %ne3A_257 = arith.xori %lt3A_254, %lt3A_256 : i1
        %and3A_258 = arith.andi %ne3A_257, %ne3A_252 : i1
        %add3A_259 = arith.addi %rem3A_250, %select_n3A_249 : i32
        %select_n3A_260 = arith.select %and3A_258, %add3A_259, %rem3A_250 : i32
        %dma_start3A_261 = arith.constant 0 : i32
        %dma_start3A_262 = arith.constant 0 : i32
        %dma_start3A_263 = tpu.memref_slice %arg7[%select_n3A_260, %dma_start3A_262] : memref<3x80xi32, #tpu.memory_space<vmem>> -> memref<1x80xi32, #tpu.memory_space<vmem>>
        %dma_start3A_264 = tpu.memref_squeeze %dma_start3A_263 : memref<1x80xi32, #tpu.memory_space<vmem>> -> memref<80xi32, #tpu.memory_space<vmem>>
        %dma_start3A_265 = arith.constant 0 : i32
        %dma_start3A_266 = tpu.memref_slice %arg3[%dma_start3A_261, %arg1, %add3A_242, %dma_start3A_265] : memref<2x16x125x80xi32, #tpu.memory_space<hbm>> -> memref<1x1x1x80xi32, #tpu.memory_space<hbm>>
        %dma_start3A_267 = tpu.memref_squeeze %dma_start3A_266 : memref<1x1x1x80xi32, #tpu.memory_space<hbm>> -> memref<80xi32, #tpu.memory_space<hbm>>
        %dma_start3A_268 = arith.constant 0 : i32
        %dma_start3A_269 = tpu.memref_slice %arg7[%select_n3A_260, %dma_start3A_268] : memref<3x80xi32, #tpu.memory_space<vmem>> -> memref<1x80xi32, #tpu.memory_space<vmem>>
        %dma_start3A_270 = tpu.memref_squeeze %dma_start3A_269 : memref<1x80xi32, #tpu.memory_space<vmem>> -> memref<80xi32, #tpu.memory_space<vmem>>
        %dma_start3A_271 = arith.constant 0 : i32
        %dma_start3A_272 = tpu.memref_slice %arg3[%dma_start3A_261, %arg1, %add3A_242, %dma_start3A_271] : memref<2x16x125x80xi32, #tpu.memory_space<hbm>> -> memref<1x1x1x80xi32, #tpu.memory_space<hbm>>
        %dma_start3A_273 = tpu.memref_squeeze %dma_start3A_272 : memref<1x1x1x80xi32, #tpu.memory_space<hbm>> -> memref<80xi32, #tpu.memory_space<hbm>>
        tpu.enqueue_dma source(%dma_start3A_273 : memref<80xi32, #tpu.memory_space<hbm>>) target(%dma_start3A_270 : memref<80xi32, #tpu.memory_space<vmem>>) target_semaphore(%arg13 : memref<!tpu.dma_semaphore, #tpu.memory_space<semaphore_mem>>)
        %add3A_274 = arith.constant 2 : i32
        %add3A_275 = arith.addi %scan3A_156, %add3A_274 : i32
        %add3A_276 = arith.constant 2 : i32
        %add3A_277 = arith.addi %scan3A_156, %add3A_276 : i32
        %jit3A_278 = arith.constant 3 : i32
        %eq3A_279 = arith.constant 0 : i32
        %eq3A_280 = arith.cmpi eq, %jit3A_278, %eq3A_279 : i32
        %jit3A_281 = arith.constant 1 : i32
        %select_n3A_282 = arith.select %eq3A_280, %jit3A_281, %jit3A_278 : i32
        %rem3A_283 = arith.remsi %add3A_277, %select_n3A_282 : i32
        %ne3A_284 = arith.constant 0 : i32
        %ne3A_285 = arith.cmpi ne, %rem3A_283, %ne3A_284 : i32
        %lt3A_286 = arith.constant 0 : i32
        %lt3A_287 = arith.cmpi slt, %rem3A_283, %lt3A_286 : i32
        %lt3A_288 = arith.constant 0 : i32
        %lt3A_289 = arith.cmpi slt, %select_n3A_282, %lt3A_288 : i32
        %ne3A_290 = arith.xori %lt3A_287, %lt3A_289 : i1
        %and3A_291 = arith.andi %ne3A_290, %ne3A_285 : i1
        %add3A_292 = arith.addi %rem3A_283, %select_n3A_282 : i32
        %select_n3A_293 = arith.select %and3A_291, %add3A_292, %rem3A_283 : i32
        %dma_start3A_294 = arith.constant 1 : i32
        %dma_start3A_295 = arith.constant 0 : i32
        %dma_start3A_296 = tpu.memref_slice %arg8[%select_n3A_293, %dma_start3A_295] : memref<3x80xi32, #tpu.memory_space<vmem>> -> memref<1x80xi32, #tpu.memory_space<vmem>>
        %dma_start3A_297 = tpu.memref_squeeze %dma_start3A_296 : memref<1x80xi32, #tpu.memory_space<vmem>> -> memref<80xi32, #tpu.memory_space<vmem>>
        %dma_start3A_298 = arith.constant 0 : i32
        %dma_start3A_299 = tpu.memref_slice %arg3[%dma_start3A_294, %arg1, %add3A_275, %dma_start3A_298] : memref<2x16x125x80xi32, #tpu.memory_space<hbm>> -> memref<1x1x1x80xi32, #tpu.memory_space<hbm>>
        %dma_start3A_300 = tpu.memref_squeeze %dma_start3A_299 : memref<1x1x1x80xi32, #tpu.memory_space<hbm>> -> memref<80xi32, #tpu.memory_space<hbm>>
        %dma_start3A_301 = arith.constant 0 : i32
        %dma_start3A_302 = tpu.memref_slice %arg8[%select_n3A_293, %dma_start3A_301] : memref<3x80xi32, #tpu.memory_space<vmem>> -> memref<1x80xi32, #tpu.memory_space<vmem>>
        %dma_start3A_303 = tpu.memref_squeeze %dma_start3A_302 : memref<1x80xi32, #tpu.memory_space<vmem>> -> memref<80xi32, #tpu.memory_space<vmem>>
        %dma_start3A_304 = arith.constant 0 : i32
        %dma_start3A_305 = tpu.memref_slice %arg3[%dma_start3A_294, %arg1, %add3A_275, %dma_start3A_304] : memref<2x16x125x80xi32, #tpu.memory_space<hbm>> -> memref<1x1x1x80xi32, #tpu.memory_space<hbm>>
        %dma_start3A_306 = tpu.memref_squeeze %dma_start3A_305 : memref<1x1x1x80xi32, #tpu.memory_space<hbm>> -> memref<80xi32, #tpu.memory_space<hbm>>
        tpu.enqueue_dma source(%dma_start3A_306 : memref<80xi32, #tpu.memory_space<hbm>>) target(%dma_start3A_303 : memref<80xi32, #tpu.memory_space<vmem>>) target_semaphore(%arg13 : memref<!tpu.dma_semaphore, #tpu.memory_space<semaphore_mem>>)
        %add3A_307 = arith.constant 2 : i32
        %add3A_308 = arith.addi %scan3A_156, %add3A_307 : i32
        %add3A_309 = arith.constant 2 : i32
        %add3A_310 = arith.addi %scan3A_156, %add3A_309 : i32
        %jit3A_311 = arith.constant 3 : i32
        %eq3A_312 = arith.constant 0 : i32
        %eq3A_313 = arith.cmpi eq, %jit3A_311, %eq3A_312 : i32
        %jit3A_314 = arith.constant 1 : i32
        %select_n3A_315 = arith.select %eq3A_313, %jit3A_314, %jit3A_311 : i32
        %rem3A_316 = arith.remsi %add3A_310, %select_n3A_315 : i32
        %ne3A_317 = arith.constant 0 : i32
        %ne3A_318 = arith.cmpi ne, %rem3A_316, %ne3A_317 : i32
        %lt3A_319 = arith.constant 0 : i32
        %lt3A_320 = arith.cmpi slt, %rem3A_316, %lt3A_319 : i32
        %lt3A_321 = arith.constant 0 : i32
        %lt3A_322 = arith.cmpi slt, %select_n3A_315, %lt3A_321 : i32
        %ne3A_323 = arith.xori %lt3A_320, %lt3A_322 : i1
        %and3A_324 = arith.andi %ne3A_323, %ne3A_318 : i1
        %add3A_325 = arith.addi %rem3A_316, %select_n3A_315 : i32
        %select_n3A_326 = arith.select %and3A_324, %add3A_325, %rem3A_316 : i32
        %dma_start3A_327 = arith.constant 0 : i32
        %dma_start3A_328 = tpu.memref_slice %arg9[%select_n3A_326, %dma_start3A_327] : memref<3x80xf32, #tpu.memory_space<vmem>> -> memref<1x80xf32, #tpu.memory_space<vmem>>
        %dma_start3A_329 = tpu.memref_squeeze %dma_start3A_328 : memref<1x80xf32, #tpu.memory_space<vmem>> -> memref<80xf32, #tpu.memory_space<vmem>>
        %dma_start3A_330 = arith.constant 0 : i32
        %dma_start3A_331 = tpu.memref_slice %arg4[%arg1, %add3A_308, %dma_start3A_330] : memref<16x125x80xf32, #tpu.memory_space<hbm>> -> memref<1x1x80xf32, #tpu.memory_space<hbm>>
        %dma_start3A_332 = tpu.memref_squeeze %dma_start3A_331 : memref<1x1x80xf32, #tpu.memory_space<hbm>> -> memref<80xf32, #tpu.memory_space<hbm>>
        %dma_start3A_333 = arith.constant 0 : i32
        %dma_start3A_334 = tpu.memref_slice %arg9[%select_n3A_326, %dma_start3A_333] : memref<3x80xf32, #tpu.memory_space<vmem>> -> memref<1x80xf32, #tpu.memory_space<vmem>>
        %dma_start3A_335 = tpu.memref_squeeze %dma_start3A_334 : memref<1x80xf32, #tpu.memory_space<vmem>> -> memref<80xf32, #tpu.memory_space<vmem>>
        %dma_start3A_336 = arith.constant 0 : i32
        %dma_start3A_337 = tpu.memref_slice %arg4[%arg1, %add3A_308, %dma_start3A_336] : memref<16x125x80xf32, #tpu.memory_space<hbm>> -> memref<1x1x80xf32, #tpu.memory_space<hbm>>
        %dma_start3A_338 = tpu.memref_squeeze %dma_start3A_337 : memref<1x1x80xf32, #tpu.memory_space<hbm>> -> memref<80xf32, #tpu.memory_space<hbm>>
        tpu.enqueue_dma source(%dma_start3A_338 : memref<80xf32, #tpu.memory_space<hbm>>) target(%dma_start3A_335 : memref<80xf32, #tpu.memory_space<vmem>>) target_semaphore(%arg13 : memref<!tpu.dma_semaphore, #tpu.memory_space<semaphore_mem>>)
      } else {
      }
      %dma_wait3A_186 = arith.constant 0 : i32
      %dma_wait3A_187 = arith.constant 0 : i32
      %dma_wait3A_188 = arith.constant 0 : i32
      %dma_wait3A_189 = tpu.memref_slice %arg10[%select_n3A_169, %dma_wait3A_187, %dma_wait3A_188] : memref<2x80x128xf32, #tpu.memory_space<vmem>> -> memref<1x80x128xf32, #tpu.memory_space<vmem>>
      %dma_wait3A_190 = tpu.memref_squeeze %dma_wait3A_189 : memref<1x80x128xf32, #tpu.memory_space<vmem>> -> memref<80x128xf32, #tpu.memory_space<vmem>>
      %dma_wait3A_191 = arith.constant 0 : i32
      %dma_wait3A_192 = arith.constant 0 : i32
      %dma_wait3A_193 = tpu.memref_slice %arg2[%dma_wait3A_186, %dma_wait3A_191, %dma_wait3A_192] : memref<2x10000x128xf32, #tpu.memory_space<hbm>> -> memref<1x80x128xf32, #tpu.memory_space<hbm>>
      %dma_wait3A_194 = tpu.memref_squeeze %dma_wait3A_193 : memref<1x80x128xf32, #tpu.memory_space<hbm>> -> memref<80x128xf32, #tpu.memory_space<hbm>>
      %dma_wait3A_195 = tpu.memref_slice %arg12[%select_n3A_169] : memref<2x!tpu.dma_semaphore, #tpu.memory_space<semaphore_mem>> -> memref<1x!tpu.dma_semaphore, #tpu.memory_space<semaphore_mem>>
      %dma_wait3A_196 = tpu.memref_squeeze %dma_wait3A_195 : memref<1x!tpu.dma_semaphore, #tpu.memory_space<semaphore_mem>> -> memref<!tpu.dma_semaphore, #tpu.memory_space<semaphore_mem>>
      %dma_wait3A_197 = arith.constant 0 : i32
      %dma_wait3A_198 = arith.constant 0 : i32
      %dma_wait3A_199 = tpu.memref_slice %arg10[%select_n3A_169, %dma_wait3A_197, %dma_wait3A_198] : memref<2x80x128xf32, #tpu.memory_space<vmem>> -> memref<1x80x128xf32, #tpu.memory_space<vmem>>
      %dma_wait3A_200 = tpu.memref_squeeze %dma_wait3A_199 : memref<1x80x128xf32, #tpu.memory_space<vmem>> -> memref<80x128xf32, #tpu.memory_space<vmem>>
      %dma_wait3A_201 = arith.constant 0 : i32
      %dma_wait3A_202 = arith.constant 0 : i32
      %dma_wait3A_203 = tpu.memref_slice %arg2[%dma_wait3A_186, %dma_wait3A_201, %dma_wait3A_202] : memref<2x10000x128xf32, #tpu.memory_space<hbm>> -> memref<1x80x128xf32, #tpu.memory_space<hbm>>
      %dma_wait3A_204 = tpu.memref_squeeze %dma_wait3A_203 : memref<1x80x128xf32, #tpu.memory_space<hbm>> -> memref<80x128xf32, #tpu.memory_space<hbm>>
      tpu.wait_dma2 semaphore(%dma_wait3A_196 : memref<!tpu.dma_semaphore, #tpu.memory_space<semaphore_mem>>) src(%dma_wait3A_204 : memref<80x128xf32, #tpu.memory_space<hbm>>) dst(%dma_wait3A_200 : memref<80x128xf32, #tpu.memory_space<vmem>>)
      %ge3A = arith.constant 2 : i32
      %ge3A_205 = arith.cmpi sge, %scan3A_156, %ge3A : i32
      %convert_element_type3A_206 = arith.extui %ge3A_205 : i1 to i32
      %cond3A_207 = arith.constant 0 : i32
      %cond3A_208 = arith.cmpi ne, %convert_element_type3A_206, %cond3A_207 : i32
      scf.if %cond3A_208 {
        %dma_wait3A_241 = arith.constant 0 : i32
        %dma_wait3A_242 = arith.constant 0 : i32
        %dma_wait3A_243 = arith.constant 0 : i32
        %dma_wait3A_244 = tpu.memref_slice %arg11[%select_n3A_169, %dma_wait3A_242, %dma_wait3A_243] : memref<2x80x128xf32, #tpu.memory_space<vmem>> -> memref<1x80x128xf32, #tpu.memory_space<vmem>>
        %dma_wait3A_245 = tpu.memref_squeeze %dma_wait3A_244 : memref<1x80x128xf32, #tpu.memory_space<vmem>> -> memref<80x128xf32, #tpu.memory_space<vmem>>
        %dma_wait3A_246 = arith.constant 0 : i32
        %dma_wait3A_247 = arith.constant 0 : i32
        %dma_wait3A_248 = tpu.memref_slice %arg2[%dma_wait3A_241, %dma_wait3A_246, %dma_wait3A_247] : memref<2x10000x128xf32, #tpu.memory_space<hbm>> -> memref<1x80x128xf32, #tpu.memory_space<hbm>>
        %dma_wait3A_249 = tpu.memref_squeeze %dma_wait3A_248 : memref<1x80x128xf32, #tpu.memory_space<hbm>> -> memref<80x128xf32, #tpu.memory_space<hbm>>
        %dma_wait3A_250 = arith.constant 0 : i32
        %dma_wait3A_251 = arith.constant 0 : i32
        %dma_wait3A_252 = tpu.memref_slice %arg11[%select_n3A_169, %dma_wait3A_250, %dma_wait3A_251] : memref<2x80x128xf32, #tpu.memory_space<vmem>> -> memref<1x80x128xf32, #tpu.memory_space<vmem>>
        %dma_wait3A_253 = tpu.memref_squeeze %dma_wait3A_252 : memref<1x80x128xf32, #tpu.memory_space<vmem>> -> memref<80x128xf32, #tpu.memory_space<vmem>>
        %dma_wait3A_254 = arith.constant 0 : i32
        %dma_wait3A_255 = arith.constant 0 : i32
        %dma_wait3A_256 = tpu.memref_slice %arg2[%dma_wait3A_241, %dma_wait3A_254, %dma_wait3A_255] : memref<2x10000x128xf32, #tpu.memory_space<hbm>> -> memref<1x80x128xf32, #tpu.memory_space<hbm>>
        %dma_wait3A_257 = tpu.memref_squeeze %dma_wait3A_256 : memref<1x80x128xf32, #tpu.memory_space<hbm>> -> memref<80x128xf32, #tpu.memory_space<hbm>>
        tpu.wait_dma2 semaphore(%arg14 : memref<!tpu.dma_semaphore, #tpu.memory_space<semaphore_mem>>) src(%dma_wait3A_257 : memref<80x128xf32, #tpu.memory_space<hbm>>) dst(%dma_wait3A_253 : memref<80x128xf32, #tpu.memory_space<vmem>>)
      } else {
      }
      %jit3A_209 = arith.constant 3 : i32
      %eq3A_210 = arith.constant 0 : i32
      %eq3A_211 = arith.cmpi eq, %jit3A_209, %eq3A_210 : i32
      %jit3A_212 = arith.constant 1 : i32
      %select_n3A_213 = arith.select %eq3A_211, %jit3A_212, %jit3A_209 : i32
      %rem3A_214 = arith.remsi %scan3A_156, %select_n3A_213 : i32
      %ne3A_215 = arith.constant 0 : i32
      %ne3A_216 = arith.cmpi ne, %rem3A_214, %ne3A_215 : i32
      %lt3A_217 = arith.constant 0 : i32
      %lt3A_218 = arith.cmpi slt, %rem3A_214, %lt3A_217 : i32
      %lt3A_219 = arith.constant 0 : i32
      %lt3A_220 = arith.cmpi slt, %select_n3A_213, %lt3A_219 : i32
      %ne3A_221 = arith.xori %lt3A_218, %lt3A_220 : i1
      %and3A_222 = arith.andi %ne3A_221, %ne3A_216 : i1
      %add3A_223 = arith.addi %rem3A_214, %select_n3A_213 : i32
      %select_n3A_224 = arith.select %and3A_222, %add3A_223, %rem3A_214 : i32
      %scan3A_225 = arith.constant 0 : i32
      %scan3A_226 = arith.constant 0 : i32
      %scan3A_227 = arith.constant 5 : i32
      %scan3A_228 = arith.addi %scan3A_226, %scan3A_227 : i32
      %scan3A_229 = arith.constant 1 : i32
      scf.for %scan3A_241 = %scan3A_226 to %scan3A_228 step %scan3A_229  : i32 {
        %mul3A_242 = arith.constant 16 : i32
        %mul3A_243 = arith.muli %scan3A_241, %mul3A_242 : i32
        %get3A = arith.index_cast %select_n3A_224 : i32 to index
        %get3A_244 = arith.index_cast %mul3A_243 : i32 to index
        %get3A_245 = tpu.vector_load %arg9[%get3A, %get3A_244] {strides = array<i32>} : memref<3x80xf32, #tpu.memory_space<vmem>>, vector<1x16xf32>,
        %get3A_246 = vector.shape_cast %get3A_245 : vector<1x16xf32> to vector<16xf32>
        %mul3A_247 = arith.constant 16 : i32
        %mul3A_248 = arith.muli %scan3A_241, %mul3A_247 : i32
        %slice3A = vector.extract_strided_slice %get3A_246 {offsets = [0], sizes = [1], strides = [1]} : vector<16xf32> to vector<1xf32>
        %squeeze3A = vector.extract %slice3A[0] : f32 from vector<1xf32>
        %add3A_249 = arith.constant 0 : i32
        %add3A_250 = arith.addi %mul3A_248, %add3A_249 : i32
        %get3A_251 = arith.index_cast %select_n3A_169 : i32 to index
        %get3A_252 = arith.index_cast %add3A_250 : i32 to index
        %get3A_253 = arith.constant 0 : index
        %get3A_254 = tpu.vector_load %arg10[%get3A_251, %get3A_252, %get3A_253] {strides = array<i32>} : memref<2x80x128xf32, #tpu.memory_space<vmem>>, vector<1x1x16xf32>,
        %get3A_255 = vector.shape_cast %get3A_254 : vector<1x1x16xf32> to vector<16xf32>
        %get3A_256 = arith.index_cast %select_n3A_169 : i32 to index
        %get3A_257 = arith.index_cast %add3A_250 : i32 to index
        %get3A_258 = arith.constant 16 : index
        %get3A_259 = tpu.vector_load %arg10[%get3A_256, %get3A_257, %get3A_258] {strides = array<i32>} : memref<2x80x128xf32, #tpu.memory_space<vmem>>, vector<1x1x16xf32>,
        %get3A_260 = vector.shape_cast %get3A_259 : vector<1x1x16xf32> to vector<16xf32>
        %get3A_261 = arith.index_cast %select_n3A_169 : i32 to index
        %get3A_262 = arith.index_cast %add3A_250 : i32 to index
        %get3A_263 = arith.constant 32 : index
        %get3A_264 = tpu.vector_load %arg10[%get3A_261, %get3A_262, %get3A_263] {strides = array<i32>} : memref<2x80x128xf32, #tpu.memory_space<vmem>>, vector<1x1x16xf32>,
        %get3A_265 = vector.shape_cast %get3A_264 : vector<1x1x16xf32> to vector<16xf32>
        %get3A_266 = arith.index_cast %select_n3A_169 : i32 to index
        %get3A_267 = arith.index_cast %add3A_250 : i32 to index
        %get3A_268 = arith.constant 48 : index
        %get3A_269 = tpu.vector_load %arg10[%get3A_266, %get3A_267, %get3A_268] {strides = array<i32>} : memref<2x80x128xf32, #tpu.memory_space<vmem>>, vector<1x1x16xf32>,
        %get3A_270 = vector.shape_cast %get3A_269 : vector<1x1x16xf32> to vector<16xf32>
        %get3A_271 = arith.index_cast %select_n3A_169 : i32 to index
        %get3A_272 = arith.index_cast %add3A_250 : i32 to index
        %get3A_273 = arith.constant 64 : index
        %get3A_274 = tpu.vector_load %arg10[%get3A_271, %get3A_272, %get3A_273] {strides = array<i32>} : memref<2x80x128xf32, #tpu.memory_space<vmem>>, vector<1x1x16xf32>,
        %get3A_275 = vector.shape_cast %get3A_274 : vector<1x1x16xf32> to vector<16xf32>
        %get3A_276 = arith.index_cast %select_n3A_169 : i32 to index
        %get3A_277 = arith.index_cast %add3A_250 : i32 to index
        %get3A_278 = arith.constant 80 : index
        %get3A_279 = tpu.vector_load %arg10[%get3A_276, %get3A_277, %get3A_278] {strides = array<i32>} : memref<2x80x128xf32, #tpu.memory_space<vmem>>, vector<1x1x16xf32>,
        %get3A_280 = vector.shape_cast %get3A_279 : vector<1x1x16xf32> to vector<16xf32>
        %get3A_281 = arith.index_cast %select_n3A_169 : i32 to index
        %get3A_282 = arith.index_cast %add3A_250 : i32 to index
        %get3A_283 = arith.constant 96 : index
        %get3A_284 = tpu.vector_load %arg10[%get3A_281, %get3A_282, %get3A_283] {strides = array<i32>} : memref<2x80x128xf32, #tpu.memory_space<vmem>>, vector<1x1x16xf32>,
        %get3A_285 = vector.shape_cast %get3A_284 : vector<1x1x16xf32> to vector<16xf32>
        %get3A_286 = arith.index_cast %select_n3A_169 : i32 to index
        %get3A_287 = arith.index_cast %add3A_250 : i32 to index
        %get3A_288 = arith.constant 112 : index
        %get3A_289 = tpu.vector_load %arg10[%get3A_286, %get3A_287, %get3A_288] {strides = array<i32>} : memref<2x80x128xf32, #tpu.memory_space<vmem>>, vector<1x1x16xf32>,
        %get3A_290 = vector.shape_cast %get3A_289 : vector<1x1x16xf32> to vector<16xf32>
        %mul3A_291 = vector.broadcast %squeeze3A : f32 to vector<16xf32>
        %mul3A_292 = arith.mulf %get3A_255, %mul3A_291 : vector<16xf32>
        %swap3A = arith.index_cast %select_n3A_169 : i32 to index
        %swap3A_293 = arith.index_cast %add3A_250 : i32 to index
        %swap3A_294 = arith.constant 0 : index
        %swap3A_295 = tpu.vector_load %arg11[%swap3A, %swap3A_293, %swap3A_294] {strides = array<i32>} : memref<2x80x128xf32, #tpu.memory_space<vmem>>, vector<1x1x16xf32>,
        %swap3A_296 = vector.shape_cast %swap3A_295 : vector<1x1x16xf32> to vector<16xf32>
        %swap3A_297 = vector.shape_cast %mul3A_292 : vector<16xf32> to vector<1x1x16xf32>
        tpu.vector_store %arg11[%swap3A, %swap3A_293, %swap3A_294], %swap3A_297 {strides = array<i32>} : memref<2x80x128xf32, #tpu.memory_space<vmem>>, vector<1x1x16xf32>,
        %mul3A_298 = vector.broadcast %squeeze3A : f32 to vector<16xf32>
        %mul3A_299 = arith.mulf %get3A_260, %mul3A_298 : vector<16xf32>
        %swap3A_300 = arith.index_cast %select_n3A_169 : i32 to index
        %swap3A_301 = arith.index_cast %add3A_250 : i32 to index
        %swap3A_302 = arith.constant 16 : index
        %swap3A_303 = tpu.vector_load %arg11[%swap3A_300, %swap3A_301, %swap3A_302] {strides = array<i32>} : memref<2x80x128xf32, #tpu.memory_space<vmem>>, vector<1x1x16xf32>,
        %swap3A_304 = vector.shape_cast %swap3A_303 : vector<1x1x16xf32> to vector<16xf32>
        %swap3A_305 = vector.shape_cast %mul3A_299 : vector<16xf32> to vector<1x1x16xf32>
        tpu.vector_store %arg11[%swap3A_300, %swap3A_301, %swap3A_302], %swap3A_305 {strides = array<i32>} : memref<2x80x128xf32, #tpu.memory_space<vmem>>, vector<1x1x16xf32>,
        %mul3A_306 = vector.broadcast %squeeze3A : f32 to vector<16xf32>
        %mul3A_307 = arith.mulf %get3A_265, %mul3A_306 : vector<16xf32>
        %swap3A_308 = arith.index_cast %select_n3A_169 : i32 to index
        %swap3A_309 = arith.index_cast %add3A_250 : i32 to index
        %swap3A_310 = arith.constant 32 : index
        %swap3A_311 = tpu.vector_load %arg11[%swap3A_308, %swap3A_309, %swap3A_310] {strides = array<i32>} : memref<2x80x128xf32, #tpu.memory_space<vmem>>, vector<1x1x16xf32>,
        %swap3A_312 = vector.shape_cast %swap3A_311 : vector<1x1x16xf32> to vector<16xf32>
        %swap3A_313 = vector.shape_cast %mul3A_307 : vector<16xf32> to vector<1x1x16xf32>
        tpu.vector_store %arg11[%swap3A_308, %swap3A_309, %swap3A_310], %swap3A_313 {strides = array<i32>} : memref<2x80x128xf32, #tpu.memory_space<vmem>>, vector<1x1x16xf32>,
        %mul3A_314 = vector.broadcast %squeeze3A : f32 to vector<16xf32>
        %mul3A_315 = arith.mulf %get3A_270, %mul3A_314 : vector<16xf32>
        %swap3A_316 = arith.index_cast %select_n3A_169 : i32 to index
        %swap3A_317 = arith.index_cast %add3A_250 : i32 to index
        %swap3A_318 = arith.constant 48 : index
        %swap3A_319 = tpu.vector_load %arg11[%swap3A_316, %swap3A_317, %swap3A_318] {strides = array<i32>} : memref<2x80x128xf32, #tpu.memory_space<vmem>>, vector<1x1x16xf32>,
        %swap3A_320 = vector.shape_cast %swap3A_319 : vector<1x1x16xf32> to vector<16xf32>
        %swap3A_321 = vector.shape_cast %mul3A_315 : vector<16xf32> to vector<1x1x16xf32>
        tpu.vector_store %arg11[%swap3A_316, %swap3A_317, %swap3A_318], %swap3A_321 {strides = array<i32>} : memref<2x80x128xf32, #tpu.memory_space<vmem>>, vector<1x1x16xf32>,
        %mul3A_322 = vector.broadcast %squeeze3A : f32 to vector<16xf32>
        %mul3A_323 = arith.mulf %get3A_275, %mul3A_322 : vector<16xf32>
        %swap3A_324 = arith.index_cast %select_n3A_169 : i32 to index
        %swap3A_325 = arith.index_cast %add3A_250 : i32 to index
        %swap3A_326 = arith.constant 64 : index
        %swap3A_327 = tpu.vector_load %arg11[%swap3A_324, %swap3A_325, %swap3A_326] {strides = array<i32>} : memref<2x80x128xf32, #tpu.memory_space<vmem>>, vector<1x1x16xf32>,
        %swap3A_328 = vector.shape_cast %swap3A_327 : vector<1x1x16xf32> to vector<16xf32>
        %swap3A_329 = vector.shape_cast %mul3A_323 : vector<16xf32> to vector<1x1x16xf32>
        tpu.vector_store %arg11[%swap3A_324, %swap3A_325, %swap3A_326], %swap3A_329 {strides = array<i32>} : memref<2x80x128xf32, #tpu.memory_space<vmem>>, vector<1x1x16xf32>,
        %mul3A_330 = vector.broadcast %squeeze3A : f32 to vector<16xf32>
        %mul3A_331 = arith.mulf %get3A_280, %mul3A_330 : vector<16xf32>
        %swap3A_332 = arith.index_cast %select_n3A_169 : i32 to index
        %swap3A_333 = arith.index_cast %add3A_250 : i32 to index
        %swap3A_334 = arith.constant 80 : index
        %swap3A_335 = tpu.vector_load %arg11[%swap3A_332, %swap3A_333, %swap3A_334] {strides = array<i32>} : memref<2x80x128xf32, #tpu.memory_space<vmem>>, vector<1x1x16xf32>,
        %swap3A_336 = vector.shape_cast %swap3A_335 : vector<1x1x16xf32> to vector<16xf32>
        %swap3A_337 = vector.shape_cast %mul3A_331 : vector<16xf32> to vector<1x1x16xf32>
        tpu.vector_store %arg11[%swap3A_332, %swap3A_333, %swap3A_334], %swap3A_337 {strides = array<i32>} : memref<2x80x128xf32, #tpu.memory_space<vmem>>, vector<1x1x16xf32>,
        %mul3A_338 = vector.broadcast %squeeze3A : f32 to vector<16xf32>
        %mul3A_339 = arith.mulf %get3A_285, %mul3A_338 : vector<16xf32>
        %swap3A_340 = arith.index_cast %select_n3A_169 : i32 to index
        %swap3A_341 = arith.index_cast %add3A_250 : i32 to index
        %swap3A_342 = arith.constant 96 : index
        %swap3A_343 = tpu.vector_load %arg11[%swap3A_340, %swap3A_341, %swap3A_342] {strides = array<i32>} : memref<2x80x128xf32, #tpu.memory_space<vmem>>, vector<1x1x16xf32>,
        %swap3A_344 = vector.shape_cast %swap3A_343 : vector<1x1x16xf32> to vector<16xf32>
        %swap3A_345 = vector.shape_cast %mul3A_339 : vector<16xf32> to vector<1x1x16xf32>
        tpu.vector_store %arg11[%swap3A_340, %swap3A_341, %swap3A_342], %swap3A_345 {strides = array<i32>} : memref<2x80x128xf32, #tpu.memory_space<vmem>>, vector<1x1x16xf32>,
        %mul3A_346 = vector.broadcast %squeeze3A : f32 to vector<16xf32>
        %mul3A_347 = arith.mulf %get3A_290, %mul3A_346 : vector<16xf32>
        %swap3A_348 = arith.index_cast %select_n3A_169 : i32 to index
        %swap3A_349 = arith.index_cast %add3A_250 : i32 to index
        %swap3A_350 = arith.constant 112 : index
        %swap3A_351 = tpu.vector_load %arg11[%swap3A_348, %swap3A_349, %swap3A_350] {strides = array<i32>} : memref<2x80x128xf32, #tpu.memory_space<vmem>>, vector<1x1x16xf32>,
        %swap3A_352 = vector.shape_cast %swap3A_351 : vector<1x1x16xf32> to vector<16xf32>
        %swap3A_353 = vector.shape_cast %mul3A_347 : vector<16xf32> to vector<1x1x16xf32>
        tpu.vector_store %arg11[%swap3A_348, %swap3A_349, %swap3A_350], %swap3A_353 {strides = array<i32>} : memref<2x80x128xf32, #tpu.memory_space<vmem>>, vector<1x1x16xf32>,
        %slice3A_354 = vector.extract_strided_slice %get3A_246 {offsets = [1], sizes = [1], strides = [1]} : vector<16xf32> to vector<1xf32>
        %squeeze3A_355 = vector.extract %slice3A_354[0] : f32 from vector<1xf32>
        %add3A_356 = arith.constant 1 : i32
        %add3A_357 = arith.addi %mul3A_248, %add3A_356 : i32
        %get3A_358 = arith.index_cast %select_n3A_169 : i32 to index
        %get3A_359 = arith.index_cast %add3A_357 : i32 to index
        %get3A_360 = arith.constant 0 : index
        %get3A_361 = tpu.vector_load %arg10[%get3A_358, %get3A_359, %get3A_360] {strides = array<i32>} : memref<2x80x128xf32, #tpu.memory_space<vmem>>, vector<1x1x16xf32>,
        %get3A_362 = vector.shape_cast %get3A_361 : vector<1x1x16xf32> to vector<16xf32>
        %get3A_363 = arith.index_cast %select_n3A_169 : i32 to index
        %get3A_364 = arith.index_cast %add3A_357 : i32 to index
        %get3A_365 = arith.constant 16 : index
        %get3A_366 = tpu.vector_load %arg10[%get3A_363, %get3A_364, %get3A_365] {strides = array<i32>} : memref<2x80x128xf32, #tpu.memory_space<vmem>>, vector<1x1x16xf32>,
        %get3A_367 = vector.shape_cast %get3A_366 : vector<1x1x16xf32> to vector<16xf32>
        %get3A_368 = arith.index_cast %select_n3A_169 : i32 to index
        %get3A_369 = arith.index_cast %add3A_357 : i32 to index
        %get3A_370 = arith.constant 32 : index
        %get3A_371 = tpu.vector_load %arg10[%get3A_368, %get3A_369, %get3A_370] {strides = array<i32>} : memref<2x80x128xf32, #tpu.memory_space<vmem>>, vector<1x1x16xf32>,
        %get3A_372 = vector.shape_cast %get3A_371 : vector<1x1x16xf32> to vector<16xf32>
        %get3A_373 = arith.index_cast %select_n3A_169 : i32 to index
        %get3A_374 = arith.index_cast %add3A_357 : i32 to index
        %get3A_375 = arith.constant 48 : index
        %get3A_376 = tpu.vector_load %arg10[%get3A_373, %get3A_374, %get3A_375] {strides = array<i32>} : memref<2x80x128xf32, #tpu.memory_space<vmem>>, vector<1x1x16xf32>,
        %get3A_377 = vector.shape_cast %get3A_376 : vector<1x1x16xf32> to vector<16xf32>
        %get3A_378 = arith.index_cast %select_n3A_169 : i32 to index
        %get3A_379 = arith.index_cast %add3A_357 : i32 to index
        %get3A_380 = arith.constant 64 : index
        %get3A_381 = tpu.vector_load %arg10[%get3A_378, %get3A_379, %get3A_380] {strides = array<i32>} : memref<2x80x128xf32, #tpu.memory_space<vmem>>, vector<1x1x16xf32>,
        %get3A_382 = vector.shape_cast %get3A_381 : vector<1x1x16xf32> to vector<16xf32>
        %get3A_383 = arith.index_cast %select_n3A_169 : i32 to index
        %get3A_384 = arith.index_cast %add3A_357 : i32 to index
        %get3A_385 = arith.constant 80 : index
        %get3A_386 = tpu.vector_load %arg10[%get3A_383, %get3A_384, %get3A_385] {strides = array<i32>} : memref<2x80x128xf32, #tpu.memory_space<vmem>>, vector<1x1x16xf32>,
        %get3A_387 = vector.shape_cast %get3A_386 : vector<1x1x16xf32> to vector<16xf32>
        %get3A_388 = arith.index_cast %select_n3A_169 : i32 to index
        %get3A_389 = arith.index_cast %add3A_357 : i32 to index
        %get3A_390 = arith.constant 96 : index
        %get3A_391 = tpu.vector_load %arg10[%get3A_388, %get3A_389, %get3A_390] {strides = array<i32>} : memref<2x80x128xf32, #tpu.memory_space<vmem>>, vector<1x1x16xf32>,
        %get3A_392 = vector.shape_cast %get3A_391 : vector<1x1x16xf32> to vector<16xf32>
        %get3A_393 = arith.index_cast %select_n3A_169 : i32 to index
        %get3A_394 = arith.index_cast %add3A_357 : i32 to index
        %get3A_395 = arith.constant 112 : index
        %get3A_396 = tpu.vector_load %arg10[%get3A_393, %get3A_394, %get3A_395] {strides = array<i32>} : memref<2x80x128xf32, #tpu.memory_space<vmem>>, vector<1x1x16xf32>,
        %get3A_397 = vector.shape_cast %get3A_396 : vector<1x1x16xf32> to vector<16xf32>
        %mul3A_398 = vector.broadcast %squeeze3A_355 : f32 to vector<16xf32>
        %mul3A_399 = arith.mulf %get3A_362, %mul3A_398 : vector<16xf32>
        %swap3A_400 = arith.index_cast %select_n3A_169 : i32 to index
        %swap3A_401 = arith.index_cast %add3A_357 : i32 to index
        %swap3A_402 = arith.constant 0 : index
        %swap3A_403 = tpu.vector_load %arg11[%swap3A_400, %swap3A_401, %swap3A_402] {strides = array<i32>} : memref<2x80x128xf32, #tpu.memory_space<vmem>>, vector<1x1x16xf32>,
        %swap3A_404 = vector.shape_cast %swap3A_403 : vector<1x1x16xf32> to vector<16xf32>
        %swap3A_405 = vector.shape_cast %mul3A_399 : vector<16xf32> to vector<1x1x16xf32>
        tpu.vector_store %arg11[%swap3A_400, %swap3A_401, %swap3A_402], %swap3A_405 {strides = array<i32>} : memref<2x80x128xf32, #tpu.memory_space<vmem>>, vector<1x1x16xf32>,
        %mul3A_406 = vector.broadcast %squeeze3A_355 : f32 to vector<16xf32>
        %mul3A_407 = arith.mulf %get3A_367, %mul3A_406 : vector<16xf32>
        %swap3A_408 = arith.index_cast %select_n3A_169 : i32 to index
        %swap3A_409 = arith.index_cast %add3A_357 : i32 to index
        %swap3A_410 = arith.constant 16 : index
        %swap3A_411 = tpu.vector_load %arg11[%swap3A_408, %swap3A_409, %swap3A_410] {strides = array<i32>} : memref<2x80x128xf32, #tpu.memory_space<vmem>>, vector<1x1x16xf32>,
        %swap3A_412 = vector.shape_cast %swap3A_411 : vector<1x1x16xf32> to vector<16xf32>
        %swap3A_413 = vector.shape_cast %mul3A_407 : vector<16xf32> to vector<1x1x16xf32>
        tpu.vector_store %arg11[%swap3A_408, %swap3A_409, %swap3A_410], %swap3A_413 {strides = array<i32>} : memref<2x80x128xf32, #tpu.memory_space<vmem>>, vector<1x1x16xf32>,
        %mul3A_414 = vector.broadcast %squeeze3A_355 : f32 to vector<16xf32>
        %mul3A_415 = arith.mulf %get3A_372, %mul3A_414 : vector<16xf32>
        %swap3A_416 = arith.index_cast %select_n3A_169 : i32 to index
        %swap3A_417 = arith.index_cast %add3A_357 : i32 to index
        %swap3A_418 = arith.constant 32 : index
        %swap3A_419 = tpu.vector_load %arg11[%swap3A_416, %swap3A_417, %swap3A_418] {strides = array<i32>} : memref<2x80x128xf32, #tpu.memory_space<vmem>>, vector<1x1x16xf32>,
        %swap3A_420 = vector.shape_cast %swap3A_419 : vector<1x1x16xf32> to vector<16xf32>
        %swap3A_421 = vector.shape_cast %mul3A_415 : vector<16xf32> to vector<1x1x16xf32>
        tpu.vector_store %arg11[%swap3A_416, %swap3A_417, %swap3A_418], %swap3A_421 {strides = array<i32>} : memref<2x80x128xf32, #tpu.memory_space<vmem>>, vector<1x1x16xf32>,
        %mul3A_422 = vector.broadcast %squeeze3A_355 : f32 to vector<16xf32>
        %mul3A_423 = arith.mulf %get3A_377, %mul3A_422 : vector<16xf32>
        %swap3A_424 = arith.index_cast %select_n3A_169 : i32 to index
        %swap3A_425 = arith.index_cast %add3A_357 : i32 to index
        %swap3A_426 = arith.constant 48 : index
        %swap3A_427 = tpu.vector_load %arg11[%swap3A_424, %swap3A_425, %swap3A_426] {strides = array<i32>} : memref<2x80x128xf32, #tpu.memory_space<vmem>>, vector<1x1x16xf32>,
        %swap3A_428 = vector.shape_cast %swap3A_427 : vector<1x1x16xf32> to vector<16xf32>
        %swap3A_429 = vector.shape_cast %mul3A_423 : vector<16xf32> to vector<1x1x16xf32>
        tpu.vector_store %arg11[%swap3A_424, %swap3A_425, %swap3A_426], %swap3A_429 {strides = array<i32>} : memref<2x80x128xf32, #tpu.memory_space<vmem>>, vector<1x1x16xf32>,
        %mul3A_430 = vector.broadcast %squeeze3A_355 : f32 to vector<16xf32>
        %mul3A_431 = arith.mulf %get3A_382, %mul3A_430 : vector<16xf32>
        %swap3A_432 = arith.index_cast %select_n3A_169 : i32 to index
        %swap3A_433 = arith.index_cast %add3A_357 : i32 to index
        %swap3A_434 = arith.constant 64 : index
        %swap3A_435 = tpu.vector_load %arg11[%swap3A_432, %swap3A_433, %swap3A_434] {strides = array<i32>} : memref<2x80x128xf32, #tpu.memory_space<vmem>>, vector<1x1x16xf32>,
        %swap3A_436 = vector.shape_cast %swap3A_435 : vector<1x1x16xf32> to vector<16xf32>
        %swap3A_437 = vector.shape_cast %mul3A_431 : vector<16xf32> to vector<1x1x16xf32>
        tpu.vector_store %arg11[%swap3A_432, %swap3A_433, %swap3A_434], %swap3A_437 {strides = array<i32>} : memref<2x80x128xf32, #tpu.memory_space<vmem>>, vector<1x1x16xf32>,
        %mul3A_438 = vector.broadcast %squeeze3A_355 : f32 to vector<16xf32>
        %mul3A_439 = arith.mulf %get3A_387, %mul3A_438 : vector<16xf32>
        %swap3A_440 = arith.index_cast %select_n3A_169 : i32 to index
        %swap3A_441 = arith.index_cast %add3A_357 : i32 to index
        %swap3A_442 = arith.constant 80 : index
        %swap3A_443 = tpu.vector_load %arg11[%swap3A_440, %swap3A_441, %swap3A_442] {strides = array<i32>} : memref<2x80x128xf32, #tpu.memory_space<vmem>>, vector<1x1x16xf32>,
        %swap3A_444 = vector.shape_cast %swap3A_443 : vector<1x1x16xf32> to vector<16xf32>
        %swap3A_445 = vector.shape_cast %mul3A_439 : vector<16xf32> to vector<1x1x16xf32>
        tpu.vector_store %arg11[%swap3A_440, %swap3A_441, %swap3A_442], %swap3A_445 {strides = array<i32>} : memref<2x80x128xf32, #tpu.memory_space<vmem>>, vector<1x1x16xf32>,
        %mul3A_446 = vector.broadcast %squeeze3A_355 : f32 to vector<16xf32>
        %mul3A_447 = arith.mulf %get3A_392, %mul3A_446 : vector<16xf32>
        %swap3A_448 = arith.index_cast %select_n3A_169 : i32 to index
        %swap3A_449 = arith.index_cast %add3A_357 : i32 to index
        %swap3A_450 = arith.constant 96 : index
        %swap3A_451 = tpu.vector_load %arg11[%swap3A_448, %swap3A_449, %swap3A_450] {strides = array<i32>} : memref<2x80x128xf32, #tpu.memory_space<vmem>>, vector<1x1x16xf32>,
        %swap3A_452 = vector.shape_cast %swap3A_451 : vector<1x1x16xf32> to vector<16xf32>
        %swap3A_453 = vector.shape_cast %mul3A_447 : vector<16xf32> to vector<1x1x16xf32>
        tpu.vector_store %arg11[%swap3A_448, %swap3A_449, %swap3A_450], %swap3A_453 {strides = array<i32>} : memref<2x80x128xf32, #tpu.memory_space<vmem>>, vector<1x1x16xf32>,
        %mul3A_454 = vector.broadcast %squeeze3A_355 : f32 to vector<16xf32>
        %mul3A_455 = arith.mulf %get3A_397, %mul3A_454 : vector<16xf32>
        %swap3A_456 = arith.index_cast %select_n3A_169 : i32 to index
        %swap3A_457 = arith.index_cast %add3A_357 : i32 to index
        %swap3A_458 = arith.constant 112 : index
        %swap3A_459 = tpu.vector_load %arg11[%swap3A_456, %swap3A_457, %swap3A_458] {strides = array<i32>} : memref<2x80x128xf32, #tpu.memory_space<vmem>>, vector<1x1x16xf32>,
        %swap3A_460 = vector.shape_cast %swap3A_459 : vector<1x1x16xf32> to vector<16xf32>
        %swap3A_461 = vector.shape_cast %mul3A_455 : vector<16xf32> to vector<1x1x16xf32>
        tpu.vector_store %arg11[%swap3A_456, %swap3A_457, %swap3A_458], %swap3A_461 {strides = array<i32>} : memref<2x80x128xf32, #tpu.memory_space<vmem>>, vector<1x1x16xf32>,
        %slice3A_462 = vector.extract_strided_slice %get3A_246 {offsets = [2], sizes = [1], strides = [1]} : vector<16xf32> to vector<1xf32>
        %squeeze3A_463 = vector.extract %slice3A_462[0] : f32 from vector<1xf32>
        %add3A_464 = arith.constant 2 : i32
        %add3A_465 = arith.addi %mul3A_248, %add3A_464 : i32
        %get3A_466 = arith.index_cast %select_n3A_169 : i32 to index
        %get3A_467 = arith.index_cast %add3A_465 : i32 to index
        %get3A_468 = arith.constant 0 : index
        %get3A_469 = tpu.vector_load %arg10[%get3A_466, %get3A_467, %get3A_468] {strides = array<i32>} : memref<2x80x128xf32, #tpu.memory_space<vmem>>, vector<1x1x16xf32>,
        %get3A_470 = vector.shape_cast %get3A_469 : vector<1x1x16xf32> to vector<16xf32>
        %get3A_471 = arith.index_cast %select_n3A_169 : i32 to index
        %get3A_472 = arith.index_cast %add3A_465 : i32 to index
        %get3A_473 = arith.constant 16 : index
        %get3A_474 = tpu.vector_load %arg10[%get3A_471, %get3A_472, %get3A_473] {strides = array<i32>} : memref<2x80x128xf32, #tpu.memory_space<vmem>>, vector<1x1x16xf32>,
        %get3A_475 = vector.shape_cast %get3A_474 : vector<1x1x16xf32> to vector<16xf32>
        %get3A_476 = arith.index_cast %select_n3A_169 : i32 to index
        %get3A_477 = arith.index_cast %add3A_465 : i32 to index
        %get3A_478 = arith.constant 32 : index
        %get3A_479 = tpu.vector_load %arg10[%get3A_476, %get3A_477, %get3A_478] {strides = array<i32>} : memref<2x80x128xf32, #tpu.memory_space<vmem>>, vector<1x1x16xf32>,
        %get3A_480 = vector.shape_cast %get3A_479 : vector<1x1x16xf32> to vector<16xf32>
        %get3A_481 = arith.index_cast %select_n3A_169 : i32 to index
        %get3A_482 = arith.index_cast %add3A_465 : i32 to index
        %get3A_483 = arith.constant 48 : index
        %get3A_484 = tpu.vector_load %arg10[%get3A_481, %get3A_482, %get3A_483] {strides = array<i32>} : memref<2x80x128xf32, #tpu.memory_space<vmem>>, vector<1x1x16xf32>,
        %get3A_485 = vector.shape_cast %get3A_484 : vector<1x1x16xf32> to vector<16xf32>
        %get3A_486 = arith.index_cast %select_n3A_169 : i32 to index
        %get3A_487 = arith.index_cast %add3A_465 : i32 to index
        %get3A_488 = arith.constant 64 : index
        %get3A_489 = tpu.vector_load %arg10[%get3A_486, %get3A_487, %get3A_488] {strides = array<i32>} : memref<2x80x128xf32, #tpu.memory_space<vmem>>, vector<1x1x16xf32>,
        %get3A_490 = vector.shape_cast %get3A_489 : vector<1x1x16xf32> to vector<16xf32>
        %get3A_491 = arith.index_cast %select_n3A_169 : i32 to index
        %get3A_492 = arith.index_cast %add3A_465 : i32 to index
        %get3A_493 = arith.constant 80 : index
        %get3A_494 = tpu.vector_load %arg10[%get3A_491, %get3A_492, %get3A_493] {strides = array<i32>} : memref<2x80x128xf32, #tpu.memory_space<vmem>>, vector<1x1x16xf32>,
        %get3A_495 = vector.shape_cast %get3A_494 : vector<1x1x16xf32> to vector<16xf32>
        %get3A_496 = arith.index_cast %select_n3A_169 : i32 to index
        %get3A_497 = arith.index_cast %add3A_465 : i32 to index
        %get3A_498 = arith.constant 96 : index
        %get3A_499 = tpu.vector_load %arg10[%get3A_496, %get3A_497, %get3A_498] {strides = array<i32>} : memref<2x80x128xf32, #tpu.memory_space<vmem>>, vector<1x1x16xf32>,
        %get3A_500 = vector.shape_cast %get3A_499 : vector<1x1x16xf32> to vector<16xf32>
        %get3A_501 = arith.index_cast %select_n3A_169 : i32 to index
        %get3A_502 = arith.index_cast %add3A_465 : i32 to index
        %get3A_503 = arith.constant 112 : index
        %get3A_504 = tpu.vector_load %arg10[%get3A_501, %get3A_502, %get3A_503] {strides = array<i32>} : memref<2x80x128xf32, #tpu.memory_space<vmem>>, vector<1x1x16xf32>,
        %get3A_505 = vector.shape_cast %get3A_504 : vector<1x1x16xf32> to vector<16xf32>
        %mul3A_506 = vector.broadcast %squeeze3A_463 : f32 to vector<16xf32>
        %mul3A_507 = arith.mulf %get3A_470, %mul3A_506 : vector<16xf32>
        %swap3A_508 = arith.index_cast %select_n3A_169 : i32 to index
        %swap3A_509 = arith.index_cast %add3A_465 : i32 to index
        %swap3A_510 = arith.constant 0 : index
        %swap3A_511 = tpu.vector_load %arg11[%swap3A_508, %swap3A_509, %swap3A_510] {strides = array<i32>} : memref<2x80x128xf32, #tpu.memory_space<vmem>>, vector<1x1x16xf32>,
        %swap3A_512 = vector.shape_cast %swap3A_511 : vector<1x1x16xf32> to vector<16xf32>
        %swap3A_513 = vector.shape_cast %mul3A_507 : vector<16xf32> to vector<1x1x16xf32>
        tpu.vector_store %arg11[%swap3A_508, %swap3A_509, %swap3A_510], %swap3A_513 {strides = array<i32>} : memref<2x80x128xf32, #tpu.memory_space<vmem>>, vector<1x1x16xf32>,
        %mul3A_514 = vector.broadcast %squeeze3A_463 : f32 to vector<16xf32>
        %mul3A_515 = arith.mulf %get3A_475, %mul3A_514 : vector<16xf32>
        %swap3A_516 = arith.index_cast %select_n3A_169 : i32 to index
        %swap3A_517 = arith.index_cast %add3A_465 : i32 to index
        %swap3A_518 = arith.constant 16 : index
        %swap3A_519 = tpu.vector_load %arg11[%swap3A_516, %swap3A_517, %swap3A_518] {strides = array<i32>} : memref<2x80x128xf32, #tpu.memory_space<vmem>>, vector<1x1x16xf32>,
        %swap3A_520 = vector.shape_cast %swap3A_519 : vector<1x1x16xf32> to vector<16xf32>
        %swap3A_521 = vector.shape_cast %mul3A_515 : vector<16xf32> to vector<1x1x16xf32>
        tpu.vector_store %arg11[%swap3A_516, %swap3A_517, %swap3A_518], %swap3A_521 {strides = array<i32>} : memref<2x80x128xf32, #tpu.memory_space<vmem>>, vector<1x1x16xf32>,
        %mul3A_522 = vector.broadcast %squeeze3A_463 : f32 to vector<16xf32>
        %mul3A_523 = arith.mulf %get3A_480, %mul3A_522 : vector<16xf32>
        %swap3A_524 = arith.index_cast %select_n3A_169 : i32 to index
        %swap3A_525 = arith.index_cast %add3A_465 : i32 to index
        %swap3A_526 = arith.constant 32 : index
        %swap3A_527 = tpu.vector_load %arg11[%swap3A_524, %swap3A_525, %swap3A_526] {strides = array<i32>} : memref<2x80x128xf32, #tpu.memory_space<vmem>>, vector<1x1x16xf32>,
        %swap3A_528 = vector.shape_cast %swap3A_527 : vector<1x1x16xf32> to vector<16xf32>
        %swap3A_529 = vector.shape_cast %mul3A_523 : vector<16xf32> to vector<1x1x16xf32>
        tpu.vector_store %arg11[%swap3A_524, %swap3A_525, %swap3A_526], %swap3A_529 {strides = array<i32>} : memref<2x80x128xf32, #tpu.memory_space<vmem>>, vector<1x1x16xf32>,
        %mul3A_530 = vector.broadcast %squeeze3A_463 : f32 to vector<16xf32>
        %mul3A_531 = arith.mulf %get3A_485, %mul3A_530 : vector<16xf32>
        %swap3A_532 = arith.index_cast %select_n3A_169 : i32 to index
        %swap3A_533 = arith.index_cast %add3A_465 : i32 to index
        %swap3A_534 = arith.constant 48 : index
        %swap3A_535 = tpu.vector_load %arg11[%swap3A_532, %swap3A_533, %swap3A_534] {strides = array<i32>} : memref<2x80x128xf32, #tpu.memory_space<vmem>>, vector<1x1x16xf32>,
        %swap3A_536 = vector.shape_cast %swap3A_535 : vector<1x1x16xf32> to vector<16xf32>
        %swap3A_537 = vector.shape_cast %mul3A_531 : vector<16xf32> to vector<1x1x16xf32>
        tpu.vector_store %arg11[%swap3A_532, %swap3A_533, %swap3A_534], %swap3A_537 {strides = array<i32>} : memref<2x80x128xf32, #tpu.memory_space<vmem>>, vector<1x1x16xf32>,
        %mul3A_538 = vector.broadcast %squeeze3A_463 : f32 to vector<16xf32>
        %mul3A_539 = arith.mulf %get3A_490, %mul3A_538 : vector<16xf32>
        %swap3A_540 = arith.index_cast %select_n3A_169 : i32 to index
        %swap3A_541 = arith.index_cast %add3A_465 : i32 to index
        %swap3A_542 = arith.constant 64 : index
        %swap3A_543 = tpu.vector_load %arg11[%swap3A_540, %swap3A_541, %swap3A_542] {strides = array<i32>} : memref<2x80x128xf32, #tpu.memory_space<vmem>>, vector<1x1x16xf32>,
        %swap3A_544 = vector.shape_cast %swap3A_543 : vector<1x1x16xf32> to vector<16xf32>
        %swap3A_545 = vector.shape_cast %mul3A_539 : vector<16xf32> to vector<1x1x16xf32>
        tpu.vector_store %arg11[%swap3A_540, %swap3A_541, %swap3A_542], %swap3A_545 {strides = array<i32>} : memref<2x80x128xf32, #tpu.memory_space<vmem>>, vector<1x1x16xf32>,
        %mul3A_546 = vector.broadcast %squeeze3A_463 : f32 to vector<16xf32>
        %mul3A_547 = arith.mulf %get3A_495, %mul3A_546 : vector<16xf32>
        %swap3A_548 = arith.index_cast %select_n3A_169 : i32 to index
        %swap3A_549 = arith.index_cast %add3A_465 : i32 to index
        %swap3A_550 = arith.constant 80 : index
        %swap3A_551 = tpu.vector_load %arg11[%swap3A_548, %swap3A_549, %swap3A_550] {strides = array<i32>} : memref<2x80x128xf32, #tpu.memory_space<vmem>>, vector<1x1x16xf32>,
        %swap3A_552 = vector.shape_cast %swap3A_551 : vector<1x1x16xf32> to vector<16xf32>
        %swap3A_553 = vector.shape_cast %mul3A_547 : vector<16xf32> to vector<1x1x16xf32>
        tpu.vector_store %arg11[%swap3A_548, %swap3A_549, %swap3A_550], %swap3A_553 {strides = array<i32>} : memref<2x80x128xf32, #tpu.memory_space<vmem>>, vector<1x1x16xf32>,
        %mul3A_554 = vector.broadcast %squeeze3A_463 : f32 to vector<16xf32>
        %mul3A_555 = arith.mulf %get3A_500, %mul3A_554 : vector<16xf32>
        %swap3A_556 = arith.index_cast %select_n3A_169 : i32 to index
        %swap3A_557 = arith.index_cast %add3A_465 : i32 to index
        %swap3A_558 = arith.constant 96 : index
        %swap3A_559 = tpu.vector_load %arg11[%swap3A_556, %swap3A_557, %swap3A_558] {strides = array<i32>} : memref<2x80x128xf32, #tpu.memory_space<vmem>>, vector<1x1x16xf32>,
        %swap3A_560 = vector.shape_cast %swap3A_559 : vector<1x1x16xf32> to vector<16xf32>
        %swap3A_561 = vector.shape_cast %mul3A_555 : vector<16xf32> to vector<1x1x16xf32>
        tpu.vector_store %arg11[%swap3A_556, %swap3A_557, %swap3A_558], %swap3A_561 {strides = array<i32>} : memref<2x80x128xf32, #tpu.memory_space<vmem>>, vector<1x1x16xf32>,
        %mul3A_562 = vector.broadcast %squeeze3A_463 : f32 to vector<16xf32>
        %mul3A_563 = arith.mulf %get3A_505, %mul3A_562 : vector<16xf32>
        %swap3A_564 = arith.index_cast %select_n3A_169 : i32 to index
        %swap3A_565 = arith.index_cast %add3A_465 : i32 to index
        %swap3A_566 = arith.constant 112 : index
        %swap3A_567 = tpu.vector_load %arg11[%swap3A_564, %swap3A_565, %swap3A_566] {strides = array<i32>} : memref<2x80x128xf32, #tpu.memory_space<vmem>>, vector<1x1x16xf32>,
        %swap3A_568 = vector.shape_cast %swap3A_567 : vector<1x1x16xf32> to vector<16xf32>
        %swap3A_569 = vector.shape_cast %mul3A_563 : vector<16xf32> to vector<1x1x16xf32>
        tpu.vector_store %arg11[%swap3A_564, %swap3A_565, %swap3A_566], %swap3A_569 {strides = array<i32>} : memref<2x80x128xf32, #tpu.memory_space<vmem>>, vector<1x1x16xf32>,
        %slice3A_570 = vector.extract_strided_slice %get3A_246 {offsets = [3], sizes = [1], strides = [1]} : vector<16xf32> to vector<1xf32>
        %squeeze3A_571 = vector.extract %slice3A_570[0] : f32 from vector<1xf32>
        %add3A_572 = arith.constant 3 : i32
        %add3A_573 = arith.addi %mul3A_248, %add3A_572 : i32
        %get3A_574 = arith.index_cast %select_n3A_169 : i32 to index
        %get3A_575 = arith.index_cast %add3A_573 : i32 to index
        %get3A_576 = arith.constant 0 : index
        %get3A_577 = tpu.vector_load %arg10[%get3A_574, %get3A_575, %get3A_576] {strides = array<i32>} : memref<2x80x128xf32, #tpu.memory_space<vmem>>, vector<1x1x16xf32>,
        %get3A_578 = vector.shape_cast %get3A_577 : vector<1x1x16xf32> to vector<16xf32>
        %get3A_579 = arith.index_cast %select_n3A_169 : i32 to index
        %get3A_580 = arith.index_cast %add3A_573 : i32 to index
        %get3A_581 = arith.constant 16 : index
        %get3A_582 = tpu.vector_load %arg10[%get3A_579, %get3A_580, %get3A_581] {strides = array<i32>} : memref<2x80x128xf32, #tpu.memory_space<vmem>>, vector<1x1x16xf32>,
        %get3A_583 = vector.shape_cast %get3A_582 : vector<1x1x16xf32> to vector<16xf32>
        %get3A_584 = arith.index_cast %select_n3A_169 : i32 to index
        %get3A_585 = arith.index_cast %add3A_573 : i32 to index
        %get3A_586 = arith.constant 32 : index
        %get3A_587 = tpu.vector_load %arg10[%get3A_584, %get3A_585, %get3A_586] {strides = array<i32>} : memref<2x80x128xf32, #tpu.memory_space<vmem>>, vector<1x1x16xf32>,
        %get3A_588 = vector.shape_cast %get3A_587 : vector<1x1x16xf32> to vector<16xf32>
        %get3A_589 = arith.index_cast %select_n3A_169 : i32 to index
        %get3A_590 = arith.index_cast %add3A_573 : i32 to index
        %get3A_591 = arith.constant 48 : index
        %get3A_592 = tpu.vector_load %arg10[%get3A_589, %get3A_590, %get3A_591] {strides = array<i32>} : memref<2x80x128xf32, #tpu.memory_space<vmem>>, vector<1x1x16xf32>,
        %get3A_593 = vector.shape_cast %get3A_592 : vector<1x1x16xf32> to vector<16xf32>
        %get3A_594 = arith.index_cast %select_n3A_169 : i32 to index
        %get3A_595 = arith.index_cast %add3A_573 : i32 to index
        %get3A_596 = arith.constant 64 : index
        %get3A_597 = tpu.vector_load %arg10[%get3A_594, %get3A_595, %get3A_596] {strides = array<i32>} : memref<2x80x128xf32, #tpu.memory_space<vmem>>, vector<1x1x16xf32>,
        %get3A_598 = vector.shape_cast %get3A_597 : vector<1x1x16xf32> to vector<16xf32>
        %get3A_599 = arith.index_cast %select_n3A_169 : i32 to index
        %get3A_600 = arith.index_cast %add3A_573 : i32 to index
        %get3A_601 = arith.constant 80 : index
        %get3A_602 = tpu.vector_load %arg10[%get3A_599, %get3A_600, %get3A_601] {strides = array<i32>} : memref<2x80x128xf32, #tpu.memory_space<vmem>>, vector<1x1x16xf32>,
        %get3A_603 = vector.shape_cast %get3A_602 : vector<1x1x16xf32> to vector<16xf32>
        %get3A_604 = arith.index_cast %select_n3A_169 : i32 to index
        %get3A_605 = arith.index_cast %add3A_573 : i32 to index
        %get3A_606 = arith.constant 96 : index
        %get3A_607 = tpu.vector_load %arg10[%get3A_604, %get3A_605, %get3A_606] {strides = array<i32>} : memref<2x80x128xf32, #tpu.memory_space<vmem>>, vector<1x1x16xf32>,
        %get3A_608 = vector.shape_cast %get3A_607 : vector<1x1x16xf32> to vector<16xf32>
        %get3A_609 = arith.index_cast %select_n3A_169 : i32 to index
        %get3A_610 = arith.index_cast %add3A_573 : i32 to index
        %get3A_611 = arith.constant 112 : index
        %get3A_612 = tpu.vector_load %arg10[%get3A_609, %get3A_610, %get3A_611] {strides = array<i32>} : memref<2x80x128xf32, #tpu.memory_space<vmem>>, vector<1x1x16xf32>,
        %get3A_613 = vector.shape_cast %get3A_612 : vector<1x1x16xf32> to vector<16xf32>
        %mul3A_614 = vector.broadcast %squeeze3A_571 : f32 to vector<16xf32>
        %mul3A_615 = arith.mulf %get3A_578, %mul3A_614 : vector<16xf32>
        %swap3A_616 = arith.index_cast %select_n3A_169 : i32 to index
        %swap3A_617 = arith.index_cast %add3A_573 : i32 to index
        %swap3A_618 = arith.constant 0 : index
        %swap3A_619 = tpu.vector_load %arg11[%swap3A_616, %swap3A_617, %swap3A_618] {strides = array<i32>} : memref<2x80x128xf32, #tpu.memory_space<vmem>>, vector<1x1x16xf32>,
        %swap3A_620 = vector.shape_cast %swap3A_619 : vector<1x1x16xf32> to vector<16xf32>
        %swap3A_621 = vector.shape_cast %mul3A_615 : vector<16xf32> to vector<1x1x16xf32>
        tpu.vector_store %arg11[%swap3A_616, %swap3A_617, %swap3A_618], %swap3A_621 {strides = array<i32>} : memref<2x80x128xf32, #tpu.memory_space<vmem>>, vector<1x1x16xf32>,
        %mul3A_622 = vector.broadcast %squeeze3A_571 : f32 to vector<16xf32>
        %mul3A_623 = arith.mulf %get3A_583, %mul3A_622 : vector<16xf32>
        %swap3A_624 = arith.index_cast %select_n3A_169 : i32 to index
        %swap3A_625 = arith.index_cast %add3A_573 : i32 to index
        %swap3A_626 = arith.constant 16 : index
        %swap3A_627 = tpu.vector_load %arg11[%swap3A_624, %swap3A_625, %swap3A_626] {strides = array<i32>} : memref<2x80x128xf32, #tpu.memory_space<vmem>>, vector<1x1x16xf32>,
        %swap3A_628 = vector.shape_cast %swap3A_627 : vector<1x1x16xf32> to vector<16xf32>
        %swap3A_629 = vector.shape_cast %mul3A_623 : vector<16xf32> to vector<1x1x16xf32>
        tpu.vector_store %arg11[%swap3A_624, %swap3A_625, %swap3A_626], %swap3A_629 {strides = array<i32>} : memref<2x80x128xf32, #tpu.memory_space<vmem>>, vector<1x1x16xf32>,
        %mul3A_630 = vector.broadcast %squeeze3A_571 : f32 to vector<16xf32>
        %mul3A_631 = arith.mulf %get3A_588, %mul3A_630 : vector<16xf32>
        %swap3A_632 = arith.index_cast %select_n3A_169 : i32 to index
        %swap3A_633 = arith.index_cast %add3A_573 : i32 to index
        %swap3A_634 = arith.constant 32 : index
        %swap3A_635 = tpu.vector_load %arg11[%swap3A_632, %swap3A_633, %swap3A_634] {strides = array<i32>} : memref<2x80x128xf32, #tpu.memory_space<vmem>>, vector<1x1x16xf32>,
        %swap3A_636 = vector.shape_cast %swap3A_635 : vector<1x1x16xf32> to vector<16xf32>
        %swap3A_637 = vector.shape_cast %mul3A_631 : vector<16xf32> to vector<1x1x16xf32>
        tpu.vector_store %arg11[%swap3A_632, %swap3A_633, %swap3A_634], %swap3A_637 {strides = array<i32>} : memref<2x80x128xf32, #tpu.memory_space<vmem>>, vector<1x1x16xf32>,
        %mul3A_638 = vector.broadcast %squeeze3A_571 : f32 to vector<16xf32>
        %mul3A_639 = arith.mulf %get3A_593, %mul3A_638 : vector<16xf32>
        %swap3A_640 = arith.index_cast %select_n3A_169 : i32 to index
        %swap3A_641 = arith.index_cast %add3A_573 : i32 to index
        %swap3A_642 = arith.constant 48 : index
        %swap3A_643 = tpu.vector_load %arg11[%swap3A_640, %swap3A_641, %swap3A_642] {strides = array<i32>} : memref<2x80x128xf32, #tpu.memory_space<vmem>>, vector<1x1x16xf32>,
        %swap3A_644 = vector.shape_cast %swap3A_643 : vector<1x1x16xf32> to vector<16xf32>
        %swap3A_645 = vector.shape_cast %mul3A_639 : vector<16xf32> to vector<1x1x16xf32>
        tpu.vector_store %arg11[%swap3A_640, %swap3A_641, %swap3A_642], %swap3A_645 {strides = array<i32>} : memref<2x80x128xf32, #tpu.memory_space<vmem>>, vector<1x1x16xf32>,
        %mul3A_646 = vector.broadcast %squeeze3A_571 : f32 to vector<16xf32>
        %mul3A_647 = arith.mulf %get3A_598, %mul3A_646 : vector<16xf32>
        %swap3A_648 = arith.index_cast %select_n3A_169 : i32 to index
        %swap3A_649 = arith.index_cast %add3A_573 : i32 to index
        %swap3A_650 = arith.constant 64 : index
        %swap3A_651 = tpu.vector_load %arg11[%swap3A_648, %swap3A_649, %swap3A_650] {strides = array<i32>} : memref<2x80x128xf32, #tpu.memory_space<vmem>>, vector<1x1x16xf32>,
        %swap3A_652 = vector.shape_cast %swap3A_651 : vector<1x1x16xf32> to vector<16xf32>
        %swap3A_653 = vector.shape_cast %mul3A_647 : vector<16xf32> to vector<1x1x16xf32>
        tpu.vector_store %arg11[%swap3A_648, %swap3A_649, %swap3A_650], %swap3A_653 {strides = array<i32>} : memref<2x80x128xf32, #tpu.memory_space<vmem>>, vector<1x1x16xf32>,
        %mul3A_654 = vector.broadcast %squeeze3A_571 : f32 to vector<16xf32>
        %mul3A_655 = arith.mulf %get3A_603, %mul3A_654 : vector<16xf32>
        %swap3A_656 = arith.index_cast %select_n3A_169 : i32 to index
        %swap3A_657 = arith.index_cast %add3A_573 : i32 to index
        %swap3A_658 = arith.constant 80 : index
        %swap3A_659 = tpu.vector_load %arg11[%swap3A_656, %swap3A_657, %swap3A_658] {strides = array<i32>} : memref<2x80x128xf32, #tpu.memory_space<vmem>>, vector<1x1x16xf32>,
        %swap3A_660 = vector.shape_cast %swap3A_659 : vector<1x1x16xf32> to vector<16xf32>
        %swap3A_661 = vector.shape_cast %mul3A_655 : vector<16xf32> to vector<1x1x16xf32>
        tpu.vector_store %arg11[%swap3A_656, %swap3A_657, %swap3A_658], %swap3A_661 {strides = array<i32>} : memref<2x80x128xf32, #tpu.memory_space<vmem>>, vector<1x1x16xf32>,
        %mul3A_662 = vector.broadcast %squeeze3A_571 : f32 to vector<16xf32>
        %mul3A_663 = arith.mulf %get3A_608, %mul3A_662 : vector<16xf32>
        %swap3A_664 = arith.index_cast %select_n3A_169 : i32 to index
        %swap3A_665 = arith.index_cast %add3A_573 : i32 to index
        %swap3A_666 = arith.constant 96 : index
        %swap3A_667 = tpu.vector_load %arg11[%swap3A_664, %swap3A_665, %swap3A_666] {strides = array<i32>} : memref<2x80x128xf32, #tpu.memory_space<vmem>>, vector<1x1x16xf32>,
        %swap3A_668 = vector.shape_cast %swap3A_667 : vector<1x1x16xf32> to vector<16xf32>
        %swap3A_669 = vector.shape_cast %mul3A_663 : vector<16xf32> to vector<1x1x16xf32>
        tpu.vector_store %arg11[%swap3A_664, %swap3A_665, %swap3A_666], %swap3A_669 {strides = array<i32>} : memref<2x80x128xf32, #tpu.memory_space<vmem>>, vector<1x1x16xf32>,
        %mul3A_670 = vector.broadcast %squeeze3A_571 : f32 to vector<16xf32>
        %mul3A_671 = arith.mulf %get3A_613, %mul3A_670 : vector<16xf32>
        %swap3A_672 = arith.index_cast %select_n3A_169 : i32 to index
        %swap3A_673 = arith.index_cast %add3A_573 : i32 to index
        %swap3A_674 = arith.constant 112 : index
        %swap3A_675 = tpu.vector_load %arg11[%swap3A_672, %swap3A_673, %swap3A_674] {strides = array<i32>} : memref<2x80x128xf32, #tpu.memory_space<vmem>>, vector<1x1x16xf32>,
        %swap3A_676 = vector.shape_cast %swap3A_675 : vector<1x1x16xf32> to vector<16xf32>
        %swap3A_677 = vector.shape_cast %mul3A_671 : vector<16xf32> to vector<1x1x16xf32>
        tpu.vector_store %arg11[%swap3A_672, %swap3A_673, %swap3A_674], %swap3A_677 {strides = array<i32>} : memref<2x80x128xf32, #tpu.memory_space<vmem>>, vector<1x1x16xf32>,
        %slice3A_678 = vector.extract_strided_slice %get3A_246 {offsets = [4], sizes = [1], strides = [1]} : vector<16xf32> to vector<1xf32>
        %squeeze3A_679 = vector.extract %slice3A_678[0] : f32 from vector<1xf32>
        %add3A_680 = arith.constant 4 : i32
        %add3A_681 = arith.addi %mul3A_248, %add3A_680 : i32
        %get3A_682 = arith.index_cast %select_n3A_169 : i32 to index
        %get3A_683 = arith.index_cast %add3A_681 : i32 to index
        %get3A_684 = arith.constant 0 : index
        %get3A_685 = tpu.vector_load %arg10[%get3A_682, %get3A_683, %get3A_684] {strides = array<i32>} : memref<2x80x128xf32, #tpu.memory_space<vmem>>, vector<1x1x16xf32>,
        %get3A_686 = vector.shape_cast %get3A_685 : vector<1x1x16xf32> to vector<16xf32>
        %get3A_687 = arith.index_cast %select_n3A_169 : i32 to index
        %get3A_688 = arith.index_cast %add3A_681 : i32 to index
        %get3A_689 = arith.constant 16 : index
        %get3A_690 = tpu.vector_load %arg10[%get3A_687, %get3A_688, %get3A_689] {strides = array<i32>} : memref<2x80x128xf32, #tpu.memory_space<vmem>>, vector<1x1x16xf32>,
        %get3A_691 = vector.shape_cast %get3A_690 : vector<1x1x16xf32> to vector<16xf32>
        %get3A_692 = arith.index_cast %select_n3A_169 : i32 to index
        %get3A_693 = arith.index_cast %add3A_681 : i32 to index
        %get3A_694 = arith.constant 32 : index
        %get3A_695 = tpu.vector_load %arg10[%get3A_692, %get3A_693, %get3A_694] {strides = array<i32>} : memref<2x80x128xf32, #tpu.memory_space<vmem>>, vector<1x1x16xf32>,
        %get3A_696 = vector.shape_cast %get3A_695 : vector<1x1x16xf32> to vector<16xf32>
        %get3A_697 = arith.index_cast %select_n3A_169 : i32 to index
        %get3A_698 = arith.index_cast %add3A_681 : i32 to index
        %get3A_699 = arith.constant 48 : index
        %get3A_700 = tpu.vector_load %arg10[%get3A_697, %get3A_698, %get3A_699] {strides = array<i32>} : memref<2x80x128xf32, #tpu.memory_space<vmem>>, vector<1x1x16xf32>,
        %get3A_701 = vector.shape_cast %get3A_700 : vector<1x1x16xf32> to vector<16xf32>
        %get3A_702 = arith.index_cast %select_n3A_169 : i32 to index
        %get3A_703 = arith.index_cast %add3A_681 : i32 to index
        %get3A_704 = arith.constant 64 : index
        %get3A_705 = tpu.vector_load %arg10[%get3A_702, %get3A_703, %get3A_704] {strides = array<i32>} : memref<2x80x128xf32, #tpu.memory_space<vmem>>, vector<1x1x16xf32>,
        %get3A_706 = vector.shape_cast %get3A_705 : vector<1x1x16xf32> to vector<16xf32>
        %get3A_707 = arith.index_cast %select_n3A_169 : i32 to index
        %get3A_708 = arith.index_cast %add3A_681 : i32 to index
        %get3A_709 = arith.constant 80 : index
        %get3A_710 = tpu.vector_load %arg10[%get3A_707, %get3A_708, %get3A_709] {strides = array<i32>} : memref<2x80x128xf32, #tpu.memory_space<vmem>>, vector<1x1x16xf32>,
        %get3A_711 = vector.shape_cast %get3A_710 : vector<1x1x16xf32> to vector<16xf32>
        %get3A_712 = arith.index_cast %select_n3A_169 : i32 to index
        %get3A_713 = arith.index_cast %add3A_681 : i32 to index
        %get3A_714 = arith.constant 96 : index
        %get3A_715 = tpu.vector_load %arg10[%get3A_712, %get3A_713, %get3A_714] {strides = array<i32>} : memref<2x80x128xf32, #tpu.memory_space<vmem>>, vector<1x1x16xf32>,
        %get3A_716 = vector.shape_cast %get3A_715 : vector<1x1x16xf32> to vector<16xf32>
        %get3A_717 = arith.index_cast %select_n3A_169 : i32 to index
        %get3A_718 = arith.index_cast %add3A_681 : i32 to index
        %get3A_719 = arith.constant 112 : index
        %get3A_720 = tpu.vector_load %arg10[%get3A_717, %get3A_718, %get3A_719] {strides = array<i32>} : memref<2x80x128xf32, #tpu.memory_space<vmem>>, vector<1x1x16xf32>,
        %get3A_721 = vector.shape_cast %get3A_720 : vector<1x1x16xf32> to vector<16xf32>
        %mul3A_722 = vector.broadcast %squeeze3A_679 : f32 to vector<16xf32>
        %mul3A_723 = arith.mulf %get3A_686, %mul3A_722 : vector<16xf32>
        %swap3A_724 = arith.index_cast %select_n3A_169 : i32 to index
        %swap3A_725 = arith.index_cast %add3A_681 : i32 to index
        %swap3A_726 = arith.constant 0 : index
        %swap3A_727 = tpu.vector_load %arg11[%swap3A_724, %swap3A_725, %swap3A_726] {strides = array<i32>} : memref<2x80x128xf32, #tpu.memory_space<vmem>>, vector<1x1x16xf32>,
        %swap3A_728 = vector.shape_cast %swap3A_727 : vector<1x1x16xf32> to vector<16xf32>
        %swap3A_729 = vector.shape_cast %mul3A_723 : vector<16xf32> to vector<1x1x16xf32>
        tpu.vector_store %arg11[%swap3A_724, %swap3A_725, %swap3A_726], %swap3A_729 {strides = array<i32>} : memref<2x80x128xf32, #tpu.memory_space<vmem>>, vector<1x1x16xf32>,
        %mul3A_730 = vector.broadcast %squeeze3A_679 : f32 to vector<16xf32>
        %mul3A_731 = arith.mulf %get3A_691, %mul3A_730 : vector<16xf32>
        %swap3A_732 = arith.index_cast %select_n3A_169 : i32 to index
        %swap3A_733 = arith.index_cast %add3A_681 : i32 to index
        %swap3A_734 = arith.constant 16 : index
        %swap3A_735 = tpu.vector_load %arg11[%swap3A_732, %swap3A_733, %swap3A_734] {strides = array<i32>} : memref<2x80x128xf32, #tpu.memory_space<vmem>>, vector<1x1x16xf32>,
        %swap3A_736 = vector.shape_cast %swap3A_735 : vector<1x1x16xf32> to vector<16xf32>
        %swap3A_737 = vector.shape_cast %mul3A_731 : vector<16xf32> to vector<1x1x16xf32>
        tpu.vector_store %arg11[%swap3A_732, %swap3A_733, %swap3A_734], %swap3A_737 {strides = array<i32>} : memref<2x80x128xf32, #tpu.memory_space<vmem>>, vector<1x1x16xf32>,
        %mul3A_738 = vector.broadcast %squeeze3A_679 : f32 to vector<16xf32>
        %mul3A_739 = arith.mulf %get3A_696, %mul3A_738 : vector<16xf32>
        %swap3A_740 = arith.index_cast %select_n3A_169 : i32 to index
        %swap3A_741 = arith.index_cast %add3A_681 : i32 to index
        %swap3A_742 = arith.constant 32 : index
        %swap3A_743 = tpu.vector_load %arg11[%swap3A_740, %swap3A_741, %swap3A_742] {strides = array<i32>} : memref<2x80x128xf32, #tpu.memory_space<vmem>>, vector<1x1x16xf32>,
        %swap3A_744 = vector.shape_cast %swap3A_743 : vector<1x1x16xf32> to vector<16xf32>
        %swap3A_745 = vector.shape_cast %mul3A_739 : vector<16xf32> to vector<1x1x16xf32>
        tpu.vector_store %arg11[%swap3A_740, %swap3A_741, %swap3A_742], %swap3A_745 {strides = array<i32>} : memref<2x80x128xf32, #tpu.memory_space<vmem>>, vector<1x1x16xf32>,
        %mul3A_746 = vector.broadcast %squeeze3A_679 : f32 to vector<16xf32>
        %mul3A_747 = arith.mulf %get3A_701, %mul3A_746 : vector<16xf32>
        %swap3A_748 = arith.index_cast %select_n3A_169 : i32 to index
        %swap3A_749 = arith.index_cast %add3A_681 : i32 to index
        %swap3A_750 = arith.constant 48 : index
        %swap3A_751 = tpu.vector_load %arg11[%swap3A_748, %swap3A_749, %swap3A_750] {strides = array<i32>} : memref<2x80x128xf32, #tpu.memory_space<vmem>>, vector<1x1x16xf32>,
        %swap3A_752 = vector.shape_cast %swap3A_751 : vector<1x1x16xf32> to vector<16xf32>
        %swap3A_753 = vector.shape_cast %mul3A_747 : vector<16xf32> to vector<1x1x16xf32>
        tpu.vector_store %arg11[%swap3A_748, %swap3A_749, %swap3A_750], %swap3A_753 {strides = array<i32>} : memref<2x80x128xf32, #tpu.memory_space<vmem>>, vector<1x1x16xf32>,
        %mul3A_754 = vector.broadcast %squeeze3A_679 : f32 to vector<16xf32>
        %mul3A_755 = arith.mulf %get3A_706, %mul3A_754 : vector<16xf32>
        %swap3A_756 = arith.index_cast %select_n3A_169 : i32 to index
        %swap3A_757 = arith.index_cast %add3A_681 : i32 to index
        %swap3A_758 = arith.constant 64 : index
        %swap3A_759 = tpu.vector_load %arg11[%swap3A_756, %swap3A_757, %swap3A_758] {strides = array<i32>} : memref<2x80x128xf32, #tpu.memory_space<vmem>>, vector<1x1x16xf32>,
        %swap3A_760 = vector.shape_cast %swap3A_759 : vector<1x1x16xf32> to vector<16xf32>
        %swap3A_761 = vector.shape_cast %mul3A_755 : vector<16xf32> to vector<1x1x16xf32>
        tpu.vector_store %arg11[%swap3A_756, %swap3A_757, %swap3A_758], %swap3A_761 {strides = array<i32>} : memref<2x80x128xf32, #tpu.memory_space<vmem>>, vector<1x1x16xf32>,
        %mul3A_762 = vector.broadcast %squeeze3A_679 : f32 to vector<16xf32>
        %mul3A_763 = arith.mulf %get3A_711, %mul3A_762 : vector<16xf32>
        %swap3A_764 = arith.index_cast %select_n3A_169 : i32 to index
        %swap3A_765 = arith.index_cast %add3A_681 : i32 to index
        %swap3A_766 = arith.constant 80 : index
        %swap3A_767 = tpu.vector_load %arg11[%swap3A_764, %swap3A_765, %swap3A_766] {strides = array<i32>} : memref<2x80x128xf32, #tpu.memory_space<vmem>>, vector<1x1x16xf32>,
        %swap3A_768 = vector.shape_cast %swap3A_767 : vector<1x1x16xf32> to vector<16xf32>
        %swap3A_769 = vector.shape_cast %mul3A_763 : vector<16xf32> to vector<1x1x16xf32>
        tpu.vector_store %arg11[%swap3A_764, %swap3A_765, %swap3A_766], %swap3A_769 {strides = array<i32>} : memref<2x80x128xf32, #tpu.memory_space<vmem>>, vector<1x1x16xf32>,
        %mul3A_770 = vector.broadcast %squeeze3A_679 : f32 to vector<16xf32>
        %mul3A_771 = arith.mulf %get3A_716, %mul3A_770 : vector<16xf32>
        %swap3A_772 = arith.index_cast %select_n3A_169 : i32 to index
        %swap3A_773 = arith.index_cast %add3A_681 : i32 to index
        %swap3A_774 = arith.constant 96 : index
        %swap3A_775 = tpu.vector_load %arg11[%swap3A_772, %swap3A_773, %swap3A_774] {strides = array<i32>} : memref<2x80x128xf32, #tpu.memory_space<vmem>>, vector<1x1x16xf32>,
        %swap3A_776 = vector.shape_cast %swap3A_775 : vector<1x1x16xf32> to vector<16xf32>
        %swap3A_777 = vector.shape_cast %mul3A_771 : vector<16xf32> to vector<1x1x16xf32>
        tpu.vector_store %arg11[%swap3A_772, %swap3A_773, %swap3A_774], %swap3A_777 {strides = array<i32>} : memref<2x80x128xf32, #tpu.memory_space<vmem>>, vector<1x1x16xf32>,
        %mul3A_778 = vector.broadcast %squeeze3A_679 : f32 to vector<16xf32>
        %mul3A_779 = arith.mulf %get3A_721, %mul3A_778 : vector<16xf32>
        %swap3A_780 = arith.index_cast %select_n3A_169 : i32 to index
        %swap3A_781 = arith.index_cast %add3A_681 : i32 to index
        %swap3A_782 = arith.constant 112 : index
        %swap3A_783 = tpu.vector_load %arg11[%swap3A_780, %swap3A_781, %swap3A_782] {strides = array<i32>} : memref<2x80x128xf32, #tpu.memory_space<vmem>>, vector<1x1x16xf32>,
        %swap3A_784 = vector.shape_cast %swap3A_783 : vector<1x1x16xf32> to vector<16xf32>
        %swap3A_785 = vector.shape_cast %mul3A_779 : vector<16xf32> to vector<1x1x16xf32>
        tpu.vector_store %arg11[%swap3A_780, %swap3A_781, %swap3A_782], %swap3A_785 {strides = array<i32>} : memref<2x80x128xf32, #tpu.memory_space<vmem>>, vector<1x1x16xf32>,
        %slice3A_786 = vector.extract_strided_slice %get3A_246 {offsets = [5], sizes = [1], strides = [1]} : vector<16xf32> to vector<1xf32>
        %squeeze3A_787 = vector.extract %slice3A_786[0] : f32 from vector<1xf32>
        %add3A_788 = arith.constant 5 : i32
        %add3A_789 = arith.addi %mul3A_248, %add3A_788 : i32
        %get3A_790 = arith.index_cast %select_n3A_169 : i32 to index
        %get3A_791 = arith.index_cast %add3A_789 : i32 to index
        %get3A_792 = arith.constant 0 : index
        %get3A_793 = tpu.vector_load %arg10[%get3A_790, %get3A_791, %get3A_792] {strides = array<i32>} : memref<2x80x128xf32, #tpu.memory_space<vmem>>, vector<1x1x16xf32>,
        %get3A_794 = vector.shape_cast %get3A_793 : vector<1x1x16xf32> to vector<16xf32>
        %get3A_795 = arith.index_cast %select_n3A_169 : i32 to index
        %get3A_796 = arith.index_cast %add3A_789 : i32 to index
        %get3A_797 = arith.constant 16 : index
        %get3A_798 = tpu.vector_load %arg10[%get3A_795, %get3A_796, %get3A_797] {strides = array<i32>} : memref<2x80x128xf32, #tpu.memory_space<vmem>>, vector<1x1x16xf32>,
        %get3A_799 = vector.shape_cast %get3A_798 : vector<1x1x16xf32> to vector<16xf32>
        %get3A_800 = arith.index_cast %select_n3A_169 : i32 to index
        %get3A_801 = arith.index_cast %add3A_789 : i32 to index
        %get3A_802 = arith.constant 32 : index
        %get3A_803 = tpu.vector_load %arg10[%get3A_800, %get3A_801, %get3A_802] {strides = array<i32>} : memref<2x80x128xf32, #tpu.memory_space<vmem>>, vector<1x1x16xf32>,
        %get3A_804 = vector.shape_cast %get3A_803 : vector<1x1x16xf32> to vector<16xf32>
        %get3A_805 = arith.index_cast %select_n3A_169 : i32 to index
        %get3A_806 = arith.index_cast %add3A_789 : i32 to index
        %get3A_807 = arith.constant 48 : index
        %get3A_808 = tpu.vector_load %arg10[%get3A_805, %get3A_806, %get3A_807] {strides = array<i32>} : memref<2x80x128xf32, #tpu.memory_space<vmem>>, vector<1x1x16xf32>,
        %get3A_809 = vector.shape_cast %get3A_808 : vector<1x1x16xf32> to vector<16xf32>
        %get3A_810 = arith.index_cast %select_n3A_169 : i32 to index
        %get3A_811 = arith.index_cast %add3A_789 : i32 to index
        %get3A_812 = arith.constant 64 : index
        %get3A_813 = tpu.vector_load %arg10[%get3A_810, %get3A_811, %get3A_812] {strides = array<i32>} : memref<2x80x128xf32, #tpu.memory_space<vmem>>, vector<1x1x16xf32>,
        %get3A_814 = vector.shape_cast %get3A_813 : vector<1x1x16xf32> to vector<16xf32>
        %get3A_815 = arith.index_cast %select_n3A_169 : i32 to index
        %get3A_816 = arith.index_cast %add3A_789 : i32 to index
        %get3A_817 = arith.constant 80 : index
        %get3A_818 = tpu.vector_load %arg10[%get3A_815, %get3A_816, %get3A_817] {strides = array<i32>} : memref<2x80x128xf32, #tpu.memory_space<vmem>>, vector<1x1x16xf32>,
        %get3A_819 = vector.shape_cast %get3A_818 : vector<1x1x16xf32> to vector<16xf32>
        %get3A_820 = arith.index_cast %select_n3A_169 : i32 to index
        %get3A_821 = arith.index_cast %add3A_789 : i32 to index
        %get3A_822 = arith.constant 96 : index
        %get3A_823 = tpu.vector_load %arg10[%get3A_820, %get3A_821, %get3A_822] {strides = array<i32>} : memref<2x80x128xf32, #tpu.memory_space<vmem>>, vector<1x1x16xf32>,
        %get3A_824 = vector.shape_cast %get3A_823 : vector<1x1x16xf32> to vector<16xf32>
        %get3A_825 = arith.index_cast %select_n3A_169 : i32 to index
        %get3A_826 = arith.index_cast %add3A_789 : i32 to index
        %get3A_827 = arith.constant 112 : index
        %get3A_828 = tpu.vector_load %arg10[%get3A_825, %get3A_826, %get3A_827] {strides = array<i32>} : memref<2x80x128xf32, #tpu.memory_space<vmem>>, vector<1x1x16xf32>,
        %get3A_829 = vector.shape_cast %get3A_828 : vector<1x1x16xf32> to vector<16xf32>
        %mul3A_830 = vector.broadcast %squeeze3A_787 : f32 to vector<16xf32>
        %mul3A_831 = arith.mulf %get3A_794, %mul3A_830 : vector<16xf32>
        %swap3A_832 = arith.index_cast %select_n3A_169 : i32 to index
        %swap3A_833 = arith.index_cast %add3A_789 : i32 to index
        %swap3A_834 = arith.constant 0 : index
        %swap3A_835 = tpu.vector_load %arg11[%swap3A_832, %swap3A_833, %swap3A_834] {strides = array<i32>} : memref<2x80x128xf32, #tpu.memory_space<vmem>>, vector<1x1x16xf32>,
        %swap3A_836 = vector.shape_cast %swap3A_835 : vector<1x1x16xf32> to vector<16xf32>
        %swap3A_837 = vector.shape_cast %mul3A_831 : vector<16xf32> to vector<1x1x16xf32>
        tpu.vector_store %arg11[%swap3A_832, %swap3A_833, %swap3A_834], %swap3A_837 {strides = array<i32>} : memref<2x80x128xf32, #tpu.memory_space<vmem>>, vector<1x1x16xf32>,
        %mul3A_838 = vector.broadcast %squeeze3A_787 : f32 to vector<16xf32>
        %mul3A_839 = arith.mulf %get3A_799, %mul3A_838 : vector<16xf32>
        %swap3A_840 = arith.index_cast %select_n3A_169 : i32 to index
        %swap3A_841 = arith.index_cast %add3A_789 : i32 to index
        %swap3A_842 = arith.constant 16 : index
        %swap3A_843 = tpu.vector_load %arg11[%swap3A_840, %swap3A_841, %swap3A_842] {strides = array<i32>} : memref<2x80x128xf32, #tpu.memory_space<vmem>>, vector<1x1x16xf32>,
        %swap3A_844 = vector.shape_cast %swap3A_843 : vector<1x1x16xf32> to vector<16xf32>
        %swap3A_845 = vector.shape_cast %mul3A_839 : vector<16xf32> to vector<1x1x16xf32>
        tpu.vector_store %arg11[%swap3A_840, %swap3A_841, %swap3A_842], %swap3A_845 {strides = array<i32>} : memref<2x80x128xf32, #tpu.memory_space<vmem>>, vector<1x1x16xf32>,
        %mul3A_846 = vector.broadcast %squeeze3A_787 : f32 to vector<16xf32>
        %mul3A_847 = arith.mulf %get3A_804, %mul3A_846 : vector<16xf32>
        %swap3A_848 = arith.index_cast %select_n3A_169 : i32 to index
        %swap3A_849 = arith.index_cast %add3A_789 : i32 to index
        %swap3A_850 = arith.constant 32 : index
        %swap3A_851 = tpu.vector_load %arg11[%swap3A_848, %swap3A_849, %swap3A_850] {strides = array<i32>} : memref<2x80x128xf32, #tpu.memory_space<vmem>>, vector<1x1x16xf32>,
        %swap3A_852 = vector.shape_cast %swap3A_851 : vector<1x1x16xf32> to vector<16xf32>
        %swap3A_853 = vector.shape_cast %mul3A_847 : vector<16xf32> to vector<1x1x16xf32>
        tpu.vector_store %arg11[%swap3A_848, %swap3A_849, %swap3A_850], %swap3A_853 {strides = array<i32>} : memref<2x80x128xf32, #tpu.memory_space<vmem>>, vector<1x1x16xf32>,
        %mul3A_854 = vector.broadcast %squeeze3A_787 : f32 to vector<16xf32>
        %mul3A_855 = arith.mulf %get3A_809, %mul3A_854 : vector<16xf32>
        %swap3A_856 = arith.index_cast %select_n3A_169 : i32 to index
        %swap3A_857 = arith.index_cast %add3A_789 : i32 to index
        %swap3A_858 = arith.constant 48 : index
        %swap3A_859 = tpu.vector_load %arg11[%swap3A_856, %swap3A_857, %swap3A_858] {strides = array<i32>} : memref<2x80x128xf32, #tpu.memory_space<vmem>>, vector<1x1x16xf32>,
        %swap3A_860 = vector.shape_cast %swap3A_859 : vector<1x1x16xf32> to vector<16xf32>
        %swap3A_861 = vector.shape_cast %mul3A_855 : vector<16xf32> to vector<1x1x16xf32>
        tpu.vector_store %arg11[%swap3A_856, %swap3A_857, %swap3A_858], %swap3A_861 {strides = array<i32>} : memref<2x80x128xf32, #tpu.memory_space<vmem>>, vector<1x1x16xf32>,
        %mul3A_862 = vector.broadcast %squeeze3A_787 : f32 to vector<16xf32>
        %mul3A_863 = arith.mulf %get3A_814, %mul3A_862 : vector<16xf32>
        %swap3A_864 = arith.index_cast %select_n3A_169 : i32 to index
        %swap3A_865 = arith.index_cast %add3A_789 : i32 to index
        %swap3A_866 = arith.constant 64 : index
        %swap3A_867 = tpu.vector_load %arg11[%swap3A_864, %swap3A_865, %swap3A_866] {strides = array<i32>} : memref<2x80x128xf32, #tpu.memory_space<vmem>>, vector<1x1x16xf32>,
        %swap3A_868 = vector.shape_cast %swap3A_867 : vector<1x1x16xf32> to vector<16xf32>
        %swap3A_869 = vector.shape_cast %mul3A_863 : vector<16xf32> to vector<1x1x16xf32>
        tpu.vector_store %arg11[%swap3A_864, %swap3A_865, %swap3A_866], %swap3A_869 {strides = array<i32>} : memref<2x80x128xf32, #tpu.memory_space<vmem>>, vector<1x1x16xf32>,
        %mul3A_870 = vector.broadcast %squeeze3A_787 : f32 to vector<16xf32>
        %mul3A_871 = arith.mulf %get3A_819, %mul3A_870 : vector<16xf32>
        %swap3A_872 = arith.index_cast %select_n3A_169 : i32 to index
        %swap3A_873 = arith.index_cast %add3A_789 : i32 to index
        %swap3A_874 = arith.constant 80 : index
        %swap3A_875 = tpu.vector_load %arg11[%swap3A_872, %swap3A_873, %swap3A_874] {strides = array<i32>} : memref<2x80x128xf32, #tpu.memory_space<vmem>>, vector<1x1x16xf32>,
        %swap3A_876 = vector.shape_cast %swap3A_875 : vector<1x1x16xf32> to vector<16xf32>
        %swap3A_877 = vector.shape_cast %mul3A_871 : vector<16xf32> to vector<1x1x16xf32>
        tpu.vector_store %arg11[%swap3A_872, %swap3A_873, %swap3A_874], %swap3A_877 {strides = array<i32>} : memref<2x80x128xf32, #tpu.memory_space<vmem>>, vector<1x1x16xf32>,
        %mul3A_878 = vector.broadcast %squeeze3A_787 : f32 to vector<16xf32>
        %mul3A_879 = arith.mulf %get3A_824, %mul3A_878 : vector<16xf32>
        %swap3A_880 = arith.index_cast %select_n3A_169 : i32 to index
        %swap3A_881 = arith.index_cast %add3A_789 : i32 to index
        %swap3A_882 = arith.constant 96 : index
        %swap3A_883 = tpu.vector_load %arg11[%swap3A_880, %swap3A_881, %swap3A_882] {strides = array<i32>} : memref<2x80x128xf32, #tpu.memory_space<vmem>>, vector<1x1x16xf32>,
        %swap3A_884 = vector.shape_cast %swap3A_883 : vector<1x1x16xf32> to vector<16xf32>
        %swap3A_885 = vector.shape_cast %mul3A_879 : vector<16xf32> to vector<1x1x16xf32>
        tpu.vector_store %arg11[%swap3A_880, %swap3A_881, %swap3A_882], %swap3A_885 {strides = array<i32>} : memref<2x80x128xf32, #tpu.memory_space<vmem>>, vector<1x1x16xf32>,
        %mul3A_886 = vector.broadcast %squeeze3A_787 : f32 to vector<16xf32>
        %mul3A_887 = arith.mulf %get3A_829, %mul3A_886 : vector<16xf32>
        %swap3A_888 = arith.index_cast %select_n3A_169 : i32 to index
        %swap3A_889 = arith.index_cast %add3A_789 : i32 to index
        %swap3A_890 = arith.constant 112 : index
        %swap3A_891 = tpu.vector_load %arg11[%swap3A_888, %swap3A_889, %swap3A_890] {strides = array<i32>} : memref<2x80x128xf32, #tpu.memory_space<vmem>>, vector<1x1x16xf32>,
        %swap3A_892 = vector.shape_cast %swap3A_891 : vector<1x1x16xf32> to vector<16xf32>
        %swap3A_893 = vector.shape_cast %mul3A_887 : vector<16xf32> to vector<1x1x16xf32>
        tpu.vector_store %arg11[%swap3A_888, %swap3A_889, %swap3A_890], %swap3A_893 {strides = array<i32>} : memref<2x80x128xf32, #tpu.memory_space<vmem>>, vector<1x1x16xf32>,
        %slice3A_894 = vector.extract_strided_slice %get3A_246 {offsets = [6], sizes = [1], strides = [1]} : vector<16xf32> to vector<1xf32>
        %squeeze3A_895 = vector.extract %slice3A_894[0] : f32 from vector<1xf32>
        %add3A_896 = arith.constant 6 : i32
        %add3A_897 = arith.addi %mul3A_248, %add3A_896 : i32
        %get3A_898 = arith.index_cast %select_n3A_169 : i32 to index
        %get3A_899 = arith.index_cast %add3A_897 : i32 to index
        %get3A_900 = arith.constant 0 : index
        %get3A_901 = tpu.vector_load %arg10[%get3A_898, %get3A_899, %get3A_900] {strides = array<i32>} : memref<2x80x128xf32, #tpu.memory_space<vmem>>, vector<1x1x16xf32>,
        %get3A_902 = vector.shape_cast %get3A_901 : vector<1x1x16xf32> to vector<16xf32>
        %get3A_903 = arith.index_cast %select_n3A_169 : i32 to index
        %get3A_904 = arith.index_cast %add3A_897 : i32 to index
        %get3A_905 = arith.constant 16 : index
        %get3A_906 = tpu.vector_load %arg10[%get3A_903, %get3A_904, %get3A_905] {strides = array<i32>} : memref<2x80x128xf32, #tpu.memory_space<vmem>>, vector<1x1x16xf32>,
        %get3A_907 = vector.shape_cast %get3A_906 : vector<1x1x16xf32> to vector<16xf32>
        %get3A_908 = arith.index_cast %select_n3A_169 : i32 to index
        %get3A_909 = arith.index_cast %add3A_897 : i32 to index
        %get3A_910 = arith.constant 32 : index
        %get3A_911 = tpu.vector_load %arg10[%get3A_908, %get3A_909, %get3A_910] {strides = array<i32>} : memref<2x80x128xf32, #tpu.memory_space<vmem>>, vector<1x1x16xf32>,
        %get3A_912 = vector.shape_cast %get3A_911 : vector<1x1x16xf32> to vector<16xf32>
        %get3A_913 = arith.index_cast %select_n3A_169 : i32 to index
        %get3A_914 = arith.index_cast %add3A_897 : i32 to index
        %get3A_915 = arith.constant 48 : index
        %get3A_916 = tpu.vector_load %arg10[%get3A_913, %get3A_914, %get3A_915] {strides = array<i32>} : memref<2x80x128xf32, #tpu.memory_space<vmem>>, vector<1x1x16xf32>,
        %get3A_917 = vector.shape_cast %get3A_916 : vector<1x1x16xf32> to vector<16xf32>
        %get3A_918 = arith.index_cast %select_n3A_169 : i32 to index
        %get3A_919 = arith.index_cast %add3A_897 : i32 to index
        %get3A_920 = arith.constant 64 : index
        %get3A_921 = tpu.vector_load %arg10[%get3A_918, %get3A_919, %get3A_920] {strides = array<i32>} : memref<2x80x128xf32, #tpu.memory_space<vmem>>, vector<1x1x16xf32>,
        %get3A_922 = vector.shape_cast %get3A_921 : vector<1x1x16xf32> to vector<16xf32>
        %get3A_923 = arith.index_cast %select_n3A_169 : i32 to index
        %get3A_924 = arith.index_cast %add3A_897 : i32 to index
        %get3A_925 = arith.constant 80 : index
        %get3A_926 = tpu.vector_load %arg10[%get3A_923, %get3A_924, %get3A_925] {strides = array<i32>} : memref<2x80x128xf32, #tpu.memory_space<vmem>>, vector<1x1x16xf32>,
        %get3A_927 = vector.shape_cast %get3A_926 : vector<1x1x16xf32> to vector<16xf32>
        %get3A_928 = arith.index_cast %select_n3A_169 : i32 to index
        %get3A_929 = arith.index_cast %add3A_897 : i32 to index
        %get3A_930 = arith.constant 96 : index
        %get3A_931 = tpu.vector_load %arg10[%get3A_928, %get3A_929, %get3A_930] {strides = array<i32>} : memref<2x80x128xf32, #tpu.memory_space<vmem>>, vector<1x1x16xf32>,
        %get3A_932 = vector.shape_cast %get3A_931 : vector<1x1x16xf32> to vector<16xf32>
        %get3A_933 = arith.index_cast %select_n3A_169 : i32 to index
        %get3A_934 = arith.index_cast %add3A_897 : i32 to index
        %get3A_935 = arith.constant 112 : index
        %get3A_936 = tpu.vector_load %arg10[%get3A_933, %get3A_934, %get3A_935] {strides = array<i32>} : memref<2x80x128xf32, #tpu.memory_space<vmem>>, vector<1x1x16xf32>,
        %get3A_937 = vector.shape_cast %get3A_936 : vector<1x1x16xf32> to vector<16xf32>
        %mul3A_938 = vector.broadcast %squeeze3A_895 : f32 to vector<16xf32>
        %mul3A_939 = arith.mulf %get3A_902, %mul3A_938 : vector<16xf32>
        %swap3A_940 = arith.index_cast %select_n3A_169 : i32 to index
        %swap3A_941 = arith.index_cast %add3A_897 : i32 to index
        %swap3A_942 = arith.constant 0 : index
        %swap3A_943 = tpu.vector_load %arg11[%swap3A_940, %swap3A_941, %swap3A_942] {strides = array<i32>} : memref<2x80x128xf32, #tpu.memory_space<vmem>>, vector<1x1x16xf32>,
        %swap3A_944 = vector.shape_cast %swap3A_943 : vector<1x1x16xf32> to vector<16xf32>
        %swap3A_945 = vector.shape_cast %mul3A_939 : vector<16xf32> to vector<1x1x16xf32>
        tpu.vector_store %arg11[%swap3A_940, %swap3A_941, %swap3A_942], %swap3A_945 {strides = array<i32>} : memref<2x80x128xf32, #tpu.memory_space<vmem>>, vector<1x1x16xf32>,
        %mul3A_946 = vector.broadcast %squeeze3A_895 : f32 to vector<16xf32>
        %mul3A_947 = arith.mulf %get3A_907, %mul3A_946 : vector<16xf32>
        %swap3A_948 = arith.index_cast %select_n3A_169 : i32 to index
        %swap3A_949 = arith.index_cast %add3A_897 : i32 to index
        %swap3A_950 = arith.constant 16 : index
        %swap3A_951 = tpu.vector_load %arg11[%swap3A_948, %swap3A_949, %swap3A_950] {strides = array<i32>} : memref<2x80x128xf32, #tpu.memory_space<vmem>>, vector<1x1x16xf32>,
        %swap3A_952 = vector.shape_cast %swap3A_951 : vector<1x1x16xf32> to vector<16xf32>
        %swap3A_953 = vector.shape_cast %mul3A_947 : vector<16xf32> to vector<1x1x16xf32>
        tpu.vector_store %arg11[%swap3A_948, %swap3A_949, %swap3A_950], %swap3A_953 {strides = array<i32>} : memref<2x80x128xf32, #tpu.memory_space<vmem>>, vector<1x1x16xf32>,
        %mul3A_954 = vector.broadcast %squeeze3A_895 : f32 to vector<16xf32>
        %mul3A_955 = arith.mulf %get3A_912, %mul3A_954 : vector<16xf32>
        %swap3A_956 = arith.index_cast %select_n3A_169 : i32 to index
        %swap3A_957 = arith.index_cast %add3A_897 : i32 to index
        %swap3A_958 = arith.constant 32 : index
        %swap3A_959 = tpu.vector_load %arg11[%swap3A_956, %swap3A_957, %swap3A_958] {strides = array<i32>} : memref<2x80x128xf32, #tpu.memory_space<vmem>>, vector<1x1x16xf32>,
        %swap3A_960 = vector.shape_cast %swap3A_959 : vector<1x1x16xf32> to vector<16xf32>
        %swap3A_961 = vector.shape_cast %mul3A_955 : vector<16xf32> to vector<1x1x16xf32>
        tpu.vector_store %arg11[%swap3A_956, %swap3A_957, %swap3A_958], %swap3A_961 {strides = array<i32>} : memref<2x80x128xf32, #tpu.memory_space<vmem>>, vector<1x1x16xf32>,
        %mul3A_962 = vector.broadcast %squeeze3A_895 : f32 to vector<16xf32>
        %mul3A_963 = arith.mulf %get3A_917, %mul3A_962 : vector<16xf32>
        %swap3A_964 = arith.index_cast %select_n3A_169 : i32 to index
        %swap3A_965 = arith.index_cast %add3A_897 : i32 to index
        %swap3A_966 = arith.constant 48 : index
        %swap3A_967 = tpu.vector_load %arg11[%swap3A_964, %swap3A_965, %swap3A_966] {strides = array<i32>} : memref<2x80x128xf32, #tpu.memory_space<vmem>>, vector<1x1x16xf32>,
        %swap3A_968 = vector.shape_cast %swap3A_967 : vector<1x1x16xf32> to vector<16xf32>
        %swap3A_969 = vector.shape_cast %mul3A_963 : vector<16xf32> to vector<1x1x16xf32>
        tpu.vector_store %arg11[%swap3A_964, %swap3A_965, %swap3A_966], %swap3A_969 {strides = array<i32>} : memref<2x80x128xf32, #tpu.memory_space<vmem>>, vector<1x1x16xf32>,
        %mul3A_970 = vector.broadcast %squeeze3A_895 : f32 to vector<16xf32>
        %mul3A_971 = arith.mulf %get3A_922, %mul3A_970 : vector<16xf32>
        %swap3A_972 = arith.index_cast %select_n3A_169 : i32 to index
        %swap3A_973 = arith.index_cast %add3A_897 : i32 to index
        %swap3A_974 = arith.constant 64 : index
        %swap3A_975 = tpu.vector_load %arg11[%swap3A_972, %swap3A_973, %swap3A_974] {strides = array<i32>} : memref<2x80x128xf32, #tpu.memory_space<vmem>>, vector<1x1x16xf32>,
        %swap3A_976 = vector.shape_cast %swap3A_975 : vector<1x1x16xf32> to vector<16xf32>
        %swap3A_977 = vector.shape_cast %mul3A_971 : vector<16xf32> to vector<1x1x16xf32>
        tpu.vector_store %arg11[%swap3A_972, %swap3A_973, %swap3A_974], %swap3A_977 {strides = array<i32>} : memref<2x80x128xf32, #tpu.memory_space<vmem>>, vector<1x1x16xf32>,
        %mul3A_978 = vector.broadcast %squeeze3A_895 : f32 to vector<16xf32>
        %mul3A_979 = arith.mulf %get3A_927, %mul3A_978 : vector<16xf32>
        %swap3A_980 = arith.index_cast %select_n3A_169 : i32 to index
        %swap3A_981 = arith.index_cast %add3A_897 : i32 to index
        %swap3A_982 = arith.constant 80 : index
        %swap3A_983 = tpu.vector_load %arg11[%swap3A_980, %swap3A_981, %swap3A_982] {strides = array<i32>} : memref<2x80x128xf32, #tpu.memory_space<vmem>>, vector<1x1x16xf32>,
        %swap3A_984 = vector.shape_cast %swap3A_983 : vector<1x1x16xf32> to vector<16xf32>
        %swap3A_985 = vector.shape_cast %mul3A_979 : vector<16xf32> to vector<1x1x16xf32>
        tpu.vector_store %arg11[%swap3A_980, %swap3A_981, %swap3A_982], %swap3A_985 {strides = array<i32>} : memref<2x80x128xf32, #tpu.memory_space<vmem>>, vector<1x1x16xf32>,
        %mul3A_986 = vector.broadcast %squeeze3A_895 : f32 to vector<16xf32>
        %mul3A_987 = arith.mulf %get3A_932, %mul3A_986 : vector<16xf32>
        %swap3A_988 = arith.index_cast %select_n3A_169 : i32 to index
        %swap3A_989 = arith.index_cast %add3A_897 : i32 to index
        %swap3A_990 = arith.constant 96 : index
        %swap3A_991 = tpu.vector_load %arg11[%swap3A_988, %swap3A_989, %swap3A_990] {strides = array<i32>} : memref<2x80x128xf32, #tpu.memory_space<vmem>>, vector<1x1x16xf32>,
        %swap3A_992 = vector.shape_cast %swap3A_991 : vector<1x1x16xf32> to vector<16xf32>
        %swap3A_993 = vector.shape_cast %mul3A_987 : vector<16xf32> to vector<1x1x16xf32>
        tpu.vector_store %arg11[%swap3A_988, %swap3A_989, %swap3A_990], %swap3A_993 {strides = array<i32>} : memref<2x80x128xf32, #tpu.memory_space<vmem>>, vector<1x1x16xf32>,
        %mul3A_994 = vector.broadcast %squeeze3A_895 : f32 to vector<16xf32>
        %mul3A_995 = arith.mulf %get3A_937, %mul3A_994 : vector<16xf32>
        %swap3A_996 = arith.index_cast %select_n3A_169 : i32 to index
        %swap3A_997 = arith.index_cast %add3A_897 : i32 to index
        %swap3A_998 = arith.constant 112 : index
        %swap3A_999 = tpu.vector_load %arg11[%swap3A_996, %swap3A_997, %swap3A_998] {strides = array<i32>} : memref<2x80x128xf32, #tpu.memory_space<vmem>>, vector<1x1x16xf32>,
        %swap3A_1000 = vector.shape_cast %swap3A_999 : vector<1x1x16xf32> to vector<16xf32>
        %swap3A_1001 = vector.shape_cast %mul3A_995 : vector<16xf32> to vector<1x1x16xf32>
        tpu.vector_store %arg11[%swap3A_996, %swap3A_997, %swap3A_998], %swap3A_1001 {strides = array<i32>} : memref<2x80x128xf32, #tpu.memory_space<vmem>>, vector<1x1x16xf32>,
        %slice3A_1002 = vector.extract_strided_slice %get3A_246 {offsets = [7], sizes = [1], strides = [1]} : vector<16xf32> to vector<1xf32>
        %squeeze3A_1003 = vector.extract %slice3A_1002[0] : f32 from vector<1xf32>
        %add3A_1004 = arith.constant 7 : i32
        %add3A_1005 = arith.addi %mul3A_248, %add3A_1004 : i32
        %get3A_1006 = arith.index_cast %select_n3A_169 : i32 to index
        %get3A_1007 = arith.index_cast %add3A_1005 : i32 to index
        %get3A_1008 = arith.constant 0 : index
        %get3A_1009 = tpu.vector_load %arg10[%get3A_1006, %get3A_1007, %get3A_1008] {strides = array<i32>} : memref<2x80x128xf32, #tpu.memory_space<vmem>>, vector<1x1x16xf32>,
        %get3A_1010 = vector.shape_cast %get3A_1009 : vector<1x1x16xf32> to vector<16xf32>
        %get3A_1011 = arith.index_cast %select_n3A_169 : i32 to index
        %get3A_1012 = arith.index_cast %add3A_1005 : i32 to index
        %get3A_1013 = arith.constant 16 : index
        %get3A_1014 = tpu.vector_load %arg10[%get3A_1011, %get3A_1012, %get3A_1013] {strides = array<i32>} : memref<2x80x128xf32, #tpu.memory_space<vmem>>, vector<1x1x16xf32>,
        %get3A_1015 = vector.shape_cast %get3A_1014 : vector<1x1x16xf32> to vector<16xf32>
        %get3A_1016 = arith.index_cast %select_n3A_169 : i32 to index
        %get3A_1017 = arith.index_cast %add3A_1005 : i32 to index
        %get3A_1018 = arith.constant 32 : index
        %get3A_1019 = tpu.vector_load %arg10[%get3A_1016, %get3A_1017, %get3A_1018] {strides = array<i32>} : memref<2x80x128xf32, #tpu.memory_space<vmem>>, vector<1x1x16xf32>,
        %get3A_1020 = vector.shape_cast %get3A_1019 : vector<1x1x16xf32> to vector<16xf32>
        %get3A_1021 = arith.index_cast %select_n3A_169 : i32 to index
        %get3A_1022 = arith.index_cast %add3A_1005 : i32 to index
        %get3A_1023 = arith.constant 48 : index
        %get3A_1024 = tpu.vector_load %arg10[%get3A_1021, %get3A_1022, %get3A_1023] {strides = array<i32>} : memref<2x80x128xf32, #tpu.memory_space<vmem>>, vector<1x1x16xf32>,
        %get3A_1025 = vector.shape_cast %get3A_1024 : vector<1x1x16xf32> to vector<16xf32>
        %get3A_1026 = arith.index_cast %select_n3A_169 : i32 to index
        %get3A_1027 = arith.index_cast %add3A_1005 : i32 to index
        %get3A_1028 = arith.constant 64 : index
        %get3A_1029 = tpu.vector_load %arg10[%get3A_1026, %get3A_1027, %get3A_1028] {strides = array<i32>} : memref<2x80x128xf32, #tpu.memory_space<vmem>>, vector<1x1x16xf32>,
        %get3A_1030 = vector.shape_cast %get3A_1029 : vector<1x1x16xf32> to vector<16xf32>
        %get3A_1031 = arith.index_cast %select_n3A_169 : i32 to index
        %get3A_1032 = arith.index_cast %add3A_1005 : i32 to index
        %get3A_1033 = arith.constant 80 : index
        %get3A_1034 = tpu.vector_load %arg10[%get3A_1031, %get3A_1032, %get3A_1033] {strides = array<i32>} : memref<2x80x128xf32, #tpu.memory_space<vmem>>, vector<1x1x16xf32>,
        %get3A_1035 = vector.shape_cast %get3A_1034 : vector<1x1x16xf32> to vector<16xf32>
        %get3A_1036 = arith.index_cast %select_n3A_169 : i32 to index
        %get3A_1037 = arith.index_cast %add3A_1005 : i32 to index
        %get3A_1038 = arith.constant 96 : index
        %get3A_1039 = tpu.vector_load %arg10[%get3A_1036, %get3A_1037, %get3A_1038] {strides = array<i32>} : memref<2x80x128xf32, #tpu.memory_space<vmem>>, vector<1x1x16xf32>,
        %get3A_1040 = vector.shape_cast %get3A_1039 : vector<1x1x16xf32> to vector<16xf32>
        %get3A_1041 = arith.index_cast %select_n3A_169 : i32 to index
        %get3A_1042 = arith.index_cast %add3A_1005 : i32 to index
        %get3A_1043 = arith.constant 112 : index
        %get3A_1044 = tpu.vector_load %arg10[%get3A_1041, %get3A_1042, %get3A_1043] {strides = array<i32>} : memref<2x80x128xf32, #tpu.memory_space<vmem>>, vector<1x1x16xf32>,
        %get3A_1045 = vector.shape_cast %get3A_1044 : vector<1x1x16xf32> to vector<16xf32>
        %mul3A_1046 = vector.broadcast %squeeze3A_1003 : f32 to vector<16xf32>
        %mul3A_1047 = arith.mulf %get3A_1010, %mul3A_1046 : vector<16xf32>
        %swap3A_1048 = arith.index_cast %select_n3A_169 : i32 to index
        %swap3A_1049 = arith.index_cast %add3A_1005 : i32 to index
        %swap3A_1050 = arith.constant 0 : index
        %swap3A_1051 = tpu.vector_load %arg11[%swap3A_1048, %swap3A_1049, %swap3A_1050] {strides = array<i32>} : memref<2x80x128xf32, #tpu.memory_space<vmem>>, vector<1x1x16xf32>,
        %swap3A_1052 = vector.shape_cast %swap3A_1051 : vector<1x1x16xf32> to vector<16xf32>
        %swap3A_1053 = vector.shape_cast %mul3A_1047 : vector<16xf32> to vector<1x1x16xf32>
        tpu.vector_store %arg11[%swap3A_1048, %swap3A_1049, %swap3A_1050], %swap3A_1053 {strides = array<i32>} : memref<2x80x128xf32, #tpu.memory_space<vmem>>, vector<1x1x16xf32>,
        %mul3A_1054 = vector.broadcast %squeeze3A_1003 : f32 to vector<16xf32>
        %mul3A_1055 = arith.mulf %get3A_1015, %mul3A_1054 : vector<16xf32>
        %swap3A_1056 = arith.index_cast %select_n3A_169 : i32 to index
        %swap3A_1057 = arith.index_cast %add3A_1005 : i32 to index
        %swap3A_1058 = arith.constant 16 : index
        %swap3A_1059 = tpu.vector_load %arg11[%swap3A_1056, %swap3A_1057, %swap3A_1058] {strides = array<i32>} : memref<2x80x128xf32, #tpu.memory_space<vmem>>, vector<1x1x16xf32>,
        %swap3A_1060 = vector.shape_cast %swap3A_1059 : vector<1x1x16xf32> to vector<16xf32>
        %swap3A_1061 = vector.shape_cast %mul3A_1055 : vector<16xf32> to vector<1x1x16xf32>
        tpu.vector_store %arg11[%swap3A_1056, %swap3A_1057, %swap3A_1058], %swap3A_1061 {strides = array<i32>} : memref<2x80x128xf32, #tpu.memory_space<vmem>>, vector<1x1x16xf32>,
        %mul3A_1062 = vector.broadcast %squeeze3A_1003 : f32 to vector<16xf32>
        %mul3A_1063 = arith.mulf %get3A_1020, %mul3A_1062 : vector<16xf32>
        %swap3A_1064 = arith.index_cast %select_n3A_169 : i32 to index
        %swap3A_1065 = arith.index_cast %add3A_1005 : i32 to index
        %swap3A_1066 = arith.constant 32 : index
        %swap3A_1067 = tpu.vector_load %arg11[%swap3A_1064, %swap3A_1065, %swap3A_1066] {strides = array<i32>} : memref<2x80x128xf32, #tpu.memory_space<vmem>>, vector<1x1x16xf32>,
        %swap3A_1068 = vector.shape_cast %swap3A_1067 : vector<1x1x16xf32> to vector<16xf32>
        %swap3A_1069 = vector.shape_cast %mul3A_1063 : vector<16xf32> to vector<1x1x16xf32>
        tpu.vector_store %arg11[%swap3A_1064, %swap3A_1065, %swap3A_1066], %swap3A_1069 {strides = array<i32>} : memref<2x80x128xf32, #tpu.memory_space<vmem>>, vector<1x1x16xf32>,
        %mul3A_1070 = vector.broadcast %squeeze3A_1003 : f32 to vector<16xf32>
        %mul3A_1071 = arith.mulf %get3A_1025, %mul3A_1070 : vector<16xf32>
        %swap3A_1072 = arith.index_cast %select_n3A_169 : i32 to index
        %swap3A_1073 = arith.index_cast %add3A_1005 : i32 to index
        %swap3A_1074 = arith.constant 48 : index
        %swap3A_1075 = tpu.vector_load %arg11[%swap3A_1072, %swap3A_1073, %swap3A_1074] {strides = array<i32>} : memref<2x80x128xf32, #tpu.memory_space<vmem>>, vector<1x1x16xf32>,
        %swap3A_1076 = vector.shape_cast %swap3A_1075 : vector<1x1x16xf32> to vector<16xf32>
        %swap3A_1077 = vector.shape_cast %mul3A_1071 : vector<16xf32> to vector<1x1x16xf32>
        tpu.vector_store %arg11[%swap3A_1072, %swap3A_1073, %swap3A_1074], %swap3A_1077 {strides = array<i32>} : memref<2x80x128xf32, #tpu.memory_space<vmem>>, vector<1x1x16xf32>,
        %mul3A_1078 = vector.broadcast %squeeze3A_1003 : f32 to vector<16xf32>
        %mul3A_1079 = arith.mulf %get3A_1030, %mul3A_1078 : vector<16xf32>
        %swap3A_1080 = arith.index_cast %select_n3A_169 : i32 to index
        %swap3A_1081 = arith.index_cast %add3A_1005 : i32 to index
        %swap3A_1082 = arith.constant 64 : index
        %swap3A_1083 = tpu.vector_load %arg11[%swap3A_1080, %swap3A_1081, %swap3A_1082] {strides = array<i32>} : memref<2x80x128xf32, #tpu.memory_space<vmem>>, vector<1x1x16xf32>,
        %swap3A_1084 = vector.shape_cast %swap3A_1083 : vector<1x1x16xf32> to vector<16xf32>
        %swap3A_1085 = vector.shape_cast %mul3A_1079 : vector<16xf32> to vector<1x1x16xf32>
        tpu.vector_store %arg11[%swap3A_1080, %swap3A_1081, %swap3A_1082], %swap3A_1085 {strides = array<i32>} : memref<2x80x128xf32, #tpu.memory_space<vmem>>, vector<1x1x16xf32>,
        %mul3A_1086 = vector.broadcast %squeeze3A_1003 : f32 to vector<16xf32>
        %mul3A_1087 = arith.mulf %get3A_1035, %mul3A_1086 : vector<16xf32>
        %swap3A_1088 = arith.index_cast %select_n3A_169 : i32 to index
        %swap3A_1089 = arith.index_cast %add3A_1005 : i32 to index
        %swap3A_1090 = arith.constant 80 : index
        %swap3A_1091 = tpu.vector_load %arg11[%swap3A_1088, %swap3A_1089, %swap3A_1090] {strides = array<i32>} : memref<2x80x128xf32, #tpu.memory_space<vmem>>, vector<1x1x16xf32>,
        %swap3A_1092 = vector.shape_cast %swap3A_1091 : vector<1x1x16xf32> to vector<16xf32>
        %swap3A_1093 = vector.shape_cast %mul3A_1087 : vector<16xf32> to vector<1x1x16xf32>
        tpu.vector_store %arg11[%swap3A_1088, %swap3A_1089, %swap3A_1090], %swap3A_1093 {strides = array<i32>} : memref<2x80x128xf32, #tpu.memory_space<vmem>>, vector<1x1x16xf32>,
        %mul3A_1094 = vector.broadcast %squeeze3A_1003 : f32 to vector<16xf32>
        %mul3A_1095 = arith.mulf %get3A_1040, %mul3A_1094 : vector<16xf32>
        %swap3A_1096 = arith.index_cast %select_n3A_169 : i32 to index
        %swap3A_1097 = arith.index_cast %add3A_1005 : i32 to index
        %swap3A_1098 = arith.constant 96 : index
        %swap3A_1099 = tpu.vector_load %arg11[%swap3A_1096, %swap3A_1097, %swap3A_1098] {strides = array<i32>} : memref<2x80x128xf32, #tpu.memory_space<vmem>>, vector<1x1x16xf32>,
        %swap3A_1100 = vector.shape_cast %swap3A_1099 : vector<1x1x16xf32> to vector<16xf32>
        %swap3A_1101 = vector.shape_cast %mul3A_1095 : vector<16xf32> to vector<1x1x16xf32>
        tpu.vector_store %arg11[%swap3A_1096, %swap3A_1097, %swap3A_1098], %swap3A_1101 {strides = array<i32>} : memref<2x80x128xf32, #tpu.memory_space<vmem>>, vector<1x1x16xf32>,
        %mul3A_1102 = vector.broadcast %squeeze3A_1003 : f32 to vector<16xf32>
        %mul3A_1103 = arith.mulf %get3A_1045, %mul3A_1102 : vector<16xf32>
        %swap3A_1104 = arith.index_cast %select_n3A_169 : i32 to index
        %swap3A_1105 = arith.index_cast %add3A_1005 : i32 to index
        %swap3A_1106 = arith.constant 112 : index
        %swap3A_1107 = tpu.vector_load %arg11[%swap3A_1104, %swap3A_1105, %swap3A_1106] {strides = array<i32>} : memref<2x80x128xf32, #tpu.memory_space<vmem>>, vector<1x1x16xf32>,
        %swap3A_1108 = vector.shape_cast %swap3A_1107 : vector<1x1x16xf32> to vector<16xf32>
        %swap3A_1109 = vector.shape_cast %mul3A_1103 : vector<16xf32> to vector<1x1x16xf32>
        tpu.vector_store %arg11[%swap3A_1104, %swap3A_1105, %swap3A_1106], %swap3A_1109 {strides = array<i32>} : memref<2x80x128xf32, #tpu.memory_space<vmem>>, vector<1x1x16xf32>,
        %slice3A_1110 = vector.extract_strided_slice %get3A_246 {offsets = [8], sizes = [1], strides = [1]} : vector<16xf32> to vector<1xf32>
        %squeeze3A_1111 = vector.extract %slice3A_1110[0] : f32 from vector<1xf32>
        %add3A_1112 = arith.constant 8 : i32
        %add3A_1113 = arith.addi %mul3A_248, %add3A_1112 : i32
        %get3A_1114 = arith.index_cast %select_n3A_169 : i32 to index
        %get3A_1115 = arith.index_cast %add3A_1113 : i32 to index
        %get3A_1116 = arith.constant 0 : index
        %get3A_1117 = tpu.vector_load %arg10[%get3A_1114, %get3A_1115, %get3A_1116] {strides = array<i32>} : memref<2x80x128xf32, #tpu.memory_space<vmem>>, vector<1x1x16xf32>,
        %get3A_1118 = vector.shape_cast %get3A_1117 : vector<1x1x16xf32> to vector<16xf32>
        %get3A_1119 = arith.index_cast %select_n3A_169 : i32 to index
        %get3A_1120 = arith.index_cast %add3A_1113 : i32 to index
        %get3A_1121 = arith.constant 16 : index
        %get3A_1122 = tpu.vector_load %arg10[%get3A_1119, %get3A_1120, %get3A_1121] {strides = array<i32>} : memref<2x80x128xf32, #tpu.memory_space<vmem>>, vector<1x1x16xf32>,
        %get3A_1123 = vector.shape_cast %get3A_1122 : vector<1x1x16xf32> to vector<16xf32>
        %get3A_1124 = arith.index_cast %select_n3A_169 : i32 to index
        %get3A_1125 = arith.index_cast %add3A_1113 : i32 to index
        %get3A_1126 = arith.constant 32 : index
        %get3A_1127 = tpu.vector_load %arg10[%get3A_1124, %get3A_1125, %get3A_1126] {strides = array<i32>} : memref<2x80x128xf32, #tpu.memory_space<vmem>>, vector<1x1x16xf32>,
        %get3A_1128 = vector.shape_cast %get3A_1127 : vector<1x1x16xf32> to vector<16xf32>
        %get3A_1129 = arith.index_cast %select_n3A_169 : i32 to index
        %get3A_1130 = arith.index_cast %add3A_1113 : i32 to index
        %get3A_1131 = arith.constant 48 : index
        %get3A_1132 = tpu.vector_load %arg10[%get3A_1129, %get3A_1130, %get3A_1131] {strides = array<i32>} : memref<2x80x128xf32, #tpu.memory_space<vmem>>, vector<1x1x16xf32>,
        %get3A_1133 = vector.shape_cast %get3A_1132 : vector<1x1x16xf32> to vector<16xf32>
        %get3A_1134 = arith.index_cast %select_n3A_169 : i32 to index
        %get3A_1135 = arith.index_cast %add3A_1113 : i32 to index
        %get3A_1136 = arith.constant 64 : index
        %get3A_1137 = tpu.vector_load %arg10[%get3A_1134, %get3A_1135, %get3A_1136] {strides = array<i32>} : memref<2x80x128xf32, #tpu.memory_space<vmem>>, vector<1x1x16xf32>,
        %get3A_1138 = vector.shape_cast %get3A_1137 : vector<1x1x16xf32> to vector<16xf32>
        %get3A_1139 = arith.index_cast %select_n3A_169 : i32 to index
        %get3A_1140 = arith.index_cast %add3A_1113 : i32 to index
        %get3A_1141 = arith.constant 80 : index
        %get3A_1142 = tpu.vector_load %arg10[%get3A_1139, %get3A_1140, %get3A_1141] {strides = array<i32>} : memref<2x80x128xf32, #tpu.memory_space<vmem>>, vector<1x1x16xf32>,
        %get3A_1143 = vector.shape_cast %get3A_1142 : vector<1x1x16xf32> to vector<16xf32>
        %get3A_1144 = arith.index_cast %select_n3A_169 : i32 to index
        %get3A_1145 = arith.index_cast %add3A_1113 : i32 to index
        %get3A_1146 = arith.constant 96 : index
        %get3A_1147 = tpu.vector_load %arg10[%get3A_1144, %get3A_1145, %get3A_1146] {strides = array<i32>} : memref<2x80x128xf32, #tpu.memory_space<vmem>>, vector<1x1x16xf32>,
        %get3A_1148 = vector.shape_cast %get3A_1147 : vector<1x1x16xf32> to vector<16xf32>
        %get3A_1149 = arith.index_cast %select_n3A_169 : i32 to index
        %get3A_1150 = arith.index_cast %add3A_1113 : i32 to index
        %get3A_1151 = arith.constant 112 : index
        %get3A_1152 = tpu.vector_load %arg10[%get3A_1149, %get3A_1150, %get3A_1151] {strides = array<i32>} : memref<2x80x128xf32, #tpu.memory_space<vmem>>, vector<1x1x16xf32>,
        %get3A_1153 = vector.shape_cast %get3A_1152 : vector<1x1x16xf32> to vector<16xf32>
        %mul3A_1154 = vector.broadcast %squeeze3A_1111 : f32 to vector<16xf32>
        %mul3A_1155 = arith.mulf %get3A_1118, %mul3A_1154 : vector<16xf32>
        %swap3A_1156 = arith.index_cast %select_n3A_169 : i32 to index
        %swap3A_1157 = arith.index_cast %add3A_1113 : i32 to index
        %swap3A_1158 = arith.constant 0 : index
        %swap3A_1159 = tpu.vector_load %arg11[%swap3A_1156, %swap3A_1157, %swap3A_1158] {strides = array<i32>} : memref<2x80x128xf32, #tpu.memory_space<vmem>>, vector<1x1x16xf32>,
        %swap3A_1160 = vector.shape_cast %swap3A_1159 : vector<1x1x16xf32> to vector<16xf32>
        %swap3A_1161 = vector.shape_cast %mul3A_1155 : vector<16xf32> to vector<1x1x16xf32>
        tpu.vector_store %arg11[%swap3A_1156, %swap3A_1157, %swap3A_1158], %swap3A_1161 {strides = array<i32>} : memref<2x80x128xf32, #tpu.memory_space<vmem>>, vector<1x1x16xf32>,
        %mul3A_1162 = vector.broadcast %squeeze3A_1111 : f32 to vector<16xf32>
        %mul3A_1163 = arith.mulf %get3A_1123, %mul3A_1162 : vector<16xf32>
        %swap3A_1164 = arith.index_cast %select_n3A_169 : i32 to index
        %swap3A_1165 = arith.index_cast %add3A_1113 : i32 to index
        %swap3A_1166 = arith.constant 16 : index
        %swap3A_1167 = tpu.vector_load %arg11[%swap3A_1164, %swap3A_1165, %swap3A_1166] {strides = array<i32>} : memref<2x80x128xf32, #tpu.memory_space<vmem>>, vector<1x1x16xf32>,
        %swap3A_1168 = vector.shape_cast %swap3A_1167 : vector<1x1x16xf32> to vector<16xf32>
        %swap3A_1169 = vector.shape_cast %mul3A_1163 : vector<16xf32> to vector<1x1x16xf32>
        tpu.vector_store %arg11[%swap3A_1164, %swap3A_1165, %swap3A_1166], %swap3A_1169 {strides = array<i32>} : memref<2x80x128xf32, #tpu.memory_space<vmem>>, vector<1x1x16xf32>,
        %mul3A_1170 = vector.broadcast %squeeze3A_1111 : f32 to vector<16xf32>
        %mul3A_1171 = arith.mulf %get3A_1128, %mul3A_1170 : vector<16xf32>
        %swap3A_1172 = arith.index_cast %select_n3A_169 : i32 to index
        %swap3A_1173 = arith.index_cast %add3A_1113 : i32 to index
        %swap3A_1174 = arith.constant 32 : index
        %swap3A_1175 = tpu.vector_load %arg11[%swap3A_1172, %swap3A_1173, %swap3A_1174] {strides = array<i32>} : memref<2x80x128xf32, #tpu.memory_space<vmem>>, vector<1x1x16xf32>,
        %swap3A_1176 = vector.shape_cast %swap3A_1175 : vector<1x1x16xf32> to vector<16xf32>
        %swap3A_1177 = vector.shape_cast %mul3A_1171 : vector<16xf32> to vector<1x1x16xf32>
        tpu.vector_store %arg11[%swap3A_1172, %swap3A_1173, %swap3A_1174], %swap3A_1177 {strides = array<i32>} : memref<2x80x128xf32, #tpu.memory_space<vmem>>, vector<1x1x16xf32>,
        %mul3A_1178 = vector.broadcast %squeeze3A_1111 : f32 to vector<16xf32>
        %mul3A_1179 = arith.mulf %get3A_1133, %mul3A_1178 : vector<16xf32>
        %swap3A_1180 = arith.index_cast %select_n3A_169 : i32 to index
        %swap3A_1181 = arith.index_cast %add3A_1113 : i32 to index
        %swap3A_1182 = arith.constant 48 : index
        %swap3A_1183 = tpu.vector_load %arg11[%swap3A_1180, %swap3A_1181, %swap3A_1182] {strides = array<i32>} : memref<2x80x128xf32, #tpu.memory_space<vmem>>, vector<1x1x16xf32>,
        %swap3A_1184 = vector.shape_cast %swap3A_1183 : vector<1x1x16xf32> to vector<16xf32>
        %swap3A_1185 = vector.shape_cast %mul3A_1179 : vector<16xf32> to vector<1x1x16xf32>
        tpu.vector_store %arg11[%swap3A_1180, %swap3A_1181, %swap3A_1182], %swap3A_1185 {strides = array<i32>} : memref<2x80x128xf32, #tpu.memory_space<vmem>>, vector<1x1x16xf32>,
        %mul3A_1186 = vector.broadcast %squeeze3A_1111 : f32 to vector<16xf32>
        %mul3A_1187 = arith.mulf %get3A_1138, %mul3A_1186 : vector<16xf32>
        %swap3A_1188 = arith.index_cast %select_n3A_169 : i32 to index
        %swap3A_1189 = arith.index_cast %add3A_1113 : i32 to index
        %swap3A_1190 = arith.constant 64 : index
        %swap3A_1191 = tpu.vector_load %arg11[%swap3A_1188, %swap3A_1189, %swap3A_1190] {strides = array<i32>} : memref<2x80x128xf32, #tpu.memory_space<vmem>>, vector<1x1x16xf32>,
        %swap3A_1192 = vector.shape_cast %swap3A_1191 : vector<1x1x16xf32> to vector<16xf32>
        %swap3A_1193 = vector.shape_cast %mul3A_1187 : vector<16xf32> to vector<1x1x16xf32>
        tpu.vector_store %arg11[%swap3A_1188, %swap3A_1189, %swap3A_1190], %swap3A_1193 {strides = array<i32>} : memref<2x80x128xf32, #tpu.memory_space<vmem>>, vector<1x1x16xf32>,
        %mul3A_1194 = vector.broadcast %squeeze3A_1111 : f32 to vector<16xf32>
        %mul3A_1195 = arith.mulf %get3A_1143, %mul3A_1194 : vector<16xf32>
        %swap3A_1196 = arith.index_cast %select_n3A_169 : i32 to index
        %swap3A_1197 = arith.index_cast %add3A_1113 : i32 to index
        %swap3A_1198 = arith.constant 80 : index
        %swap3A_1199 = tpu.vector_load %arg11[%swap3A_1196, %swap3A_1197, %swap3A_1198] {strides = array<i32>} : memref<2x80x128xf32, #tpu.memory_space<vmem>>, vector<1x1x16xf32>,
        %swap3A_1200 = vector.shape_cast %swap3A_1199 : vector<1x1x16xf32> to vector<16xf32>
        %swap3A_1201 = vector.shape_cast %mul3A_1195 : vector<16xf32> to vector<1x1x16xf32>
        tpu.vector_store %arg11[%swap3A_1196, %swap3A_1197, %swap3A_1198], %swap3A_1201 {strides = array<i32>} : memref<2x80x128xf32, #tpu.memory_space<vmem>>, vector<1x1x16xf32>,
        %mul3A_1202 = vector.broadcast %squeeze3A_1111 : f32 to vector<16xf32>
        %mul3A_1203 = arith.mulf %get3A_1148, %mul3A_1202 : vector<16xf32>
        %swap3A_1204 = arith.index_cast %select_n3A_169 : i32 to index
        %swap3A_1205 = arith.index_cast %add3A_1113 : i32 to index
        %swap3A_1206 = arith.constant 96 : index
        %swap3A_1207 = tpu.vector_load %arg11[%swap3A_1204, %swap3A_1205, %swap3A_1206] {strides = array<i32>} : memref<2x80x128xf32, #tpu.memory_space<vmem>>, vector<1x1x16xf32>,
        %swap3A_1208 = vector.shape_cast %swap3A_1207 : vector<1x1x16xf32> to vector<16xf32>
        %swap3A_1209 = vector.shape_cast %mul3A_1203 : vector<16xf32> to vector<1x1x16xf32>
        tpu.vector_store %arg11[%swap3A_1204, %swap3A_1205, %swap3A_1206], %swap3A_1209 {strides = array<i32>} : memref<2x80x128xf32, #tpu.memory_space<vmem>>, vector<1x1x16xf32>,
        %mul3A_1210 = vector.broadcast %squeeze3A_1111 : f32 to vector<16xf32>
        %mul3A_1211 = arith.mulf %get3A_1153, %mul3A_1210 : vector<16xf32>
        %swap3A_1212 = arith.index_cast %select_n3A_169 : i32 to index
        %swap3A_1213 = arith.index_cast %add3A_1113 : i32 to index
        %swap3A_1214 = arith.constant 112 : index
        %swap3A_1215 = tpu.vector_load %arg11[%swap3A_1212, %swap3A_1213, %swap3A_1214] {strides = array<i32>} : memref<2x80x128xf32, #tpu.memory_space<vmem>>, vector<1x1x16xf32>,
        %swap3A_1216 = vector.shape_cast %swap3A_1215 : vector<1x1x16xf32> to vector<16xf32>
        %swap3A_1217 = vector.shape_cast %mul3A_1211 : vector<16xf32> to vector<1x1x16xf32>
        tpu.vector_store %arg11[%swap3A_1212, %swap3A_1213, %swap3A_1214], %swap3A_1217 {strides = array<i32>} : memref<2x80x128xf32, #tpu.memory_space<vmem>>, vector<1x1x16xf32>,
        %slice3A_1218 = vector.extract_strided_slice %get3A_246 {offsets = [9], sizes = [1], strides = [1]} : vector<16xf32> to vector<1xf32>
        %squeeze3A_1219 = vector.extract %slice3A_1218[0] : f32 from vector<1xf32>
        %add3A_1220 = arith.constant 9 : i32
        %add3A_1221 = arith.addi %mul3A_248, %add3A_1220 : i32
        %get3A_1222 = arith.index_cast %select_n3A_169 : i32 to index
        %get3A_1223 = arith.index_cast %add3A_1221 : i32 to index
        %get3A_1224 = arith.constant 0 : index
        %get3A_1225 = tpu.vector_load %arg10[%get3A_1222, %get3A_1223, %get3A_1224] {strides = array<i32>} : memref<2x80x128xf32, #tpu.memory_space<vmem>>, vector<1x1x16xf32>,
        %get3A_1226 = vector.shape_cast %get3A_1225 : vector<1x1x16xf32> to vector<16xf32>
        %get3A_1227 = arith.index_cast %select_n3A_169 : i32 to index
        %get3A_1228 = arith.index_cast %add3A_1221 : i32 to index
        %get3A_1229 = arith.constant 16 : index
        %get3A_1230 = tpu.vector_load %arg10[%get3A_1227, %get3A_1228, %get3A_1229] {strides = array<i32>} : memref<2x80x128xf32, #tpu.memory_space<vmem>>, vector<1x1x16xf32>,
        %get3A_1231 = vector.shape_cast %get3A_1230 : vector<1x1x16xf32> to vector<16xf32>
        %get3A_1232 = arith.index_cast %select_n3A_169 : i32 to index
        %get3A_1233 = arith.index_cast %add3A_1221 : i32 to index
        %get3A_1234 = arith.constant 32 : index
        %get3A_1235 = tpu.vector_load %arg10[%get3A_1232, %get3A_1233, %get3A_1234] {strides = array<i32>} : memref<2x80x128xf32, #tpu.memory_space<vmem>>, vector<1x1x16xf32>,
        %get3A_1236 = vector.shape_cast %get3A_1235 : vector<1x1x16xf32> to vector<16xf32>
        %get3A_1237 = arith.index_cast %select_n3A_169 : i32 to index
        %get3A_1238 = arith.index_cast %add3A_1221 : i32 to index
        %get3A_1239 = arith.constant 48 : index
        %get3A_1240 = tpu.vector_load %arg10[%get3A_1237, %get3A_1238, %get3A_1239] {strides = array<i32>} : memref<2x80x128xf32, #tpu.memory_space<vmem>>, vector<1x1x16xf32>,
        %get3A_1241 = vector.shape_cast %get3A_1240 : vector<1x1x16xf32> to vector<16xf32>
        %get3A_1242 = arith.index_cast %select_n3A_169 : i32 to index
        %get3A_1243 = arith.index_cast %add3A_1221 : i32 to index
        %get3A_1244 = arith.constant 64 : index
        %get3A_1245 = tpu.vector_load %arg10[%get3A_1242, %get3A_1243, %get3A_1244] {strides = array<i32>} : memref<2x80x128xf32, #tpu.memory_space<vmem>>, vector<1x1x16xf32>,
        %get3A_1246 = vector.shape_cast %get3A_1245 : vector<1x1x16xf32> to vector<16xf32>
        %get3A_1247 = arith.index_cast %select_n3A_169 : i32 to index
        %get3A_1248 = arith.index_cast %add3A_1221 : i32 to index
        %get3A_1249 = arith.constant 80 : index
        %get3A_1250 = tpu.vector_load %arg10[%get3A_1247, %get3A_1248, %get3A_1249] {strides = array<i32>} : memref<2x80x128xf32, #tpu.memory_space<vmem>>, vector<1x1x16xf32>,
        %get3A_1251 = vector.shape_cast %get3A_1250 : vector<1x1x16xf32> to vector<16xf32>
        %get3A_1252 = arith.index_cast %select_n3A_169 : i32 to index
        %get3A_1253 = arith.index_cast %add3A_1221 : i32 to index
        %get3A_1254 = arith.constant 96 : index
        %get3A_1255 = tpu.vector_load %arg10[%get3A_1252, %get3A_1253, %get3A_1254] {strides = array<i32>} : memref<2x80x128xf32, #tpu.memory_space<vmem>>, vector<1x1x16xf32>,
        %get3A_1256 = vector.shape_cast %get3A_1255 : vector<1x1x16xf32> to vector<16xf32>
        %get3A_1257 = arith.index_cast %select_n3A_169 : i32 to index
        %get3A_1258 = arith.index_cast %add3A_1221 : i32 to index
        %get3A_1259 = arith.constant 112 : index
        %get3A_1260 = tpu.vector_load %arg10[%get3A_1257, %get3A_1258, %get3A_1259] {strides = array<i32>} : memref<2x80x128xf32, #tpu.memory_space<vmem>>, vector<1x1x16xf32>,
        %get3A_1261 = vector.shape_cast %get3A_1260 : vector<1x1x16xf32> to vector<16xf32>
        %mul3A_1262 = vector.broadcast %squeeze3A_1219 : f32 to vector<16xf32>
        %mul3A_1263 = arith.mulf %get3A_1226, %mul3A_1262 : vector<16xf32>
        %swap3A_1264 = arith.index_cast %select_n3A_169 : i32 to index
        %swap3A_1265 = arith.index_cast %add3A_1221 : i32 to index
        %swap3A_1266 = arith.constant 0 : index
        %swap3A_1267 = tpu.vector_load %arg11[%swap3A_1264, %swap3A_1265, %swap3A_1266] {strides = array<i32>} : memref<2x80x128xf32, #tpu.memory_space<vmem>>, vector<1x1x16xf32>,
        %swap3A_1268 = vector.shape_cast %swap3A_1267 : vector<1x1x16xf32> to vector<16xf32>
        %swap3A_1269 = vector.shape_cast %mul3A_1263 : vector<16xf32> to vector<1x1x16xf32>
        tpu.vector_store %arg11[%swap3A_1264, %swap3A_1265, %swap3A_1266], %swap3A_1269 {strides = array<i32>} : memref<2x80x128xf32, #tpu.memory_space<vmem>>, vector<1x1x16xf32>,
        %mul3A_1270 = vector.broadcast %squeeze3A_1219 : f32 to vector<16xf32>
        %mul3A_1271 = arith.mulf %get3A_1231, %mul3A_1270 : vector<16xf32>
        %swap3A_1272 = arith.index_cast %select_n3A_169 : i32 to index
        %swap3A_1273 = arith.index_cast %add3A_1221 : i32 to index
        %swap3A_1274 = arith.constant 16 : index
        %swap3A_1275 = tpu.vector_load %arg11[%swap3A_1272, %swap3A_1273, %swap3A_1274] {strides = array<i32>} : memref<2x80x128xf32, #tpu.memory_space<vmem>>, vector<1x1x16xf32>,
        %swap3A_1276 = vector.shape_cast %swap3A_1275 : vector<1x1x16xf32> to vector<16xf32>
        %swap3A_1277 = vector.shape_cast %mul3A_1271 : vector<16xf32> to vector<1x1x16xf32>
        tpu.vector_store %arg11[%swap3A_1272, %swap3A_1273, %swap3A_1274], %swap3A_1277 {strides = array<i32>} : memref<2x80x128xf32, #tpu.memory_space<vmem>>, vector<1x1x16xf32>,
        %mul3A_1278 = vector.broadcast %squeeze3A_1219 : f32 to vector<16xf32>
        %mul3A_1279 = arith.mulf %get3A_1236, %mul3A_1278 : vector<16xf32>
        %swap3A_1280 = arith.index_cast %select_n3A_169 : i32 to index
        %swap3A_1281 = arith.index_cast %add3A_1221 : i32 to index
        %swap3A_1282 = arith.constant 32 : index
        %swap3A_1283 = tpu.vector_load %arg11[%swap3A_1280, %swap3A_1281, %swap3A_1282] {strides = array<i32>} : memref<2x80x128xf32, #tpu.memory_space<vmem>>, vector<1x1x16xf32>,
        %swap3A_1284 = vector.shape_cast %swap3A_1283 : vector<1x1x16xf32> to vector<16xf32>
        %swap3A_1285 = vector.shape_cast %mul3A_1279 : vector<16xf32> to vector<1x1x16xf32>
        tpu.vector_store %arg11[%swap3A_1280, %swap3A_1281, %swap3A_1282], %swap3A_1285 {strides = array<i32>} : memref<2x80x128xf32, #tpu.memory_space<vmem>>, vector<1x1x16xf32>,
        %mul3A_1286 = vector.broadcast %squeeze3A_1219 : f32 to vector<16xf32>
        %mul3A_1287 = arith.mulf %get3A_1241, %mul3A_1286 : vector<16xf32>
        %swap3A_1288 = arith.index_cast %select_n3A_169 : i32 to index
        %swap3A_1289 = arith.index_cast %add3A_1221 : i32 to index
        %swap3A_1290 = arith.constant 48 : index
        %swap3A_1291 = tpu.vector_load %arg11[%swap3A_1288, %swap3A_1289, %swap3A_1290] {strides = array<i32>} : memref<2x80x128xf32, #tpu.memory_space<vmem>>, vector<1x1x16xf32>,
        %swap3A_1292 = vector.shape_cast %swap3A_1291 : vector<1x1x16xf32> to vector<16xf32>
        %swap3A_1293 = vector.shape_cast %mul3A_1287 : vector<16xf32> to vector<1x1x16xf32>
        tpu.vector_store %arg11[%swap3A_1288, %swap3A_1289, %swap3A_1290], %swap3A_1293 {strides = array<i32>} : memref<2x80x128xf32, #tpu.memory_space<vmem>>, vector<1x1x16xf32>,
        %mul3A_1294 = vector.broadcast %squeeze3A_1219 : f32 to vector<16xf32>
        %mul3A_1295 = arith.mulf %get3A_1246, %mul3A_1294 : vector<16xf32>
        %swap3A_1296 = arith.index_cast %select_n3A_169 : i32 to index
        %swap3A_1297 = arith.index_cast %add3A_1221 : i32 to index
        %swap3A_1298 = arith.constant 64 : index
        %swap3A_1299 = tpu.vector_load %arg11[%swap3A_1296, %swap3A_1297, %swap3A_1298] {strides = array<i32>} : memref<2x80x128xf32, #tpu.memory_space<vmem>>, vector<1x1x16xf32>,
        %swap3A_1300 = vector.shape_cast %swap3A_1299 : vector<1x1x16xf32> to vector<16xf32>
        %swap3A_1301 = vector.shape_cast %mul3A_1295 : vector<16xf32> to vector<1x1x16xf32>
        tpu.vector_store %arg11[%swap3A_1296, %swap3A_1297, %swap3A_1298], %swap3A_1301 {strides = array<i32>} : memref<2x80x128xf32, #tpu.memory_space<vmem>>, vector<1x1x16xf32>,
        %mul3A_1302 = vector.broadcast %squeeze3A_1219 : f32 to vector<16xf32>
        %mul3A_1303 = arith.mulf %get3A_1251, %mul3A_1302 : vector<16xf32>
        %swap3A_1304 = arith.index_cast %select_n3A_169 : i32 to index
        %swap3A_1305 = arith.index_cast %add3A_1221 : i32 to index
        %swap3A_1306 = arith.constant 80 : index
        %swap3A_1307 = tpu.vector_load %arg11[%swap3A_1304, %swap3A_1305, %swap3A_1306] {strides = array<i32>} : memref<2x80x128xf32, #tpu.memory_space<vmem>>, vector<1x1x16xf32>,
        %swap3A_1308 = vector.shape_cast %swap3A_1307 : vector<1x1x16xf32> to vector<16xf32>
        %swap3A_1309 = vector.shape_cast %mul3A_1303 : vector<16xf32> to vector<1x1x16xf32>
        tpu.vector_store %arg11[%swap3A_1304, %swap3A_1305, %swap3A_1306], %swap3A_1309 {strides = array<i32>} : memref<2x80x128xf32, #tpu.memory_space<vmem>>, vector<1x1x16xf32>,
        %mul3A_1310 = vector.broadcast %squeeze3A_1219 : f32 to vector<16xf32>
        %mul3A_1311 = arith.mulf %get3A_1256, %mul3A_1310 : vector<16xf32>
        %swap3A_1312 = arith.index_cast %select_n3A_169 : i32 to index
        %swap3A_1313 = arith.index_cast %add3A_1221 : i32 to index
        %swap3A_1314 = arith.constant 96 : index
        %swap3A_1315 = tpu.vector_load %arg11[%swap3A_1312, %swap3A_1313, %swap3A_1314] {strides = array<i32>} : memref<2x80x128xf32, #tpu.memory_space<vmem>>, vector<1x1x16xf32>,
        %swap3A_1316 = vector.shape_cast %swap3A_1315 : vector<1x1x16xf32> to vector<16xf32>
        %swap3A_1317 = vector.shape_cast %mul3A_1311 : vector<16xf32> to vector<1x1x16xf32>
        tpu.vector_store %arg11[%swap3A_1312, %swap3A_1313, %swap3A_1314], %swap3A_1317 {strides = array<i32>} : memref<2x80x128xf32, #tpu.memory_space<vmem>>, vector<1x1x16xf32>,
        %mul3A_1318 = vector.broadcast %squeeze3A_1219 : f32 to vector<16xf32>
        %mul3A_1319 = arith.mulf %get3A_1261, %mul3A_1318 : vector<16xf32>
        %swap3A_1320 = arith.index_cast %select_n3A_169 : i32 to index
        %swap3A_1321 = arith.index_cast %add3A_1221 : i32 to index
        %swap3A_1322 = arith.constant 112 : index
        %swap3A_1323 = tpu.vector_load %arg11[%swap3A_1320, %swap3A_1321, %swap3A_1322] {strides = array<i32>} : memref<2x80x128xf32, #tpu.memory_space<vmem>>, vector<1x1x16xf32>,
        %swap3A_1324 = vector.shape_cast %swap3A_1323 : vector<1x1x16xf32> to vector<16xf32>
        %swap3A_1325 = vector.shape_cast %mul3A_1319 : vector<16xf32> to vector<1x1x16xf32>
        tpu.vector_store %arg11[%swap3A_1320, %swap3A_1321, %swap3A_1322], %swap3A_1325 {strides = array<i32>} : memref<2x80x128xf32, #tpu.memory_space<vmem>>, vector<1x1x16xf32>,
        %slice3A_1326 = vector.extract_strided_slice %get3A_246 {offsets = [10], sizes = [1], strides = [1]} : vector<16xf32> to vector<1xf32>
        %squeeze3A_1327 = vector.extract %slice3A_1326[0] : f32 from vector<1xf32>
        %add3A_1328 = arith.constant 10 : i32
        %add3A_1329 = arith.addi %mul3A_248, %add3A_1328 : i32
        %get3A_1330 = arith.index_cast %select_n3A_169 : i32 to index
        %get3A_1331 = arith.index_cast %add3A_1329 : i32 to index
        %get3A_1332 = arith.constant 0 : index
        %get3A_1333 = tpu.vector_load %arg10[%get3A_1330, %get3A_1331, %get3A_1332] {strides = array<i32>} : memref<2x80x128xf32, #tpu.memory_space<vmem>>, vector<1x1x16xf32>,
        %get3A_1334 = vector.shape_cast %get3A_1333 : vector<1x1x16xf32> to vector<16xf32>
        %get3A_1335 = arith.index_cast %select_n3A_169 : i32 to index
        %get3A_1336 = arith.index_cast %add3A_1329 : i32 to index
        %get3A_1337 = arith.constant 16 : index
        %get3A_1338 = tpu.vector_load %arg10[%get3A_1335, %get3A_1336, %get3A_1337] {strides = array<i32>} : memref<2x80x128xf32, #tpu.memory_space<vmem>>, vector<1x1x16xf32>,
        %get3A_1339 = vector.shape_cast %get3A_1338 : vector<1x1x16xf32> to vector<16xf32>
        %get3A_1340 = arith.index_cast %select_n3A_169 : i32 to index
        %get3A_1341 = arith.index_cast %add3A_1329 : i32 to index
        %get3A_1342 = arith.constant 32 : index
        %get3A_1343 = tpu.vector_load %arg10[%get3A_1340, %get3A_1341, %get3A_1342] {strides = array<i32>} : memref<2x80x128xf32, #tpu.memory_space<vmem>>, vector<1x1x16xf32>,
        %get3A_1344 = vector.shape_cast %get3A_1343 : vector<1x1x16xf32> to vector<16xf32>
        %get3A_1345 = arith.index_cast %select_n3A_169 : i32 to index
        %get3A_1346 = arith.index_cast %add3A_1329 : i32 to index
        %get3A_1347 = arith.constant 48 : index
        %get3A_1348 = tpu.vector_load %arg10[%get3A_1345, %get3A_1346, %get3A_1347] {strides = array<i32>} : memref<2x80x128xf32, #tpu.memory_space<vmem>>, vector<1x1x16xf32>,
        %get3A_1349 = vector.shape_cast %get3A_1348 : vector<1x1x16xf32> to vector<16xf32>
        %get3A_1350 = arith.index_cast %select_n3A_169 : i32 to index
        %get3A_1351 = arith.index_cast %add3A_1329 : i32 to index
        %get3A_1352 = arith.constant 64 : index
        %get3A_1353 = tpu.vector_load %arg10[%get3A_1350, %get3A_1351, %get3A_1352] {strides = array<i32>} : memref<2x80x128xf32, #tpu.memory_space<vmem>>, vector<1x1x16xf32>,
        %get3A_1354 = vector.shape_cast %get3A_1353 : vector<1x1x16xf32> to vector<16xf32>
        %get3A_1355 = arith.index_cast %select_n3A_169 : i32 to index
        %get3A_1356 = arith.index_cast %add3A_1329 : i32 to index
        %get3A_1357 = arith.constant 80 : index
        %get3A_1358 = tpu.vector_load %arg10[%get3A_1355, %get3A_1356, %get3A_1357] {strides = array<i32>} : memref<2x80x128xf32, #tpu.memory_space<vmem>>, vector<1x1x16xf32>,
        %get3A_1359 = vector.shape_cast %get3A_1358 : vector<1x1x16xf32> to vector<16xf32>
        %get3A_1360 = arith.index_cast %select_n3A_169 : i32 to index
        %get3A_1361 = arith.index_cast %add3A_1329 : i32 to index
        %get3A_1362 = arith.constant 96 : index
        %get3A_1363 = tpu.vector_load %arg10[%get3A_1360, %get3A_1361, %get3A_1362] {strides = array<i32>} : memref<2x80x128xf32, #tpu.memory_space<vmem>>, vector<1x1x16xf32>,
        %get3A_1364 = vector.shape_cast %get3A_1363 : vector<1x1x16xf32> to vector<16xf32>
        %get3A_1365 = arith.index_cast %select_n3A_169 : i32 to index
        %get3A_1366 = arith.index_cast %add3A_1329 : i32 to index
        %get3A_1367 = arith.constant 112 : index
        %get3A_1368 = tpu.vector_load %arg10[%get3A_1365, %get3A_1366, %get3A_1367] {strides = array<i32>} : memref<2x80x128xf32, #tpu.memory_space<vmem>>, vector<1x1x16xf32>,
        %get3A_1369 = vector.shape_cast %get3A_1368 : vector<1x1x16xf32> to vector<16xf32>
        %mul3A_1370 = vector.broadcast %squeeze3A_1327 : f32 to vector<16xf32>
        %mul3A_1371 = arith.mulf %get3A_1334, %mul3A_1370 : vector<16xf32>
        %swap3A_1372 = arith.index_cast %select_n3A_169 : i32 to index
        %swap3A_1373 = arith.index_cast %add3A_1329 : i32 to index
        %swap3A_1374 = arith.constant 0 : index
        %swap3A_1375 = tpu.vector_load %arg11[%swap3A_1372, %swap3A_1373, %swap3A_1374] {strides = array<i32>} : memref<2x80x128xf32, #tpu.memory_space<vmem>>, vector<1x1x16xf32>,
        %swap3A_1376 = vector.shape_cast %swap3A_1375 : vector<1x1x16xf32> to vector<16xf32>
        %swap3A_1377 = vector.shape_cast %mul3A_1371 : vector<16xf32> to vector<1x1x16xf32>
        tpu.vector_store %arg11[%swap3A_1372, %swap3A_1373, %swap3A_1374], %swap3A_1377 {strides = array<i32>} : memref<2x80x128xf32, #tpu.memory_space<vmem>>, vector<1x1x16xf32>,
        %mul3A_1378 = vector.broadcast %squeeze3A_1327 : f32 to vector<16xf32>
        %mul3A_1379 = arith.mulf %get3A_1339, %mul3A_1378 : vector<16xf32>
        %swap3A_1380 = arith.index_cast %select_n3A_169 : i32 to index
        %swap3A_1381 = arith.index_cast %add3A_1329 : i32 to index
        %swap3A_1382 = arith.constant 16 : index
        %swap3A_1383 = tpu.vector_load %arg11[%swap3A_1380, %swap3A_1381, %swap3A_1382] {strides = array<i32>} : memref<2x80x128xf32, #tpu.memory_space<vmem>>, vector<1x1x16xf32>,
        %swap3A_1384 = vector.shape_cast %swap3A_1383 : vector<1x1x16xf32> to vector<16xf32>
        %swap3A_1385 = vector.shape_cast %mul3A_1379 : vector<16xf32> to vector<1x1x16xf32>
        tpu.vector_store %arg11[%swap3A_1380, %swap3A_1381, %swap3A_1382], %swap3A_1385 {strides = array<i32>} : memref<2x80x128xf32, #tpu.memory_space<vmem>>, vector<1x1x16xf32>,
        %mul3A_1386 = vector.broadcast %squeeze3A_1327 : f32 to vector<16xf32>
        %mul3A_1387 = arith.mulf %get3A_1344, %mul3A_1386 : vector<16xf32>
        %swap3A_1388 = arith.index_cast %select_n3A_169 : i32 to index
        %swap3A_1389 = arith.index_cast %add3A_1329 : i32 to index
        %swap3A_1390 = arith.constant 32 : index
        %swap3A_1391 = tpu.vector_load %arg11[%swap3A_1388, %swap3A_1389, %swap3A_1390] {strides = array<i32>} : memref<2x80x128xf32, #tpu.memory_space<vmem>>, vector<1x1x16xf32>,
        %swap3A_1392 = vector.shape_cast %swap3A_1391 : vector<1x1x16xf32> to vector<16xf32>
        %swap3A_1393 = vector.shape_cast %mul3A_1387 : vector<16xf32> to vector<1x1x16xf32>
        tpu.vector_store %arg11[%swap3A_1388, %swap3A_1389, %swap3A_1390], %swap3A_1393 {strides = array<i32>} : memref<2x80x128xf32, #tpu.memory_space<vmem>>, vector<1x1x16xf32>,
        %mul3A_1394 = vector.broadcast %squeeze3A_1327 : f32 to vector<16xf32>
        %mul3A_1395 = arith.mulf %get3A_1349, %mul3A_1394 : vector<16xf32>
        %swap3A_1396 = arith.index_cast %select_n3A_169 : i32 to index
        %swap3A_1397 = arith.index_cast %add3A_1329 : i32 to index
        %swap3A_1398 = arith.constant 48 : index
        %swap3A_1399 = tpu.vector_load %arg11[%swap3A_1396, %swap3A_1397, %swap3A_1398] {strides = array<i32>} : memref<2x80x128xf32, #tpu.memory_space<vmem>>, vector<1x1x16xf32>,
        %swap3A_1400 = vector.shape_cast %swap3A_1399 : vector<1x1x16xf32> to vector<16xf32>
        %swap3A_1401 = vector.shape_cast %mul3A_1395 : vector<16xf32> to vector<1x1x16xf32>
        tpu.vector_store %arg11[%swap3A_1396, %swap3A_1397, %swap3A_1398], %swap3A_1401 {strides = array<i32>} : memref<2x80x128xf32, #tpu.memory_space<vmem>>, vector<1x1x16xf32>,
        %mul3A_1402 = vector.broadcast %squeeze3A_1327 : f32 to vector<16xf32>
        %mul3A_1403 = arith.mulf %get3A_1354, %mul3A_1402 : vector<16xf32>
        %swap3A_1404 = arith.index_cast %select_n3A_169 : i32 to index
        %swap3A_1405 = arith.index_cast %add3A_1329 : i32 to index
        %swap3A_1406 = arith.constant 64 : index
        %swap3A_1407 = tpu.vector_load %arg11[%swap3A_1404, %swap3A_1405, %swap3A_1406] {strides = array<i32>} : memref<2x80x128xf32, #tpu.memory_space<vmem>>, vector<1x1x16xf32>,
        %swap3A_1408 = vector.shape_cast %swap3A_1407 : vector<1x1x16xf32> to vector<16xf32>
        %swap3A_1409 = vector.shape_cast %mul3A_1403 : vector<16xf32> to vector<1x1x16xf32>
        tpu.vector_store %arg11[%swap3A_1404, %swap3A_1405, %swap3A_1406], %swap3A_1409 {strides = array<i32>} : memref<2x80x128xf32, #tpu.memory_space<vmem>>, vector<1x1x16xf32>,
        %mul3A_1410 = vector.broadcast %squeeze3A_1327 : f32 to vector<16xf32>
        %mul3A_1411 = arith.mulf %get3A_1359, %mul3A_1410 : vector<16xf32>
        %swap3A_1412 = arith.index_cast %select_n3A_169 : i32 to index
        %swap3A_1413 = arith.index_cast %add3A_1329 : i32 to index
        %swap3A_1414 = arith.constant 80 : index
        %swap3A_1415 = tpu.vector_load %arg11[%swap3A_1412, %swap3A_1413, %swap3A_1414] {strides = array<i32>} : memref<2x80x128xf32, #tpu.memory_space<vmem>>, vector<1x1x16xf32>,
        %swap3A_1416 = vector.shape_cast %swap3A_1415 : vector<1x1x16xf32> to vector<16xf32>
        %swap3A_1417 = vector.shape_cast %mul3A_1411 : vector<16xf32> to vector<1x1x16xf32>
        tpu.vector_store %arg11[%swap3A_1412, %swap3A_1413, %swap3A_1414], %swap3A_1417 {strides = array<i32>} : memref<2x80x128xf32, #tpu.memory_space<vmem>>, vector<1x1x16xf32>,
        %mul3A_1418 = vector.broadcast %squeeze3A_1327 : f32 to vector<16xf32>
        %mul3A_1419 = arith.mulf %get3A_1364, %mul3A_1418 : vector<16xf32>
        %swap3A_1420 = arith.index_cast %select_n3A_169 : i32 to index
        %swap3A_1421 = arith.index_cast %add3A_1329 : i32 to index
        %swap3A_1422 = arith.constant 96 : index
        %swap3A_1423 = tpu.vector_load %arg11[%swap3A_1420, %swap3A_1421, %swap3A_1422] {strides = array<i32>} : memref<2x80x128xf32, #tpu.memory_space<vmem>>, vector<1x1x16xf32>,
        %swap3A_1424 = vector.shape_cast %swap3A_1423 : vector<1x1x16xf32> to vector<16xf32>
        %swap3A_1425 = vector.shape_cast %mul3A_1419 : vector<16xf32> to vector<1x1x16xf32>
        tpu.vector_store %arg11[%swap3A_1420, %swap3A_1421, %swap3A_1422], %swap3A_1425 {strides = array<i32>} : memref<2x80x128xf32, #tpu.memory_space<vmem>>, vector<1x1x16xf32>,
        %mul3A_1426 = vector.broadcast %squeeze3A_1327 : f32 to vector<16xf32>
        %mul3A_1427 = arith.mulf %get3A_1369, %mul3A_1426 : vector<16xf32>
        %swap3A_1428 = arith.index_cast %select_n3A_169 : i32 to index
        %swap3A_1429 = arith.index_cast %add3A_1329 : i32 to index
        %swap3A_1430 = arith.constant 112 : index
        %swap3A_1431 = tpu.vector_load %arg11[%swap3A_1428, %swap3A_1429, %swap3A_1430] {strides = array<i32>} : memref<2x80x128xf32, #tpu.memory_space<vmem>>, vector<1x1x16xf32>,
        %swap3A_1432 = vector.shape_cast %swap3A_1431 : vector<1x1x16xf32> to vector<16xf32>
        %swap3A_1433 = vector.shape_cast %mul3A_1427 : vector<16xf32> to vector<1x1x16xf32>
        tpu.vector_store %arg11[%swap3A_1428, %swap3A_1429, %swap3A_1430], %swap3A_1433 {strides = array<i32>} : memref<2x80x128xf32, #tpu.memory_space<vmem>>, vector<1x1x16xf32>,
        %slice3A_1434 = vector.extract_strided_slice %get3A_246 {offsets = [11], sizes = [1], strides = [1]} : vector<16xf32> to vector<1xf32>
        %squeeze3A_1435 = vector.extract %slice3A_1434[0] : f32 from vector<1xf32>
        %add3A_1436 = arith.constant 11 : i32
        %add3A_1437 = arith.addi %mul3A_248, %add3A_1436 : i32
        %get3A_1438 = arith.index_cast %select_n3A_169 : i32 to index
        %get3A_1439 = arith.index_cast %add3A_1437 : i32 to index
        %get3A_1440 = arith.constant 0 : index
        %get3A_1441 = tpu.vector_load %arg10[%get3A_1438, %get3A_1439, %get3A_1440] {strides = array<i32>} : memref<2x80x128xf32, #tpu.memory_space<vmem>>, vector<1x1x16xf32>,
        %get3A_1442 = vector.shape_cast %get3A_1441 : vector<1x1x16xf32> to vector<16xf32>
        %get3A_1443 = arith.index_cast %select_n3A_169 : i32 to index
        %get3A_1444 = arith.index_cast %add3A_1437 : i32 to index
        %get3A_1445 = arith.constant 16 : index
        %get3A_1446 = tpu.vector_load %arg10[%get3A_1443, %get3A_1444, %get3A_1445] {strides = array<i32>} : memref<2x80x128xf32, #tpu.memory_space<vmem>>, vector<1x1x16xf32>,
        %get3A_1447 = vector.shape_cast %get3A_1446 : vector<1x1x16xf32> to vector<16xf32>
        %get3A_1448 = arith.index_cast %select_n3A_169 : i32 to index
        %get3A_1449 = arith.index_cast %add3A_1437 : i32 to index
        %get3A_1450 = arith.constant 32 : index
        %get3A_1451 = tpu.vector_load %arg10[%get3A_1448, %get3A_1449, %get3A_1450] {strides = array<i32>} : memref<2x80x128xf32, #tpu.memory_space<vmem>>, vector<1x1x16xf32>,
        %get3A_1452 = vector.shape_cast %get3A_1451 : vector<1x1x16xf32> to vector<16xf32>
        %get3A_1453 = arith.index_cast %select_n3A_169 : i32 to index
        %get3A_1454 = arith.index_cast %add3A_1437 : i32 to index
        %get3A_1455 = arith.constant 48 : index
        %get3A_1456 = tpu.vector_load %arg10[%get3A_1453, %get3A_1454, %get3A_1455] {strides = array<i32>} : memref<2x80x128xf32, #tpu.memory_space<vmem>>, vector<1x1x16xf32>,
        %get3A_1457 = vector.shape_cast %get3A_1456 : vector<1x1x16xf32> to vector<16xf32>
        %get3A_1458 = arith.index_cast %select_n3A_169 : i32 to index
        %get3A_1459 = arith.index_cast %add3A_1437 : i32 to index
        %get3A_1460 = arith.constant 64 : index
        %get3A_1461 = tpu.vector_load %arg10[%get3A_1458, %get3A_1459, %get3A_1460] {strides = array<i32>} : memref<2x80x128xf32, #tpu.memory_space<vmem>>, vector<1x1x16xf32>,
        %get3A_1462 = vector.shape_cast %get3A_1461 : vector<1x1x16xf32> to vector<16xf32>
        %get3A_1463 = arith.index_cast %select_n3A_169 : i32 to index
        %get3A_1464 = arith.index_cast %add3A_1437 : i32 to index
        %get3A_1465 = arith.constant 80 : index
        %get3A_1466 = tpu.vector_load %arg10[%get3A_1463, %get3A_1464, %get3A_1465] {strides = array<i32>} : memref<2x80x128xf32, #tpu.memory_space<vmem>>, vector<1x1x16xf32>,
        %get3A_1467 = vector.shape_cast %get3A_1466 : vector<1x1x16xf32> to vector<16xf32>
        %get3A_1468 = arith.index_cast %select_n3A_169 : i32 to index
        %get3A_1469 = arith.index_cast %add3A_1437 : i32 to index
        %get3A_1470 = arith.constant 96 : index
        %get3A_1471 = tpu.vector_load %arg10[%get3A_1468, %get3A_1469, %get3A_1470] {strides = array<i32>} : memref<2x80x128xf32, #tpu.memory_space<vmem>>, vector<1x1x16xf32>,
        %get3A_1472 = vector.shape_cast %get3A_1471 : vector<1x1x16xf32> to vector<16xf32>
        %get3A_1473 = arith.index_cast %select_n3A_169 : i32 to index
        %get3A_1474 = arith.index_cast %add3A_1437 : i32 to index
        %get3A_1475 = arith.constant 112 : index
        %get3A_1476 = tpu.vector_load %arg10[%get3A_1473, %get3A_1474, %get3A_1475] {strides = array<i32>} : memref<2x80x128xf32, #tpu.memory_space<vmem>>, vector<1x1x16xf32>,
        %get3A_1477 = vector.shape_cast %get3A_1476 : vector<1x1x16xf32> to vector<16xf32>
        %mul3A_1478 = vector.broadcast %squeeze3A_1435 : f32 to vector<16xf32>
        %mul3A_1479 = arith.mulf %get3A_1442, %mul3A_1478 : vector<16xf32>
        %swap3A_1480 = arith.index_cast %select_n3A_169 : i32 to index
        %swap3A_1481 = arith.index_cast %add3A_1437 : i32 to index
        %swap3A_1482 = arith.constant 0 : index
        %swap3A_1483 = tpu.vector_load %arg11[%swap3A_1480, %swap3A_1481, %swap3A_1482] {strides = array<i32>} : memref<2x80x128xf32, #tpu.memory_space<vmem>>, vector<1x1x16xf32>,
        %swap3A_1484 = vector.shape_cast %swap3A_1483 : vector<1x1x16xf32> to vector<16xf32>
        %swap3A_1485 = vector.shape_cast %mul3A_1479 : vector<16xf32> to vector<1x1x16xf32>
        tpu.vector_store %arg11[%swap3A_1480, %swap3A_1481, %swap3A_1482], %swap3A_1485 {strides = array<i32>} : memref<2x80x128xf32, #tpu.memory_space<vmem>>, vector<1x1x16xf32>,
        %mul3A_1486 = vector.broadcast %squeeze3A_1435 : f32 to vector<16xf32>
        %mul3A_1487 = arith.mulf %get3A_1447, %mul3A_1486 : vector<16xf32>
        %swap3A_1488 = arith.index_cast %select_n3A_169 : i32 to index
        %swap3A_1489 = arith.index_cast %add3A_1437 : i32 to index
        %swap3A_1490 = arith.constant 16 : index
        %swap3A_1491 = tpu.vector_load %arg11[%swap3A_1488, %swap3A_1489, %swap3A_1490] {strides = array<i32>} : memref<2x80x128xf32, #tpu.memory_space<vmem>>, vector<1x1x16xf32>,
        %swap3A_1492 = vector.shape_cast %swap3A_1491 : vector<1x1x16xf32> to vector<16xf32>
        %swap3A_1493 = vector.shape_cast %mul3A_1487 : vector<16xf32> to vector<1x1x16xf32>
        tpu.vector_store %arg11[%swap3A_1488, %swap3A_1489, %swap3A_1490], %swap3A_1493 {strides = array<i32>} : memref<2x80x128xf32, #tpu.memory_space<vmem>>, vector<1x1x16xf32>,
        %mul3A_1494 = vector.broadcast %squeeze3A_1435 : f32 to vector<16xf32>
        %mul3A_1495 = arith.mulf %get3A_1452, %mul3A_1494 : vector<16xf32>
        %swap3A_1496 = arith.index_cast %select_n3A_169 : i32 to index
        %swap3A_1497 = arith.index_cast %add3A_1437 : i32 to index
        %swap3A_1498 = arith.constant 32 : index
        %swap3A_1499 = tpu.vector_load %arg11[%swap3A_1496, %swap3A_1497, %swap3A_1498] {strides = array<i32>} : memref<2x80x128xf32, #tpu.memory_space<vmem>>, vector<1x1x16xf32>,
        %swap3A_1500 = vector.shape_cast %swap3A_1499 : vector<1x1x16xf32> to vector<16xf32>
        %swap3A_1501 = vector.shape_cast %mul3A_1495 : vector<16xf32> to vector<1x1x16xf32>
        tpu.vector_store %arg11[%swap3A_1496, %swap3A_1497, %swap3A_1498], %swap3A_1501 {strides = array<i32>} : memref<2x80x128xf32, #tpu.memory_space<vmem>>, vector<1x1x16xf32>,
        %mul3A_1502 = vector.broadcast %squeeze3A_1435 : f32 to vector<16xf32>
        %mul3A_1503 = arith.mulf %get3A_1457, %mul3A_1502 : vector<16xf32>
        %swap3A_1504 = arith.index_cast %select_n3A_169 : i32 to index
        %swap3A_1505 = arith.index_cast %add3A_1437 : i32 to index
        %swap3A_1506 = arith.constant 48 : index
        %swap3A_1507 = tpu.vector_load %arg11[%swap3A_1504, %swap3A_1505, %swap3A_1506] {strides = array<i32>} : memref<2x80x128xf32, #tpu.memory_space<vmem>>, vector<1x1x16xf32>,
        %swap3A_1508 = vector.shape_cast %swap3A_1507 : vector<1x1x16xf32> to vector<16xf32>
        %swap3A_1509 = vector.shape_cast %mul3A_1503 : vector<16xf32> to vector<1x1x16xf32>
        tpu.vector_store %arg11[%swap3A_1504, %swap3A_1505, %swap3A_1506], %swap3A_1509 {strides = array<i32>} : memref<2x80x128xf32, #tpu.memory_space<vmem>>, vector<1x1x16xf32>,
        %mul3A_1510 = vector.broadcast %squeeze3A_1435 : f32 to vector<16xf32>
        %mul3A_1511 = arith.mulf %get3A_1462, %mul3A_1510 : vector<16xf32>
        %swap3A_1512 = arith.index_cast %select_n3A_169 : i32 to index
        %swap3A_1513 = arith.index_cast %add3A_1437 : i32 to index
        %swap3A_1514 = arith.constant 64 : index
        %swap3A_1515 = tpu.vector_load %arg11[%swap3A_1512, %swap3A_1513, %swap3A_1514] {strides = array<i32>} : memref<2x80x128xf32, #tpu.memory_space<vmem>>, vector<1x1x16xf32>,
        %swap3A_1516 = vector.shape_cast %swap3A_1515 : vector<1x1x16xf32> to vector<16xf32>
        %swap3A_1517 = vector.shape_cast %mul3A_1511 : vector<16xf32> to vector<1x1x16xf32>
        tpu.vector_store %arg11[%swap3A_1512, %swap3A_1513, %swap3A_1514], %swap3A_1517 {strides = array<i32>} : memref<2x80x128xf32, #tpu.memory_space<vmem>>, vector<1x1x16xf32>,
        %mul3A_1518 = vector.broadcast %squeeze3A_1435 : f32 to vector<16xf32>
        %mul3A_1519 = arith.mulf %get3A_1467, %mul3A_1518 : vector<16xf32>
        %swap3A_1520 = arith.index_cast %select_n3A_169 : i32 to index
        %swap3A_1521 = arith.index_cast %add3A_1437 : i32 to index
        %swap3A_1522 = arith.constant 80 : index
        %swap3A_1523 = tpu.vector_load %arg11[%swap3A_1520, %swap3A_1521, %swap3A_1522] {strides = array<i32>} : memref<2x80x128xf32, #tpu.memory_space<vmem>>, vector<1x1x16xf32>,
        %swap3A_1524 = vector.shape_cast %swap3A_1523 : vector<1x1x16xf32> to vector<16xf32>
        %swap3A_1525 = vector.shape_cast %mul3A_1519 : vector<16xf32> to vector<1x1x16xf32>
        tpu.vector_store %arg11[%swap3A_1520, %swap3A_1521, %swap3A_1522], %swap3A_1525 {strides = array<i32>} : memref<2x80x128xf32, #tpu.memory_space<vmem>>, vector<1x1x16xf32>,
        %mul3A_1526 = vector.broadcast %squeeze3A_1435 : f32 to vector<16xf32>
        %mul3A_1527 = arith.mulf %get3A_1472, %mul3A_1526 : vector<16xf32>
        %swap3A_1528 = arith.index_cast %select_n3A_169 : i32 to index
        %swap3A_1529 = arith.index_cast %add3A_1437 : i32 to index
        %swap3A_1530 = arith.constant 96 : index
        %swap3A_1531 = tpu.vector_load %arg11[%swap3A_1528, %swap3A_1529, %swap3A_1530] {strides = array<i32>} : memref<2x80x128xf32, #tpu.memory_space<vmem>>, vector<1x1x16xf32>,
        %swap3A_1532 = vector.shape_cast %swap3A_1531 : vector<1x1x16xf32> to vector<16xf32>
        %swap3A_1533 = vector.shape_cast %mul3A_1527 : vector<16xf32> to vector<1x1x16xf32>
        tpu.vector_store %arg11[%swap3A_1528, %swap3A_1529, %swap3A_1530], %swap3A_1533 {strides = array<i32>} : memref<2x80x128xf32, #tpu.memory_space<vmem>>, vector<1x1x16xf32>,
        %mul3A_1534 = vector.broadcast %squeeze3A_1435 : f32 to vector<16xf32>
        %mul3A_1535 = arith.mulf %get3A_1477, %mul3A_1534 : vector<16xf32>
        %swap3A_1536 = arith.index_cast %select_n3A_169 : i32 to index
        %swap3A_1537 = arith.index_cast %add3A_1437 : i32 to index
        %swap3A_1538 = arith.constant 112 : index
        %swap3A_1539 = tpu.vector_load %arg11[%swap3A_1536, %swap3A_1537, %swap3A_1538] {strides = array<i32>} : memref<2x80x128xf32, #tpu.memory_space<vmem>>, vector<1x1x16xf32>,
        %swap3A_1540 = vector.shape_cast %swap3A_1539 : vector<1x1x16xf32> to vector<16xf32>
        %swap3A_1541 = vector.shape_cast %mul3A_1535 : vector<16xf32> to vector<1x1x16xf32>
        tpu.vector_store %arg11[%swap3A_1536, %swap3A_1537, %swap3A_1538], %swap3A_1541 {strides = array<i32>} : memref<2x80x128xf32, #tpu.memory_space<vmem>>, vector<1x1x16xf32>,
        %slice3A_1542 = vector.extract_strided_slice %get3A_246 {offsets = [12], sizes = [1], strides = [1]} : vector<16xf32> to vector<1xf32>
        %squeeze3A_1543 = vector.extract %slice3A_1542[0] : f32 from vector<1xf32>
        %add3A_1544 = arith.constant 12 : i32
        %add3A_1545 = arith.addi %mul3A_248, %add3A_1544 : i32
        %get3A_1546 = arith.index_cast %select_n3A_169 : i32 to index
        %get3A_1547 = arith.index_cast %add3A_1545 : i32 to index
        %get3A_1548 = arith.constant 0 : index
        %get3A_1549 = tpu.vector_load %arg10[%get3A_1546, %get3A_1547, %get3A_1548] {strides = array<i32>} : memref<2x80x128xf32, #tpu.memory_space<vmem>>, vector<1x1x16xf32>,
        %get3A_1550 = vector.shape_cast %get3A_1549 : vector<1x1x16xf32> to vector<16xf32>
        %get3A_1551 = arith.index_cast %select_n3A_169 : i32 to index
        %get3A_1552 = arith.index_cast %add3A_1545 : i32 to index
        %get3A_1553 = arith.constant 16 : index
        %get3A_1554 = tpu.vector_load %arg10[%get3A_1551, %get3A_1552, %get3A_1553] {strides = array<i32>} : memref<2x80x128xf32, #tpu.memory_space<vmem>>, vector<1x1x16xf32>,
        %get3A_1555 = vector.shape_cast %get3A_1554 : vector<1x1x16xf32> to vector<16xf32>
        %get3A_1556 = arith.index_cast %select_n3A_169 : i32 to index
        %get3A_1557 = arith.index_cast %add3A_1545 : i32 to index
        %get3A_1558 = arith.constant 32 : index
        %get3A_1559 = tpu.vector_load %arg10[%get3A_1556, %get3A_1557, %get3A_1558] {strides = array<i32>} : memref<2x80x128xf32, #tpu.memory_space<vmem>>, vector<1x1x16xf32>,
        %get3A_1560 = vector.shape_cast %get3A_1559 : vector<1x1x16xf32> to vector<16xf32>
        %get3A_1561 = arith.index_cast %select_n3A_169 : i32 to index
        %get3A_1562 = arith.index_cast %add3A_1545 : i32 to index
        %get3A_1563 = arith.constant 48 : index
        %get3A_1564 = tpu.vector_load %arg10[%get3A_1561, %get3A_1562, %get3A_1563] {strides = array<i32>} : memref<2x80x128xf32, #tpu.memory_space<vmem>>, vector<1x1x16xf32>,
        %get3A_1565 = vector.shape_cast %get3A_1564 : vector<1x1x16xf32> to vector<16xf32>
        %get3A_1566 = arith.index_cast %select_n3A_169 : i32 to index
        %get3A_1567 = arith.index_cast %add3A_1545 : i32 to index
        %get3A_1568 = arith.constant 64 : index
        %get3A_1569 = tpu.vector_load %arg10[%get3A_1566, %get3A_1567, %get3A_1568] {strides = array<i32>} : memref<2x80x128xf32, #tpu.memory_space<vmem>>, vector<1x1x16xf32>,
        %get3A_1570 = vector.shape_cast %get3A_1569 : vector<1x1x16xf32> to vector<16xf32>
        %get3A_1571 = arith.index_cast %select_n3A_169 : i32 to index
        %get3A_1572 = arith.index_cast %add3A_1545 : i32 to index
        %get3A_1573 = arith.constant 80 : index
        %get3A_1574 = tpu.vector_load %arg10[%get3A_1571, %get3A_1572, %get3A_1573] {strides = array<i32>} : memref<2x80x128xf32, #tpu.memory_space<vmem>>, vector<1x1x16xf32>,
        %get3A_1575 = vector.shape_cast %get3A_1574 : vector<1x1x16xf32> to vector<16xf32>
        %get3A_1576 = arith.index_cast %select_n3A_169 : i32 to index
        %get3A_1577 = arith.index_cast %add3A_1545 : i32 to index
        %get3A_1578 = arith.constant 96 : index
        %get3A_1579 = tpu.vector_load %arg10[%get3A_1576, %get3A_1577, %get3A_1578] {strides = array<i32>} : memref<2x80x128xf32, #tpu.memory_space<vmem>>, vector<1x1x16xf32>,
        %get3A_1580 = vector.shape_cast %get3A_1579 : vector<1x1x16xf32> to vector<16xf32>
        %get3A_1581 = arith.index_cast %select_n3A_169 : i32 to index
        %get3A_1582 = arith.index_cast %add3A_1545 : i32 to index
        %get3A_1583 = arith.constant 112 : index
        %get3A_1584 = tpu.vector_load %arg10[%get3A_1581, %get3A_1582, %get3A_1583] {strides = array<i32>} : memref<2x80x128xf32, #tpu.memory_space<vmem>>, vector<1x1x16xf32>,
        %get3A_1585 = vector.shape_cast %get3A_1584 : vector<1x1x16xf32> to vector<16xf32>
        %mul3A_1586 = vector.broadcast %squeeze3A_1543 : f32 to vector<16xf32>
        %mul3A_1587 = arith.mulf %get3A_1550, %mul3A_1586 : vector<16xf32>
        %swap3A_1588 = arith.index_cast %select_n3A_169 : i32 to index
        %swap3A_1589 = arith.index_cast %add3A_1545 : i32 to index
        %swap3A_1590 = arith.constant 0 : index
        %swap3A_1591 = tpu.vector_load %arg11[%swap3A_1588, %swap3A_1589, %swap3A_1590] {strides = array<i32>} : memref<2x80x128xf32, #tpu.memory_space<vmem>>, vector<1x1x16xf32>,
        %swap3A_1592 = vector.shape_cast %swap3A_1591 : vector<1x1x16xf32> to vector<16xf32>
        %swap3A_1593 = vector.shape_cast %mul3A_1587 : vector<16xf32> to vector<1x1x16xf32>
        tpu.vector_store %arg11[%swap3A_1588, %swap3A_1589, %swap3A_1590], %swap3A_1593 {strides = array<i32>} : memref<2x80x128xf32, #tpu.memory_space<vmem>>, vector<1x1x16xf32>,
        %mul3A_1594 = vector.broadcast %squeeze3A_1543 : f32 to vector<16xf32>
        %mul3A_1595 = arith.mulf %get3A_1555, %mul3A_1594 : vector<16xf32>
        %swap3A_1596 = arith.index_cast %select_n3A_169 : i32 to index
        %swap3A_1597 = arith.index_cast %add3A_1545 : i32 to index
        %swap3A_1598 = arith.constant 16 : index
        %swap3A_1599 = tpu.vector_load %arg11[%swap3A_1596, %swap3A_1597, %swap3A_1598] {strides = array<i32>} : memref<2x80x128xf32, #tpu.memory_space<vmem>>, vector<1x1x16xf32>,
        %swap3A_1600 = vector.shape_cast %swap3A_1599 : vector<1x1x16xf32> to vector<16xf32>
        %swap3A_1601 = vector.shape_cast %mul3A_1595 : vector<16xf32> to vector<1x1x16xf32>
        tpu.vector_store %arg11[%swap3A_1596, %swap3A_1597, %swap3A_1598], %swap3A_1601 {strides = array<i32>} : memref<2x80x128xf32, #tpu.memory_space<vmem>>, vector<1x1x16xf32>,
        %mul3A_1602 = vector.broadcast %squeeze3A_1543 : f32 to vector<16xf32>
        %mul3A_1603 = arith.mulf %get3A_1560, %mul3A_1602 : vector<16xf32>
        %swap3A_1604 = arith.index_cast %select_n3A_169 : i32 to index
        %swap3A_1605 = arith.index_cast %add3A_1545 : i32 to index
        %swap3A_1606 = arith.constant 32 : index
        %swap3A_1607 = tpu.vector_load %arg11[%swap3A_1604, %swap3A_1605, %swap3A_1606] {strides = array<i32>} : memref<2x80x128xf32, #tpu.memory_space<vmem>>, vector<1x1x16xf32>,
        %swap3A_1608 = vector.shape_cast %swap3A_1607 : vector<1x1x16xf32> to vector<16xf32>
        %swap3A_1609 = vector.shape_cast %mul3A_1603 : vector<16xf32> to vector<1x1x16xf32>
        tpu.vector_store %arg11[%swap3A_1604, %swap3A_1605, %swap3A_1606], %swap3A_1609 {strides = array<i32>} : memref<2x80x128xf32, #tpu.memory_space<vmem>>, vector<1x1x16xf32>,
        %mul3A_1610 = vector.broadcast %squeeze3A_1543 : f32 to vector<16xf32>
        %mul3A_1611 = arith.mulf %get3A_1565, %mul3A_1610 : vector<16xf32>
        %swap3A_1612 = arith.index_cast %select_n3A_169 : i32 to index
        %swap3A_1613 = arith.index_cast %add3A_1545 : i32 to index
        %swap3A_1614 = arith.constant 48 : index
        %swap3A_1615 = tpu.vector_load %arg11[%swap3A_1612, %swap3A_1613, %swap3A_1614] {strides = array<i32>} : memref<2x80x128xf32, #tpu.memory_space<vmem>>, vector<1x1x16xf32>,
        %swap3A_1616 = vector.shape_cast %swap3A_1615 : vector<1x1x16xf32> to vector<16xf32>
        %swap3A_1617 = vector.shape_cast %mul3A_1611 : vector<16xf32> to vector<1x1x16xf32>
        tpu.vector_store %arg11[%swap3A_1612, %swap3A_1613, %swap3A_1614], %swap3A_1617 {strides = array<i32>} : memref<2x80x128xf32, #tpu.memory_space<vmem>>, vector<1x1x16xf32>,
        %mul3A_1618 = vector.broadcast %squeeze3A_1543 : f32 to vector<16xf32>
        %mul3A_1619 = arith.mulf %get3A_1570, %mul3A_1618 : vector<16xf32>
        %swap3A_1620 = arith.index_cast %select_n3A_169 : i32 to index
        %swap3A_1621 = arith.index_cast %add3A_1545 : i32 to index
        %swap3A_1622 = arith.constant 64 : index
        %swap3A_1623 = tpu.vector_load %arg11[%swap3A_1620, %swap3A_1621, %swap3A_1622] {strides = array<i32>} : memref<2x80x128xf32, #tpu.memory_space<vmem>>, vector<1x1x16xf32>,
        %swap3A_1624 = vector.shape_cast %swap3A_1623 : vector<1x1x16xf32> to vector<16xf32>
        %swap3A_1625 = vector.shape_cast %mul3A_1619 : vector<16xf32> to vector<1x1x16xf32>
        tpu.vector_store %arg11[%swap3A_1620, %swap3A_1621, %swap3A_1622], %swap3A_1625 {strides = array<i32>} : memref<2x80x128xf32, #tpu.memory_space<vmem>>, vector<1x1x16xf32>,
        %mul3A_1626 = vector.broadcast %squeeze3A_1543 : f32 to vector<16xf32>
        %mul3A_1627 = arith.mulf %get3A_1575, %mul3A_1626 : vector<16xf32>
        %swap3A_1628 = arith.index_cast %select_n3A_169 : i32 to index
        %swap3A_1629 = arith.index_cast %add3A_1545 : i32 to index
        %swap3A_1630 = arith.constant 80 : index
        %swap3A_1631 = tpu.vector_load %arg11[%swap3A_1628, %swap3A_1629, %swap3A_1630] {strides = array<i32>} : memref<2x80x128xf32, #tpu.memory_space<vmem>>, vector<1x1x16xf32>,
        %swap3A_1632 = vector.shape_cast %swap3A_1631 : vector<1x1x16xf32> to vector<16xf32>
        %swap3A_1633 = vector.shape_cast %mul3A_1627 : vector<16xf32> to vector<1x1x16xf32>
        tpu.vector_store %arg11[%swap3A_1628, %swap3A_1629, %swap3A_1630], %swap3A_1633 {strides = array<i32>} : memref<2x80x128xf32, #tpu.memory_space<vmem>>, vector<1x1x16xf32>,
        %mul3A_1634 = vector.broadcast %squeeze3A_1543 : f32 to vector<16xf32>
        %mul3A_1635 = arith.mulf %get3A_1580, %mul3A_1634 : vector<16xf32>
        %swap3A_1636 = arith.index_cast %select_n3A_169 : i32 to index
        %swap3A_1637 = arith.index_cast %add3A_1545 : i32 to index
        %swap3A_1638 = arith.constant 96 : index
        %swap3A_1639 = tpu.vector_load %arg11[%swap3A_1636, %swap3A_1637, %swap3A_1638] {strides = array<i32>} : memref<2x80x128xf32, #tpu.memory_space<vmem>>, vector<1x1x16xf32>,
        %swap3A_1640 = vector.shape_cast %swap3A_1639 : vector<1x1x16xf32> to vector<16xf32>
        %swap3A_1641 = vector.shape_cast %mul3A_1635 : vector<16xf32> to vector<1x1x16xf32>
        tpu.vector_store %arg11[%swap3A_1636, %swap3A_1637, %swap3A_1638], %swap3A_1641 {strides = array<i32>} : memref<2x80x128xf32, #tpu.memory_space<vmem>>, vector<1x1x16xf32>,
        %mul3A_1642 = vector.broadcast %squeeze3A_1543 : f32 to vector<16xf32>
        %mul3A_1643 = arith.mulf %get3A_1585, %mul3A_1642 : vector<16xf32>
        %swap3A_1644 = arith.index_cast %select_n3A_169 : i32 to index
        %swap3A_1645 = arith.index_cast %add3A_1545 : i32 to index
        %swap3A_1646 = arith.constant 112 : index
        %swap3A_1647 = tpu.vector_load %arg11[%swap3A_1644, %swap3A_1645, %swap3A_1646] {strides = array<i32>} : memref<2x80x128xf32, #tpu.memory_space<vmem>>, vector<1x1x16xf32>,
        %swap3A_1648 = vector.shape_cast %swap3A_1647 : vector<1x1x16xf32> to vector<16xf32>
        %swap3A_1649 = vector.shape_cast %mul3A_1643 : vector<16xf32> to vector<1x1x16xf32>
        tpu.vector_store %arg11[%swap3A_1644, %swap3A_1645, %swap3A_1646], %swap3A_1649 {strides = array<i32>} : memref<2x80x128xf32, #tpu.memory_space<vmem>>, vector<1x1x16xf32>,
        %slice3A_1650 = vector.extract_strided_slice %get3A_246 {offsets = [13], sizes = [1], strides = [1]} : vector<16xf32> to vector<1xf32>
        %squeeze3A_1651 = vector.extract %slice3A_1650[0] : f32 from vector<1xf32>
        %add3A_1652 = arith.constant 13 : i32
        %add3A_1653 = arith.addi %mul3A_248, %add3A_1652 : i32
        %get3A_1654 = arith.index_cast %select_n3A_169 : i32 to index
        %get3A_1655 = arith.index_cast %add3A_1653 : i32 to index
        %get3A_1656 = arith.constant 0 : index
        %get3A_1657 = tpu.vector_load %arg10[%get3A_1654, %get3A_1655, %get3A_1656] {strides = array<i32>} : memref<2x80x128xf32, #tpu.memory_space<vmem>>, vector<1x1x16xf32>,
        %get3A_1658 = vector.shape_cast %get3A_1657 : vector<1x1x16xf32> to vector<16xf32>
        %get3A_1659 = arith.index_cast %select_n3A_169 : i32 to index
        %get3A_1660 = arith.index_cast %add3A_1653 : i32 to index
        %get3A_1661 = arith.constant 16 : index
        %get3A_1662 = tpu.vector_load %arg10[%get3A_1659, %get3A_1660, %get3A_1661] {strides = array<i32>} : memref<2x80x128xf32, #tpu.memory_space<vmem>>, vector<1x1x16xf32>,
        %get3A_1663 = vector.shape_cast %get3A_1662 : vector<1x1x16xf32> to vector<16xf32>
        %get3A_1664 = arith.index_cast %select_n3A_169 : i32 to index
        %get3A_1665 = arith.index_cast %add3A_1653 : i32 to index
        %get3A_1666 = arith.constant 32 : index
        %get3A_1667 = tpu.vector_load %arg10[%get3A_1664, %get3A_1665, %get3A_1666] {strides = array<i32>} : memref<2x80x128xf32, #tpu.memory_space<vmem>>, vector<1x1x16xf32>,
        %get3A_1668 = vector.shape_cast %get3A_1667 : vector<1x1x16xf32> to vector<16xf32>
        %get3A_1669 = arith.index_cast %select_n3A_169 : i32 to index
        %get3A_1670 = arith.index_cast %add3A_1653 : i32 to index
        %get3A_1671 = arith.constant 48 : index
        %get3A_1672 = tpu.vector_load %arg10[%get3A_1669, %get3A_1670, %get3A_1671] {strides = array<i32>} : memref<2x80x128xf32, #tpu.memory_space<vmem>>, vector<1x1x16xf32>,
        %get3A_1673 = vector.shape_cast %get3A_1672 : vector<1x1x16xf32> to vector<16xf32>
        %get3A_1674 = arith.index_cast %select_n3A_169 : i32 to index
        %get3A_1675 = arith.index_cast %add3A_1653 : i32 to index
        %get3A_1676 = arith.constant 64 : index
        %get3A_1677 = tpu.vector_load %arg10[%get3A_1674, %get3A_1675, %get3A_1676] {strides = array<i32>} : memref<2x80x128xf32, #tpu.memory_space<vmem>>, vector<1x1x16xf32>,
        %get3A_1678 = vector.shape_cast %get3A_1677 : vector<1x1x16xf32> to vector<16xf32>
        %get3A_1679 = arith.index_cast %select_n3A_169 : i32 to index
        %get3A_1680 = arith.index_cast %add3A_1653 : i32 to index
        %get3A_1681 = arith.constant 80 : index
        %get3A_1682 = tpu.vector_load %arg10[%get3A_1679, %get3A_1680, %get3A_1681] {strides = array<i32>} : memref<2x80x128xf32, #tpu.memory_space<vmem>>, vector<1x1x16xf32>,
        %get3A_1683 = vector.shape_cast %get3A_1682 : vector<1x1x16xf32> to vector<16xf32>
        %get3A_1684 = arith.index_cast %select_n3A_169 : i32 to index
        %get3A_1685 = arith.index_cast %add3A_1653 : i32 to index
        %get3A_1686 = arith.constant 96 : index
        %get3A_1687 = tpu.vector_load %arg10[%get3A_1684, %get3A_1685, %get3A_1686] {strides = array<i32>} : memref<2x80x128xf32, #tpu.memory_space<vmem>>, vector<1x1x16xf32>,
        %get3A_1688 = vector.shape_cast %get3A_1687 : vector<1x1x16xf32> to vector<16xf32>
        %get3A_1689 = arith.index_cast %select_n3A_169 : i32 to index
        %get3A_1690 = arith.index_cast %add3A_1653 : i32 to index
        %get3A_1691 = arith.constant 112 : index
        %get3A_1692 = tpu.vector_load %arg10[%get3A_1689, %get3A_1690, %get3A_1691] {strides = array<i32>} : memref<2x80x128xf32, #tpu.memory_space<vmem>>, vector<1x1x16xf32>,
        %get3A_1693 = vector.shape_cast %get3A_1692 : vector<1x1x16xf32> to vector<16xf32>
        %mul3A_1694 = vector.broadcast %squeeze3A_1651 : f32 to vector<16xf32>
        %mul3A_1695 = arith.mulf %get3A_1658, %mul3A_1694 : vector<16xf32>
        %swap3A_1696 = arith.index_cast %select_n3A_169 : i32 to index
        %swap3A_1697 = arith.index_cast %add3A_1653 : i32 to index
        %swap3A_1698 = arith.constant 0 : index
        %swap3A_1699 = tpu.vector_load %arg11[%swap3A_1696, %swap3A_1697, %swap3A_1698] {strides = array<i32>} : memref<2x80x128xf32, #tpu.memory_space<vmem>>, vector<1x1x16xf32>,
        %swap3A_1700 = vector.shape_cast %swap3A_1699 : vector<1x1x16xf32> to vector<16xf32>
        %swap3A_1701 = vector.shape_cast %mul3A_1695 : vector<16xf32> to vector<1x1x16xf32>
        tpu.vector_store %arg11[%swap3A_1696, %swap3A_1697, %swap3A_1698], %swap3A_1701 {strides = array<i32>} : memref<2x80x128xf32, #tpu.memory_space<vmem>>, vector<1x1x16xf32>,
        %mul3A_1702 = vector.broadcast %squeeze3A_1651 : f32 to vector<16xf32>
        %mul3A_1703 = arith.mulf %get3A_1663, %mul3A_1702 : vector<16xf32>
        %swap3A_1704 = arith.index_cast %select_n3A_169 : i32 to index
        %swap3A_1705 = arith.index_cast %add3A_1653 : i32 to index
        %swap3A_1706 = arith.constant 16 : index
        %swap3A_1707 = tpu.vector_load %arg11[%swap3A_1704, %swap3A_1705, %swap3A_1706] {strides = array<i32>} : memref<2x80x128xf32, #tpu.memory_space<vmem>>, vector<1x1x16xf32>,
        %swap3A_1708 = vector.shape_cast %swap3A_1707 : vector<1x1x16xf32> to vector<16xf32>
        %swap3A_1709 = vector.shape_cast %mul3A_1703 : vector<16xf32> to vector<1x1x16xf32>
        tpu.vector_store %arg11[%swap3A_1704, %swap3A_1705, %swap3A_1706], %swap3A_1709 {strides = array<i32>} : memref<2x80x128xf32, #tpu.memory_space<vmem>>, vector<1x1x16xf32>,
        %mul3A_1710 = vector.broadcast %squeeze3A_1651 : f32 to vector<16xf32>
        %mul3A_1711 = arith.mulf %get3A_1668, %mul3A_1710 : vector<16xf32>
        %swap3A_1712 = arith.index_cast %select_n3A_169 : i32 to index
        %swap3A_1713 = arith.index_cast %add3A_1653 : i32 to index
        %swap3A_1714 = arith.constant 32 : index
        %swap3A_1715 = tpu.vector_load %arg11[%swap3A_1712, %swap3A_1713, %swap3A_1714] {strides = array<i32>} : memref<2x80x128xf32, #tpu.memory_space<vmem>>, vector<1x1x16xf32>,
        %swap3A_1716 = vector.shape_cast %swap3A_1715 : vector<1x1x16xf32> to vector<16xf32>
        %swap3A_1717 = vector.shape_cast %mul3A_1711 : vector<16xf32> to vector<1x1x16xf32>
        tpu.vector_store %arg11[%swap3A_1712, %swap3A_1713, %swap3A_1714], %swap3A_1717 {strides = array<i32>} : memref<2x80x128xf32, #tpu.memory_space<vmem>>, vector<1x1x16xf32>,
        %mul3A_1718 = vector.broadcast %squeeze3A_1651 : f32 to vector<16xf32>
        %mul3A_1719 = arith.mulf %get3A_1673, %mul3A_1718 : vector<16xf32>
        %swap3A_1720 = arith.index_cast %select_n3A_169 : i32 to index
        %swap3A_1721 = arith.index_cast %add3A_1653 : i32 to index
        %swap3A_1722 = arith.constant 48 : index
        %swap3A_1723 = tpu.vector_load %arg11[%swap3A_1720, %swap3A_1721, %swap3A_1722] {strides = array<i32>} : memref<2x80x128xf32, #tpu.memory_space<vmem>>, vector<1x1x16xf32>,
        %swap3A_1724 = vector.shape_cast %swap3A_1723 : vector<1x1x16xf32> to vector<16xf32>
        %swap3A_1725 = vector.shape_cast %mul3A_1719 : vector<16xf32> to vector<1x1x16xf32>
        tpu.vector_store %arg11[%swap3A_1720, %swap3A_1721, %swap3A_1722], %swap3A_1725 {strides = array<i32>} : memref<2x80x128xf32, #tpu.memory_space<vmem>>, vector<1x1x16xf32>,
        %mul3A_1726 = vector.broadcast %squeeze3A_1651 : f32 to vector<16xf32>
        %mul3A_1727 = arith.mulf %get3A_1678, %mul3A_1726 : vector<16xf32>
        %swap3A_1728 = arith.index_cast %select_n3A_169 : i32 to index
        %swap3A_1729 = arith.index_cast %add3A_1653 : i32 to index
        %swap3A_1730 = arith.constant 64 : index
        %swap3A_1731 = tpu.vector_load %arg11[%swap3A_1728, %swap3A_1729, %swap3A_1730] {strides = array<i32>} : memref<2x80x128xf32, #tpu.memory_space<vmem>>, vector<1x1x16xf32>,
        %swap3A_1732 = vector.shape_cast %swap3A_1731 : vector<1x1x16xf32> to vector<16xf32>
        %swap3A_1733 = vector.shape_cast %mul3A_1727 : vector<16xf32> to vector<1x1x16xf32>
        tpu.vector_store %arg11[%swap3A_1728, %swap3A_1729, %swap3A_1730], %swap3A_1733 {strides = array<i32>} : memref<2x80x128xf32, #tpu.memory_space<vmem>>, vector<1x1x16xf32>,
        %mul3A_1734 = vector.broadcast %squeeze3A_1651 : f32 to vector<16xf32>
        %mul3A_1735 = arith.mulf %get3A_1683, %mul3A_1734 : vector<16xf32>
        %swap3A_1736 = arith.index_cast %select_n3A_169 : i32 to index
        %swap3A_1737 = arith.index_cast %add3A_1653 : i32 to index
        %swap3A_1738 = arith.constant 80 : index
        %swap3A_1739 = tpu.vector_load %arg11[%swap3A_1736, %swap3A_1737, %swap3A_1738] {strides = array<i32>} : memref<2x80x128xf32, #tpu.memory_space<vmem>>, vector<1x1x16xf32>,
        %swap3A_1740 = vector.shape_cast %swap3A_1739 : vector<1x1x16xf32> to vector<16xf32>
        %swap3A_1741 = vector.shape_cast %mul3A_1735 : vector<16xf32> to vector<1x1x16xf32>
        tpu.vector_store %arg11[%swap3A_1736, %swap3A_1737, %swap3A_1738], %swap3A_1741 {strides = array<i32>} : memref<2x80x128xf32, #tpu.memory_space<vmem>>, vector<1x1x16xf32>,
        %mul3A_1742 = vector.broadcast %squeeze3A_1651 : f32 to vector<16xf32>
        %mul3A_1743 = arith.mulf %get3A_1688, %mul3A_1742 : vector<16xf32>
        %swap3A_1744 = arith.index_cast %select_n3A_169 : i32 to index
        %swap3A_1745 = arith.index_cast %add3A_1653 : i32 to index
        %swap3A_1746 = arith.constant 96 : index
        %swap3A_1747 = tpu.vector_load %arg11[%swap3A_1744, %swap3A_1745, %swap3A_1746] {strides = array<i32>} : memref<2x80x128xf32, #tpu.memory_space<vmem>>, vector<1x1x16xf32>,
        %swap3A_1748 = vector.shape_cast %swap3A_1747 : vector<1x1x16xf32> to vector<16xf32>
        %swap3A_1749 = vector.shape_cast %mul3A_1743 : vector<16xf32> to vector<1x1x16xf32>
        tpu.vector_store %arg11[%swap3A_1744, %swap3A_1745, %swap3A_1746], %swap3A_1749 {strides = array<i32>} : memref<2x80x128xf32, #tpu.memory_space<vmem>>, vector<1x1x16xf32>,
        %mul3A_1750 = vector.broadcast %squeeze3A_1651 : f32 to vector<16xf32>
        %mul3A_1751 = arith.mulf %get3A_1693, %mul3A_1750 : vector<16xf32>
        %swap3A_1752 = arith.index_cast %select_n3A_169 : i32 to index
        %swap3A_1753 = arith.index_cast %add3A_1653 : i32 to index
        %swap3A_1754 = arith.constant 112 : index
        %swap3A_1755 = tpu.vector_load %arg11[%swap3A_1752, %swap3A_1753, %swap3A_1754] {strides = array<i32>} : memref<2x80x128xf32, #tpu.memory_space<vmem>>, vector<1x1x16xf32>,
        %swap3A_1756 = vector.shape_cast %swap3A_1755 : vector<1x1x16xf32> to vector<16xf32>
        %swap3A_1757 = vector.shape_cast %mul3A_1751 : vector<16xf32> to vector<1x1x16xf32>
        tpu.vector_store %arg11[%swap3A_1752, %swap3A_1753, %swap3A_1754], %swap3A_1757 {strides = array<i32>} : memref<2x80x128xf32, #tpu.memory_space<vmem>>, vector<1x1x16xf32>,
        %slice3A_1758 = vector.extract_strided_slice %get3A_246 {offsets = [14], sizes = [1], strides = [1]} : vector<16xf32> to vector<1xf32>
        %squeeze3A_1759 = vector.extract %slice3A_1758[0] : f32 from vector<1xf32>
        %add3A_1760 = arith.constant 14 : i32
        %add3A_1761 = arith.addi %mul3A_248, %add3A_1760 : i32
        %get3A_1762 = arith.index_cast %select_n3A_169 : i32 to index
        %get3A_1763 = arith.index_cast %add3A_1761 : i32 to index
        %get3A_1764 = arith.constant 0 : index
        %get3A_1765 = tpu.vector_load %arg10[%get3A_1762, %get3A_1763, %get3A_1764] {strides = array<i32>} : memref<2x80x128xf32, #tpu.memory_space<vmem>>, vector<1x1x16xf32>,
        %get3A_1766 = vector.shape_cast %get3A_1765 : vector<1x1x16xf32> to vector<16xf32>
        %get3A_1767 = arith.index_cast %select_n3A_169 : i32 to index
        %get3A_1768 = arith.index_cast %add3A_1761 : i32 to index
        %get3A_1769 = arith.constant 16 : index
        %get3A_1770 = tpu.vector_load %arg10[%get3A_1767, %get3A_1768, %get3A_1769] {strides = array<i32>} : memref<2x80x128xf32, #tpu.memory_space<vmem>>, vector<1x1x16xf32>,
        %get3A_1771 = vector.shape_cast %get3A_1770 : vector<1x1x16xf32> to vector<16xf32>
        %get3A_1772 = arith.index_cast %select_n3A_169 : i32 to index
        %get3A_1773 = arith.index_cast %add3A_1761 : i32 to index
        %get3A_1774 = arith.constant 32 : index
        %get3A_1775 = tpu.vector_load %arg10[%get3A_1772, %get3A_1773, %get3A_1774] {strides = array<i32>} : memref<2x80x128xf32, #tpu.memory_space<vmem>>, vector<1x1x16xf32>,
        %get3A_1776 = vector.shape_cast %get3A_1775 : vector<1x1x16xf32> to vector<16xf32>
        %get3A_1777 = arith.index_cast %select_n3A_169 : i32 to index
        %get3A_1778 = arith.index_cast %add3A_1761 : i32 to index
        %get3A_1779 = arith.constant 48 : index
        %get3A_1780 = tpu.vector_load %arg10[%get3A_1777, %get3A_1778, %get3A_1779] {strides = array<i32>} : memref<2x80x128xf32, #tpu.memory_space<vmem>>, vector<1x1x16xf32>,
        %get3A_1781 = vector.shape_cast %get3A_1780 : vector<1x1x16xf32> to vector<16xf32>
        %get3A_1782 = arith.index_cast %select_n3A_169 : i32 to index
        %get3A_1783 = arith.index_cast %add3A_1761 : i32 to index
        %get3A_1784 = arith.constant 64 : index
        %get3A_1785 = tpu.vector_load %arg10[%get3A_1782, %get3A_1783, %get3A_1784] {strides = array<i32>} : memref<2x80x128xf32, #tpu.memory_space<vmem>>, vector<1x1x16xf32>,
        %get3A_1786 = vector.shape_cast %get3A_1785 : vector<1x1x16xf32> to vector<16xf32>
        %get3A_1787 = arith.index_cast %select_n3A_169 : i32 to index
        %get3A_1788 = arith.index_cast %add3A_1761 : i32 to index
        %get3A_1789 = arith.constant 80 : index
        %get3A_1790 = tpu.vector_load %arg10[%get3A_1787, %get3A_1788, %get3A_1789] {strides = array<i32>} : memref<2x80x128xf32, #tpu.memory_space<vmem>>, vector<1x1x16xf32>,
        %get3A_1791 = vector.shape_cast %get3A_1790 : vector<1x1x16xf32> to vector<16xf32>
        %get3A_1792 = arith.index_cast %select_n3A_169 : i32 to index
        %get3A_1793 = arith.index_cast %add3A_1761 : i32 to index
        %get3A_1794 = arith.constant 96 : index
        %get3A_1795 = tpu.vector_load %arg10[%get3A_1792, %get3A_1793, %get3A_1794] {strides = array<i32>} : memref<2x80x128xf32, #tpu.memory_space<vmem>>, vector<1x1x16xf32>,
        %get3A_1796 = vector.shape_cast %get3A_1795 : vector<1x1x16xf32> to vector<16xf32>
        %get3A_1797 = arith.index_cast %select_n3A_169 : i32 to index
        %get3A_1798 = arith.index_cast %add3A_1761 : i32 to index
        %get3A_1799 = arith.constant 112 : index
        %get3A_1800 = tpu.vector_load %arg10[%get3A_1797, %get3A_1798, %get3A_1799] {strides = array<i32>} : memref<2x80x128xf32, #tpu.memory_space<vmem>>, vector<1x1x16xf32>,
        %get3A_1801 = vector.shape_cast %get3A_1800 : vector<1x1x16xf32> to vector<16xf32>
        %mul3A_1802 = vector.broadcast %squeeze3A_1759 : f32 to vector<16xf32>
        %mul3A_1803 = arith.mulf %get3A_1766, %mul3A_1802 : vector<16xf32>
        %swap3A_1804 = arith.index_cast %select_n3A_169 : i32 to index
        %swap3A_1805 = arith.index_cast %add3A_1761 : i32 to index
        %swap3A_1806 = arith.constant 0 : index
        %swap3A_1807 = tpu.vector_load %arg11[%swap3A_1804, %swap3A_1805, %swap3A_1806] {strides = array<i32>} : memref<2x80x128xf32, #tpu.memory_space<vmem>>, vector<1x1x16xf32>,
        %swap3A_1808 = vector.shape_cast %swap3A_1807 : vector<1x1x16xf32> to vector<16xf32>
        %swap3A_1809 = vector.shape_cast %mul3A_1803 : vector<16xf32> to vector<1x1x16xf32>
        tpu.vector_store %arg11[%swap3A_1804, %swap3A_1805, %swap3A_1806], %swap3A_1809 {strides = array<i32>} : memref<2x80x128xf32, #tpu.memory_space<vmem>>, vector<1x1x16xf32>,
        %mul3A_1810 = vector.broadcast %squeeze3A_1759 : f32 to vector<16xf32>
        %mul3A_1811 = arith.mulf %get3A_1771, %mul3A_1810 : vector<16xf32>
        %swap3A_1812 = arith.index_cast %select_n3A_169 : i32 to index
        %swap3A_1813 = arith.index_cast %add3A_1761 : i32 to index
        %swap3A_1814 = arith.constant 16 : index
        %swap3A_1815 = tpu.vector_load %arg11[%swap3A_1812, %swap3A_1813, %swap3A_1814] {strides = array<i32>} : memref<2x80x128xf32, #tpu.memory_space<vmem>>, vector<1x1x16xf32>,
        %swap3A_1816 = vector.shape_cast %swap3A_1815 : vector<1x1x16xf32> to vector<16xf32>
        %swap3A_1817 = vector.shape_cast %mul3A_1811 : vector<16xf32> to vector<1x1x16xf32>
        tpu.vector_store %arg11[%swap3A_1812, %swap3A_1813, %swap3A_1814], %swap3A_1817 {strides = array<i32>} : memref<2x80x128xf32, #tpu.memory_space<vmem>>, vector<1x1x16xf32>,
        %mul3A_1818 = vector.broadcast %squeeze3A_1759 : f32 to vector<16xf32>
        %mul3A_1819 = arith.mulf %get3A_1776, %mul3A_1818 : vector<16xf32>
        %swap3A_1820 = arith.index_cast %select_n3A_169 : i32 to index
        %swap3A_1821 = arith.index_cast %add3A_1761 : i32 to index
        %swap3A_1822 = arith.constant 32 : index
        %swap3A_1823 = tpu.vector_load %arg11[%swap3A_1820, %swap3A_1821, %swap3A_1822] {strides = array<i32>} : memref<2x80x128xf32, #tpu.memory_space<vmem>>, vector<1x1x16xf32>,
        %swap3A_1824 = vector.shape_cast %swap3A_1823 : vector<1x1x16xf32> to vector<16xf32>
        %swap3A_1825 = vector.shape_cast %mul3A_1819 : vector<16xf32> to vector<1x1x16xf32>
        tpu.vector_store %arg11[%swap3A_1820, %swap3A_1821, %swap3A_1822], %swap3A_1825 {strides = array<i32>} : memref<2x80x128xf32, #tpu.memory_space<vmem>>, vector<1x1x16xf32>,
        %mul3A_1826 = vector.broadcast %squeeze3A_1759 : f32 to vector<16xf32>
        %mul3A_1827 = arith.mulf %get3A_1781, %mul3A_1826 : vector<16xf32>
        %swap3A_1828 = arith.index_cast %select_n3A_169 : i32 to index
        %swap3A_1829 = arith.index_cast %add3A_1761 : i32 to index
        %swap3A_1830 = arith.constant 48 : index
        %swap3A_1831 = tpu.vector_load %arg11[%swap3A_1828, %swap3A_1829, %swap3A_1830] {strides = array<i32>} : memref<2x80x128xf32, #tpu.memory_space<vmem>>, vector<1x1x16xf32>,
        %swap3A_1832 = vector.shape_cast %swap3A_1831 : vector<1x1x16xf32> to vector<16xf32>
        %swap3A_1833 = vector.shape_cast %mul3A_1827 : vector<16xf32> to vector<1x1x16xf32>
        tpu.vector_store %arg11[%swap3A_1828, %swap3A_1829, %swap3A_1830], %swap3A_1833 {strides = array<i32>} : memref<2x80x128xf32, #tpu.memory_space<vmem>>, vector<1x1x16xf32>,
        %mul3A_1834 = vector.broadcast %squeeze3A_1759 : f32 to vector<16xf32>
        %mul3A_1835 = arith.mulf %get3A_1786, %mul3A_1834 : vector<16xf32>
        %swap3A_1836 = arith.index_cast %select_n3A_169 : i32 to index
        %swap3A_1837 = arith.index_cast %add3A_1761 : i32 to index
        %swap3A_1838 = arith.constant 64 : index
        %swap3A_1839 = tpu.vector_load %arg11[%swap3A_1836, %swap3A_1837, %swap3A_1838] {strides = array<i32>} : memref<2x80x128xf32, #tpu.memory_space<vmem>>, vector<1x1x16xf32>,
        %swap3A_1840 = vector.shape_cast %swap3A_1839 : vector<1x1x16xf32> to vector<16xf32>
        %swap3A_1841 = vector.shape_cast %mul3A_1835 : vector<16xf32> to vector<1x1x16xf32>
        tpu.vector_store %arg11[%swap3A_1836, %swap3A_1837, %swap3A_1838], %swap3A_1841 {strides = array<i32>} : memref<2x80x128xf32, #tpu.memory_space<vmem>>, vector<1x1x16xf32>,
        %mul3A_1842 = vector.broadcast %squeeze3A_1759 : f32 to vector<16xf32>
        %mul3A_1843 = arith.mulf %get3A_1791, %mul3A_1842 : vector<16xf32>
        %swap3A_1844 = arith.index_cast %select_n3A_169 : i32 to index
        %swap3A_1845 = arith.index_cast %add3A_1761 : i32 to index
        %swap3A_1846 = arith.constant 80 : index
        %swap3A_1847 = tpu.vector_load %arg11[%swap3A_1844, %swap3A_1845, %swap3A_1846] {strides = array<i32>} : memref<2x80x128xf32, #tpu.memory_space<vmem>>, vector<1x1x16xf32>,
        %swap3A_1848 = vector.shape_cast %swap3A_1847 : vector<1x1x16xf32> to vector<16xf32>
        %swap3A_1849 = vector.shape_cast %mul3A_1843 : vector<16xf32> to vector<1x1x16xf32>
        tpu.vector_store %arg11[%swap3A_1844, %swap3A_1845, %swap3A_1846], %swap3A_1849 {strides = array<i32>} : memref<2x80x128xf32, #tpu.memory_space<vmem>>, vector<1x1x16xf32>,
        %mul3A_1850 = vector.broadcast %squeeze3A_1759 : f32 to vector<16xf32>
        %mul3A_1851 = arith.mulf %get3A_1796, %mul3A_1850 : vector<16xf32>
        %swap3A_1852 = arith.index_cast %select_n3A_169 : i32 to index
        %swap3A_1853 = arith.index_cast %add3A_1761 : i32 to index
        %swap3A_1854 = arith.constant 96 : index
        %swap3A_1855 = tpu.vector_load %arg11[%swap3A_1852, %swap3A_1853, %swap3A_1854] {strides = array<i32>} : memref<2x80x128xf32, #tpu.memory_space<vmem>>, vector<1x1x16xf32>,
        %swap3A_1856 = vector.shape_cast %swap3A_1855 : vector<1x1x16xf32> to vector<16xf32>
        %swap3A_1857 = vector.shape_cast %mul3A_1851 : vector<16xf32> to vector<1x1x16xf32>
        tpu.vector_store %arg11[%swap3A_1852, %swap3A_1853, %swap3A_1854], %swap3A_1857 {strides = array<i32>} : memref<2x80x128xf32, #tpu.memory_space<vmem>>, vector<1x1x16xf32>,
        %mul3A_1858 = vector.broadcast %squeeze3A_1759 : f32 to vector<16xf32>
        %mul3A_1859 = arith.mulf %get3A_1801, %mul3A_1858 : vector<16xf32>
        %swap3A_1860 = arith.index_cast %select_n3A_169 : i32 to index
        %swap3A_1861 = arith.index_cast %add3A_1761 : i32 to index
        %swap3A_1862 = arith.constant 112 : index
        %swap3A_1863 = tpu.vector_load %arg11[%swap3A_1860, %swap3A_1861, %swap3A_1862] {strides = array<i32>} : memref<2x80x128xf32, #tpu.memory_space<vmem>>, vector<1x1x16xf32>,
        %swap3A_1864 = vector.shape_cast %swap3A_1863 : vector<1x1x16xf32> to vector<16xf32>
        %swap3A_1865 = vector.shape_cast %mul3A_1859 : vector<16xf32> to vector<1x1x16xf32>
        tpu.vector_store %arg11[%swap3A_1860, %swap3A_1861, %swap3A_1862], %swap3A_1865 {strides = array<i32>} : memref<2x80x128xf32, #tpu.memory_space<vmem>>, vector<1x1x16xf32>,
        %slice3A_1866 = vector.extract_strided_slice %get3A_246 {offsets = [15], sizes = [1], strides = [1]} : vector<16xf32> to vector<1xf32>
        %squeeze3A_1867 = vector.extract %slice3A_1866[0] : f32 from vector<1xf32>
        %add3A_1868 = arith.constant 15 : i32
        %add3A_1869 = arith.addi %mul3A_248, %add3A_1868 : i32
        %get3A_1870 = arith.index_cast %select_n3A_169 : i32 to index
        %get3A_1871 = arith.index_cast %add3A_1869 : i32 to index
        %get3A_1872 = arith.constant 0 : index
        %get3A_1873 = tpu.vector_load %arg10[%get3A_1870, %get3A_1871, %get3A_1872] {strides = array<i32>} : memref<2x80x128xf32, #tpu.memory_space<vmem>>, vector<1x1x16xf32>,
        %get3A_1874 = vector.shape_cast %get3A_1873 : vector<1x1x16xf32> to vector<16xf32>
        %get3A_1875 = arith.index_cast %select_n3A_169 : i32 to index
        %get3A_1876 = arith.index_cast %add3A_1869 : i32 to index
        %get3A_1877 = arith.constant 16 : index
        %get3A_1878 = tpu.vector_load %arg10[%get3A_1875, %get3A_1876, %get3A_1877] {strides = array<i32>} : memref<2x80x128xf32, #tpu.memory_space<vmem>>, vector<1x1x16xf32>,
        %get3A_1879 = vector.shape_cast %get3A_1878 : vector<1x1x16xf32> to vector<16xf32>
        %get3A_1880 = arith.index_cast %select_n3A_169 : i32 to index
        %get3A_1881 = arith.index_cast %add3A_1869 : i32 to index
        %get3A_1882 = arith.constant 32 : index
        %get3A_1883 = tpu.vector_load %arg10[%get3A_1880, %get3A_1881, %get3A_1882] {strides = array<i32>} : memref<2x80x128xf32, #tpu.memory_space<vmem>>, vector<1x1x16xf32>,
        %get3A_1884 = vector.shape_cast %get3A_1883 : vector<1x1x16xf32> to vector<16xf32>
        %get3A_1885 = arith.index_cast %select_n3A_169 : i32 to index
        %get3A_1886 = arith.index_cast %add3A_1869 : i32 to index
        %get3A_1887 = arith.constant 48 : index
        %get3A_1888 = tpu.vector_load %arg10[%get3A_1885, %get3A_1886, %get3A_1887] {strides = array<i32>} : memref<2x80x128xf32, #tpu.memory_space<vmem>>, vector<1x1x16xf32>,
        %get3A_1889 = vector.shape_cast %get3A_1888 : vector<1x1x16xf32> to vector<16xf32>
        %get3A_1890 = arith.index_cast %select_n3A_169 : i32 to index
        %get3A_1891 = arith.index_cast %add3A_1869 : i32 to index
        %get3A_1892 = arith.constant 64 : index
        %get3A_1893 = tpu.vector_load %arg10[%get3A_1890, %get3A_1891, %get3A_1892] {strides = array<i32>} : memref<2x80x128xf32, #tpu.memory_space<vmem>>, vector<1x1x16xf32>,
        %get3A_1894 = vector.shape_cast %get3A_1893 : vector<1x1x16xf32> to vector<16xf32>
        %get3A_1895 = arith.index_cast %select_n3A_169 : i32 to index
        %get3A_1896 = arith.index_cast %add3A_1869 : i32 to index
        %get3A_1897 = arith.constant 80 : index
        %get3A_1898 = tpu.vector_load %arg10[%get3A_1895, %get3A_1896, %get3A_1897] {strides = array<i32>} : memref<2x80x128xf32, #tpu.memory_space<vmem>>, vector<1x1x16xf32>,
        %get3A_1899 = vector.shape_cast %get3A_1898 : vector<1x1x16xf32> to vector<16xf32>
        %get3A_1900 = arith.index_cast %select_n3A_169 : i32 to index
        %get3A_1901 = arith.index_cast %add3A_1869 : i32 to index
        %get3A_1902 = arith.constant 96 : index
        %get3A_1903 = tpu.vector_load %arg10[%get3A_1900, %get3A_1901, %get3A_1902] {strides = array<i32>} : memref<2x80x128xf32, #tpu.memory_space<vmem>>, vector<1x1x16xf32>,
        %get3A_1904 = vector.shape_cast %get3A_1903 : vector<1x1x16xf32> to vector<16xf32>
        %get3A_1905 = arith.index_cast %select_n3A_169 : i32 to index
        %get3A_1906 = arith.index_cast %add3A_1869 : i32 to index
        %get3A_1907 = arith.constant 112 : index
        %get3A_1908 = tpu.vector_load %arg10[%get3A_1905, %get3A_1906, %get3A_1907] {strides = array<i32>} : memref<2x80x128xf32, #tpu.memory_space<vmem>>, vector<1x1x16xf32>,
        %get3A_1909 = vector.shape_cast %get3A_1908 : vector<1x1x16xf32> to vector<16xf32>
        %mul3A_1910 = vector.broadcast %squeeze3A_1867 : f32 to vector<16xf32>
        %mul3A_1911 = arith.mulf %get3A_1874, %mul3A_1910 : vector<16xf32>
        %swap3A_1912 = arith.index_cast %select_n3A_169 : i32 to index
        %swap3A_1913 = arith.index_cast %add3A_1869 : i32 to index
        %swap3A_1914 = arith.constant 0 : index
        %swap3A_1915 = tpu.vector_load %arg11[%swap3A_1912, %swap3A_1913, %swap3A_1914] {strides = array<i32>} : memref<2x80x128xf32, #tpu.memory_space<vmem>>, vector<1x1x16xf32>,
        %swap3A_1916 = vector.shape_cast %swap3A_1915 : vector<1x1x16xf32> to vector<16xf32>
        %swap3A_1917 = vector.shape_cast %mul3A_1911 : vector<16xf32> to vector<1x1x16xf32>
        tpu.vector_store %arg11[%swap3A_1912, %swap3A_1913, %swap3A_1914], %swap3A_1917 {strides = array<i32>} : memref<2x80x128xf32, #tpu.memory_space<vmem>>, vector<1x1x16xf32>,
        %mul3A_1918 = vector.broadcast %squeeze3A_1867 : f32 to vector<16xf32>
        %mul3A_1919 = arith.mulf %get3A_1879, %mul3A_1918 : vector<16xf32>
        %swap3A_1920 = arith.index_cast %select_n3A_169 : i32 to index
        %swap3A_1921 = arith.index_cast %add3A_1869 : i32 to index
        %swap3A_1922 = arith.constant 16 : index
        %swap3A_1923 = tpu.vector_load %arg11[%swap3A_1920, %swap3A_1921, %swap3A_1922] {strides = array<i32>} : memref<2x80x128xf32, #tpu.memory_space<vmem>>, vector<1x1x16xf32>,
        %swap3A_1924 = vector.shape_cast %swap3A_1923 : vector<1x1x16xf32> to vector<16xf32>
        %swap3A_1925 = vector.shape_cast %mul3A_1919 : vector<16xf32> to vector<1x1x16xf32>
        tpu.vector_store %arg11[%swap3A_1920, %swap3A_1921, %swap3A_1922], %swap3A_1925 {strides = array<i32>} : memref<2x80x128xf32, #tpu.memory_space<vmem>>, vector<1x1x16xf32>,
        %mul3A_1926 = vector.broadcast %squeeze3A_1867 : f32 to vector<16xf32>
        %mul3A_1927 = arith.mulf %get3A_1884, %mul3A_1926 : vector<16xf32>
        %swap3A_1928 = arith.index_cast %select_n3A_169 : i32 to index
        %swap3A_1929 = arith.index_cast %add3A_1869 : i32 to index
        %swap3A_1930 = arith.constant 32 : index
        %swap3A_1931 = tpu.vector_load %arg11[%swap3A_1928, %swap3A_1929, %swap3A_1930] {strides = array<i32>} : memref<2x80x128xf32, #tpu.memory_space<vmem>>, vector<1x1x16xf32>,
        %swap3A_1932 = vector.shape_cast %swap3A_1931 : vector<1x1x16xf32> to vector<16xf32>
        %swap3A_1933 = vector.shape_cast %mul3A_1927 : vector<16xf32> to vector<1x1x16xf32>
        tpu.vector_store %arg11[%swap3A_1928, %swap3A_1929, %swap3A_1930], %swap3A_1933 {strides = array<i32>} : memref<2x80x128xf32, #tpu.memory_space<vmem>>, vector<1x1x16xf32>,
        %mul3A_1934 = vector.broadcast %squeeze3A_1867 : f32 to vector<16xf32>
        %mul3A_1935 = arith.mulf %get3A_1889, %mul3A_1934 : vector<16xf32>
        %swap3A_1936 = arith.index_cast %select_n3A_169 : i32 to index
        %swap3A_1937 = arith.index_cast %add3A_1869 : i32 to index
        %swap3A_1938 = arith.constant 48 : index
        %swap3A_1939 = tpu.vector_load %arg11[%swap3A_1936, %swap3A_1937, %swap3A_1938] {strides = array<i32>} : memref<2x80x128xf32, #tpu.memory_space<vmem>>, vector<1x1x16xf32>,
        %swap3A_1940 = vector.shape_cast %swap3A_1939 : vector<1x1x16xf32> to vector<16xf32>
        %swap3A_1941 = vector.shape_cast %mul3A_1935 : vector<16xf32> to vector<1x1x16xf32>
        tpu.vector_store %arg11[%swap3A_1936, %swap3A_1937, %swap3A_1938], %swap3A_1941 {strides = array<i32>} : memref<2x80x128xf32, #tpu.memory_space<vmem>>, vector<1x1x16xf32>,
        %mul3A_1942 = vector.broadcast %squeeze3A_1867 : f32 to vector<16xf32>
        %mul3A_1943 = arith.mulf %get3A_1894, %mul3A_1942 : vector<16xf32>
        %swap3A_1944 = arith.index_cast %select_n3A_169 : i32 to index
        %swap3A_1945 = arith.index_cast %add3A_1869 : i32 to index
        %swap3A_1946 = arith.constant 64 : index
        %swap3A_1947 = tpu.vector_load %arg11[%swap3A_1944, %swap3A_1945, %swap3A_1946] {strides = array<i32>} : memref<2x80x128xf32, #tpu.memory_space<vmem>>, vector<1x1x16xf32>,
        %swap3A_1948 = vector.shape_cast %swap3A_1947 : vector<1x1x16xf32> to vector<16xf32>
        %swap3A_1949 = vector.shape_cast %mul3A_1943 : vector<16xf32> to vector<1x1x16xf32>
        tpu.vector_store %arg11[%swap3A_1944, %swap3A_1945, %swap3A_1946], %swap3A_1949 {strides = array<i32>} : memref<2x80x128xf32, #tpu.memory_space<vmem>>, vector<1x1x16xf32>,
        %mul3A_1950 = vector.broadcast %squeeze3A_1867 : f32 to vector<16xf32>
        %mul3A_1951 = arith.mulf %get3A_1899, %mul3A_1950 : vector<16xf32>
        %swap3A_1952 = arith.index_cast %select_n3A_169 : i32 to index
        %swap3A_1953 = arith.index_cast %add3A_1869 : i32 to index
        %swap3A_1954 = arith.constant 80 : index
        %swap3A_1955 = tpu.vector_load %arg11[%swap3A_1952, %swap3A_1953, %swap3A_1954] {strides = array<i32>} : memref<2x80x128xf32, #tpu.memory_space<vmem>>, vector<1x1x16xf32>,
        %swap3A_1956 = vector.shape_cast %swap3A_1955 : vector<1x1x16xf32> to vector<16xf32>
        %swap3A_1957 = vector.shape_cast %mul3A_1951 : vector<16xf32> to vector<1x1x16xf32>
        tpu.vector_store %arg11[%swap3A_1952, %swap3A_1953, %swap3A_1954], %swap3A_1957 {strides = array<i32>} : memref<2x80x128xf32, #tpu.memory_space<vmem>>, vector<1x1x16xf32>,
        %mul3A_1958 = vector.broadcast %squeeze3A_1867 : f32 to vector<16xf32>
        %mul3A_1959 = arith.mulf %get3A_1904, %mul3A_1958 : vector<16xf32>
        %swap3A_1960 = arith.index_cast %select_n3A_169 : i32 to index
        %swap3A_1961 = arith.index_cast %add3A_1869 : i32 to index
        %swap3A_1962 = arith.constant 96 : index
        %swap3A_1963 = tpu.vector_load %arg11[%swap3A_1960, %swap3A_1961, %swap3A_1962] {strides = array<i32>} : memref<2x80x128xf32, #tpu.memory_space<vmem>>, vector<1x1x16xf32>,
        %swap3A_1964 = vector.shape_cast %swap3A_1963 : vector<1x1x16xf32> to vector<16xf32>
        %swap3A_1965 = vector.shape_cast %mul3A_1959 : vector<16xf32> to vector<1x1x16xf32>
        tpu.vector_store %arg11[%swap3A_1960, %swap3A_1961, %swap3A_1962], %swap3A_1965 {strides = array<i32>} : memref<2x80x128xf32, #tpu.memory_space<vmem>>, vector<1x1x16xf32>,
        %mul3A_1966 = vector.broadcast %squeeze3A_1867 : f32 to vector<16xf32>
        %mul3A_1967 = arith.mulf %get3A_1909, %mul3A_1966 : vector<16xf32>
        %swap3A_1968 = arith.index_cast %select_n3A_169 : i32 to index
        %swap3A_1969 = arith.index_cast %add3A_1869 : i32 to index
        %swap3A_1970 = arith.constant 112 : index
        %swap3A_1971 = tpu.vector_load %arg11[%swap3A_1968, %swap3A_1969, %swap3A_1970] {strides = array<i32>} : memref<2x80x128xf32, #tpu.memory_space<vmem>>, vector<1x1x16xf32>,
        %swap3A_1972 = vector.shape_cast %swap3A_1971 : vector<1x1x16xf32> to vector<16xf32>
        %swap3A_1973 = vector.shape_cast %mul3A_1967 : vector<16xf32> to vector<1x1x16xf32>
        tpu.vector_store %arg11[%swap3A_1968, %swap3A_1969, %swap3A_1970], %swap3A_1973 {strides = array<i32>} : memref<2x80x128xf32, #tpu.memory_space<vmem>>, vector<1x1x16xf32>,
      }
      %scan3A_230 = arith.constant 5 : i32
      %dma_start3A_231 = arith.constant 0 : i32
      %dma_start3A_232 = arith.constant 0 : i32
      %dma_start3A_233 = tpu.memref_slice %arg11[%select_n3A_169, %dma_start3A_231, %dma_start3A_232] : memref<2x80x128xf32, #tpu.memory_space<vmem>> -> memref<1x80x128xf32, #tpu.memory_space<vmem>>
      %dma_start3A_234 = tpu.memref_squeeze %dma_start3A_233 : memref<1x80x128xf32, #tpu.memory_space<vmem>> -> memref<80x128xf32, #tpu.memory_space<vmem>>
      %dma_start3A_235 = arith.constant 0 : i32
      %dma_start3A_236 = tpu.memref_slice %arg8[%select_n3A_224, %dma_start3A_235] : memref<3x80xi32, #tpu.memory_space<vmem>> -> memref<1x80xi32, #tpu.memory_space<vmem>>
      %dma_start3A_237 = tpu.memref_squeeze %dma_start3A_236 : memref<1x80xi32, #tpu.memory_space<vmem>> -> memref<80xi32, #tpu.memory_space<vmem>>
      %dma_start3A_238 = arith.constant 0 : i32
      %dma_start3A_239 = arith.constant 0 : i32
      %dma_start3A_240 = tpu.memref_slice %arg6[%dma_start3A_238, %dma_start3A_239] : memref<10000x128xf32, #tpu.memory_space<vmem_shared>> -> memref<10000x128xf32, #tpu.memory_space<vmem_shared>>
      tpu.enqueue_indirect_dma source(%dma_start3A_234 : memref<80x128xf32, #tpu.memory_space<vmem>>) target(%dma_start3A_240 : memref<10000x128xf32, #tpu.memory_space<vmem_shared>>) offsets(%dma_start3A_237 : memref<80xi32, #tpu.memory_space<vmem>>) semaphore(%arg14 : memref<!tpu.dma_semaphore, #tpu.memory_space<semaphore_mem>>) {add = true}
    }
    %scan3A_91 = arith.constant 125 : i32
    %dma_wait3A = arith.constant 0 : i32
    %dma_wait3A_92 = arith.constant 0 : i32
    %dma_wait3A_93 = arith.constant 0 : i32
    %dma_wait3A_94 = arith.constant 0 : i32
    %dma_wait3A_95 = tpu.memref_slice %arg11[%dma_wait3A_92, %dma_wait3A_93, %dma_wait3A_94] : memref<2x80x128xf32, #tpu.memory_space<vmem>> -> memref<1x80x128xf32, #tpu.memory_space<vmem>>
    %dma_wait3A_96 = tpu.memref_squeeze %dma_wait3A_95 : memref<1x80x128xf32, #tpu.memory_space<vmem>> -> memref<80x128xf32, #tpu.memory_space<vmem>>
    %dma_wait3A_97 = arith.constant 0 : i32
    %dma_wait3A_98 = arith.constant 0 : i32
    %dma_wait3A_99 = tpu.memref_slice %arg2[%dma_wait3A, %dma_wait3A_97, %dma_wait3A_98] : memref<2x10000x128xf32, #tpu.memory_space<hbm>> -> memref<1x80x128xf32, #tpu.memory_space<hbm>>
    %dma_wait3A_100 = tpu.memref_squeeze %dma_wait3A_99 : memref<1x80x128xf32, #tpu.memory_space<hbm>> -> memref<80x128xf32, #tpu.memory_space<hbm>>
    %dma_wait3A_101 = arith.constant 0 : i32
    %dma_wait3A_102 = arith.constant 0 : i32
    %dma_wait3A_103 = tpu.memref_slice %arg11[%dma_wait3A_92, %dma_wait3A_101, %dma_wait3A_102] : memref<2x80x128xf32, #tpu.memory_space<vmem>> -> memref<1x80x128xf32, #tpu.memory_space<vmem>>
    %dma_wait3A_104 = tpu.memref_squeeze %dma_wait3A_103 : memref<1x80x128xf32, #tpu.memory_space<vmem>> -> memref<80x128xf32, #tpu.memory_space<vmem>>
    %dma_wait3A_105 = arith.constant 0 : i32
    %dma_wait3A_106 = arith.constant 0 : i32
    %dma_wait3A_107 = tpu.memref_slice %arg2[%dma_wait3A, %dma_wait3A_105, %dma_wait3A_106] : memref<2x10000x128xf32, #tpu.memory_space<hbm>> -> memref<1x80x128xf32, #tpu.memory_space<hbm>>
    %dma_wait3A_108 = tpu.memref_squeeze %dma_wait3A_107 : memref<1x80x128xf32, #tpu.memory_space<hbm>> -> memref<80x128xf32, #tpu.memory_space<hbm>>
    tpu.wait_dma2 semaphore(%arg14 : memref<!tpu.dma_semaphore, #tpu.memory_space<semaphore_mem>>) src(%dma_wait3A_108 : memref<80x128xf32, #tpu.memory_space<hbm>>) dst(%dma_wait3A_104 : memref<80x128xf32, #tpu.memory_space<vmem>>)
    %dma_wait3A_109 = arith.constant 0 : i32
    %dma_wait3A_110 = arith.constant 1 : i32
    %dma_wait3A_111 = arith.constant 0 : i32
    %dma_wait3A_112 = arith.constant 0 : i32
    %dma_wait3A_113 = tpu.memref_slice %arg11[%dma_wait3A_110, %dma_wait3A_111, %dma_wait3A_112] : memref<2x80x128xf32, #tpu.memory_space<vmem>> -> memref<1x80x128xf32, #tpu.memory_space<vmem>>
    %dma_wait3A_114 = tpu.memref_squeeze %dma_wait3A_113 : memref<1x80x128xf32, #tpu.memory_space<vmem>> -> memref<80x128xf32, #tpu.memory_space<vmem>>
    %dma_wait3A_115 = arith.constant 0 : i32
    %dma_wait3A_116 = arith.constant 0 : i32
    %dma_wait3A_117 = tpu.memref_slice %arg2[%dma_wait3A_109, %dma_wait3A_115, %dma_wait3A_116] : memref<2x10000x128xf32, #tpu.memory_space<hbm>> -> memref<1x80x128xf32, #tpu.memory_space<hbm>>
    %dma_wait3A_118 = tpu.memref_squeeze %dma_wait3A_117 : memref<1x80x128xf32, #tpu.memory_space<hbm>> -> memref<80x128xf32, #tpu.memory_space<hbm>>
    %dma_wait3A_119 = arith.constant 0 : i32
    %dma_wait3A_120 = arith.constant 0 : i32
    %dma_wait3A_121 = tpu.memref_slice %arg11[%dma_wait3A_110, %dma_wait3A_119, %dma_wait3A_120] : memref<2x80x128xf32, #tpu.memory_space<vmem>> -> memref<1x80x128xf32, #tpu.memory_space<vmem>>
    %dma_wait3A_122 = tpu.memref_squeeze %dma_wait3A_121 : memref<1x80x128xf32, #tpu.memory_space<vmem>> -> memref<80x128xf32, #tpu.memory_space<vmem>>
    %dma_wait3A_123 = arith.constant 0 : i32
    %dma_wait3A_124 = arith.constant 0 : i32
    %dma_wait3A_125 = tpu.memref_slice %arg2[%dma_wait3A_109, %dma_wait3A_123, %dma_wait3A_124] : memref<2x10000x128xf32, #tpu.memory_space<hbm>> -> memref<1x80x128xf32, #tpu.memory_space<hbm>>
    %dma_wait3A_126 = tpu.memref_squeeze %dma_wait3A_125 : memref<1x80x128xf32, #tpu.memory_space<hbm>> -> memref<80x128xf32, #tpu.memory_space<hbm>>
    tpu.wait_dma2 semaphore(%arg14 : memref<!tpu.dma_semaphore, #tpu.memory_space<semaphore_mem>>) src(%dma_wait3A_126 : memref<80x128xf32, #tpu.memory_space<hbm>>) dst(%dma_wait3A_122 : memref<80x128xf32, #tpu.memory_space<vmem>>)
    %barrier3A_127 = arith.constant 0 : index
    tpu.barrier barrier_id(%barrier3A_127)
    %eq3A = arith.constant 0 : i32
    %eq3A_128 = arith.cmpi eq, %arg0, %eq3A : i32
    %lt3A_129 = arith.constant 15 : i32
    %lt3A_130 = arith.cmpi slt, %arg1, %lt3A_129 : i32
    %and3A = arith.andi %eq3A_128, %lt3A_130 : i1
    %convert_element_type3A = arith.extui %and3A : i1 to i32
    %cond3A = arith.constant 0 : i32
    %cond3A_131 = arith.cmpi ne, %convert_element_type3A, %cond3A : i32
    scf.if %cond3A_131 {
      "tpu.region"() ({
        %run_scoped3A_156 = tpu.sem_alloc : memref<!tpu.dma_semaphore, #tpu.memory_space<semaphore_mem>>
        %dma_start3A_157 = arith.constant 0 : i32
        %dma_start3A_158 = tpu.memref_slice %arg5[%mul3A_5, %dma_start3A_157] : memref<10000x256xf32, #tpu.memory_space<hbm>> -> memref<640x128xf32, #tpu.memory_space<hbm>>
        %dma_start3A_159 = arith.constant 0 : i32
        %dma_start3A_160 = tpu.memref_slice %arg6[%mul3A_5, %dma_start3A_159] : memref<10000x128xf32, #tpu.memory_space<vmem_shared>> -> memref<640x128xf32, #tpu.memory_space<vmem_shared>>
        tpu.enqueue_dma source(%dma_start3A_160 : memref<640x128xf32, #tpu.memory_space<vmem_shared>>) target(%dma_start3A_158 : memref<640x128xf32, #tpu.memory_space<hbm>>) target_semaphore(%run_scoped3A_156 : memref<!tpu.dma_semaphore, #tpu.memory_space<semaphore_mem>>)
        %dma_wait3A_161 = arith.constant 0 : i32
        %dma_wait3A_162 = tpu.memref_slice %arg5[%mul3A_5, %dma_wait3A_161] : memref<10000x256xf32, #tpu.memory_space<hbm>> -> memref<640x128xf32, #tpu.memory_space<hbm>>
        %dma_wait3A_163 = arith.constant 0 : i32
        %dma_wait3A_164 = tpu.memref_slice %arg6[%mul3A_5, %dma_wait3A_163] : memref<10000x128xf32, #tpu.memory_space<vmem_shared>> -> memref<640x128xf32, #tpu.memory_space<vmem_shared>>
        tpu.wait_dma2 semaphore(%run_scoped3A_156 : memref<!tpu.dma_semaphore, #tpu.memory_space<semaphore_mem>>) src(%dma_wait3A_164 : memref<640x128xf32, #tpu.memory_space<vmem_shared>>) dst(%dma_wait3A_162 : memref<640x128xf32, #tpu.memory_space<hbm>>)
        tpu.yield
      }) : () -> ()
    } else {
    }
    %eq3A_132 = arith.constant 0 : i32
    %eq3A_133 = arith.cmpi eq, %arg0, %eq3A_132 : i32
    %eq3A_134 = arith.constant 15 : i32
    %eq3A_135 = arith.cmpi eq, %arg1, %eq3A_134 : i32
    %and3A_136 = arith.andi %eq3A_133, %eq3A_135 : i1
    %convert_element_type3A_137 = arith.extui %and3A_136 : i1 to i32
    %cond3A_138 = arith.constant 0 : i32
    %cond3A_139 = arith.cmpi ne, %convert_element_type3A_137, %cond3A_138 : i32
    scf.if %cond3A_139 {
      "tpu.region"() ({
        %run_scoped3A_156 = tpu.sem_alloc : memref<!tpu.dma_semaphore, #tpu.memory_space<semaphore_mem>>
        %dma_start3A_157 = arith.constant 0 : i32
        %dma_start3A_158 = tpu.memref_slice %arg5[%mul3A_5, %dma_start3A_157] : memref<10000x256xf32, #tpu.memory_space<hbm>> -> memref<400x128xf32, #tpu.memory_space<hbm>>
        %dma_start3A_159 = arith.constant 0 : i32
        %dma_start3A_160 = tpu.memref_slice %arg6[%mul3A_5, %dma_start3A_159] : memref<10000x128xf32, #tpu.memory_space<vmem_shared>> -> memref<400x128xf32, #tpu.memory_space<vmem_shared>>
        tpu.enqueue_dma source(%dma_start3A_160 : memref<400x128xf32, #tpu.memory_space<vmem_shared>>) target(%dma_start3A_158 : memref<400x128xf32, #tpu.memory_space<hbm>>) target_semaphore(%run_scoped3A_156 : memref<!tpu.dma_semaphore, #tpu.memory_space<semaphore_mem>>)
        %dma_wait3A_161 = arith.constant 0 : i32
        %dma_wait3A_162 = tpu.memref_slice %arg5[%mul3A_5, %dma_wait3A_161] : memref<10000x256xf32, #tpu.memory_space<hbm>> -> memref<400x128xf32, #tpu.memory_space<hbm>>
        %dma_wait3A_163 = arith.constant 0 : i32
        %dma_wait3A_164 = tpu.memref_slice %arg6[%mul3A_5, %dma_wait3A_163] : memref<10000x128xf32, #tpu.memory_space<vmem_shared>> -> memref<400x128xf32, #tpu.memory_space<vmem_shared>>
        tpu.wait_dma2 semaphore(%run_scoped3A_156 : memref<!tpu.dma_semaphore, #tpu.memory_space<semaphore_mem>>) src(%dma_wait3A_164 : memref<400x128xf32, #tpu.memory_space<vmem_shared>>) dst(%dma_wait3A_162 : memref<400x128xf32, #tpu.memory_space<hbm>>)
        tpu.yield
      }) : () -> ()
    } else {
    }
    %eq3A_140 = arith.constant 1 : i32
    %eq3A_141 = arith.cmpi eq, %arg0, %eq3A_140 : i32
    %lt3A_142 = arith.constant 15 : i32
    %lt3A_143 = arith.cmpi slt, %arg1, %lt3A_142 : i32
    %and3A_144 = arith.andi %eq3A_141, %lt3A_143 : i1
    %convert_element_type3A_145 = arith.extui %and3A_144 : i1 to i32
    %cond3A_146 = arith.constant 0 : i32
    %cond3A_147 = arith.cmpi ne, %convert_element_type3A_145, %cond3A_146 : i32
    scf.if %cond3A_147 {
      "tpu.region"() ({
        %run_scoped3A_156 = tpu.sem_alloc : memref<!tpu.dma_semaphore, #tpu.memory_space<semaphore_mem>>
        %dma_start3A_157 = arith.constant 128 : i32
        %dma_start3A_158 = tpu.memref_slice %arg5[%mul3A_5, %dma_start3A_157] : memref<10000x256xf32, #tpu.memory_space<hbm>> -> memref<640x128xf32, #tpu.memory_space<hbm>>
        %dma_start3A_159 = arith.constant 0 : i32
        %dma_start3A_160 = tpu.memref_slice %arg6[%mul3A_5, %dma_start3A_159] : memref<10000x128xf32, #tpu.memory_space<vmem_shared>> -> memref<640x128xf32, #tpu.memory_space<vmem_shared>>
        tpu.enqueue_dma source(%dma_start3A_160 : memref<640x128xf32, #tpu.memory_space<vmem_shared>>) target(%dma_start3A_158 : memref<640x128xf32, #tpu.memory_space<hbm>>) target_semaphore(%run_scoped3A_156 : memref<!tpu.dma_semaphore, #tpu.memory_space<semaphore_mem>>)
        %dma_wait3A_161 = arith.constant 128 : i32
        %dma_wait3A_162 = tpu.memref_slice %arg5[%mul3A_5, %dma_wait3A_161] : memref<10000x256xf32, #tpu.memory_space<hbm>> -> memref<640x128xf32, #tpu.memory_space<hbm>>
        %dma_wait3A_163 = arith.constant 0 : i32
        %dma_wait3A_164 = tpu.memref_slice %arg6[%mul3A_5, %dma_wait3A_163] : memref<10000x128xf32, #tpu.memory_space<vmem_shared>> -> memref<640x128xf32, #tpu.memory_space<vmem_shared>>
        tpu.wait_dma2 semaphore(%run_scoped3A_156 : memref<!tpu.dma_semaphore, #tpu.memory_space<semaphore_mem>>) src(%dma_wait3A_164 : memref<640x128xf32, #tpu.memory_space<vmem_shared>>) dst(%dma_wait3A_162 : memref<640x128xf32, #tpu.memory_space<hbm>>)
        tpu.yield
      }) : () -> ()
    } else {
    }
    %eq3A_148 = arith.constant 1 : i32
    %eq3A_149 = arith.cmpi eq, %arg0, %eq3A_148 : i32
    %eq3A_150 = arith.constant 15 : i32
    %eq3A_151 = arith.cmpi eq, %arg1, %eq3A_150 : i32
    %and3A_152 = arith.andi %eq3A_149, %eq3A_151 : i1
    %convert_element_type3A_153 = arith.extui %and3A_152 : i1 to i32
    %cond3A_154 = arith.constant 0 : i32
    %cond3A_155 = arith.cmpi ne, %convert_element_type3A_153, %cond3A_154 : i32
    scf.if %cond3A_155 {
      "tpu.region"() ({
        %run_scoped3A_156 = tpu.sem_alloc : memref<!tpu.dma_semaphore, #tpu.memory_space<semaphore_mem>>
        %dma_start3A_157 = arith.constant 128 : i32
        %dma_start3A_158 = tpu.memref_slice %arg5[%mul3A_5, %dma_start3A_157] : memref<10000x256xf32, #tpu.memory_space<hbm>> -> memref<400x128xf32, #tpu.memory_space<hbm>>
        %dma_start3A_159 = arith.constant 0 : i32
        %dma_start3A_160 = tpu.memref_slice %arg6[%mul3A_5, %dma_start3A_159] : memref<10000x128xf32, #tpu.memory_space<vmem_shared>> -> memref<400x128xf32, #tpu.memory_space<vmem_shared>>
        tpu.enqueue_dma source(%dma_start3A_160 : memref<400x128xf32, #tpu.memory_space<vmem_shared>>) target(%dma_start3A_158 : memref<400x128xf32, #tpu.memory_space<hbm>>) target_semaphore(%run_scoped3A_156 : memref<!tpu.dma_semaphore, #tpu.memory_space<semaphore_mem>>)
        %dma_wait3A_161 = arith.constant 128 : i32
        %dma_wait3A_162 = tpu.memref_slice %arg5[%mul3A_5, %dma_wait3A_161] : memref<10000x256xf32, #tpu.memory_space<hbm>> -> memref<400x128xf32, #tpu.memory_space<hbm>>
        %dma_wait3A_163 = arith.constant 0 : i32
        %dma_wait3A_164 = tpu.memref_slice %arg6[%mul3A_5, %dma_wait3A_163] : memref<10000x128xf32, #tpu.memory_space<vmem_shared>> -> memref<400x128xf32, #tpu.memory_space<vmem_shared>>
        tpu.wait_dma2 semaphore(%run_scoped3A_156 : memref<!tpu.dma_semaphore, #tpu.memory_space<semaphore_mem>>) src(%dma_wait3A_164 : memref<400x128xf32, #tpu.memory_space<vmem_shared>>) dst(%dma_wait3A_162 : memref<400x128xf32, #tpu.memory_space<hbm>>)
        tpu.yield
      }) : () -> ()
    } else {
    }
    return
  }
}

module attributes {stable_mosaic.version = 14 : i64} {
  func.func @_mm_body(%arg0: i32, %arg1: i32, %arg2: memref<1xf32, #tpu.memory_space<smem>>, %arg3: memref<2000x256xf32, #tpu.memory_space<vmem>>, %arg4: memref<1x128x256xf32, #tpu.memory_space<vmem>>, %arg5: memref<1x2000x128xf32, #tpu.memory_space<vmem>>) attributes {dimension_semantics = [#tpu.dimension_semantics<arbitrary>, #tpu.dimension_semantics<arbitrary>], iteration_bounds = array<i64: 2, 5>, scalar_prefetch = 0 : i64, scratch_operands = 0 : i64, tpu.core_type = #tpu.core_type<tc>, window_params = [{transform_indices = @transform_0, window_bounds = array<i64: 1>}, {transform_indices = @transform_1, window_bounds = array<i64: 2000, 256>}, {transform_indices = @transform_2, window_bounds = array<i64: 1, 128, 256>}, {transform_indices = @transform_3, window_bounds = array<i64: 1, 2000, 128>}]} {
    %get3A = arith.constant 0 : index
    %get3A_0 = memref.load %arg2[%get3A] : memref<1xf32, #tpu.memory_space<smem>>
    %get3A_1 = arith.constant 0 : index
    %get3A_2 = arith.constant 0 : index
    %get3A_3 = vector.load %arg3[%get3A_1, %get3A_2] : memref<2000x256xf32, #tpu.memory_space<vmem>>, vector<2000x256xf32>
    %get3A_4 = arith.constant 0 : index
    %get3A_5 = arith.constant 0 : index
    %get3A_6 = arith.constant 0 : index
    %get3A_7 = vector.load %arg4[%get3A_4, %get3A_5, %get3A_6] : memref<1x128x256xf32, #tpu.memory_space<vmem>>, vector<1x128x256xf32>
    %get3A_8 = vector.shape_cast %get3A_7 : vector<1x128x256xf32> to vector<128x256xf32>
    %dot_general3A = arith.constant dense<0.000000e+00> : vector<2000x128xf32>
    %dot_general3A_9 = tpu.matmul %get3A_3, %get3A_8, %dot_general3A {dimension_numbers = #tpu.dot_dimension_numbers<[1], [1], [0], [0], [0, 0, 1, 0], [], []>, transpose_lhs_hint = false} : vector<2000x256xf32>, vector<128x256xf32>, vector<2000x128xf32> -> vector<2000x128xf32>
    %mul3A = vector.broadcast %get3A_0 : f32 to vector<2000x128xf32>
    %mul3A_10 = arith.mulf %dot_general3A_9, %mul3A : vector<2000x128xf32>
    %broadcast_in_dim3A = vector.shape_cast %mul3A_10 : vector<2000x128xf32> to vector<1x2000x128xf32>
    %swap3A = arith.constant 0 : index
    %swap3A_11 = arith.constant 0 : index
    %swap3A_12 = arith.constant 0 : index
    %swap3A_13 = vector.load %arg5[%swap3A, %swap3A_11, %swap3A_12] : memref<1x2000x128xf32, #tpu.memory_space<vmem>>, vector<1x2000x128xf32>
    tpu.vector_store %arg5[%swap3A, %swap3A_11, %swap3A_12], %broadcast_in_dim3A {strides = array<i32>} : memref<1x2000x128xf32, #tpu.memory_space<vmem>>, vector<1x2000x128xf32>,
    return
  }
  func.func @transform_0(%arg0: i32, %arg1: i32) -> i32 {
    %c0_i32 = arith.constant 0 : i32
    %c0_i32_0 = arith.constant 0 : i32
    return %c0_i32 : i32
  }
  func.func @transform_1(%arg0: i32, %arg1: i32) -> (i32, i32) {
    %c0_i32 = arith.constant 0 : i32
    %c0_i32_0 = arith.constant 0 : i32
    return %arg1, %c0_i32 : i32, i32
  }
  func.func @transform_2(%arg0: i32, %arg1: i32) -> (i32, i32, i32) {
    %c0_i32 = arith.constant 0 : i32
    %c0_i32_0 = arith.constant 0 : i32
    %c0_i32_1 = arith.constant 0 : i32
    return %arg0, %c0_i32, %c0_i32_0 : i32, i32, i32
  }
  func.func @transform_3(%arg0: i32, %arg1: i32) -> (i32, i32, i32) {
    %c0_i32 = arith.constant 0 : i32
    %c0_i32_0 = arith.constant 0 : i32
    return %arg0, %arg1, %c0_i32 : i32, i32, i32
  }
}

</mosaic_0001>

<sc_bundles>
// kernel: kernel.4.cloned.1.call-start
scs
__scs_entry_jumppad:
0x0: {  	(pc) =	sbr.rel $0x88, $3  }
0x1: {  	(tag) =	ssettag $0x0;
	lr =	simm.s32 $0x1  }
0x2: {  	[smem:$0x3F9C] =	sst lr;
	_ =	strace $0xD0000000  }
0x3: {  	_ = 	snop  }
0x4: {  	_ = 	snop  }
0x5: {  	_ = 	snop  }
0x6: {  	_ = 	snop  }
0x7: {  	_ = 	snop  }
__scs_overlays_trampoline_lowered:
0x8: {  	[smem:$0x3FAB] =	sst s0  }
0x9: {  	[smem:$0x3FAC] =	sst s1  }
0xa: {  	[smem:$0x3FAD] =	sst s2  }
0xb: {  	[smem:$0x3FAE] =	sst s3  }
0xc: {  	[smem:$0x3FAF] =	sst s4  }
0xd: {  	[smem:$0x3FB0] =	sst s5  }
0xe: {  	[smem:$0x3FB1] =	sst s6  }
0xf: {  	[smem:$0x3FB2] =	sst s7  }
0x10: {  	[smem:$0x3FB3] =	sst s8  }
0x11: {  	[smem:$0x3FB4] =	sst s9;
	s0 =	simm.s32 @!p0 $0x0  }
0x12: {  	s1 =	sld [smem:$0x3F9A];
	s0 =	simm.s32 @p0 $0x1  }
0x13: {  	[smem:$0x3FB5] =	sst s0;
	s0 =	simm.s32 @!p1 $0x0  }
0x14: {  	s2 =	sld [smem:$0x3F99];
	s0 =	simm.s32 @p1 $0x1  }
0x15: {  	[smem:$0x3FB6] =	sst s0;
	s0 =	simm.s32 @!p2 $0x0  }
0x16: {  	s3 =	sld [smem:$0x3FDB];
	s0 =	simm.s32 @p2 $0x1  }
0x17: {  	s4 =	simm.s32 $0x1BF5;
	[smem:$0x3FB8] =	sst s0  }
0x18: {  	s0 =	sld [smem:$0x3F9B];
	_ =	swait.ge [sflag:s4], $0x0  }
0x19: {  	s7 =	sld [smem:$0x3F9C]  }
0x1a: {  	s8 =	sadd.s32 $0xFFFFE003, lr  }
0x1b: {  	s9 =	sadd.s32 $0xFFFFFEF7, lr;
	s5 =	simm.s32 $0xFFFFFFFF;
	p2 =	slt.u32 s8, $0xFFFFF086  }
0x1c: {  	p1 =	slt.u32 s9, $0xF7A;
	s5 =	simm.s32 @!p2 $0x0  }
0x1d: {  	s5 =	simm.s32 @p1 $0x1;
	p0 =	seq.s32 s7, s2  }
0x1e: {  	s7 =	smul.u32 @!p0 $0xF7A, s2;
	p2 =	seq.s32 @!p0 s5, $0x0  }
0x1f: {  	s9 =	smul.u32 $0xF7A, s1;
	s8 =	simm.s32 @!p0 $0x1BF5;
	p2 =	por !p2, p0  }
0x20: {  	[sflag:s8] =	ssyncset.s32 @!p0 $0xFFFFF086;
	s6 =	sadd.s32 @!p0 s3, s7;
	s7 =	simm.s32 @!p0 $0x108  }
0x21: {  	s3 =	sadd.s32 s3, s9;
	s6 =	sadd.s32 @!p0 $0x88, s6;
	s7 =	simm.s32 @p2 $0x1082  }
0x22: {  	[simem:s7], [sflag:s8] =	dma.local @!p0 [hbm:s6], $0xF7A  }
0x23: {  	s9 =	sor.u32 $0xD0000000, s2;
	s6 =	simm.s32 $0x108;
	_ =	swait.ge @!p0 [sflag:s8], $0x0  }
0x24: {  	s3 =	sadd.s32 $0x88, s3;
	s6 =	simm.s32 @!p1 $0x1082;
	[sflag:s4] =	ssyncset.s32 $0xFFFFF086  }
0x25: {  	[simem:s6], [sflag:s4] =	dma.local [hbm:s3], $0xF7A  }
0x26: {  	[smem:$0x3F9C] =	sst s1;
	(tag) =	ssettag s2;
	_ =	strace s9  }
0x27: {  	s1 =	sld [smem:$0x3FAC]  }
0x28: {  	s2 =	sld [smem:$0x3FAD]  }
0x29: {  	s4 =	sld [smem:$0x3FAF]  }
0x2a: {  	p0 =	seq.s32 s5, $0x0;
	s5 =	sld [smem:$0x3FB0]  }
0x2b: {  	s6 =	sld [smem:$0x3FB1]  }
0x2c: {  	s7 =	sld [smem:$0x3FB2]  }
0x2d: {  	s3 =	simm.s32 $0x108;
	s8 =	sld [smem:$0x3FB3]  }
0x2e: {  	s3 =	simm.s32 @!p0 $0x1082;
	s9 =	sld [smem:$0x3FB4]  }
0x2f: {  	lr =	sadd.s32 s0, s3;
	s0 =	sld [smem:$0x3FAB]  }
0x30: {  	s3 =	sld [smem:$0x3FAE]  }
0x31: {  	[smem:$0x3FB7] =	sst s10  }
0x32: {  	s10 =	sld [smem:$0x3FB5];
	_ =	sdelay $0x3  }
0x33: {  	p0 =	seq.s32 s10, $0x1;
	s10 =	sld [smem:$0x3FB7];
	_ =	sdelay $0x3  }
0x34: {  	[smem:$0x3FB7] =	sst s10  }
0x35: {  	s10 =	sld [smem:$0x3FB6];
	_ =	sdelay $0x3  }
0x36: {  	p1 =	seq.s32 s10, $0x1;
	s10 =	sld [smem:$0x3FB7];
	_ =	sdelay $0x3  }
0x37: {  	[smem:$0x3FB7] =	sst s10  }
0x38: {  	s10 =	sld [smem:$0x3FB8]  }
0x39: {  	_ = 	snop;
	(pc) =	sbr.ind lr, $3  }
0x3a: {  	_ = 	snop  }
0x3b: {  	_ = 	snop  }
0x3c: {  	p2 =	seq.s32 s10, $0x1;
	s10 =	sld [smem:$0x3FB7]  }
0x3d: {  	_ =	shalt  }
0x3e: {  	_ =	shalt  }
0x3f: {  	_ =	shalt  }
0x40: {  	_ =	shalt  }
0x41: {  	_ =	shalt  }
0x42: {  	_ =	shalt  }
0x43: {  	_ =	shalt  }
0x44: {  	_ =	shalt  }
0x45: {  	_ =	shalt  }
0x46: {  	_ =	shalt  }
0x47: {  	_ =	shalt  }
0x48: {  	_ =	shalt  }
0x49: {  	_ =	shalt  }
0x4a: {  	_ =	shalt  }
0x4b: {  	_ =	shalt  }
0x4c: {  	_ =	shalt  }
0x4d: {  	_ =	shalt  }
0x4e: {  	_ =	shalt  }
0x4f: {  	_ =	shalt  }
0x50: {  	_ =	shalt  }
0x51: {  	_ =	shalt  }
0x52: {  	_ =	shalt  }
0x53: {  	_ =	shalt  }
0x54: {  	_ =	shalt  }
0x55: {  	_ =	shalt  }
0x56: {  	_ =	shalt  }
0x57: {  	_ =	shalt  }
0x58: {  	_ =	shalt  }
0x59: {  	_ =	shalt  }
0x5a: {  	_ =	shalt  }
0x5b: {  	_ =	shalt  }
0x5c: {  	_ =	shalt  }
0x5d: {  	_ =	shalt  }
0x5e: {  	_ =	shalt  }
0x5f: {  	_ =	shalt  }
0x60: {  	_ =	shalt  }
0x61: {  	_ =	shalt  }
0x62: {  	_ =	shalt  }
0x63: {  	_ =	shalt  }
0x64: {  	_ =	shalt  }
0x65: {  	_ =	shalt  }
0x66: {  	_ =	shalt  }
0x67: {  	_ =	shalt  }
0x68: {  	_ =	shalt  }
0x69: {  	_ =	shalt  }
0x6a: {  	_ =	shalt  }
0x6b: {  	_ =	shalt  }
0x6c: {  	_ =	shalt  }
0x6d: {  	_ =	shalt  }
0x6e: {  	_ =	shalt  }
0x6f: {  	_ =	shalt  }
0x70: {  	_ =	shalt  }
0x71: {  	_ =	shalt  }
0x72: {  	_ =	shalt  }
0x73: {  	_ =	shalt  }
0x74: {  	_ =	shalt  }
0x75: {  	_ =	shalt  }
0x76: {  	_ =	shalt  }
0x77: {  	_ =	shalt  }
0x78: {  	_ =	shalt  }
0x79: {  	_ =	shalt  }
0x7a: {  	_ =	shalt  }
0x7b: {  	_ =	shalt  }
0x7c: {  	_ =	shalt  }
0x7d: {  	_ =	shalt  }
0x7e: {  	_ =	shalt  }
0x7f: {  	_ =	shalt  }
0x80: {  	_ =	shalt  }
0x81: {  	_ =	shalt  }
0x82: {  	_ =	shalt  }
0x83: {  	_ =	shalt  }
0x84: {  	_ =	shalt  }
0x85: {  	_ =	shalt  }
0x86: {  	_ =	shalt  }
0x87: {  	_ =	shalt  }
.Lfunc_end0:
.L_simem_size_0:
called_computation_lowered:
.L_overlay_start_0:
0x88: {  	s2 =	sld [smem:$0x3FD9]  }
0x89: {  	s3 =	sld [smem:$0x3FFE];
	_ =	sdelay $0x1  }
0x8a: {  	s1 =	srdreg.scid  }
0x8b: {  	s0 =	sand.u32 $0x1, s1  }
0x8c: {  	s17 =	sshll.u32 s0, $0xA;
	s2 =	sadd.s32 s3, s2  }
0x8d: {  	s2 =	sadd.s32 s2, s17  }
0x8e: {  	[smem:$0x3FC3] =	sst s2  }
0x8f: {  	_ = 	snop  }
0x90: {  	s2 =	sld [smem:$0x3FD0];
	(tm) =	ssettm $0x1  }
0x91: {  	s18 =	sld [smem:$0x3FFB];
	_ =	sdelay $0x3  }
0x92: {  	_ =	strace s18  }
0x93: {  	s3 =	sld [smem:$0x3FFC];
	_ =	sdelay $0x3  }
0x94: {  	_ =	strace s3  }
0x95: {  	s3 =	sld [smem:$0x3FFD];
	_ =	sdelay $0x3  }
0x96: {  	_ =	strace s3  }
0x97: {  	_ =	strace $0x8FFFFFFF  }
0x98: {  	s19 =	sld [smem:$0x3FDB];
	_ =	sdelay $0x1  }
0x99: {  	s4 =	simm.s32 $_scs_section_size  }
0x9a: {  	s5 =	simm.s32 $_size__tile_overlayer_lowered;
	s6 =	simm.s32 $_tile_overlayer_lowered  }
0x9b: {  	s22 =	simm.s32 $0x1BFF;
	s21 =	sshll.u32 s6, $0x1;
	s3 =	sadd.s32 s4, s19  }
0x9c: {  	s7 =	simm.s32 $0x0;
	s20 =	sshll.u32 s5, $0x1;
	s5 =	sadd.s32 s21, s3  }
0x9d: {  	[timem:s7], [sflag:s22] =	dma.local [hbm:s5], s20  }
0x9e: {  	_ =	swait.ge [sflag:s22], s20  }
0x9f: {  	s4 =	ssub.s32 $0x0, s20;
	[sflag:s22] =	ssyncset.done $0x0  }
0xa0: {  	[sflag:s22] =	ssyncadd.s32 s4;
	_ =	sdelay $0x1  }
0xa1: {  	s23 =	simm.s32 $0x1B8B  }
0xa2: {  	_ =	swait.ge [sflag:s23], $0x1  }
0xa3: {  	[sflag:s23] =	ssyncset.done $0x0  }
0xa4: {  	s25 =	simm.s32 $0x1B8E;
	s24 =	sld [smem:$0x3FFE];
	[sflag:s23] =	ssyncadd.s32 $0xFFFFFFFF  }
0xa5: {  	s26 =	simm.s32 $execute0_lowered;
	[smem:$0x3FD2] =	sst s25  }
0xa6: {  	s5 =	sshll.u32 s26, $0x1;
	_ =	strace $0x80000046;
	[dreg:$0x1] =	wrdreg $0xFFFFFFFF  }
0xa7: {  	s28 =	simm.s32 $_size_execute0_lowered;
	s3 =	sadd.s32 s3, s5;
	[dreg:$0x0] =	wrdreg $0x0  }
0xa8: {  	s5 =	sshll.u32 s28, $0x1;
	[dreg:$0x2] =	wrdreg s3  }
0xa9: {  	[dreg:$0x3] =	wrdreg s5  }
0xaa: {  	[dreg:$0x4] =	wrdreg $0xC0  }
0xab: {  	_ =	task [dreg:s7], $0x5FFFF  }
0xac: {  	[dreg:$0x1] =	wrdreg $0xFFFFFFFF  }
0xad: {  	[dreg:$0x0] =	wrdreg $0x60  }
0xae: {  	[dreg:$0x2] =	wrdreg s24  }
0xaf: {  	[dreg:$0x3] =	wrdreg s2  }
0xb0: {  	[dreg:$0x4] =	wrdreg $0x0  }
0xb1: {  	[dreg:$0x5] =	wrdreg $0x9  }
0xb2: {  	_ =	task.clear_ibuf [dreg:s7], $0x6FFFF;
	_ =	strace $0x90000046  }
0xb3: {  	s29 =	simm.s32 $0x9;
	_ =	strace $0x80000048  }
0xb4: {  	_ =	swait.ge [sflag:s29], $0x1  }
0xb5: {  	[sflag:s29] =	ssyncadd.s32 $0xFFFFFFFF  }
0xb6: {  	_ =	strace $0x90000048  }
0xb7: {  	_ =	sfence  }
0xb8: {  	s30 =	sld [smem:$0x0];
	_ =	sdelay $0x2  }
0xb9: {  	s31 =	sshll.u32 s1, $0xD;
	s1 =	sshrl.u32 s1, $0x2  }
0xba: {  	s3 =	sand.u32 $0x4000, s31;
	s1 =	sadd.s32 s1, s30  }
0xbb: {  	s0 =	sor.u32 s3, s0;
	s1 =	sshll.u32 s1, $0x11  }
0xbc: {  	s0 =	sor.u32 s1, s0  }
0xbd: {  	s0 =	sadd.s32 $0x8F2B, s0  }
0xbe: {  	[sflag:s0] =	ssyncadd.remote.s32 $0x1  }
0xbf: {  	_ =	sfence.sel $0xFFFF  }
0xc0: {  	[dreg:$0x0] =	wrdreg $0xFFFFFFFF;
	(pc) =	sbr.abs _section_cstart, $3  }
0xc1: {  	[dreg:$0x1] =	wrdreg $0xFFFFFFFF  }
0xc2: {  	_ =	task.clear_ibuf [dreg:s7], $0x2FFFF;
	_ =	strace $0x9FFFFFFF  }
0xc3: {  	(tm) =	ssettm $0x7FFFFFFF  }
tec
execute0_lowered:
.L_overlay_start_1:
0x0: {  	(tag) =	ssettag $0x1  }
0x1: {  	s0 =	rddreg [dreg:$0x0]  }
0x2: {  	s3 =	rddreg [dreg:$0x1];
	s2 =	srdreg.scid  }
0x3: {  	s1 =	rddreg [dreg:$0x2];
	s18 =	stileid.u32;
	s9 =	simm.s32 $0x8  }
0x4: {  	s23 =	simm.s32 $0x13E80;
	s30 =	simm.s32 $0x50;
	s29 =	simm.s32 $0x4  }
0x5: {  	s28 =	simm.s32 $0x0;
	s7 =	sand.u32 $0x1, s2;
	s2 =	simm.s32 $0x0  }
0x6: {  	s5 =	sadd.s32 $0xA00, s0;
	p4 =	sne.s32 s18, $0xF;
	s17 =	smul.u32 $0x50000, s18  }
0x7: {  	s14 =	sshll.u32 s18, $0xB;
	p0 =	seq.s32 s18, $0xF;
	s20 =	smul.u32 $0x5000, s18  }
0x8: {  	s19 =	sadd.s32 $0x12C000, s1;
	s25 =	sadd.s32 $0x4B000, s3;
	s4 =	smul.u32 $0x27100, s7  }
0x9: {  	[smem:$0x7FF] =	sst s2;
	s6 =	ssub.s32 $0x2, s7;
	s9 =	simm.s32 @!p4 $0x5  }
0xa: {  	s12 =	sadd.s32 s5, s14;
	s16 =	sor.u32 $0x10, s14;
	p2 =	seq.s32 s7, $0x0  }
0xb: {  	p3 =	seq.s32 s7, $0x1;
	s31 =	sshrl.u32 s19, $0x3;
	_ =	strace $0x80000047  }
0xc: {  	s8 =	sshrl.u32 s6, $0x1;
	p1 =	por !p2, !p4;
	p2 =	por !p2, !p0  }
0xd: {  	[dreg:$0x4] =	wrdreg s25;
	s17 =	sshrl.u32 s17, $0x2;
	s26 =	sadd.s32 s3, s20  }
0xe: {  	p4 =	por !p4, !p3;
	s3 =	sadd.s32 $0x4B080, s3;
	[dreg:$0x8] =	wrdreg s31  }
0xf: {  	s13 =	sadd.s32 s4, s0;
	s4 =	sadd.s32 $0x8A00, s0;
	s24 =	ssub.s32 s6, s8  }
0x10: {  	s6 =	sshll.u32 s18, $0xE;
	p1 =	por !p1, !p1;
	p2 =	por !p2, !p2  }
0x11: {  	s18 =	sadd.s32 s17, s1;
	p4 =	por !p4, !p4;
	[dreg:$0x5] =	wrdreg s26  }
.Ltmp0:
0x12: {  	s7 =	sadd.s32 $0x80, s26;
	[dreg:$0x7] =	wrdreg s3;
	(pc) =	sbr.rel .LBB2_1-.Ltmp0, $4  }
0x13: {  	s26 =	simm.s32 $0x13880;
	s8 =	sor.u32 $0x40000, s6;
	s10 =	sadd.s32 s4, s14  }
0x14: {  	s13 =	sadd.s32 $0x18A00, s13;
	s14 =	sadd.s32 s4, s16;
	s16 =	sadd.s32 s5, s16  }
0x15: {  	[dreg:$0x6] =	wrdreg s7;
	s22 =	smax.u32 s24, $0x1;
	s11 =	sshrl.u32 s8, $0x3  }
0x16: {  	v0 =	vimm.f32 $0.0e+00;
	s24 =	simm.s32 $0x5;
	s15 =	sadd.s32 $0x8010, s10;
	s11 =	sadd.s32 s4, s11  }
.LBB2_13:
0x17: {  	s3 =	sshll.u32 s3, $0x6;
	s7 =	simm.s32 $0x8;
	s17 =	rddreg [dreg:$0x8]  }
0x18: {  	s19 =	simm.s32 $0x100;
	s20 =	simm.s32 $0x80;
	s3 =	sor.u32 $0x1C05, s3  }
0x19: {  	[hbm:s0@s19], [sflag:s3] =	dma.strided [spmem:s17@s20], $0x1900, s7, $0x10   }
0x1a: {  	_ =	swait.ge [sflag:s24], $0x1900  }
0x1b: {  	[sflag:s24] =	ssyncset.done $0x0  }
0x1c: {  	[sflag:s24] =	ssyncadd.s32 $0xFFFFE700  }
.LBB2_14:
0x1d: {  	s28 =	sadd.s32 $0x1, s28  }
0x1e: {  	p5 =	sne.s32 s28, s22  }
.Ltmp1:
0x1f: {  	_ = 	snop;
	(pc) =	sbr.rel @!p5 .LBB2_15-.Ltmp1, $1  }
0x20: {  	_ =	sdelay $0x3  }
.LBB2_1:
0x21: {  	s0 =	sand.u32 $0xFE00, s2  }
0x22: {  	s3 =	sand.u32 $0x70, s2;
	s7 =	sshrl.u32 s0, $0x2  }
0x23: {  	s0 =	simm.s32 $0x40;
	s3 =	sor.u32 s3, s7;
	s7 =	simm.s32 $0x0  }
.LBB2_2:
0x24: {  	p5 =	sne.s32 s0, $0x9FC0  }
0x25: {  	[tilespmem:s3+$0x13E80] =	vst v0;
	s7 =	sadd.s32 $0x10, s7;
	s3 =	smov.u32 s0;
	s0 =	sadd.s32 $0x40, s0  }
.Ltmp2:
0x26: {  	(pc) =	sbr.rel @p5 .LBB2_2-.Ltmp2, $4  }
0x27: {  	_ = 	snop  }
0x28: {  	s3 =	sand.u32 $0xFE00, s3  }
0x29: {  	s17 =	sand.u32 $0x70, s7;
	s3 =	sshrl.u32 s3, $0x2  }
0x2a: {  	s3 =	sor.u32 s17, s3  }
0x2b: {  	p5 =	sne.s32 s9, $0x1  }
.Ltmp3:
0x2c: {  	_ = 	snop;
	(pc) =	sbr.rel @!p5 .LBB2_5-.Ltmp3, $4  }
0x2d: {  	[tilespmem:s3+$0x13E80] =	vst v0  }
0x2e: {  	[spmem:s18] =	stream.linear.scatter [tilespmem:s23], [sflag:$0x5], $0x2800, $0x38;
	[tilespmem:$0x1DE80] =	vst v63  }
0x2f: {  	_ =	swait.ge [sflag:s24], $0x2800  }
0x30: {  	s0 =	sadd.s32 $0xFFFFFFFF, s9;
	s7 =	smov.u32 s18;
	[sflag:s24] =	ssyncset.done $0x0  }
.LBB2_4:
0x31: {  	p5 =	sne.s32 s0, $0x1;
	[sflag:s24] =	ssyncadd.s32 $0xFFFFD800;
	s7 =	sadd.s32 $0x2800, s7  }
.Ltmp4:
0x32: {  	s0 =	sadd.s32 $0xFFFFFFFF, s0;
	(pc) =	sbr.rel @p5 .LBB2_4-.Ltmp4, $4  }
0x33: {  	_ = 	snop  }
0x34: {  	[spmem:s7] =	stream.linear.scatter [tilespmem:s23], [sflag:$0x5], $0x2800, $0x38;
	[tilespmem:$0x1DE80] =	vst v63  }
0x35: {  	_ =	swait.ge [sflag:s24], $0x2800  }
0x36: {  	[sflag:s24] =	ssyncset.done $0x0  }
.LBB2_5:
0x37: {  	[sflag:s24] =	ssyncadd.s32 $0xFFFFD800  }
0x38: {  	s17 =	simm.s32 $0x0;
	[bflag:$0x0] =	sbarrier.arrive $0xFFFF  }
0x39: {  	[tilespmem:s26], [sflag:$0x5] =	stream.linear.gather [hbm4b:s10+s17], $0x80, $0x38;
	[tilespmem:$0x1DE80] =	vst v63  }
0x3a: {  	_ =	swait.ge [sflag:s24], $0x80  }
0x3b: {  	[sflag:s24] =	ssyncset.done $0x0  }
0x3c: {  	s0 =	simm.s32 $0x13A80;
	[sflag:s24] =	ssyncadd.s32 $0xFFFFFF80  }
0x3d: {  	[tilespmem:s0], [sflag:$0x5] =	stream.linear.gather [hbm4b:s11+s17], $0x80, $0x38;
	[tilespmem:$0x1DE80] =	vst v63  }
0x3e: {  	_ =	swait.ge [sflag:s24], $0x80  }
0x3f: {  	[sflag:s24] =	ssyncset.done $0x0  }
0x40: {  	s20 =	simm.s32 $0x13C80;
	[sflag:s24] =	ssyncadd.s32 $0xFFFFFF80  }
0x41: {  	[tilespmem:s20], [sflag:$0x5] =	stream.linear.gather [hbm4b:s12+s17], $0x80, $0x38;
	[tilespmem:$0x1DE80] =	vst v63  }
0x42: {  	_ =	swait.ge [sflag:s24], $0x80  }
0x43: {  	[sflag:s24] =	ssyncset.done $0x0  }
0x44: {  	[sflag:s24] =	ssyncadd.s32 $0xFFFFFF80  }
0x45: {  	[tilespmem:s23], [sflag:$0x1] =	stream.indirect.gather [hbm4b:s13+s30], $0x80, s26, s30, $0xb8;
	[tilespmem:$0x1DE80] =	vst v63  }
0x46: {  	s21 =	simm.s32 $0x13900  }
0x47: {  	[tilespmem:s21], [sflag:$0x3] =	stream.linear.gather [hbm4b:s14+s17], $0x80, $0x38;
	[tilespmem:$0x1DE80] =	vst v63  }
0x48: {  	s25 =	simm.s32 $0x13B00  }
0x49: {  	[tilespmem:s25], [sflag:$0x3] =	stream.linear.gather [hbm4b:s15+s17], $0x80, $0x38;
	[tilespmem:$0x1DE80] =	vst v63  }
0x4a: {  	s31 =	simm.s32 $0x13D00  }
0x4b: {  	[tilespmem:s31], [sflag:$0x3] =	stream.linear.gather [hbm4b:s16+s17], $0x80, $0x38;
	[tilespmem:$0x1DE80] =	vst v63  }
.LBB2_6:
0x4c: {  	p6 =	seq.s32 s17, $0x7C  }
0x4d: {  	s0 =	simm.s32 @!p6 $0x3  }
0x4e: {  	s3 =	sadd.s32 @!p6 $0x1, s17;
	_ =	swait.ge @!p6 [sflag:s0], $0x80  }
0x4f: {  	s7 =	sand.u32 @!p6 $0xFF, s3;
	[sflag:s0] =	ssyncset.done @!p6 $0x0  }
0x50: {  	s7 =	smul.u32 @!p6 $0xAB, s7;
	[sflag:s0] =	ssyncadd.s32 @!p6 $0xFFFFFF80  }
0x51: {  	s19 =	sand.u32 $0x1, s17;
	_ =	swait.ge @!p6 [sflag:s0], $0x80  }
0x52: {  	s25 =	sxor.u32 @!p6 $0x1, s19;
	s7 =	sshrl.u32 @!p6 s7, $0x9;
	[sflag:s0] =	ssyncset.done @!p6 $0x0  }
0x53: {  	p5 =	sgt.u32 @!p6 s17, $0x7A;
	s7 =	smul.u32 @!p6 $0x3, s7;
	[sflag:s0] =	ssyncadd.s32 @!p6 $0xFFFFFF80  }
0x54: {  	s31 =	simm.s32 @!p6 $0x50;
	p5 =	por p5, p6;
	_ =	swait.ge @!p6 [sflag:s0], $0x80  }
0x55: {  	s3 =	ssub.s32 @!p6 s3, s7;
	s7 =	smul.u32 @!p6 $0xA000, s25;
	[sflag:s0] =	ssyncset.done @!p6 $0x0  }
0x56: {  	s25 =	sadd.s32 @!p6 $0x1, s25;
	[sflag:s0] =	ssyncadd.s32 @!p6 $0xFFFFFF80;
	s0 =	sand.u32 @!p6 $0xFF, s3  }
0x57: {  	s3 =	sshrl.u32 @!p6 s7, $0x2;
	s7 =	sadd.s32 @!p5 $0x2, s17;
	s0 =	sshll.u32 @!p6 s0, $0x7  }
0x58: {  	s3 =	sadd.s32 @!p6 $0x13E80, s3;
	s20 =	smul.u32 @!p5 $0xAB, s7;
	s0 =	sadd.s32 @!p6 $0x13880, s0  }
0x59: {  	[tilespmem:s3], [sflag:s25] =	stream.indirect.gather @!p6 [hbm4b:s13+s31], $0x80, s0, s31, $0xb8;
	[tilespmem:$0x1DE80] =	vst v63  }
0x5a: {  	s0 =	sshrl.u32 @!p5 s20, $0x9  }
0x5b: {  	s0 =	sand.u32 @!p5 $0x7F, s0  }
0x5c: {  	s3 =	sshll.u32 @!p5 s7, $0x7;
	s0 =	smul.u32 @!p5 $0x3, s0  }
0x5d: {  	s21 =	simm.s32 @!p5 $0x0;
	s20 =	sand.u32 @!p5 $0x7C00, s3  }
0x5e: {  	s3 =	sand.u32 @!p5 $0x380, s3;
	s0 =	ssub.s32 @!p5 s7, s0;
	s7 =	sadd.s32 @!p5 s6, s20  }
0x5f: {  	s20 =	sadd.s32 @!p5 s8, s20;
	s0 =	sand.u32 @!p5 $0xFF, s0;
	s7 =	sor.u32 @!p5 s3, s7  }
0x60: {  	s3 =	sor.u32 @!p5 s3, s20;
	s0 =	sshll.u32 @!p5 s0, $0x7;
	s7 =	sshrl.u32 @!p5 s7, $0x3  }
0x61: {  	s3 =	sshrl.u32 @!p5 s3, $0x3;
	s25 =	sadd.s32 @!p5 $0x13880, s0;
	s31 =	sadd.s32 @!p5 s4, s7  }
0x62: {  	[tilespmem:s25], [sflag:$0x3] =	stream.linear.gather @!p5 [hbm4b:s31+s21], $0x80, $0x38;
	[tilespmem:$0x1DE80] =	vst v63  }
0x63: {  	s20 =	sadd.s32 @!p5 $0x13A80, s0;
	s3 =	sadd.s32 @!p5 s4, s3;
	s25 =	smul.u32 $0xAB, s17  }
0x64: {  	[tilespmem:s20], [sflag:$0x3] =	stream.linear.gather @!p5 [hbm4b:s3+s21], $0x80, $0x38;
	[tilespmem:$0x1DE80] =	vst v63  }
0x65: {  	s25 =	sshrl.u32 s25, $0x9  }
0x66: {  	s3 =	sand.u32 $0x7F, s25  }
0x67: {  	s0 =	sadd.s32 @!p5 $0x13C80, s0;
	s7 =	sadd.s32 @!p5 s5, s7;
	s3 =	smul.u32 $0x3, s3  }
0x68: {  	[tilespmem:s0], [sflag:$0x3] =	stream.linear.gather @!p5 [hbm4b:s7+s21], $0x80, $0x38;
	[tilespmem:$0x1DE80] =	vst v63  }
0x69: {  	s20 =	ssub.s32 s17, s3  }
0x6a: {  	s0 =	sand.u32 $0xFF, s20  }
0x6b: {  	s0 =	sshll.u32 s0, $0x9  }
0x6c: {  	s21 =	sadd.s32 $0x1, s19;
	s7 =	sshrl.u32 s0, $0x2  }
0x6d: {  	_ =	swait.ge [sflag:s21], $0x2800;
	s0 =	sadd.s32 $0x13C80, s7  }
0x6e: {  	s25 =	smul.u32 $0x2800, s19;
	p5 =	slt.u32 s17, $0x2;
	[sflag:s21] =	ssyncset.done $0x0;
	v2 =	vmov s0  }
0x6f: {  	[sflag:s21] =	ssyncadd.s32 $0xFFFFD800;
	s0 =	simm.s32 @!p5 $0x4  }
0x70: {  	v1 =	vmov s25;
	_ =	swait.ge @!p5 [sflag:s0], $0x2800  }
0x71: {  	s21 =	simm.s32 $0x0;
	[sflag:s0] =	ssyncset.done @!p5 $0x0  }
0x72: {  	s25 =	sand.u32 $0x3FFFFFF0, s21;
	[sflag:s0] =	ssyncadd.s32 @!p5 $0xFFFFD800  }
0x73: {  	v3 =	vld.idx.msk [tilespmem:v2+s25+$0x0 ss:$0x1], $0xffff  }
0x74: {  	s31 =	simm.s32 $0x0  }
0x75: {  	v4 =	vld.idx.msk [tilespmem:v1+s31+$0x13E80 ss:$0x1], $0xffff  }
0x76: {  	v5 =	vld.idx.msk [tilespmem:v1+s31+$0x13E90 ss:$0x1], $0xffff  }
0x77: {  	v6 =	vld.idx.msk [tilespmem:v1+s31+$0x13EA0 ss:$0x1], $0xffff  }
0x78: {  	v7 =	vld.idx.msk [tilespmem:v1+s31+$0x13EB0 ss:$0x1], $0xffff;
	v9 =	vbroadcast v3, $0x0  }
0x79: {  	v8 =	vld.idx.msk [tilespmem:v1+s31+$0x13EC0 ss:$0x1], $0xffff  }
0x7a: {  	v10 =	vld.idx.msk [tilespmem:v1+s31+$0x13ED0 ss:$0x1], $0xffff;
	v4 =	vmul.f32 v9, v4  }
0x7b: {  	v11 =	vld.idx.msk [tilespmem:v1+s31+$0x13EE0 ss:$0x1], $0xffff;
	v5 =	vmul.f32 v5, v9  }
0x7c: {  	v12 =	vld.idx.msk [tilespmem:v1+s31+$0x13EF0 ss:$0x1], $0xffff;
	[tilespmem:v1+s31+$0x18E80 ss:$0x1] =	vst.idx.msk $0xffff, v4;
	v4 =	vmul.f32 v6, v9  }
0x7d: {  	[tilespmem:v1+s31+$0x18E90 ss:$0x1] =	vst.idx.msk $0xffff, v5;
	v5 =	vmul.f32 v7, v9  }
0x7e: {  	[tilespmem:v1+s31+$0x18EA0 ss:$0x1] =	vst.idx.msk $0xffff, v4;
	v4 =	vmul.f32 v8, v9  }
0x7f: {  	[tilespmem:v1+s31+$0x18EB0 ss:$0x1] =	vst.idx.msk $0xffff, v5;
	v5 =	vmul.f32 v10, v9  }
0x80: {  	[tilespmem:v1+s31+$0x18EC0 ss:$0x1] =	vst.idx.msk $0xffff, v4;
	v4 =	vmul.f32 v11, v9  }
0x81: {  	[tilespmem:v1+s31+$0x18ED0 ss:$0x1] =	vst.idx.msk $0xffff, v5;
	v5 =	vmul.f32 v12, v9  }
0x82: {  	[tilespmem:v1+s31+$0x18EE0 ss:$0x1] =	vst.idx.msk $0xffff, v4  }
0x83: {  	[tilespmem:v1+s31+$0x18EF0 ss:$0x1] =	vst.idx.msk $0xffff, v5  }
0x84: {  	v4 =	vld.idx.msk [tilespmem:v1+s31+$0x13F00 ss:$0x1], $0xffff  }
0x85: {  	v5 =	vld.idx.msk [tilespmem:v1+s31+$0x13F10 ss:$0x1], $0xffff  }
0x86: {  	v56 =	vld.idx.msk [tilespmem:v1+s31+$0x13F20 ss:$0x1], $0xffff  }
0x87: {  	v59 =	vbroadcast v3, $0x1;
	v57 =	vld.idx.msk [tilespmem:v1+s31+$0x13F30 ss:$0x1], $0xffff  }
0x88: {  	v58 =	vld.idx.msk [tilespmem:v1+s31+$0x13F40 ss:$0x1], $0xffff  }
0x89: {  	v60 =	vld.idx.msk [tilespmem:v1+s31+$0x13F50 ss:$0x1], $0xffff;
	v4 =	vmul.f32 v4, v59  }
0x8a: {  	v61 =	vld.idx.msk [tilespmem:v1+s31+$0x13F60 ss:$0x1], $0xffff;
	v5 =	vmul.f32 v5, v59  }
0x8b: {  	v62 =	vld.idx.msk [tilespmem:v1+s31+$0x13F70 ss:$0x1], $0xffff;
	[tilespmem:v1+s31+$0x18F00 ss:$0x1] =	vst.idx.msk $0xffff, v4;
	v4 =	vmul.f32 v56, v59  }
0x8c: {  	[tilespmem:v1+s31+$0x18F10 ss:$0x1] =	vst.idx.msk $0xffff, v5;
	v5 =	vmul.f32 v57, v59  }
0x8d: {  	[tilespmem:v1+s31+$0x18F20 ss:$0x1] =	vst.idx.msk $0xffff, v4;
	v4 =	vmul.f32 v58, v59  }
0x8e: {  	[tilespmem:v1+s31+$0x18F30 ss:$0x1] =	vst.idx.msk $0xffff, v5;
	v5 =	vmul.f32 v60, v59  }
0x8f: {  	[tilespmem:v1+s31+$0x18F40 ss:$0x1] =	vst.idx.msk $0xffff, v4;
	v4 =	vmul.f32 v61, v59  }
0x90: {  	[tilespmem:v1+s31+$0x18F50 ss:$0x1] =	vst.idx.msk $0xffff, v5;
	v5 =	vmul.f32 v62, v59  }
0x91: {  	[tilespmem:v1+s31+$0x18F60 ss:$0x1] =	vst.idx.msk $0xffff, v4  }
0x92: {  	[tilespmem:v1+s31+$0x18F70 ss:$0x1] =	vst.idx.msk $0xffff, v5  }
0x93: {  	v4 =	vld.idx.msk [tilespmem:v1+s31+$0x13F80 ss:$0x1], $0xffff  }
0x94: {  	v5 =	vld.idx.msk [tilespmem:v1+s31+$0x13F90 ss:$0x1], $0xffff  }
0x95: {  	v63 =	vld.idx.msk [tilespmem:v1+s31+$0x13FA0 ss:$0x1], $0xffff  }
0x96: {  	v18 =	vbroadcast v3, $0x2;
	v16 =	vld.idx.msk [tilespmem:v1+s31+$0x13FB0 ss:$0x1], $0xffff  }
0x97: {  	v17 =	vld.idx.msk [tilespmem:v1+s31+$0x13FC0 ss:$0x1], $0xffff  }
0x98: {  	v19 =	vld.idx.msk [tilespmem:v1+s31+$0x13FD0 ss:$0x1], $0xffff;
	v4 =	vmul.f32 v4, v18  }
0x99: {  	v20 =	vld.idx.msk [tilespmem:v1+s31+$0x13FE0 ss:$0x1], $0xffff;
	v5 =	vmul.f32 v5, v18  }
0x9a: {  	v21 =	vld.idx.msk [tilespmem:v1+s31+$0x13FF0 ss:$0x1], $0xffff;
	[tilespmem:v1+s31+$0x18F80 ss:$0x1] =	vst.idx.msk $0xffff, v4;
	v4 =	vmul.f32 v63, v18  }
0x9b: {  	[tilespmem:v1+s31+$0x18F90 ss:$0x1] =	vst.idx.msk $0xffff, v5;
	v5 =	vmul.f32 v16, v18  }
0x9c: {  	[tilespmem:v1+s31+$0x18FA0 ss:$0x1] =	vst.idx.msk $0xffff, v4;
	v4 =	vmul.f32 v17, v18  }
0x9d: {  	[tilespmem:v1+s31+$0x18FB0 ss:$0x1] =	vst.idx.msk $0xffff, v5;
	v5 =	vmul.f32 v19, v18  }
0x9e: {  	[tilespmem:v1+s31+$0x18FC0 ss:$0x1] =	vst.idx.msk $0xffff, v4;
	v4 =	vmul.f32 v20, v18  }
0x9f: {  	[tilespmem:v1+s31+$0x18FD0 ss:$0x1] =	vst.idx.msk $0xffff, v5;
	v5 =	vmul.f32 v21, v18  }
0xa0: {  	[tilespmem:v1+s31+$0x18FE0 ss:$0x1] =	vst.idx.msk $0xffff, v4  }
0xa1: {  	[tilespmem:v1+s31+$0x18FF0 ss:$0x1] =	vst.idx.msk $0xffff, v5  }
0xa2: {  	v4 =	vld.idx.msk [tilespmem:v1+s31+$0x14000 ss:$0x1], $0xffff  }
0xa3: {  	v5 =	vld.idx.msk [tilespmem:v1+s31+$0x14010 ss:$0x1], $0xffff  }
0xa4: {  	v22 =	vld.idx.msk [tilespmem:v1+s31+$0x14020 ss:$0x1], $0xffff  }
0xa5: {  	v25 =	vbroadcast v3, $0x3;
	v23 =	vld.idx.msk [tilespmem:v1+s31+$0x14030 ss:$0x1], $0xffff  }
0xa6: {  	v24 =	vld.idx.msk [tilespmem:v1+s31+$0x14040 ss:$0x1], $0xffff  }
0xa7: {  	v26 =	vld.idx.msk [tilespmem:v1+s31+$0x14050 ss:$0x1], $0xffff;
	v4 =	vmul.f32 v4, v25  }
0xa8: {  	v27 =	vld.idx.msk [tilespmem:v1+s31+$0x14060 ss:$0x1], $0xffff;
	v5 =	vmul.f32 v5, v25  }
0xa9: {  	v28 =	vld.idx.msk [tilespmem:v1+s31+$0x14070 ss:$0x1], $0xffff;
	[tilespmem:v1+s31+$0x19000 ss:$0x1] =	vst.idx.msk $0xffff, v4;
	v4 =	vmul.f32 v22, v25  }
0xaa: {  	[tilespmem:v1+s31+$0x19010 ss:$0x1] =	vst.idx.msk $0xffff, v5;
	v5 =	vmul.f32 v23, v25  }
0xab: {  	[tilespmem:v1+s31+$0x19020 ss:$0x1] =	vst.idx.msk $0xffff, v4;
	v4 =	vmul.f32 v24, v25  }
0xac: {  	[tilespmem:v1+s31+$0x19030 ss:$0x1] =	vst.idx.msk $0xffff, v5;
	v5 =	vmul.f32 v26, v25  }
0xad: {  	[tilespmem:v1+s31+$0x19040 ss:$0x1] =	vst.idx.msk $0xffff, v4;
	v4 =	vmul.f32 v27, v25  }
0xae: {  	[tilespmem:v1+s31+$0x19050 ss:$0x1] =	vst.idx.msk $0xffff, v5;
	v5 =	vmul.f32 v28, v25  }
0xaf: {  	[tilespmem:v1+s31+$0x19060 ss:$0x1] =	vst.idx.msk $0xffff, v4  }
0xb0: {  	[tilespmem:v1+s31+$0x19070 ss:$0x1] =	vst.idx.msk $0xffff, v5  }
0xb1: {  	v4 =	vld.idx.msk [tilespmem:v1+s31+$0x14080 ss:$0x1], $0xffff  }
0xb2: {  	v5 =	vld.idx.msk [tilespmem:v1+s31+$0x14090 ss:$0x1], $0xffff  }
0xb3: {  	v29 =	vld.idx.msk [tilespmem:v1+s31+$0x140A0 ss:$0x1], $0xffff  }
0xb4: {  	v32 =	vbroadcast v3, $0x4;
	v30 =	vld.idx.msk [tilespmem:v1+s31+$0x140B0 ss:$0x1], $0xffff  }
0xb5: {  	v31 =	vld.idx.msk [tilespmem:v1+s31+$0x140C0 ss:$0x1], $0xffff  }
0xb6: {  	v33 =	vld.idx.msk [tilespmem:v1+s31+$0x140D0 ss:$0x1], $0xffff;
	v4 =	vmul.f32 v4, v32  }
0xb7: {  	v34 =	vld.idx.msk [tilespmem:v1+s31+$0x140E0 ss:$0x1], $0xffff;
	v5 =	vmul.f32 v5, v32  }
0xb8: {  	v35 =	vld.idx.msk [tilespmem:v1+s31+$0x140F0 ss:$0x1], $0xffff;
	[tilespmem:v1+s31+$0x19080 ss:$0x1] =	vst.idx.msk $0xffff, v4;
	v4 =	vmul.f32 v29, v32  }
0xb9: {  	[tilespmem:v1+s31+$0x19090 ss:$0x1] =	vst.idx.msk $0xffff, v5;
	v5 =	vmul.f32 v30, v32  }
0xba: {  	[tilespmem:v1+s31+$0x190A0 ss:$0x1] =	vst.idx.msk $0xffff, v4;
	v4 =	vmul.f32 v31, v32  }
0xbb: {  	[tilespmem:v1+s31+$0x190B0 ss:$0x1] =	vst.idx.msk $0xffff, v5;
	v5 =	vmul.f32 v33, v32  }
0xbc: {  	[tilespmem:v1+s31+$0x190C0 ss:$0x1] =	vst.idx.msk $0xffff, v4;
	v4 =	vmul.f32 v34, v32  }
0xbd: {  	[tilespmem:v1+s31+$0x190D0 ss:$0x1] =	vst.idx.msk $0xffff, v5;
	v5 =	vmul.f32 v35, v32  }
0xbe: {  	[tilespmem:v1+s31+$0x190E0 ss:$0x1] =	vst.idx.msk $0xffff, v4  }
0xbf: {  	[tilespmem:v1+s31+$0x190F0 ss:$0x1] =	vst.idx.msk $0xffff, v5  }
0xc0: {  	v4 =	vld.idx.msk [tilespmem:v1+s31+$0x14100 ss:$0x1], $0xffff  }
0xc1: {  	v5 =	vld.idx.msk [tilespmem:v1+s31+$0x14110 ss:$0x1], $0xffff  }
0xc2: {  	v36 =	vld.idx.msk [tilespmem:v1+s31+$0x14120 ss:$0x1], $0xffff  }
0xc3: {  	v39 =	vbroadcast v3, $0x5;
	v37 =	vld.idx.msk [tilespmem:v1+s31+$0x14130 ss:$0x1], $0xffff  }
0xc4: {  	v38 =	vld.idx.msk [tilespmem:v1+s31+$0x14140 ss:$0x1], $0xffff  }
0xc5: {  	v40 =	vld.idx.msk [tilespmem:v1+s31+$0x14150 ss:$0x1], $0xffff;
	v4 =	vmul.f32 v4, v39  }
0xc6: {  	v41 =	vld.idx.msk [tilespmem:v1+s31+$0x14160 ss:$0x1], $0xffff;
	v5 =	vmul.f32 v5, v39  }
0xc7: {  	v42 =	vld.idx.msk [tilespmem:v1+s31+$0x14170 ss:$0x1], $0xffff;
	[tilespmem:v1+s31+$0x19100 ss:$0x1] =	vst.idx.msk $0xffff, v4;
	v4 =	vmul.f32 v36, v39  }
0xc8: {  	[tilespmem:v1+s31+$0x19110 ss:$0x1] =	vst.idx.msk $0xffff, v5;
	v5 =	vmul.f32 v37, v39  }
0xc9: {  	[tilespmem:v1+s31+$0x19120 ss:$0x1] =	vst.idx.msk $0xffff, v4;
	v4 =	vmul.f32 v38, v39  }
0xca: {  	[tilespmem:v1+s31+$0x19130 ss:$0x1] =	vst.idx.msk $0xffff, v5;
	v5 =	vmul.f32 v40, v39  }
0xcb: {  	[tilespmem:v1+s31+$0x19140 ss:$0x1] =	vst.idx.msk $0xffff, v4;
	v4 =	vmul.f32 v41, v39  }
0xcc: {  	[tilespmem:v1+s31+$0x19150 ss:$0x1] =	vst.idx.msk $0xffff, v5;
	v5 =	vmul.f32 v42, v39  }
0xcd: {  	[tilespmem:v1+s31+$0x19160 ss:$0x1] =	vst.idx.msk $0xffff, v4  }
0xce: {  	[tilespmem:v1+s31+$0x19170 ss:$0x1] =	vst.idx.msk $0xffff, v5  }
0xcf: {  	v4 =	vld.idx.msk [tilespmem:v1+s31+$0x14180 ss:$0x1], $0xffff  }
0xd0: {  	v5 =	vld.idx.msk [tilespmem:v1+s31+$0x14190 ss:$0x1], $0xffff  }
0xd1: {  	v43 =	vld.idx.msk [tilespmem:v1+s31+$0x141A0 ss:$0x1], $0xffff  }
0xd2: {  	v46 =	vbroadcast v3, $0x6;
	v44 =	vld.idx.msk [tilespmem:v1+s31+$0x141B0 ss:$0x1], $0xffff  }
0xd3: {  	v45 =	vld.idx.msk [tilespmem:v1+s31+$0x141C0 ss:$0x1], $0xffff  }
0xd4: {  	v47 =	vld.idx.msk [tilespmem:v1+s31+$0x141D0 ss:$0x1], $0xffff;
	v4 =	vmul.f32 v4, v46  }
0xd5: {  	v48 =	vld.idx.msk [tilespmem:v1+s31+$0x141E0 ss:$0x1], $0xffff;
	v5 =	vmul.f32 v5, v46  }
0xd6: {  	v49 =	vld.idx.msk [tilespmem:v1+s31+$0x141F0 ss:$0x1], $0xffff;
	[tilespmem:v1+s31+$0x19180 ss:$0x1] =	vst.idx.msk $0xffff, v4;
	v4 =	vmul.f32 v43, v46  }
0xd7: {  	[tilespmem:v1+s31+$0x19190 ss:$0x1] =	vst.idx.msk $0xffff, v5;
	v5 =	vmul.f32 v44, v46  }
0xd8: {  	[tilespmem:v1+s31+$0x191A0 ss:$0x1] =	vst.idx.msk $0xffff, v4;
	v4 =	vmul.f32 v45, v46  }
0xd9: {  	[tilespmem:v1+s31+$0x191B0 ss:$0x1] =	vst.idx.msk $0xffff, v5;
	v5 =	vmul.f32 v47, v46  }
0xda: {  	[tilespmem:v1+s31+$0x191C0 ss:$0x1] =	vst.idx.msk $0xffff, v4;
	v4 =	vmul.f32 v48, v46  }
0xdb: {  	[tilespmem:v1+s31+$0x191D0 ss:$0x1] =	vst.idx.msk $0xffff, v5;
	v5 =	vmul.f32 v49, v46  }
0xdc: {  	[tilespmem:v1+s31+$0x191E0 ss:$0x1] =	vst.idx.msk $0xffff, v4  }
0xdd: {  	[tilespmem:v1+s31+$0x191F0 ss:$0x1] =	vst.idx.msk $0xffff, v5  }
0xde: {  	v4 =	vld.idx.msk [tilespmem:v1+s31+$0x14200 ss:$0x1], $0xffff  }
0xdf: {  	v5 =	vld.idx.msk [tilespmem:v1+s31+$0x14210 ss:$0x1], $0xffff  }
0xe0: {  	v50 =	vld.idx.msk [tilespmem:v1+s31+$0x14220 ss:$0x1], $0xffff  }
0xe1: {  	v53 =	vbroadcast v3, $0x7;
	v51 =	vld.idx.msk [tilespmem:v1+s31+$0x14230 ss:$0x1], $0xffff  }
0xe2: {  	v52 =	vld.idx.msk [tilespmem:v1+s31+$0x14240 ss:$0x1], $0xffff  }
0xe3: {  	v54 =	vld.idx.msk [tilespmem:v1+s31+$0x14250 ss:$0x1], $0xffff;
	v4 =	vmul.f32 v4, v53  }
0xe4: {  	v55 =	vld.idx.msk [tilespmem:v1+s31+$0x14260 ss:$0x1], $0xffff;
	v5 =	vmul.f32 v5, v53  }
0xe5: {  	v56 =	vld.idx.msk [tilespmem:v1+s31+$0x14270 ss:$0x1], $0xffff;
	[tilespmem:v1+s31+$0x19200 ss:$0x1] =	vst.idx.msk $0xffff, v4;
	v4 =	vmul.f32 v50, v53  }
0xe6: {  	[tilespmem:v1+s31+$0x19210 ss:$0x1] =	vst.idx.msk $0xffff, v5;
	v5 =	vmul.f32 v51, v53  }
0xe7: {  	[tilespmem:v1+s31+$0x19220 ss:$0x1] =	vst.idx.msk $0xffff, v4;
	v4 =	vmul.f32 v52, v53  }
0xe8: {  	[tilespmem:v1+s31+$0x19230 ss:$0x1] =	vst.idx.msk $0xffff, v5;
	v5 =	vmul.f32 v54, v53  }
0xe9: {  	[tilespmem:v1+s31+$0x19240 ss:$0x1] =	vst.idx.msk $0xffff, v4;
	v4 =	vmul.f32 v55, v53  }
0xea: {  	[tilespmem:v1+s31+$0x19250 ss:$0x1] =	vst.idx.msk $0xffff, v5;
	v5 =	vmul.f32 v56, v53  }
0xeb: {  	[tilespmem:v1+s31+$0x19260 ss:$0x1] =	vst.idx.msk $0xffff, v4  }
0xec: {  	[tilespmem:v1+s31+$0x19270 ss:$0x1] =	vst.idx.msk $0xffff, v5  }
0xed: {  	v4 =	vld.idx.msk [tilespmem:v1+s31+$0x14280 ss:$0x1], $0xffff  }
0xee: {  	v5 =	vld.idx.msk [tilespmem:v1+s31+$0x14290 ss:$0x1], $0xffff  }
0xef: {  	v57 =	vld.idx.msk [tilespmem:v1+s31+$0x142A0 ss:$0x1], $0xffff  }
0xf0: {  	v60 =	vbroadcast v3, $0x8;
	v58 =	vld.idx.msk [tilespmem:v1+s31+$0x142B0 ss:$0x1], $0xffff  }
0xf1: {  	v59 =	vld.idx.msk [tilespmem:v1+s31+$0x142C0 ss:$0x1], $0xffff  }
0xf2: {  	v61 =	vld.idx.msk [tilespmem:v1+s31+$0x142D0 ss:$0x1], $0xffff;
	v4 =	vmul.f32 v4, v60  }
0xf3: {  	v62 =	vld.idx.msk [tilespmem:v1+s31+$0x142E0 ss:$0x1], $0xffff;
	v5 =	vmul.f32 v5, v60  }
0xf4: {  	v63 =	vld.idx.msk [tilespmem:v1+s31+$0x142F0 ss:$0x1], $0xffff;
	[tilespmem:v1+s31+$0x19280 ss:$0x1] =	vst.idx.msk $0xffff, v4;
	v4 =	vmul.f32 v57, v60  }
0xf5: {  	[tilespmem:v1+s31+$0x19290 ss:$0x1] =	vst.idx.msk $0xffff, v5;
	v5 =	vmul.f32 v58, v60  }
0xf6: {  	[tilespmem:v1+s31+$0x192A0 ss:$0x1] =	vst.idx.msk $0xffff, v4;
	v4 =	vmul.f32 v59, v60  }
0xf7: {  	[tilespmem:v1+s31+$0x192B0 ss:$0x1] =	vst.idx.msk $0xffff, v5;
	v5 =	vmul.f32 v61, v60  }
0xf8: {  	[tilespmem:v1+s31+$0x192C0 ss:$0x1] =	vst.idx.msk $0xffff, v4;
	v4 =	vmul.f32 v62, v60  }
0xf9: {  	[tilespmem:v1+s31+$0x192D0 ss:$0x1] =	vst.idx.msk $0xffff, v5;
	v5 =	vmul.f32 v63, v60  }
0xfa: {  	[tilespmem:v1+s31+$0x192E0 ss:$0x1] =	vst.idx.msk $0xffff, v4  }
0xfb: {  	[tilespmem:v1+s31+$0x192F0 ss:$0x1] =	vst.idx.msk $0xffff, v5  }
0xfc: {  	v4 =	vld.idx.msk [tilespmem:v1+s31+$0x14300 ss:$0x1], $0xffff  }
0xfd: {  	v5 =	vld.idx.msk [tilespmem:v1+s31+$0x14310 ss:$0x1], $0xffff  }
0xfe: {  	v16 =	vld.idx.msk [tilespmem:v1+s31+$0x14320 ss:$0x1], $0xffff  }
0xff: {  	v19 =	vbroadcast v3, $0x9;
	v17 =	vld.idx.msk [tilespmem:v1+s31+$0x14330 ss:$0x1], $0xffff  }
0x100: {  	v18 =	vld.idx.msk [tilespmem:v1+s31+$0x14340 ss:$0x1], $0xffff  }
0x101: {  	v20 =	vld.idx.msk [tilespmem:v1+s31+$0x14350 ss:$0x1], $0xffff;
	v4 =	vmul.f32 v4, v19  }
0x102: {  	v21 =	vld.idx.msk [tilespmem:v1+s31+$0x14360 ss:$0x1], $0xffff;
	v5 =	vmul.f32 v5, v19  }
0x103: {  	v22 =	vld.idx.msk [tilespmem:v1+s31+$0x14370 ss:$0x1], $0xffff;
	[tilespmem:v1+s31+$0x19300 ss:$0x1] =	vst.idx.msk $0xffff, v4;
	v4 =	vmul.f32 v16, v19  }
0x104: {  	[tilespmem:v1+s31+$0x19310 ss:$0x1] =	vst.idx.msk $0xffff, v5;
	v5 =	vmul.f32 v17, v19  }
0x105: {  	[tilespmem:v1+s31+$0x19320 ss:$0x1] =	vst.idx.msk $0xffff, v4;
	v4 =	vmul.f32 v18, v19  }
0x106: {  	[tilespmem:v1+s31+$0x19330 ss:$0x1] =	vst.idx.msk $0xffff, v5;
	v5 =	vmul.f32 v20, v19  }
0x107: {  	[tilespmem:v1+s31+$0x19340 ss:$0x1] =	vst.idx.msk $0xffff, v4;
	v4 =	vmul.f32 v21, v19  }
0x108: {  	[tilespmem:v1+s31+$0x19350 ss:$0x1] =	vst.idx.msk $0xffff, v5;
	v5 =	vmul.f32 v22, v19  }
0x109: {  	[tilespmem:v1+s31+$0x19360 ss:$0x1] =	vst.idx.msk $0xffff, v4  }
0x10a: {  	[tilespmem:v1+s31+$0x19370 ss:$0x1] =	vst.idx.msk $0xffff, v5  }
0x10b: {  	v4 =	vld.idx.msk [tilespmem:v1+s31+$0x14380 ss:$0x1], $0xffff  }
0x10c: {  	v5 =	vld.idx.msk [tilespmem:v1+s31+$0x14390 ss:$0x1], $0xffff  }
0x10d: {  	v23 =	vld.idx.msk [tilespmem:v1+s31+$0x143A0 ss:$0x1], $0xffff  }
0x10e: {  	v26 =	vbroadcast v3, $0xA;
	v24 =	vld.idx.msk [tilespmem:v1+s31+$0x143B0 ss:$0x1], $0xffff  }
0x10f: {  	v25 =	vld.idx.msk [tilespmem:v1+s31+$0x143C0 ss:$0x1], $0xffff  }
0x110: {  	v27 =	vld.idx.msk [tilespmem:v1+s31+$0x143D0 ss:$0x1], $0xffff;
	v4 =	vmul.f32 v4, v26  }
0x111: {  	v28 =	vld.idx.msk [tilespmem:v1+s31+$0x143E0 ss:$0x1], $0xffff;
	v5 =	vmul.f32 v5, v26  }
0x112: {  	v29 =	vld.idx.msk [tilespmem:v1+s31+$0x143F0 ss:$0x1], $0xffff;
	[tilespmem:v1+s31+$0x19380 ss:$0x1] =	vst.idx.msk $0xffff, v4;
	v4 =	vmul.f32 v23, v26  }
0x113: {  	[tilespmem:v1+s31+$0x19390 ss:$0x1] =	vst.idx.msk $0xffff, v5;
	v5 =	vmul.f32 v24, v26  }
0x114: {  	[tilespmem:v1+s31+$0x193A0 ss:$0x1] =	vst.idx.msk $0xffff, v4;
	v4 =	vmul.f32 v25, v26  }
0x115: {  	[tilespmem:v1+s31+$0x193B0 ss:$0x1] =	vst.idx.msk $0xffff, v5;
	v5 =	vmul.f32 v27, v26  }
0x116: {  	[tilespmem:v1+s31+$0x193C0 ss:$0x1] =	vst.idx.msk $0xffff, v4;
	v4 =	vmul.f32 v28, v26  }
0x117: {  	[tilespmem:v1+s31+$0x193D0 ss:$0x1] =	vst.idx.msk $0xffff, v5;
	v5 =	vmul.f32 v29, v26  }
0x118: {  	[tilespmem:v1+s31+$0x193E0 ss:$0x1] =	vst.idx.msk $0xffff, v4  }
0x119: {  	[tilespmem:v1+s31+$0x193F0 ss:$0x1] =	vst.idx.msk $0xffff, v5  }
0x11a: {  	v4 =	vld.idx.msk [tilespmem:v1+s31+$0x14400 ss:$0x1], $0xffff  }
0x11b: {  	v5 =	vld.idx.msk [tilespmem:v1+s31+$0x14410 ss:$0x1], $0xffff  }
0x11c: {  	v30 =	vld.idx.msk [tilespmem:v1+s31+$0x14420 ss:$0x1], $0xffff  }
0x11d: {  	v33 =	vbroadcast v3, $0xB;
	v31 =	vld.idx.msk [tilespmem:v1+s31+$0x14430 ss:$0x1], $0xffff  }
0x11e: {  	v32 =	vld.idx.msk [tilespmem:v1+s31+$0x14440 ss:$0x1], $0xffff  }
0x11f: {  	v34 =	vld.idx.msk [tilespmem:v1+s31+$0x14450 ss:$0x1], $0xffff;
	v4 =	vmul.f32 v4, v33  }
0x120: {  	v35 =	vld.idx.msk [tilespmem:v1+s31+$0x14460 ss:$0x1], $0xffff;
	v5 =	vmul.f32 v5, v33  }
0x121: {  	v36 =	vld.idx.msk [tilespmem:v1+s31+$0x14470 ss:$0x1], $0xffff;
	[tilespmem:v1+s31+$0x19400 ss:$0x1] =	vst.idx.msk $0xffff, v4;
	v4 =	vmul.f32 v30, v33  }
0x122: {  	[tilespmem:v1+s31+$0x19410 ss:$0x1] =	vst.idx.msk $0xffff, v5;
	v5 =	vmul.f32 v31, v33  }
0x123: {  	[tilespmem:v1+s31+$0x19420 ss:$0x1] =	vst.idx.msk $0xffff, v4;
	v4 =	vmul.f32 v32, v33  }
0x124: {  	[tilespmem:v1+s31+$0x19430 ss:$0x1] =	vst.idx.msk $0xffff, v5;
	v5 =	vmul.f32 v34, v33  }
0x125: {  	[tilespmem:v1+s31+$0x19440 ss:$0x1] =	vst.idx.msk $0xffff, v4;
	v4 =	vmul.f32 v35, v33  }
0x126: {  	[tilespmem:v1+s31+$0x19450 ss:$0x1] =	vst.idx.msk $0xffff, v5;
	v5 =	vmul.f32 v36, v33  }
0x127: {  	[tilespmem:v1+s31+$0x19460 ss:$0x1] =	vst.idx.msk $0xffff, v4  }
0x128: {  	[tilespmem:v1+s31+$0x19470 ss:$0x1] =	vst.idx.msk $0xffff, v5  }
0x129: {  	v4 =	vld.idx.msk [tilespmem:v1+s31+$0x14480 ss:$0x1], $0xffff  }
0x12a: {  	v5 =	vld.idx.msk [tilespmem:v1+s31+$0x14490 ss:$0x1], $0xffff  }
0x12b: {  	v37 =	vld.idx.msk [tilespmem:v1+s31+$0x144A0 ss:$0x1], $0xffff  }
0x12c: {  	v40 =	vbroadcast v3, $0xC;
	v38 =	vld.idx.msk [tilespmem:v1+s31+$0x144B0 ss:$0x1], $0xffff  }
0x12d: {  	v39 =	vld.idx.msk [tilespmem:v1+s31+$0x144C0 ss:$0x1], $0xffff  }
0x12e: {  	v41 =	vld.idx.msk [tilespmem:v1+s31+$0x144D0 ss:$0x1], $0xffff;
	v4 =	vmul.f32 v4, v40  }
0x12f: {  	v42 =	vld.idx.msk [tilespmem:v1+s31+$0x144E0 ss:$0x1], $0xffff;
	v5 =	vmul.f32 v5, v40  }
0x130: {  	v43 =	vld.idx.msk [tilespmem:v1+s31+$0x144F0 ss:$0x1], $0xffff;
	[tilespmem:v1+s31+$0x19480 ss:$0x1] =	vst.idx.msk $0xffff, v4;
	v4 =	vmul.f32 v37, v40  }
0x131: {  	[tilespmem:v1+s31+$0x19490 ss:$0x1] =	vst.idx.msk $0xffff, v5;
	v5 =	vmul.f32 v38, v40  }
0x132: {  	[tilespmem:v1+s31+$0x194A0 ss:$0x1] =	vst.idx.msk $0xffff, v4;
	v4 =	vmul.f32 v39, v40  }
0x133: {  	[tilespmem:v1+s31+$0x194B0 ss:$0x1] =	vst.idx.msk $0xffff, v5;
	v5 =	vmul.f32 v41, v40  }
0x134: {  	[tilespmem:v1+s31+$0x194C0 ss:$0x1] =	vst.idx.msk $0xffff, v4;
	v4 =	vmul.f32 v42, v40  }
0x135: {  	[tilespmem:v1+s31+$0x194D0 ss:$0x1] =	vst.idx.msk $0xffff, v5;
	v5 =	vmul.f32 v43, v40  }
0x136: {  	[tilespmem:v1+s31+$0x194E0 ss:$0x1] =	vst.idx.msk $0xffff, v4  }
0x137: {  	[tilespmem:v1+s31+$0x194F0 ss:$0x1] =	vst.idx.msk $0xffff, v5  }
0x138: {  	v4 =	vld.idx.msk [tilespmem:v1+s31+$0x14500 ss:$0x1], $0xffff  }
0x139: {  	v5 =	vld.idx.msk [tilespmem:v1+s31+$0x14510 ss:$0x1], $0xffff  }
0x13a: {  	v44 =	vld.idx.msk [tilespmem:v1+s31+$0x14520 ss:$0x1], $0xffff  }
0x13b: {  	v47 =	vbroadcast v3, $0xD;
	v45 =	vld.idx.msk [tilespmem:v1+s31+$0x14530 ss:$0x1], $0xffff  }
0x13c: {  	v46 =	vld.idx.msk [tilespmem:v1+s31+$0x14540 ss:$0x1], $0xffff  }
0x13d: {  	v48 =	vld.idx.msk [tilespmem:v1+s31+$0x14550 ss:$0x1], $0xffff;
	v4 =	vmul.f32 v4, v47  }
0x13e: {  	v49 =	vld.idx.msk [tilespmem:v1+s31+$0x14560 ss:$0x1], $0xffff;
	v5 =	vmul.f32 v5, v47  }
0x13f: {  	v50 =	vld.idx.msk [tilespmem:v1+s31+$0x14570 ss:$0x1], $0xffff;
	[tilespmem:v1+s31+$0x19500 ss:$0x1] =	vst.idx.msk $0xffff, v4;
	v4 =	vmul.f32 v44, v47  }
0x140: {  	[tilespmem:v1+s31+$0x19510 ss:$0x1] =	vst.idx.msk $0xffff, v5;
	v5 =	vmul.f32 v45, v47  }
0x141: {  	[tilespmem:v1+s31+$0x19520 ss:$0x1] =	vst.idx.msk $0xffff, v4;
	v4 =	vmul.f32 v46, v47  }
0x142: {  	[tilespmem:v1+s31+$0x19530 ss:$0x1] =	vst.idx.msk $0xffff, v5;
	v5 =	vmul.f32 v48, v47  }
0x143: {  	[tilespmem:v1+s31+$0x19540 ss:$0x1] =	vst.idx.msk $0xffff, v4;
	v4 =	vmul.f32 v49, v47  }
0x144: {  	[tilespmem:v1+s31+$0x19550 ss:$0x1] =	vst.idx.msk $0xffff, v5;
	v5 =	vmul.f32 v50, v47  }
0x145: {  	[tilespmem:v1+s31+$0x19560 ss:$0x1] =	vst.idx.msk $0xffff, v4  }
0x146: {  	[tilespmem:v1+s31+$0x19570 ss:$0x1] =	vst.idx.msk $0xffff, v5  }
0x147: {  	v4 =	vld.idx.msk [tilespmem:v1+s31+$0x14580 ss:$0x1], $0xffff  }
0x148: {  	v5 =	vld.idx.msk [tilespmem:v1+s31+$0x14590 ss:$0x1], $0xffff  }
0x149: {  	v51 =	vld.idx.msk [tilespmem:v1+s31+$0x145A0 ss:$0x1], $0xffff  }
0x14a: {  	v54 =	vbroadcast v3, $0xE;
	v52 =	vld.idx.msk [tilespmem:v1+s31+$0x145B0 ss:$0x1], $0xffff  }
0x14b: {  	v53 =	vld.idx.msk [tilespmem:v1+s31+$0x145C0 ss:$0x1], $0xffff  }
0x14c: {  	v55 =	vld.idx.msk [tilespmem:v1+s31+$0x145D0 ss:$0x1], $0xffff;
	v4 =	vmul.f32 v4, v54  }
0x14d: {  	v56 =	vld.idx.msk [tilespmem:v1+s31+$0x145E0 ss:$0x1], $0xffff;
	v5 =	vmul.f32 v5, v54  }
0x14e: {  	v57 =	vld.idx.msk [tilespmem:v1+s31+$0x145F0 ss:$0x1], $0xffff;
	[tilespmem:v1+s31+$0x19580 ss:$0x1] =	vst.idx.msk $0xffff, v4;
	v4 =	vmul.f32 v51, v54  }
0x14f: {  	[tilespmem:v1+s31+$0x19590 ss:$0x1] =	vst.idx.msk $0xffff, v5;
	v5 =	vmul.f32 v52, v54  }
0x150: {  	[tilespmem:v1+s31+$0x195A0 ss:$0x1] =	vst.idx.msk $0xffff, v4;
	v4 =	vmul.f32 v53, v54  }
0x151: {  	[tilespmem:v1+s31+$0x195B0 ss:$0x1] =	vst.idx.msk $0xffff, v5;
	v5 =	vmul.f32 v55, v54  }
0x152: {  	[tilespmem:v1+s31+$0x195C0 ss:$0x1] =	vst.idx.msk $0xffff, v4;
	v4 =	vmul.f32 v56, v54  }
0x153: {  	[tilespmem:v1+s31+$0x195D0 ss:$0x1] =	vst.idx.msk $0xffff, v5;
	v5 =	vmul.f32 v57, v54  }
0x154: {  	[tilespmem:v1+s31+$0x195E0 ss:$0x1] =	vst.idx.msk $0xffff, v4  }
0x155: {  	[tilespmem:v1+s31+$0x195F0 ss:$0x1] =	vst.idx.msk $0xffff, v5  }
0x156: {  	v4 =	vld.idx.msk [tilespmem:v1+s31+$0x14600 ss:$0x1], $0xffff  }
0x157: {  	v5 =	vld.idx.msk [tilespmem:v1+s31+$0x14610 ss:$0x1], $0xffff  }
0x158: {  	v58 =	vld.idx.msk [tilespmem:v1+s31+$0x14620 ss:$0x1], $0xffff  }
0x159: {  	v3 =	vbroadcast v3, $0xF;
	v59 =	vld.idx.msk [tilespmem:v1+s31+$0x14630 ss:$0x1], $0xffff  }
0x15a: {  	v60 =	vld.idx.msk [tilespmem:v1+s31+$0x14640 ss:$0x1], $0xffff  }
0x15b: {  	v61 =	vld.idx.msk [tilespmem:v1+s31+$0x14650 ss:$0x1], $0xffff;
	v4 =	vmul.f32 v4, v3  }
0x15c: {  	v62 =	vld.idx.msk [tilespmem:v1+s31+$0x14660 ss:$0x1], $0xffff;
	v5 =	vmul.f32 v5, v3  }
0x15d: {  	v63 =	vld.idx.msk [tilespmem:v1+s31+$0x14670 ss:$0x1], $0xffff;
	[tilespmem:v1+s31+$0x19600 ss:$0x1] =	vst.idx.msk $0xffff, v4;
	v4 =	vmul.f32 v58, v3  }
0x15e: {  	[tilespmem:v1+s31+$0x19610 ss:$0x1] =	vst.idx.msk $0xffff, v5;
	v5 =	vmul.f32 v59, v3  }
0x15f: {  	[tilespmem:v1+s31+$0x19620 ss:$0x1] =	vst.idx.msk $0xffff, v4;
	v4 =	vmul.f32 v60, v3  }
0x160: {  	[tilespmem:v1+s31+$0x19630 ss:$0x1] =	vst.idx.msk $0xffff, v5;
	v5 =	vmul.f32 v61, v3  }
0x161: {  	[tilespmem:v1+s31+$0x19640 ss:$0x1] =	vst.idx.msk $0xffff, v4;
	v4 =	vmul.f32 v62, v3  }
0x162: {  	[tilespmem:v1+s31+$0x19650 ss:$0x1] =	vst.idx.msk $0xffff, v5  }
0x163: {  	s3 =	simm.s32 $0x10;
	s0 =	simm.s32 $0x1;
	s25 =	simm.s32 $0x2;
	v3 =	vmul.f32 v63, v3;
	[tilespmem:v1+s31+$0x19660 ss:$0x1] =	vst.idx.msk $0xffff, v4  }
.LBB2_7:
0x164: {  	p5 =	sne.s32 s25, $0x4  }
0x165: {  	s3 =	sand.u32 $0x3FFFFFF0, s3;
	[tilespmem:v1+s31+$0x19670 ss:$0x1] =	vst.idx.msk $0xffff, v3;
	s20 =	smov.u32 s25;
	s25 =	sadd.s32 $0x1, s25  }
0x166: {  	v3 =	vld.idx.msk [tilespmem:v2+s3+$0x0 ss:$0x1], $0xffff  }
0x167: {  	s31 =	sshll.u32 s0, $0xB;
	s0 =	smov.u32 s20  }
0x168: {  	v4 =	vld.idx.msk [tilespmem:v1+s31+$0x13E80 ss:$0x1], $0xffff  }
0x169: {  	v5 =	vld.idx.msk [tilespmem:v1+s31+$0x13E90 ss:$0x1], $0xffff  }
0x16a: {  	v6 =	vld.idx.msk [tilespmem:v1+s31+$0x13EA0 ss:$0x1], $0xffff  }
0x16b: {  	v7 =	vld.idx.msk [tilespmem:v1+s31+$0x13EB0 ss:$0x1], $0xffff  }
0x16c: {  	v9 =	vbroadcast v3, $0x0;
	v8 =	vld.idx.msk [tilespmem:v1+s31+$0x13EC0 ss:$0x1], $0xffff  }
0x16d: {  	v10 =	vld.idx.msk [tilespmem:v1+s31+$0x13ED0 ss:$0x1], $0xffff  }
0x16e: {  	v4 =	vmul.f32 v9, v4;
	v11 =	vld.idx.msk [tilespmem:v1+s31+$0x13EE0 ss:$0x1], $0xffff  }
0x16f: {  	v5 =	vmul.f32 v5, v9;
	v12 =	vld.idx.msk [tilespmem:v1+s31+$0x13EF0 ss:$0x1], $0xffff  }
0x170: {  	[tilespmem:v1+s31+$0x18E80 ss:$0x1] =	vst.idx.msk $0xffff, v4;
	v4 =	vmul.f32 v6, v9  }
0x171: {  	[tilespmem:v1+s31+$0x18E90 ss:$0x1] =	vst.idx.msk $0xffff, v5;
	v5 =	vmul.f32 v7, v9  }
0x172: {  	[tilespmem:v1+s31+$0x18EA0 ss:$0x1] =	vst.idx.msk $0xffff, v4;
	v4 =	vmul.f32 v8, v9  }
0x173: {  	[tilespmem:v1+s31+$0x18EB0 ss:$0x1] =	vst.idx.msk $0xffff, v5;
	v5 =	vmul.f32 v10, v9  }
0x174: {  	[tilespmem:v1+s31+$0x18EC0 ss:$0x1] =	vst.idx.msk $0xffff, v4;
	v4 =	vmul.f32 v11, v9  }
0x175: {  	[tilespmem:v1+s31+$0x18ED0 ss:$0x1] =	vst.idx.msk $0xffff, v5;
	v5 =	vmul.f32 v12, v9  }
0x176: {  	[tilespmem:v1+s31+$0x18EE0 ss:$0x1] =	vst.idx.msk $0xffff, v4  }
0x177: {  	[tilespmem:v1+s31+$0x18EF0 ss:$0x1] =	vst.idx.msk $0xffff, v5  }
0x178: {  	v4 =	vld.idx.msk [tilespmem:v1+s31+$0x13F00 ss:$0x1], $0xffff  }
0x179: {  	v5 =	vld.idx.msk [tilespmem:v1+s31+$0x13F10 ss:$0x1], $0xffff  }
0x17a: {  	v6 =	vld.idx.msk [tilespmem:v1+s31+$0x13F20 ss:$0x1], $0xffff  }
0x17b: {  	v7 =	vld.idx.msk [tilespmem:v1+s31+$0x13F30 ss:$0x1], $0xffff  }
0x17c: {  	v9 =	vbroadcast v3, $0x1;
	v8 =	vld.idx.msk [tilespmem:v1+s31+$0x13F40 ss:$0x1], $0xffff  }
0x17d: {  	v10 =	vld.idx.msk [tilespmem:v1+s31+$0x13F50 ss:$0x1], $0xffff  }
0x17e: {  	v4 =	vmul.f32 v4, v9;
	v11 =	vld.idx.msk [tilespmem:v1+s31+$0x13F60 ss:$0x1], $0xffff  }
0x17f: {  	v5 =	vmul.f32 v5, v9;
	v12 =	vld.idx.msk [tilespmem:v1+s31+$0x13F70 ss:$0x1], $0xffff  }
0x180: {  	[tilespmem:v1+s31+$0x18F00 ss:$0x1] =	vst.idx.msk $0xffff, v4;
	v4 =	vmul.f32 v6, v9  }
0x181: {  	[tilespmem:v1+s31+$0x18F10 ss:$0x1] =	vst.idx.msk $0xffff, v5;
	v5 =	vmul.f32 v7, v9  }
0x182: {  	[tilespmem:v1+s31+$0x18F20 ss:$0x1] =	vst.idx.msk $0xffff, v4;
	v4 =	vmul.f32 v8, v9  }
0x183: {  	[tilespmem:v1+s31+$0x18F30 ss:$0x1] =	vst.idx.msk $0xffff, v5;
	v5 =	vmul.f32 v10, v9  }
0x184: {  	[tilespmem:v1+s31+$0x18F40 ss:$0x1] =	vst.idx.msk $0xffff, v4;
	v4 =	vmul.f32 v11, v9  }
0x185: {  	[tilespmem:v1+s31+$0x18F50 ss:$0x1] =	vst.idx.msk $0xffff, v5;
	v5 =	vmul.f32 v12, v9  }
0x186: {  	[tilespmem:v1+s31+$0x18F60 ss:$0x1] =	vst.idx.msk $0xffff, v4  }
0x187: {  	[tilespmem:v1+s31+$0x18F70 ss:$0x1] =	vst.idx.msk $0xffff, v5  }
0x188: {  	v4 =	vld.idx.msk [tilespmem:v1+s31+$0x13F80 ss:$0x1], $0xffff  }
0x189: {  	v5 =	vld.idx.msk [tilespmem:v1+s31+$0x13F90 ss:$0x1], $0xffff  }
0x18a: {  	v6 =	vld.idx.msk [tilespmem:v1+s31+$0x13FA0 ss:$0x1], $0xffff  }
0x18b: {  	v7 =	vld.idx.msk [tilespmem:v1+s31+$0x13FB0 ss:$0x1], $0xffff  }
0x18c: {  	v9 =	vbroadcast v3, $0x2;
	v8 =	vld.idx.msk [tilespmem:v1+s31+$0x13FC0 ss:$0x1], $0xffff  }
0x18d: {  	v10 =	vld.idx.msk [tilespmem:v1+s31+$0x13FD0 ss:$0x1], $0xffff  }
0x18e: {  	v4 =	vmul.f32 v4, v9;
	v11 =	vld.idx.msk [tilespmem:v1+s31+$0x13FE0 ss:$0x1], $0xffff  }
0x18f: {  	v5 =	vmul.f32 v5, v9;
	v12 =	vld.idx.msk [tilespmem:v1+s31+$0x13FF0 ss:$0x1], $0xffff  }
0x190: {  	[tilespmem:v1+s31+$0x18F80 ss:$0x1] =	vst.idx.msk $0xffff, v4;
	v4 =	vmul.f32 v6, v9  }
0x191: {  	[tilespmem:v1+s31+$0x18F90 ss:$0x1] =	vst.idx.msk $0xffff, v5;
	v5 =	vmul.f32 v7, v9  }
0x192: {  	[tilespmem:v1+s31+$0x18FA0 ss:$0x1] =	vst.idx.msk $0xffff, v4;
	v4 =	vmul.f32 v8, v9  }
0x193: {  	[tilespmem:v1+s31+$0x18FB0 ss:$0x1] =	vst.idx.msk $0xffff, v5;
	v5 =	vmul.f32 v10, v9  }
0x194: {  	[tilespmem:v1+s31+$0x18FC0 ss:$0x1] =	vst.idx.msk $0xffff, v4;
	v4 =	vmul.f32 v11, v9  }
0x195: {  	[tilespmem:v1+s31+$0x18FD0 ss:$0x1] =	vst.idx.msk $0xffff, v5;
	v5 =	vmul.f32 v12, v9  }
0x196: {  	[tilespmem:v1+s31+$0x18FE0 ss:$0x1] =	vst.idx.msk $0xffff, v4  }
0x197: {  	[tilespmem:v1+s31+$0x18FF0 ss:$0x1] =	vst.idx.msk $0xffff, v5  }
0x198: {  	v4 =	vld.idx.msk [tilespmem:v1+s31+$0x14000 ss:$0x1], $0xffff  }
0x199: {  	v5 =	vld.idx.msk [tilespmem:v1+s31+$0x14010 ss:$0x1], $0xffff  }
0x19a: {  	v6 =	vld.idx.msk [tilespmem:v1+s31+$0x14020 ss:$0x1], $0xffff  }
0x19b: {  	v7 =	vld.idx.msk [tilespmem:v1+s31+$0x14030 ss:$0x1], $0xffff  }
0x19c: {  	v9 =	vbroadcast v3, $0x3;
	v8 =	vld.idx.msk [tilespmem:v1+s31+$0x14040 ss:$0x1], $0xffff  }
0x19d: {  	v10 =	vld.idx.msk [tilespmem:v1+s31+$0x14050 ss:$0x1], $0xffff  }
0x19e: {  	v4 =	vmul.f32 v4, v9;
	v11 =	vld.idx.msk [tilespmem:v1+s31+$0x14060 ss:$0x1], $0xffff  }
0x19f: {  	v5 =	vmul.f32 v5, v9;
	v12 =	vld.idx.msk [tilespmem:v1+s31+$0x14070 ss:$0x1], $0xffff  }
0x1a0: {  	[tilespmem:v1+s31+$0x19000 ss:$0x1] =	vst.idx.msk $0xffff, v4;
	v4 =	vmul.f32 v6, v9  }
0x1a1: {  	[tilespmem:v1+s31+$0x19010 ss:$0x1] =	vst.idx.msk $0xffff, v5;
	v5 =	vmul.f32 v7, v9  }
0x1a2: {  	[tilespmem:v1+s31+$0x19020 ss:$0x1] =	vst.idx.msk $0xffff, v4;
	v4 =	vmul.f32 v8, v9  }
0x1a3: {  	[tilespmem:v1+s31+$0x19030 ss:$0x1] =	vst.idx.msk $0xffff, v5;
	v5 =	vmul.f32 v10, v9  }
0x1a4: {  	[tilespmem:v1+s31+$0x19040 ss:$0x1] =	vst.idx.msk $0xffff, v4;
	v4 =	vmul.f32 v11, v9  }
0x1a5: {  	[tilespmem:v1+s31+$0x19050 ss:$0x1] =	vst.idx.msk $0xffff, v5;
	v5 =	vmul.f32 v12, v9  }
0x1a6: {  	[tilespmem:v1+s31+$0x19060 ss:$0x1] =	vst.idx.msk $0xffff, v4  }
0x1a7: {  	[tilespmem:v1+s31+$0x19070 ss:$0x1] =	vst.idx.msk $0xffff, v5  }
0x1a8: {  	v4 =	vld.idx.msk [tilespmem:v1+s31+$0x14080 ss:$0x1], $0xffff  }
0x1a9: {  	v5 =	vld.idx.msk [tilespmem:v1+s31+$0x14090 ss:$0x1], $0xffff  }
0x1aa: {  	v6 =	vld.idx.msk [tilespmem:v1+s31+$0x140A0 ss:$0x1], $0xffff  }
0x1ab: {  	v7 =	vld.idx.msk [tilespmem:v1+s31+$0x140B0 ss:$0x1], $0xffff  }
0x1ac: {  	v9 =	vbroadcast v3, $0x4;
	v8 =	vld.idx.msk [tilespmem:v1+s31+$0x140C0 ss:$0x1], $0xffff  }
0x1ad: {  	v10 =	vld.idx.msk [tilespmem:v1+s31+$0x140D0 ss:$0x1], $0xffff  }
0x1ae: {  	v4 =	vmul.f32 v4, v9;
	v11 =	vld.idx.msk [tilespmem:v1+s31+$0x140E0 ss:$0x1], $0xffff  }
0x1af: {  	v5 =	vmul.f32 v5, v9;
	v12 =	vld.idx.msk [tilespmem:v1+s31+$0x140F0 ss:$0x1], $0xffff  }
0x1b0: {  	[tilespmem:v1+s31+$0x19080 ss:$0x1] =	vst.idx.msk $0xffff, v4;
	v4 =	vmul.f32 v6, v9  }
0x1b1: {  	[tilespmem:v1+s31+$0x19090 ss:$0x1] =	vst.idx.msk $0xffff, v5;
	v5 =	vmul.f32 v7, v9  }
0x1b2: {  	[tilespmem:v1+s31+$0x190A0 ss:$0x1] =	vst.idx.msk $0xffff, v4;
	v4 =	vmul.f32 v8, v9  }
0x1b3: {  	[tilespmem:v1+s31+$0x190B0 ss:$0x1] =	vst.idx.msk $0xffff, v5;
	v5 =	vmul.f32 v10, v9  }
0x1b4: {  	[tilespmem:v1+s31+$0x190C0 ss:$0x1] =	vst.idx.msk $0xffff, v4;
	v4 =	vmul.f32 v11, v9  }
0x1b5: {  	[tilespmem:v1+s31+$0x190D0 ss:$0x1] =	vst.idx.msk $0xffff, v5;
	v5 =	vmul.f32 v12, v9  }
0x1b6: {  	[tilespmem:v1+s31+$0x190E0 ss:$0x1] =	vst.idx.msk $0xffff, v4  }
0x1b7: {  	[tilespmem:v1+s31+$0x190F0 ss:$0x1] =	vst.idx.msk $0xffff, v5  }
0x1b8: {  	v4 =	vld.idx.msk [tilespmem:v1+s31+$0x14100 ss:$0x1], $0xffff  }
0x1b9: {  	v5 =	vld.idx.msk [tilespmem:v1+s31+$0x14110 ss:$0x1], $0xffff  }
0x1ba: {  	v6 =	vld.idx.msk [tilespmem:v1+s31+$0x14120 ss:$0x1], $0xffff  }
0x1bb: {  	v7 =	vld.idx.msk [tilespmem:v1+s31+$0x14130 ss:$0x1], $0xffff  }
0x1bc: {  	v9 =	vbroadcast v3, $0x5;
	v8 =	vld.idx.msk [tilespmem:v1+s31+$0x14140 ss:$0x1], $0xffff  }
0x1bd: {  	v10 =	vld.idx.msk [tilespmem:v1+s31+$0x14150 ss:$0x1], $0xffff  }
0x1be: {  	v4 =	vmul.f32 v4, v9;
	v11 =	vld.idx.msk [tilespmem:v1+s31+$0x14160 ss:$0x1], $0xffff  }
0x1bf: {  	v5 =	vmul.f32 v5, v9;
	v12 =	vld.idx.msk [tilespmem:v1+s31+$0x14170 ss:$0x1], $0xffff  }
0x1c0: {  	[tilespmem:v1+s31+$0x19100 ss:$0x1] =	vst.idx.msk $0xffff, v4;
	v4 =	vmul.f32 v6, v9  }
0x1c1: {  	[tilespmem:v1+s31+$0x19110 ss:$0x1] =	vst.idx.msk $0xffff, v5;
	v5 =	vmul.f32 v7, v9  }
0x1c2: {  	[tilespmem:v1+s31+$0x19120 ss:$0x1] =	vst.idx.msk $0xffff, v4;
	v4 =	vmul.f32 v8, v9  }
0x1c3: {  	[tilespmem:v1+s31+$0x19130 ss:$0x1] =	vst.idx.msk $0xffff, v5;
	v5 =	vmul.f32 v10, v9  }
0x1c4: {  	[tilespmem:v1+s31+$0x19140 ss:$0x1] =	vst.idx.msk $0xffff, v4;
	v4 =	vmul.f32 v11, v9  }
0x1c5: {  	[tilespmem:v1+s31+$0x19150 ss:$0x1] =	vst.idx.msk $0xffff, v5;
	v5 =	vmul.f32 v12, v9  }
0x1c6: {  	[tilespmem:v1+s31+$0x19160 ss:$0x1] =	vst.idx.msk $0xffff, v4  }
0x1c7: {  	[tilespmem:v1+s31+$0x19170 ss:$0x1] =	vst.idx.msk $0xffff, v5  }
0x1c8: {  	v4 =	vld.idx.msk [tilespmem:v1+s31+$0x14180 ss:$0x1], $0xffff  }
0x1c9: {  	v5 =	vld.idx.msk [tilespmem:v1+s31+$0x14190 ss:$0x1], $0xffff  }
0x1ca: {  	v6 =	vld.idx.msk [tilespmem:v1+s31+$0x141A0 ss:$0x1], $0xffff  }
0x1cb: {  	v7 =	vld.idx.msk [tilespmem:v1+s31+$0x141B0 ss:$0x1], $0xffff  }
0x1cc: {  	v9 =	vbroadcast v3, $0x6;
	v8 =	vld.idx.msk [tilespmem:v1+s31+$0x141C0 ss:$0x1], $0xffff  }
0x1cd: {  	v10 =	vld.idx.msk [tilespmem:v1+s31+$0x141D0 ss:$0x1], $0xffff  }
0x1ce: {  	v4 =	vmul.f32 v4, v9;
	v11 =	vld.idx.msk [tilespmem:v1+s31+$0x141E0 ss:$0x1], $0xffff  }
0x1cf: {  	v5 =	vmul.f32 v5, v9;
	v12 =	vld.idx.msk [tilespmem:v1+s31+$0x141F0 ss:$0x1], $0xffff  }
0x1d0: {  	[tilespmem:v1+s31+$0x19180 ss:$0x1] =	vst.idx.msk $0xffff, v4;
	v4 =	vmul.f32 v6, v9  }
0x1d1: {  	[tilespmem:v1+s31+$0x19190 ss:$0x1] =	vst.idx.msk $0xffff, v5;
	v5 =	vmul.f32 v7, v9  }
0x1d2: {  	[tilespmem:v1+s31+$0x191A0 ss:$0x1] =	vst.idx.msk $0xffff, v4;
	v4 =	vmul.f32 v8, v9  }
0x1d3: {  	[tilespmem:v1+s31+$0x191B0 ss:$0x1] =	vst.idx.msk $0xffff, v5;
	v5 =	vmul.f32 v10, v9  }
0x1d4: {  	[tilespmem:v1+s31+$0x191C0 ss:$0x1] =	vst.idx.msk $0xffff, v4;
	v4 =	vmul.f32 v11, v9  }
0x1d5: {  	[tilespmem:v1+s31+$0x191D0 ss:$0x1] =	vst.idx.msk $0xffff, v5;
	v5 =	vmul.f32 v12, v9  }
0x1d6: {  	[tilespmem:v1+s31+$0x191E0 ss:$0x1] =	vst.idx.msk $0xffff, v4  }
0x1d7: {  	[tilespmem:v1+s31+$0x191F0 ss:$0x1] =	vst.idx.msk $0xffff, v5  }
0x1d8: {  	v4 =	vld.idx.msk [tilespmem:v1+s31+$0x14200 ss:$0x1], $0xffff  }
0x1d9: {  	v5 =	vld.idx.msk [tilespmem:v1+s31+$0x14210 ss:$0x1], $0xffff  }
0x1da: {  	v6 =	vld.idx.msk [tilespmem:v1+s31+$0x14220 ss:$0x1], $0xffff  }
0x1db: {  	v7 =	vld.idx.msk [tilespmem:v1+s31+$0x14230 ss:$0x1], $0xffff  }
0x1dc: {  	v9 =	vbroadcast v3, $0x7;
	v8 =	vld.idx.msk [tilespmem:v1+s31+$0x14240 ss:$0x1], $0xffff  }
0x1dd: {  	v10 =	vld.idx.msk [tilespmem:v1+s31+$0x14250 ss:$0x1], $0xffff  }
0x1de: {  	v4 =	vmul.f32 v4, v9;
	v11 =	vld.idx.msk [tilespmem:v1+s31+$0x14260 ss:$0x1], $0xffff  }
0x1df: {  	v5 =	vmul.f32 v5, v9;
	v12 =	vld.idx.msk [tilespmem:v1+s31+$0x14270 ss:$0x1], $0xffff  }
0x1e0: {  	[tilespmem:v1+s31+$0x19200 ss:$0x1] =	vst.idx.msk $0xffff, v4;
	v4 =	vmul.f32 v6, v9  }
0x1e1: {  	[tilespmem:v1+s31+$0x19210 ss:$0x1] =	vst.idx.msk $0xffff, v5;
	v5 =	vmul.f32 v7, v9  }
0x1e2: {  	[tilespmem:v1+s31+$0x19220 ss:$0x1] =	vst.idx.msk $0xffff, v4;
	v4 =	vmul.f32 v8, v9  }
0x1e3: {  	[tilespmem:v1+s31+$0x19230 ss:$0x1] =	vst.idx.msk $0xffff, v5;
	v5 =	vmul.f32 v10, v9  }
0x1e4: {  	[tilespmem:v1+s31+$0x19240 ss:$0x1] =	vst.idx.msk $0xffff, v4;
	v4 =	vmul.f32 v11, v9  }
0x1e5: {  	[tilespmem:v1+s31+$0x19250 ss:$0x1] =	vst.idx.msk $0xffff, v5;
	v5 =	vmul.f32 v12, v9  }
0x1e6: {  	[tilespmem:v1+s31+$0x19260 ss:$0x1] =	vst.idx.msk $0xffff, v4  }
0x1e7: {  	[tilespmem:v1+s31+$0x19270 ss:$0x1] =	vst.idx.msk $0xffff, v5  }
0x1e8: {  	v4 =	vld.idx.msk [tilespmem:v1+s31+$0x14280 ss:$0x1], $0xffff  }
0x1e9: {  	v5 =	vld.idx.msk [tilespmem:v1+s31+$0x14290 ss:$0x1], $0xffff  }
0x1ea: {  	v6 =	vld.idx.msk [tilespmem:v1+s31+$0x142A0 ss:$0x1], $0xffff  }
0x1eb: {  	v7 =	vld.idx.msk [tilespmem:v1+s31+$0x142B0 ss:$0x1], $0xffff  }
0x1ec: {  	v9 =	vbroadcast v3, $0x8;
	v8 =	vld.idx.msk [tilespmem:v1+s31+$0x142C0 ss:$0x1], $0xffff  }
0x1ed: {  	v10 =	vld.idx.msk [tilespmem:v1+s31+$0x142D0 ss:$0x1], $0xffff  }
0x1ee: {  	v4 =	vmul.f32 v4, v9;
	v11 =	vld.idx.msk [tilespmem:v1+s31+$0x142E0 ss:$0x1], $0xffff  }
0x1ef: {  	v5 =	vmul.f32 v5, v9;
	v12 =	vld.idx.msk [tilespmem:v1+s31+$0x142F0 ss:$0x1], $0xffff  }
0x1f0: {  	[tilespmem:v1+s31+$0x19280 ss:$0x1] =	vst.idx.msk $0xffff, v4;
	v4 =	vmul.f32 v6, v9  }
0x1f1: {  	[tilespmem:v1+s31+$0x19290 ss:$0x1] =	vst.idx.msk $0xffff, v5;
	v5 =	vmul.f32 v7, v9  }
0x1f2: {  	[tilespmem:v1+s31+$0x192A0 ss:$0x1] =	vst.idx.msk $0xffff, v4;
	v4 =	vmul.f32 v8, v9  }
0x1f3: {  	[tilespmem:v1+s31+$0x192B0 ss:$0x1] =	vst.idx.msk $0xffff, v5;
	v5 =	vmul.f32 v10, v9  }
0x1f4: {  	[tilespmem:v1+s31+$0x192C0 ss:$0x1] =	vst.idx.msk $0xffff, v4;
	v4 =	vmul.f32 v11, v9  }
0x1f5: {  	[tilespmem:v1+s31+$0x192D0 ss:$0x1] =	vst.idx.msk $0xffff, v5;
	v5 =	vmul.f32 v12, v9  }
0x1f6: {  	[tilespmem:v1+s31+$0x192E0 ss:$0x1] =	vst.idx.msk $0xffff, v4  }
0x1f7: {  	[tilespmem:v1+s31+$0x192F0 ss:$0x1] =	vst.idx.msk $0xffff, v5  }
0x1f8: {  	v4 =	vld.idx.msk [tilespmem:v1+s31+$0x14300 ss:$0x1], $0xffff  }
0x1f9: {  	v5 =	vld.idx.msk [tilespmem:v1+s31+$0x14310 ss:$0x1], $0xffff  }
0x1fa: {  	v6 =	vld.idx.msk [tilespmem:v1+s31+$0x14320 ss:$0x1], $0xffff  }
0x1fb: {  	v7 =	vld.idx.msk [tilespmem:v1+s31+$0x14330 ss:$0x1], $0xffff  }
0x1fc: {  	v9 =	vbroadcast v3, $0x9;
	v8 =	vld.idx.msk [tilespmem:v1+s31+$0x14340 ss:$0x1], $0xffff  }
0x1fd: {  	v10 =	vld.idx.msk [tilespmem:v1+s31+$0x14350 ss:$0x1], $0xffff  }
0x1fe: {  	v4 =	vmul.f32 v4, v9;
	v11 =	vld.idx.msk [tilespmem:v1+s31+$0x14360 ss:$0x1], $0xffff  }
0x1ff: {  	v5 =	vmul.f32 v5, v9;
	v12 =	vld.idx.msk [tilespmem:v1+s31+$0x14370 ss:$0x1], $0xffff  }
0x200: {  	[tilespmem:v1+s31+$0x19300 ss:$0x1] =	vst.idx.msk $0xffff, v4;
	v4 =	vmul.f32 v6, v9  }
0x201: {  	[tilespmem:v1+s31+$0x19310 ss:$0x1] =	vst.idx.msk $0xffff, v5;
	v5 =	vmul.f32 v7, v9  }
0x202: {  	[tilespmem:v1+s31+$0x19320 ss:$0x1] =	vst.idx.msk $0xffff, v4;
	v4 =	vmul.f32 v8, v9  }
0x203: {  	[tilespmem:v1+s31+$0x19330 ss:$0x1] =	vst.idx.msk $0xffff, v5;
	v5 =	vmul.f32 v10, v9  }
0x204: {  	[tilespmem:v1+s31+$0x19340 ss:$0x1] =	vst.idx.msk $0xffff, v4;
	v4 =	vmul.f32 v11, v9  }
0x205: {  	[tilespmem:v1+s31+$0x19350 ss:$0x1] =	vst.idx.msk $0xffff, v5;
	v5 =	vmul.f32 v12, v9  }
0x206: {  	[tilespmem:v1+s31+$0x19360 ss:$0x1] =	vst.idx.msk $0xffff, v4  }
0x207: {  	[tilespmem:v1+s31+$0x19370 ss:$0x1] =	vst.idx.msk $0xffff, v5  }
0x208: {  	v4 =	vld.idx.msk [tilespmem:v1+s31+$0x14380 ss:$0x1], $0xffff  }
0x209: {  	v5 =	vld.idx.msk [tilespmem:v1+s31+$0x14390 ss:$0x1], $0xffff  }
0x20a: {  	v6 =	vld.idx.msk [tilespmem:v1+s31+$0x143A0 ss:$0x1], $0xffff  }
0x20b: {  	v7 =	vld.idx.msk [tilespmem:v1+s31+$0x143B0 ss:$0x1], $0xffff  }
0x20c: {  	v9 =	vbroadcast v3, $0xA;
	v8 =	vld.idx.msk [tilespmem:v1+s31+$0x143C0 ss:$0x1], $0xffff  }
0x20d: {  	v10 =	vld.idx.msk [tilespmem:v1+s31+$0x143D0 ss:$0x1], $0xffff  }
0x20e: {  	v4 =	vmul.f32 v4, v9;
	v11 =	vld.idx.msk [tilespmem:v1+s31+$0x143E0 ss:$0x1], $0xffff  }
0x20f: {  	v5 =	vmul.f32 v5, v9;
	v12 =	vld.idx.msk [tilespmem:v1+s31+$0x143F0 ss:$0x1], $0xffff  }
0x210: {  	[tilespmem:v1+s31+$0x19380 ss:$0x1] =	vst.idx.msk $0xffff, v4;
	v4 =	vmul.f32 v6, v9  }
0x211: {  	[tilespmem:v1+s31+$0x19390 ss:$0x1] =	vst.idx.msk $0xffff, v5;
	v5 =	vmul.f32 v7, v9  }
0x212: {  	[tilespmem:v1+s31+$0x193A0 ss:$0x1] =	vst.idx.msk $0xffff, v4;
	v4 =	vmul.f32 v8, v9  }
0x213: {  	[tilespmem:v1+s31+$0x193B0 ss:$0x1] =	vst.idx.msk $0xffff, v5;
	v5 =	vmul.f32 v10, v9  }
0x214: {  	[tilespmem:v1+s31+$0x193C0 ss:$0x1] =	vst.idx.msk $0xffff, v4;
	v4 =	vmul.f32 v11, v9  }
0x215: {  	[tilespmem:v1+s31+$0x193D0 ss:$0x1] =	vst.idx.msk $0xffff, v5;
	v5 =	vmul.f32 v12, v9  }
0x216: {  	[tilespmem:v1+s31+$0x193E0 ss:$0x1] =	vst.idx.msk $0xffff, v4  }
0x217: {  	[tilespmem:v1+s31+$0x193F0 ss:$0x1] =	vst.idx.msk $0xffff, v5  }
0x218: {  	v4 =	vld.idx.msk [tilespmem:v1+s31+$0x14400 ss:$0x1], $0xffff  }
0x219: {  	v5 =	vld.idx.msk [tilespmem:v1+s31+$0x14410 ss:$0x1], $0xffff  }
0x21a: {  	v6 =	vld.idx.msk [tilespmem:v1+s31+$0x14420 ss:$0x1], $0xffff  }
0x21b: {  	v7 =	vld.idx.msk [tilespmem:v1+s31+$0x14430 ss:$0x1], $0xffff  }
0x21c: {  	v9 =	vbroadcast v3, $0xB;
	v8 =	vld.idx.msk [tilespmem:v1+s31+$0x14440 ss:$0x1], $0xffff  }
0x21d: {  	v10 =	vld.idx.msk [tilespmem:v1+s31+$0x14450 ss:$0x1], $0xffff  }
0x21e: {  	v4 =	vmul.f32 v4, v9;
	v11 =	vld.idx.msk [tilespmem:v1+s31+$0x14460 ss:$0x1], $0xffff  }
0x21f: {  	v5 =	vmul.f32 v5, v9;
	v12 =	vld.idx.msk [tilespmem:v1+s31+$0x14470 ss:$0x1], $0xffff  }
0x220: {  	[tilespmem:v1+s31+$0x19400 ss:$0x1] =	vst.idx.msk $0xffff, v4;
	v4 =	vmul.f32 v6, v9  }
0x221: {  	[tilespmem:v1+s31+$0x19410 ss:$0x1] =	vst.idx.msk $0xffff, v5;
	v5 =	vmul.f32 v7, v9  }
0x222: {  	[tilespmem:v1+s31+$0x19420 ss:$0x1] =	vst.idx.msk $0xffff, v4;
	v4 =	vmul.f32 v8, v9  }
0x223: {  	[tilespmem:v1+s31+$0x19430 ss:$0x1] =	vst.idx.msk $0xffff, v5;
	v5 =	vmul.f32 v10, v9  }
0x224: {  	[tilespmem:v1+s31+$0x19440 ss:$0x1] =	vst.idx.msk $0xffff, v4;
	v4 =	vmul.f32 v11, v9  }
0x225: {  	[tilespmem:v1+s31+$0x19450 ss:$0x1] =	vst.idx.msk $0xffff, v5;
	v5 =	vmul.f32 v12, v9  }
0x226: {  	[tilespmem:v1+s31+$0x19460 ss:$0x1] =	vst.idx.msk $0xffff, v4  }
0x227: {  	[tilespmem:v1+s31+$0x19470 ss:$0x1] =	vst.idx.msk $0xffff, v5  }
0x228: {  	v4 =	vld.idx.msk [tilespmem:v1+s31+$0x14480 ss:$0x1], $0xffff  }
0x229: {  	v5 =	vld.idx.msk [tilespmem:v1+s31+$0x14490 ss:$0x1], $0xffff  }
0x22a: {  	v6 =	vld.idx.msk [tilespmem:v1+s31+$0x144A0 ss:$0x1], $0xffff  }
0x22b: {  	v7 =	vld.idx.msk [tilespmem:v1+s31+$0x144B0 ss:$0x1], $0xffff  }
0x22c: {  	v9 =	vbroadcast v3, $0xC;
	v8 =	vld.idx.msk [tilespmem:v1+s31+$0x144C0 ss:$0x1], $0xffff  }
0x22d: {  	v10 =	vld.idx.msk [tilespmem:v1+s31+$0x144D0 ss:$0x1], $0xffff  }
0x22e: {  	v4 =	vmul.f32 v4, v9;
	v11 =	vld.idx.msk [tilespmem:v1+s31+$0x144E0 ss:$0x1], $0xffff  }
0x22f: {  	v5 =	vmul.f32 v5, v9;
	v12 =	vld.idx.msk [tilespmem:v1+s31+$0x144F0 ss:$0x1], $0xffff  }
0x230: {  	[tilespmem:v1+s31+$0x19480 ss:$0x1] =	vst.idx.msk $0xffff, v4;
	v4 =	vmul.f32 v6, v9  }
0x231: {  	[tilespmem:v1+s31+$0x19490 ss:$0x1] =	vst.idx.msk $0xffff, v5;
	v5 =	vmul.f32 v7, v9  }
0x232: {  	[tilespmem:v1+s31+$0x194A0 ss:$0x1] =	vst.idx.msk $0xffff, v4;
	v4 =	vmul.f32 v8, v9  }
0x233: {  	[tilespmem:v1+s31+$0x194B0 ss:$0x1] =	vst.idx.msk $0xffff, v5;
	v5 =	vmul.f32 v10, v9  }
0x234: {  	[tilespmem:v1+s31+$0x194C0 ss:$0x1] =	vst.idx.msk $0xffff, v4;
	v4 =	vmul.f32 v11, v9  }
0x235: {  	[tilespmem:v1+s31+$0x194D0 ss:$0x1] =	vst.idx.msk $0xffff, v5;
	v5 =	vmul.f32 v12, v9  }
0x236: {  	[tilespmem:v1+s31+$0x194E0 ss:$0x1] =	vst.idx.msk $0xffff, v4  }
0x237: {  	[tilespmem:v1+s31+$0x194F0 ss:$0x1] =	vst.idx.msk $0xffff, v5  }
0x238: {  	v4 =	vld.idx.msk [tilespmem:v1+s31+$0x14500 ss:$0x1], $0xffff  }
0x239: {  	v5 =	vld.idx.msk [tilespmem:v1+s31+$0x14510 ss:$0x1], $0xffff  }
0x23a: {  	v6 =	vld.idx.msk [tilespmem:v1+s31+$0x14520 ss:$0x1], $0xffff  }
0x23b: {  	v7 =	vld.idx.msk [tilespmem:v1+s31+$0x14530 ss:$0x1], $0xffff  }
0x23c: {  	v9 =	vbroadcast v3, $0xD;
	v8 =	vld.idx.msk [tilespmem:v1+s31+$0x14540 ss:$0x1], $0xffff  }
0x23d: {  	v10 =	vld.idx.msk [tilespmem:v1+s31+$0x14550 ss:$0x1], $0xffff  }
0x23e: {  	v4 =	vmul.f32 v4, v9;
	v11 =	vld.idx.msk [tilespmem:v1+s31+$0x14560 ss:$0x1], $0xffff  }
0x23f: {  	v5 =	vmul.f32 v5, v9;
	v12 =	vld.idx.msk [tilespmem:v1+s31+$0x14570 ss:$0x1], $0xffff  }
0x240: {  	[tilespmem:v1+s31+$0x19500 ss:$0x1] =	vst.idx.msk $0xffff, v4;
	v4 =	vmul.f32 v6, v9  }
0x241: {  	[tilespmem:v1+s31+$0x19510 ss:$0x1] =	vst.idx.msk $0xffff, v5;
	v5 =	vmul.f32 v7, v9  }
0x242: {  	[tilespmem:v1+s31+$0x19520 ss:$0x1] =	vst.idx.msk $0xffff, v4;
	v4 =	vmul.f32 v8, v9  }
0x243: {  	[tilespmem:v1+s31+$0x19530 ss:$0x1] =	vst.idx.msk $0xffff, v5;
	v5 =	vmul.f32 v10, v9  }
0x244: {  	[tilespmem:v1+s31+$0x19540 ss:$0x1] =	vst.idx.msk $0xffff, v4;
	v4 =	vmul.f32 v11, v9  }
0x245: {  	[tilespmem:v1+s31+$0x19550 ss:$0x1] =	vst.idx.msk $0xffff, v5;
	v5 =	vmul.f32 v12, v9  }
0x246: {  	[tilespmem:v1+s31+$0x19560 ss:$0x1] =	vst.idx.msk $0xffff, v4  }
0x247: {  	[tilespmem:v1+s31+$0x19570 ss:$0x1] =	vst.idx.msk $0xffff, v5  }
0x248: {  	v4 =	vld.idx.msk [tilespmem:v1+s31+$0x14580 ss:$0x1], $0xffff  }
0x249: {  	v5 =	vld.idx.msk [tilespmem:v1+s31+$0x14590 ss:$0x1], $0xffff  }
0x24a: {  	v6 =	vld.idx.msk [tilespmem:v1+s31+$0x145A0 ss:$0x1], $0xffff  }
0x24b: {  	v7 =	vld.idx.msk [tilespmem:v1+s31+$0x145B0 ss:$0x1], $0xffff  }
0x24c: {  	v9 =	vbroadcast v3, $0xE;
	v8 =	vld.idx.msk [tilespmem:v1+s31+$0x145C0 ss:$0x1], $0xffff  }
0x24d: {  	v10 =	vld.idx.msk [tilespmem:v1+s31+$0x145D0 ss:$0x1], $0xffff  }
0x24e: {  	v4 =	vmul.f32 v4, v9;
	v11 =	vld.idx.msk [tilespmem:v1+s31+$0x145E0 ss:$0x1], $0xffff  }
0x24f: {  	v5 =	vmul.f32 v5, v9;
	v12 =	vld.idx.msk [tilespmem:v1+s31+$0x145F0 ss:$0x1], $0xffff  }
0x250: {  	[tilespmem:v1+s31+$0x19580 ss:$0x1] =	vst.idx.msk $0xffff, v4;
	v4 =	vmul.f32 v6, v9  }
0x251: {  	[tilespmem:v1+s31+$0x19590 ss:$0x1] =	vst.idx.msk $0xffff, v5;
	v5 =	vmul.f32 v7, v9  }
0x252: {  	[tilespmem:v1+s31+$0x195A0 ss:$0x1] =	vst.idx.msk $0xffff, v4;
	v4 =	vmul.f32 v8, v9  }
0x253: {  	[tilespmem:v1+s31+$0x195B0 ss:$0x1] =	vst.idx.msk $0xffff, v5;
	v5 =	vmul.f32 v10, v9  }
0x254: {  	[tilespmem:v1+s31+$0x195C0 ss:$0x1] =	vst.idx.msk $0xffff, v4;
	v4 =	vmul.f32 v11, v9  }
0x255: {  	[tilespmem:v1+s31+$0x195D0 ss:$0x1] =	vst.idx.msk $0xffff, v5;
	v5 =	vmul.f32 v12, v9  }
0x256: {  	[tilespmem:v1+s31+$0x195E0 ss:$0x1] =	vst.idx.msk $0xffff, v4  }
0x257: {  	[tilespmem:v1+s31+$0x195F0 ss:$0x1] =	vst.idx.msk $0xffff, v5  }
0x258: {  	v4 =	vld.idx.msk [tilespmem:v1+s31+$0x14600 ss:$0x1], $0xffff  }
0x259: {  	v5 =	vld.idx.msk [tilespmem:v1+s31+$0x14610 ss:$0x1], $0xffff  }
0x25a: {  	v6 =	vld.idx.msk [tilespmem:v1+s31+$0x14620 ss:$0x1], $0xffff  }
0x25b: {  	v7 =	vld.idx.msk [tilespmem:v1+s31+$0x14630 ss:$0x1], $0xffff  }
0x25c: {  	v3 =	vbroadcast v3, $0xF;
	v8 =	vld.idx.msk [tilespmem:v1+s31+$0x14640 ss:$0x1], $0xffff  }
0x25d: {  	v9 =	vld.idx.msk [tilespmem:v1+s31+$0x14650 ss:$0x1], $0xffff  }
0x25e: {  	v4 =	vmul.f32 v4, v3;
	v10 =	vld.idx.msk [tilespmem:v1+s31+$0x14660 ss:$0x1], $0xffff  }
0x25f: {  	v5 =	vmul.f32 v5, v3;
	v11 =	vld.idx.msk [tilespmem:v1+s31+$0x14670 ss:$0x1], $0xffff  }
0x260: {  	[tilespmem:v1+s31+$0x19600 ss:$0x1] =	vst.idx.msk $0xffff, v4;
	v4 =	vmul.f32 v6, v3  }
0x261: {  	[tilespmem:v1+s31+$0x19610 ss:$0x1] =	vst.idx.msk $0xffff, v5;
	v5 =	vmul.f32 v7, v3  }
.Ltmp5:
0x262: {  	[tilespmem:v1+s31+$0x19620 ss:$0x1] =	vst.idx.msk $0xffff, v4;
	v4 =	vmul.f32 v8, v3;
	(pc) =	sbr.rel @p5 .LBB2_7-.Ltmp5, $4  }
0x263: {  	[tilespmem:v1+s31+$0x19630 ss:$0x1] =	vst.idx.msk $0xffff, v5;
	v5 =	vmul.f32 v9, v3  }
0x264: {  	[tilespmem:v1+s31+$0x19640 ss:$0x1] =	vst.idx.msk $0xffff, v4;
	v4 =	vmul.f32 v10, v3  }
0x265: {  	v3 =	vmul.f32 v11, v3;
	[tilespmem:v1+s31+$0x19650 ss:$0x1] =	vst.idx.msk $0xffff, v5  }
0x266: {  	s3 =	sshll.u32 s0, $0x4;
	[tilespmem:v1+s31+$0x19660 ss:$0x1] =	vst.idx.msk $0xffff, v4  }
0x267: {  	_ =	sdelay $0x3  }
0x268: {  	s3 =	sand.u32 $0x3FFFFFF0, s3;
	[tilespmem:v1+s31+$0x19670 ss:$0x1] =	vst.idx.msk $0xffff, v3  }
0x269: {  	v2 =	vld.idx.msk [tilespmem:v2+s3+$0x0 ss:$0x1], $0xffff  }
0x26a: {  	s0 =	sshll.u32 s0, $0xB  }
0x26b: {  	v3 =	vld.idx.msk [tilespmem:v1+s0+$0x13E80 ss:$0x1], $0xffff  }
0x26c: {  	v4 =	vld.idx.msk [tilespmem:v1+s0+$0x13E90 ss:$0x1], $0xffff  }
0x26d: {  	v5 =	vld.idx.msk [tilespmem:v1+s0+$0x13EA0 ss:$0x1], $0xffff  }
0x26e: {  	v6 =	vld.idx.msk [tilespmem:v1+s0+$0x13EB0 ss:$0x1], $0xffff;
	v8 =	vbroadcast v2, $0x0  }
0x26f: {  	v7 =	vld.idx.msk [tilespmem:v1+s0+$0x13EC0 ss:$0x1], $0xffff  }
0x270: {  	v9 =	vld.idx.msk [tilespmem:v1+s0+$0x13ED0 ss:$0x1], $0xffff;
	v3 =	vmul.f32 v8, v3  }
0x271: {  	v10 =	vld.idx.msk [tilespmem:v1+s0+$0x13EE0 ss:$0x1], $0xffff;
	v4 =	vmul.f32 v4, v8  }
0x272: {  	v11 =	vld.idx.msk [tilespmem:v1+s0+$0x13EF0 ss:$0x1], $0xffff;
	[tilespmem:v1+s0+$0x18E80 ss:$0x1] =	vst.idx.msk $0xffff, v3;
	v3 =	vmul.f32 v5, v8  }
0x273: {  	v17 =	vmul.f32 v6, v8;
	[tilespmem:v1+s0+$0x18E90 ss:$0x1] =	vst.idx.msk $0xffff, v4  }
0x274: {  	[tilespmem:v1+s0+$0x18EA0 ss:$0x1] =	vst.idx.msk $0xffff, v3;
	v3 =	vmul.f32 v7, v8  }
0x275: {  	v18 =	vmul.f32 v9, v8;
	[tilespmem:v1+s0+$0x18EB0 ss:$0x1] =	vst.idx.msk $0xffff, v17  }
0x276: {  	[tilespmem:v1+s0+$0x18EC0 ss:$0x1] =	vst.idx.msk $0xffff, v3;
	v3 =	vmul.f32 v10, v8  }
0x277: {  	v19 =	vmul.f32 v11, v8;
	[tilespmem:v1+s0+$0x18ED0 ss:$0x1] =	vst.idx.msk $0xffff, v18  }
0x278: {  	[tilespmem:v1+s0+$0x18EE0 ss:$0x1] =	vst.idx.msk $0xffff, v3  }
0x279: {  	[tilespmem:v1+s0+$0x18EF0 ss:$0x1] =	vst.idx.msk $0xffff, v19  }
0x27a: {  	v3 =	vld.idx.msk [tilespmem:v1+s0+$0x13F00 ss:$0x1], $0xffff  }
0x27b: {  	v4 =	vld.idx.msk [tilespmem:v1+s0+$0x13F10 ss:$0x1], $0xffff  }
0x27c: {  	v20 =	vld.idx.msk [tilespmem:v1+s0+$0x13F20 ss:$0x1], $0xffff  }
0x27d: {  	v23 =	vbroadcast v2, $0x1;
	v21 =	vld.idx.msk [tilespmem:v1+s0+$0x13F30 ss:$0x1], $0xffff  }
0x27e: {  	v22 =	vld.idx.msk [tilespmem:v1+s0+$0x13F40 ss:$0x1], $0xffff  }
0x27f: {  	v24 =	vld.idx.msk [tilespmem:v1+s0+$0x13F50 ss:$0x1], $0xffff;
	v3 =	vmul.f32 v3, v23  }
0x280: {  	v25 =	vld.idx.msk [tilespmem:v1+s0+$0x13F60 ss:$0x1], $0xffff;
	v4 =	vmul.f32 v4, v23  }
0x281: {  	v26 =	vld.idx.msk [tilespmem:v1+s0+$0x13F70 ss:$0x1], $0xffff;
	[tilespmem:v1+s0+$0x18F00 ss:$0x1] =	vst.idx.msk $0xffff, v3;
	v3 =	vmul.f32 v20, v23  }
0x282: {  	v27 =	vmul.f32 v21, v23;
	[tilespmem:v1+s0+$0x18F10 ss:$0x1] =	vst.idx.msk $0xffff, v4  }
0x283: {  	[tilespmem:v1+s0+$0x18F20 ss:$0x1] =	vst.idx.msk $0xffff, v3;
	v3 =	vmul.f32 v22, v23  }
0x284: {  	v28 =	vmul.f32 v24, v23;
	[tilespmem:v1+s0+$0x18F30 ss:$0x1] =	vst.idx.msk $0xffff, v27  }
0x285: {  	[tilespmem:v1+s0+$0x18F40 ss:$0x1] =	vst.idx.msk $0xffff, v3;
	v3 =	vmul.f32 v25, v23  }
0x286: {  	v29 =	vmul.f32 v26, v23;
	[tilespmem:v1+s0+$0x18F50 ss:$0x1] =	vst.idx.msk $0xffff, v28  }
0x287: {  	[tilespmem:v1+s0+$0x18F60 ss:$0x1] =	vst.idx.msk $0xffff, v3  }
0x288: {  	[tilespmem:v1+s0+$0x18F70 ss:$0x1] =	vst.idx.msk $0xffff, v29  }
0x289: {  	v3 =	vld.idx.msk [tilespmem:v1+s0+$0x13F80 ss:$0x1], $0xffff  }
0x28a: {  	v4 =	vld.idx.msk [tilespmem:v1+s0+$0x13F90 ss:$0x1], $0xffff  }
0x28b: {  	v30 =	vld.idx.msk [tilespmem:v1+s0+$0x13FA0 ss:$0x1], $0xffff  }
0x28c: {  	v33 =	vbroadcast v2, $0x2;
	v31 =	vld.idx.msk [tilespmem:v1+s0+$0x13FB0 ss:$0x1], $0xffff  }
0x28d: {  	v32 =	vld.idx.msk [tilespmem:v1+s0+$0x13FC0 ss:$0x1], $0xffff  }
0x28e: {  	v34 =	vld.idx.msk [tilespmem:v1+s0+$0x13FD0 ss:$0x1], $0xffff;
	v3 =	vmul.f32 v3, v33  }
0x28f: {  	v35 =	vld.idx.msk [tilespmem:v1+s0+$0x13FE0 ss:$0x1], $0xffff;
	v4 =	vmul.f32 v4, v33  }
0x290: {  	v36 =	vld.idx.msk [tilespmem:v1+s0+$0x13FF0 ss:$0x1], $0xffff;
	[tilespmem:v1+s0+$0x18F80 ss:$0x1] =	vst.idx.msk $0xffff, v3;
	v3 =	vmul.f32 v30, v33  }
0x291: {  	v37 =	vmul.f32 v31, v33;
	[tilespmem:v1+s0+$0x18F90 ss:$0x1] =	vst.idx.msk $0xffff, v4  }
0x292: {  	[tilespmem:v1+s0+$0x18FA0 ss:$0x1] =	vst.idx.msk $0xffff, v3;
	v3 =	vmul.f32 v32, v33  }
0x293: {  	v38 =	vmul.f32 v34, v33;
	[tilespmem:v1+s0+$0x18FB0 ss:$0x1] =	vst.idx.msk $0xffff, v37  }
0x294: {  	[tilespmem:v1+s0+$0x18FC0 ss:$0x1] =	vst.idx.msk $0xffff, v3;
	v3 =	vmul.f32 v35, v33  }
0x295: {  	v39 =	vmul.f32 v36, v33;
	[tilespmem:v1+s0+$0x18FD0 ss:$0x1] =	vst.idx.msk $0xffff, v38  }
0x296: {  	[tilespmem:v1+s0+$0x18FE0 ss:$0x1] =	vst.idx.msk $0xffff, v3  }
0x297: {  	[tilespmem:v1+s0+$0x18FF0 ss:$0x1] =	vst.idx.msk $0xffff, v39  }
0x298: {  	v3 =	vld.idx.msk [tilespmem:v1+s0+$0x14000 ss:$0x1], $0xffff  }
0x299: {  	v4 =	vld.idx.msk [tilespmem:v1+s0+$0x14010 ss:$0x1], $0xffff  }
0x29a: {  	v40 =	vld.idx.msk [tilespmem:v1+s0+$0x14020 ss:$0x1], $0xffff  }
0x29b: {  	v43 =	vbroadcast v2, $0x3;
	v41 =	vld.idx.msk [tilespmem:v1+s0+$0x14030 ss:$0x1], $0xffff  }
0x29c: {  	v42 =	vld.idx.msk [tilespmem:v1+s0+$0x14040 ss:$0x1], $0xffff  }
0x29d: {  	v44 =	vld.idx.msk [tilespmem:v1+s0+$0x14050 ss:$0x1], $0xffff;
	v3 =	vmul.f32 v3, v43  }
0x29e: {  	v45 =	vld.idx.msk [tilespmem:v1+s0+$0x14060 ss:$0x1], $0xffff;
	v4 =	vmul.f32 v4, v43  }
0x29f: {  	v46 =	vld.idx.msk [tilespmem:v1+s0+$0x14070 ss:$0x1], $0xffff;
	[tilespmem:v1+s0+$0x19000 ss:$0x1] =	vst.idx.msk $0xffff, v3;
	v3 =	vmul.f32 v40, v43  }
0x2a0: {  	v47 =	vmul.f32 v41, v43;
	[tilespmem:v1+s0+$0x19010 ss:$0x1] =	vst.idx.msk $0xffff, v4  }
0x2a1: {  	[tilespmem:v1+s0+$0x19020 ss:$0x1] =	vst.idx.msk $0xffff, v3;
	v3 =	vmul.f32 v42, v43  }
0x2a2: {  	v48 =	vmul.f32 v44, v43;
	[tilespmem:v1+s0+$0x19030 ss:$0x1] =	vst.idx.msk $0xffff, v47  }
0x2a3: {  	[tilespmem:v1+s0+$0x19040 ss:$0x1] =	vst.idx.msk $0xffff, v3;
	v3 =	vmul.f32 v45, v43  }
0x2a4: {  	v49 =	vmul.f32 v46, v43;
	[tilespmem:v1+s0+$0x19050 ss:$0x1] =	vst.idx.msk $0xffff, v48  }
0x2a5: {  	[tilespmem:v1+s0+$0x19060 ss:$0x1] =	vst.idx.msk $0xffff, v3  }
0x2a6: {  	[tilespmem:v1+s0+$0x19070 ss:$0x1] =	vst.idx.msk $0xffff, v49  }
0x2a7: {  	v3 =	vld.idx.msk [tilespmem:v1+s0+$0x14080 ss:$0x1], $0xffff  }
0x2a8: {  	v4 =	vld.idx.msk [tilespmem:v1+s0+$0x14090 ss:$0x1], $0xffff  }
0x2a9: {  	v50 =	vld.idx.msk [tilespmem:v1+s0+$0x140A0 ss:$0x1], $0xffff  }
0x2aa: {  	v53 =	vbroadcast v2, $0x4;
	v51 =	vld.idx.msk [tilespmem:v1+s0+$0x140B0 ss:$0x1], $0xffff  }
0x2ab: {  	v52 =	vld.idx.msk [tilespmem:v1+s0+$0x140C0 ss:$0x1], $0xffff  }
0x2ac: {  	v54 =	vld.idx.msk [tilespmem:v1+s0+$0x140D0 ss:$0x1], $0xffff;
	v3 =	vmul.f32 v3, v53  }
0x2ad: {  	v55 =	vld.idx.msk [tilespmem:v1+s0+$0x140E0 ss:$0x1], $0xffff;
	v4 =	vmul.f32 v4, v53  }
0x2ae: {  	v56 =	vld.idx.msk [tilespmem:v1+s0+$0x140F0 ss:$0x1], $0xffff;
	[tilespmem:v1+s0+$0x19080 ss:$0x1] =	vst.idx.msk $0xffff, v3;
	v3 =	vmul.f32 v50, v53  }
0x2af: {  	v57 =	vmul.f32 v51, v53;
	[tilespmem:v1+s0+$0x19090 ss:$0x1] =	vst.idx.msk $0xffff, v4  }
0x2b0: {  	[tilespmem:v1+s0+$0x190A0 ss:$0x1] =	vst.idx.msk $0xffff, v3;
	v3 =	vmul.f32 v52, v53  }
0x2b1: {  	v58 =	vmul.f32 v54, v53;
	[tilespmem:v1+s0+$0x190B0 ss:$0x1] =	vst.idx.msk $0xffff, v57  }
0x2b2: {  	[tilespmem:v1+s0+$0x190C0 ss:$0x1] =	vst.idx.msk $0xffff, v3;
	v3 =	vmul.f32 v55, v53  }
0x2b3: {  	v59 =	vmul.f32 v56, v53;
	[tilespmem:v1+s0+$0x190D0 ss:$0x1] =	vst.idx.msk $0xffff, v58  }
0x2b4: {  	[tilespmem:v1+s0+$0x190E0 ss:$0x1] =	vst.idx.msk $0xffff, v3  }
0x2b5: {  	[tilespmem:v1+s0+$0x190F0 ss:$0x1] =	vst.idx.msk $0xffff, v59  }
0x2b6: {  	v3 =	vld.idx.msk [tilespmem:v1+s0+$0x14100 ss:$0x1], $0xffff  }
0x2b7: {  	v4 =	vld.idx.msk [tilespmem:v1+s0+$0x14110 ss:$0x1], $0xffff  }
0x2b8: {  	v60 =	vld.idx.msk [tilespmem:v1+s0+$0x14120 ss:$0x1], $0xffff  }
0x2b9: {  	v63 =	vbroadcast v2, $0x5;
	v61 =	vld.idx.msk [tilespmem:v1+s0+$0x14130 ss:$0x1], $0xffff  }
0x2ba: {  	v62 =	vld.idx.msk [tilespmem:v1+s0+$0x14140 ss:$0x1], $0xffff  }
0x2bb: {  	v12 =	vld.idx.msk [tilespmem:v1+s0+$0x14150 ss:$0x1], $0xffff;
	v3 =	vmul.f32 v3, v63  }
0x2bc: {  	v13 =	vld.idx.msk [tilespmem:v1+s0+$0x14160 ss:$0x1], $0xffff;
	v4 =	vmul.f32 v4, v63  }
0x2bd: {  	v14 =	vld.idx.msk [tilespmem:v1+s0+$0x14170 ss:$0x1], $0xffff;
	[tilespmem:v1+s0+$0x19100 ss:$0x1] =	vst.idx.msk $0xffff, v3;
	v3 =	vmul.f32 v60, v63  }
0x2be: {  	v15 =	vmul.f32 v61, v63;
	[tilespmem:v1+s0+$0x19110 ss:$0x1] =	vst.idx.msk $0xffff, v4  }
0x2bf: {  	[tilespmem:v1+s0+$0x19120 ss:$0x1] =	vst.idx.msk $0xffff, v3;
	v3 =	vmul.f32 v62, v63  }
0x2c0: {  	v16 =	vmul.f32 v12, v63;
	[tilespmem:v1+s0+$0x19130 ss:$0x1] =	vst.idx.msk $0xffff, v15  }
0x2c1: {  	[tilespmem:v1+s0+$0x19140 ss:$0x1] =	vst.idx.msk $0xffff, v3;
	v3 =	vmul.f32 v13, v63  }
0x2c2: {  	v17 =	vmul.f32 v14, v63;
	[tilespmem:v1+s0+$0x19150 ss:$0x1] =	vst.idx.msk $0xffff, v16  }
0x2c3: {  	[tilespmem:v1+s0+$0x19160 ss:$0x1] =	vst.idx.msk $0xffff, v3  }
0x2c4: {  	[tilespmem:v1+s0+$0x19170 ss:$0x1] =	vst.idx.msk $0xffff, v17  }
0x2c5: {  	v3 =	vld.idx.msk [tilespmem:v1+s0+$0x14180 ss:$0x1], $0xffff  }
0x2c6: {  	v4 =	vld.idx.msk [tilespmem:v1+s0+$0x14190 ss:$0x1], $0xffff  }
0x2c7: {  	v18 =	vld.idx.msk [tilespmem:v1+s0+$0x141A0 ss:$0x1], $0xffff  }
0x2c8: {  	v21 =	vbroadcast v2, $0x6;
	v19 =	vld.idx.msk [tilespmem:v1+s0+$0x141B0 ss:$0x1], $0xffff  }
0x2c9: {  	v20 =	vld.idx.msk [tilespmem:v1+s0+$0x141C0 ss:$0x1], $0xffff  }
0x2ca: {  	v22 =	vld.idx.msk [tilespmem:v1+s0+$0x141D0 ss:$0x1], $0xffff;
	v3 =	vmul.f32 v3, v21  }
0x2cb: {  	v23 =	vld.idx.msk [tilespmem:v1+s0+$0x141E0 ss:$0x1], $0xffff;
	v4 =	vmul.f32 v4, v21  }
0x2cc: {  	v24 =	vld.idx.msk [tilespmem:v1+s0+$0x141F0 ss:$0x1], $0xffff;
	[tilespmem:v1+s0+$0x19180 ss:$0x1] =	vst.idx.msk $0xffff, v3;
	v3 =	vmul.f32 v18, v21  }
0x2cd: {  	v25 =	vmul.f32 v19, v21;
	[tilespmem:v1+s0+$0x19190 ss:$0x1] =	vst.idx.msk $0xffff, v4  }
0x2ce: {  	[tilespmem:v1+s0+$0x191A0 ss:$0x1] =	vst.idx.msk $0xffff, v3;
	v3 =	vmul.f32 v20, v21  }
0x2cf: {  	v26 =	vmul.f32 v22, v21;
	[tilespmem:v1+s0+$0x191B0 ss:$0x1] =	vst.idx.msk $0xffff, v25  }
0x2d0: {  	[tilespmem:v1+s0+$0x191C0 ss:$0x1] =	vst.idx.msk $0xffff, v3;
	v3 =	vmul.f32 v23, v21  }
0x2d1: {  	v27 =	vmul.f32 v24, v21;
	[tilespmem:v1+s0+$0x191D0 ss:$0x1] =	vst.idx.msk $0xffff, v26  }
0x2d2: {  	[tilespmem:v1+s0+$0x191E0 ss:$0x1] =	vst.idx.msk $0xffff, v3  }
0x2d3: {  	[tilespmem:v1+s0+$0x191F0 ss:$0x1] =	vst.idx.msk $0xffff, v27  }
0x2d4: {  	v3 =	vld.idx.msk [tilespmem:v1+s0+$0x14200 ss:$0x1], $0xffff  }
0x2d5: {  	v4 =	vld.idx.msk [tilespmem:v1+s0+$0x14210 ss:$0x1], $0xffff  }
0x2d6: {  	v28 =	vld.idx.msk [tilespmem:v1+s0+$0x14220 ss:$0x1], $0xffff  }
0x2d7: {  	v31 =	vbroadcast v2, $0x7;
	v29 =	vld.idx.msk [tilespmem:v1+s0+$0x14230 ss:$0x1], $0xffff  }
0x2d8: {  	v30 =	vld.idx.msk [tilespmem:v1+s0+$0x14240 ss:$0x1], $0xffff  }
0x2d9: {  	v32 =	vld.idx.msk [tilespmem:v1+s0+$0x14250 ss:$0x1], $0xffff;
	v3 =	vmul.f32 v3, v31  }
0x2da: {  	v33 =	vld.idx.msk [tilespmem:v1+s0+$0x14260 ss:$0x1], $0xffff;
	v4 =	vmul.f32 v4, v31  }
0x2db: {  	v34 =	vld.idx.msk [tilespmem:v1+s0+$0x14270 ss:$0x1], $0xffff;
	[tilespmem:v1+s0+$0x19200 ss:$0x1] =	vst.idx.msk $0xffff, v3;
	v3 =	vmul.f32 v28, v31  }
0x2dc: {  	v35 =	vmul.f32 v29, v31;
	[tilespmem:v1+s0+$0x19210 ss:$0x1] =	vst.idx.msk $0xffff, v4  }
0x2dd: {  	[tilespmem:v1+s0+$0x19220 ss:$0x1] =	vst.idx.msk $0xffff, v3;
	v3 =	vmul.f32 v30, v31  }
0x2de: {  	v36 =	vmul.f32 v32, v31;
	[tilespmem:v1+s0+$0x19230 ss:$0x1] =	vst.idx.msk $0xffff, v35  }
0x2df: {  	[tilespmem:v1+s0+$0x19240 ss:$0x1] =	vst.idx.msk $0xffff, v3;
	v3 =	vmul.f32 v33, v31  }
0x2e0: {  	v37 =	vmul.f32 v34, v31;
	[tilespmem:v1+s0+$0x19250 ss:$0x1] =	vst.idx.msk $0xffff, v36  }
0x2e1: {  	[tilespmem:v1+s0+$0x19260 ss:$0x1] =	vst.idx.msk $0xffff, v3  }
0x2e2: {  	[tilespmem:v1+s0+$0x19270 ss:$0x1] =	vst.idx.msk $0xffff, v37  }
0x2e3: {  	v3 =	vld.idx.msk [tilespmem:v1+s0+$0x14280 ss:$0x1], $0xffff  }
0x2e4: {  	v4 =	vld.idx.msk [tilespmem:v1+s0+$0x14290 ss:$0x1], $0xffff  }
0x2e5: {  	v38 =	vld.idx.msk [tilespmem:v1+s0+$0x142A0 ss:$0x1], $0xffff  }
0x2e6: {  	v41 =	vbroadcast v2, $0x8;
	v39 =	vld.idx.msk [tilespmem:v1+s0+$0x142B0 ss:$0x1], $0xffff  }
0x2e7: {  	v40 =	vld.idx.msk [tilespmem:v1+s0+$0x142C0 ss:$0x1], $0xffff  }
0x2e8: {  	v42 =	vld.idx.msk [tilespmem:v1+s0+$0x142D0 ss:$0x1], $0xffff;
	v3 =	vmul.f32 v3, v41  }
0x2e9: {  	v43 =	vld.idx.msk [tilespmem:v1+s0+$0x142E0 ss:$0x1], $0xffff;
	v4 =	vmul.f32 v4, v41  }
0x2ea: {  	v44 =	vld.idx.msk [tilespmem:v1+s0+$0x142F0 ss:$0x1], $0xffff;
	[tilespmem:v1+s0+$0x19280 ss:$0x1] =	vst.idx.msk $0xffff, v3;
	v3 =	vmul.f32 v38, v41  }
0x2eb: {  	v45 =	vmul.f32 v39, v41;
	[tilespmem:v1+s0+$0x19290 ss:$0x1] =	vst.idx.msk $0xffff, v4  }
0x2ec: {  	[tilespmem:v1+s0+$0x192A0 ss:$0x1] =	vst.idx.msk $0xffff, v3;
	v3 =	vmul.f32 v40, v41  }
0x2ed: {  	v46 =	vmul.f32 v42, v41;
	[tilespmem:v1+s0+$0x192B0 ss:$0x1] =	vst.idx.msk $0xffff, v45  }
0x2ee: {  	[tilespmem:v1+s0+$0x192C0 ss:$0x1] =	vst.idx.msk $0xffff, v3;
	v3 =	vmul.f32 v43, v41  }
0x2ef: {  	v47 =	vmul.f32 v44, v41;
	[tilespmem:v1+s0+$0x192D0 ss:$0x1] =	vst.idx.msk $0xffff, v46  }
0x2f0: {  	[tilespmem:v1+s0+$0x192E0 ss:$0x1] =	vst.idx.msk $0xffff, v3  }
0x2f1: {  	[tilespmem:v1+s0+$0x192F0 ss:$0x1] =	vst.idx.msk $0xffff, v47  }
0x2f2: {  	v3 =	vld.idx.msk [tilespmem:v1+s0+$0x14300 ss:$0x1], $0xffff  }
0x2f3: {  	v4 =	vld.idx.msk [tilespmem:v1+s0+$0x14310 ss:$0x1], $0xffff  }
0x2f4: {  	v48 =	vld.idx.msk [tilespmem:v1+s0+$0x14320 ss:$0x1], $0xffff  }
0x2f5: {  	v51 =	vbroadcast v2, $0x9;
	v49 =	vld.idx.msk [tilespmem:v1+s0+$0x14330 ss:$0x1], $0xffff  }
0x2f6: {  	v50 =	vld.idx.msk [tilespmem:v1+s0+$0x14340 ss:$0x1], $0xffff  }
0x2f7: {  	v52 =	vld.idx.msk [tilespmem:v1+s0+$0x14350 ss:$0x1], $0xffff;
	v3 =	vmul.f32 v3, v51  }
0x2f8: {  	v53 =	vld.idx.msk [tilespmem:v1+s0+$0x14360 ss:$0x1], $0xffff;
	v4 =	vmul.f32 v4, v51  }
0x2f9: {  	v54 =	vld.idx.msk [tilespmem:v1+s0+$0x14370 ss:$0x1], $0xffff;
	[tilespmem:v1+s0+$0x19300 ss:$0x1] =	vst.idx.msk $0xffff, v3;
	v3 =	vmul.f32 v48, v51  }
0x2fa: {  	v55 =	vmul.f32 v49, v51;
	[tilespmem:v1+s0+$0x19310 ss:$0x1] =	vst.idx.msk $0xffff, v4  }
0x2fb: {  	[tilespmem:v1+s0+$0x19320 ss:$0x1] =	vst.idx.msk $0xffff, v3;
	v3 =	vmul.f32 v50, v51  }
0x2fc: {  	v56 =	vmul.f32 v52, v51;
	[tilespmem:v1+s0+$0x19330 ss:$0x1] =	vst.idx.msk $0xffff, v55  }
0x2fd: {  	[tilespmem:v1+s0+$0x19340 ss:$0x1] =	vst.idx.msk $0xffff, v3;
	v3 =	vmul.f32 v53, v51  }
0x2fe: {  	v57 =	vmul.f32 v54, v51;
	[tilespmem:v1+s0+$0x19350 ss:$0x1] =	vst.idx.msk $0xffff, v56  }
0x2ff: {  	[tilespmem:v1+s0+$0x19360 ss:$0x1] =	vst.idx.msk $0xffff, v3  }
0x300: {  	[tilespmem:v1+s0+$0x19370 ss:$0x1] =	vst.idx.msk $0xffff, v57  }
0x301: {  	v3 =	vld.idx.msk [tilespmem:v1+s0+$0x14380 ss:$0x1], $0xffff  }
0x302: {  	v4 =	vld.idx.msk [tilespmem:v1+s0+$0x14390 ss:$0x1], $0xffff  }
0x303: {  	v58 =	vld.idx.msk [tilespmem:v1+s0+$0x143A0 ss:$0x1], $0xffff  }
0x304: {  	v61 =	vbroadcast v2, $0xA;
	v59 =	vld.idx.msk [tilespmem:v1+s0+$0x143B0 ss:$0x1], $0xffff  }
0x305: {  	v60 =	vld.idx.msk [tilespmem:v1+s0+$0x143C0 ss:$0x1], $0xffff  }
0x306: {  	v62 =	vld.idx.msk [tilespmem:v1+s0+$0x143D0 ss:$0x1], $0xffff;
	v3 =	vmul.f32 v3, v61  }
0x307: {  	v63 =	vld.idx.msk [tilespmem:v1+s0+$0x143E0 ss:$0x1], $0xffff;
	v4 =	vmul.f32 v4, v61  }
0x308: {  	v12 =	vld.idx.msk [tilespmem:v1+s0+$0x143F0 ss:$0x1], $0xffff;
	[tilespmem:v1+s0+$0x19380 ss:$0x1] =	vst.idx.msk $0xffff, v3;
	v3 =	vmul.f32 v58, v61  }
0x309: {  	v13 =	vmul.f32 v59, v61;
	[tilespmem:v1+s0+$0x19390 ss:$0x1] =	vst.idx.msk $0xffff, v4  }
0x30a: {  	[tilespmem:v1+s0+$0x193A0 ss:$0x1] =	vst.idx.msk $0xffff, v3;
	v3 =	vmul.f32 v60, v61  }
0x30b: {  	v14 =	vmul.f32 v62, v61;
	[tilespmem:v1+s0+$0x193B0 ss:$0x1] =	vst.idx.msk $0xffff, v13  }
0x30c: {  	[tilespmem:v1+s0+$0x193C0 ss:$0x1] =	vst.idx.msk $0xffff, v3;
	v3 =	vmul.f32 v63, v61  }
0x30d: {  	v15 =	vmul.f32 v12, v61;
	[tilespmem:v1+s0+$0x193D0 ss:$0x1] =	vst.idx.msk $0xffff, v14  }
0x30e: {  	[tilespmem:v1+s0+$0x193E0 ss:$0x1] =	vst.idx.msk $0xffff, v3  }
0x30f: {  	[tilespmem:v1+s0+$0x193F0 ss:$0x1] =	vst.idx.msk $0xffff, v15  }
0x310: {  	v3 =	vld.idx.msk [tilespmem:v1+s0+$0x14400 ss:$0x1], $0xffff  }
0x311: {  	v4 =	vld.idx.msk [tilespmem:v1+s0+$0x14410 ss:$0x1], $0xffff  }
0x312: {  	v16 =	vld.idx.msk [tilespmem:v1+s0+$0x14420 ss:$0x1], $0xffff  }
0x313: {  	v19 =	vbroadcast v2, $0xB;
	v17 =	vld.idx.msk [tilespmem:v1+s0+$0x14430 ss:$0x1], $0xffff  }
0x314: {  	v18 =	vld.idx.msk [tilespmem:v1+s0+$0x14440 ss:$0x1], $0xffff  }
0x315: {  	v20 =	vld.idx.msk [tilespmem:v1+s0+$0x14450 ss:$0x1], $0xffff;
	v3 =	vmul.f32 v3, v19  }
0x316: {  	v21 =	vld.idx.msk [tilespmem:v1+s0+$0x14460 ss:$0x1], $0xffff;
	v4 =	vmul.f32 v4, v19  }
0x317: {  	v22 =	vld.idx.msk [tilespmem:v1+s0+$0x14470 ss:$0x1], $0xffff;
	[tilespmem:v1+s0+$0x19400 ss:$0x1] =	vst.idx.msk $0xffff, v3;
	v3 =	vmul.f32 v16, v19  }
0x318: {  	v23 =	vmul.f32 v17, v19;
	[tilespmem:v1+s0+$0x19410 ss:$0x1] =	vst.idx.msk $0xffff, v4  }
0x319: {  	[tilespmem:v1+s0+$0x19420 ss:$0x1] =	vst.idx.msk $0xffff, v3;
	v3 =	vmul.f32 v18, v19  }
0x31a: {  	v24 =	vmul.f32 v20, v19;
	[tilespmem:v1+s0+$0x19430 ss:$0x1] =	vst.idx.msk $0xffff, v23  }
0x31b: {  	[tilespmem:v1+s0+$0x19440 ss:$0x1] =	vst.idx.msk $0xffff, v3;
	v3 =	vmul.f32 v21, v19  }
0x31c: {  	v25 =	vmul.f32 v22, v19;
	[tilespmem:v1+s0+$0x19450 ss:$0x1] =	vst.idx.msk $0xffff, v24  }
0x31d: {  	[tilespmem:v1+s0+$0x19460 ss:$0x1] =	vst.idx.msk $0xffff, v3  }
0x31e: {  	[tilespmem:v1+s0+$0x19470 ss:$0x1] =	vst.idx.msk $0xffff, v25  }
0x31f: {  	v3 =	vld.idx.msk [tilespmem:v1+s0+$0x14480 ss:$0x1], $0xffff  }
0x320: {  	v4 =	vld.idx.msk [tilespmem:v1+s0+$0x14490 ss:$0x1], $0xffff  }
0x321: {  	v26 =	vld.idx.msk [tilespmem:v1+s0+$0x144A0 ss:$0x1], $0xffff  }
0x322: {  	v29 =	vbroadcast v2, $0xC;
	v27 =	vld.idx.msk [tilespmem:v1+s0+$0x144B0 ss:$0x1], $0xffff  }
0x323: {  	v28 =	vld.idx.msk [tilespmem:v1+s0+$0x144C0 ss:$0x1], $0xffff  }
0x324: {  	v30 =	vld.idx.msk [tilespmem:v1+s0+$0x144D0 ss:$0x1], $0xffff;
	v3 =	vmul.f32 v3, v29  }
0x325: {  	v31 =	vld.idx.msk [tilespmem:v1+s0+$0x144E0 ss:$0x1], $0xffff;
	v4 =	vmul.f32 v4, v29  }
0x326: {  	v32 =	vld.idx.msk [tilespmem:v1+s0+$0x144F0 ss:$0x1], $0xffff;
	[tilespmem:v1+s0+$0x19480 ss:$0x1] =	vst.idx.msk $0xffff, v3;
	v3 =	vmul.f32 v26, v29  }
0x327: {  	v33 =	vmul.f32 v27, v29;
	[tilespmem:v1+s0+$0x19490 ss:$0x1] =	vst.idx.msk $0xffff, v4  }
0x328: {  	[tilespmem:v1+s0+$0x194A0 ss:$0x1] =	vst.idx.msk $0xffff, v3;
	v3 =	vmul.f32 v28, v29  }
0x329: {  	v34 =	vmul.f32 v30, v29;
	[tilespmem:v1+s0+$0x194B0 ss:$0x1] =	vst.idx.msk $0xffff, v33  }
0x32a: {  	[tilespmem:v1+s0+$0x194C0 ss:$0x1] =	vst.idx.msk $0xffff, v3;
	v3 =	vmul.f32 v31, v29  }
0x32b: {  	v35 =	vmul.f32 v32, v29;
	[tilespmem:v1+s0+$0x194D0 ss:$0x1] =	vst.idx.msk $0xffff, v34  }
0x32c: {  	[tilespmem:v1+s0+$0x194E0 ss:$0x1] =	vst.idx.msk $0xffff, v3  }
0x32d: {  	[tilespmem:v1+s0+$0x194F0 ss:$0x1] =	vst.idx.msk $0xffff, v35  }
0x32e: {  	v3 =	vld.idx.msk [tilespmem:v1+s0+$0x14500 ss:$0x1], $0xffff  }
0x32f: {  	v4 =	vld.idx.msk [tilespmem:v1+s0+$0x14510 ss:$0x1], $0xffff  }
0x330: {  	v36 =	vld.idx.msk [tilespmem:v1+s0+$0x14520 ss:$0x1], $0xffff  }
0x331: {  	v39 =	vbroadcast v2, $0xD;
	v37 =	vld.idx.msk [tilespmem:v1+s0+$0x14530 ss:$0x1], $0xffff  }
0x332: {  	v38 =	vld.idx.msk [tilespmem:v1+s0+$0x14540 ss:$0x1], $0xffff  }
0x333: {  	v40 =	vld.idx.msk [tilespmem:v1+s0+$0x14550 ss:$0x1], $0xffff;
	v3 =	vmul.f32 v3, v39  }
0x334: {  	v41 =	vld.idx.msk [tilespmem:v1+s0+$0x14560 ss:$0x1], $0xffff;
	v4 =	vmul.f32 v4, v39  }
0x335: {  	v42 =	vld.idx.msk [tilespmem:v1+s0+$0x14570 ss:$0x1], $0xffff;
	[tilespmem:v1+s0+$0x19500 ss:$0x1] =	vst.idx.msk $0xffff, v3;
	v3 =	vmul.f32 v36, v39  }
0x336: {  	v43 =	vmul.f32 v37, v39;
	[tilespmem:v1+s0+$0x19510 ss:$0x1] =	vst.idx.msk $0xffff, v4  }
0x337: {  	[tilespmem:v1+s0+$0x19520 ss:$0x1] =	vst.idx.msk $0xffff, v3;
	v3 =	vmul.f32 v38, v39  }
0x338: {  	v44 =	vmul.f32 v40, v39;
	[tilespmem:v1+s0+$0x19530 ss:$0x1] =	vst.idx.msk $0xffff, v43  }
0x339: {  	[tilespmem:v1+s0+$0x19540 ss:$0x1] =	vst.idx.msk $0xffff, v3;
	v3 =	vmul.f32 v41, v39  }
0x33a: {  	v45 =	vmul.f32 v42, v39;
	[tilespmem:v1+s0+$0x19550 ss:$0x1] =	vst.idx.msk $0xffff, v44  }
0x33b: {  	[tilespmem:v1+s0+$0x19560 ss:$0x1] =	vst.idx.msk $0xffff, v3  }
0x33c: {  	[tilespmem:v1+s0+$0x19570 ss:$0x1] =	vst.idx.msk $0xffff, v45  }
0x33d: {  	v3 =	vld.idx.msk [tilespmem:v1+s0+$0x14580 ss:$0x1], $0xffff  }
0x33e: {  	v4 =	vld.idx.msk [tilespmem:v1+s0+$0x14590 ss:$0x1], $0xffff  }
0x33f: {  	v46 =	vld.idx.msk [tilespmem:v1+s0+$0x145A0 ss:$0x1], $0xffff  }
0x340: {  	v49 =	vbroadcast v2, $0xE;
	v47 =	vld.idx.msk [tilespmem:v1+s0+$0x145B0 ss:$0x1], $0xffff  }
0x341: {  	v48 =	vld.idx.msk [tilespmem:v1+s0+$0x145C0 ss:$0x1], $0xffff  }
0x342: {  	v50 =	vld.idx.msk [tilespmem:v1+s0+$0x145D0 ss:$0x1], $0xffff;
	v3 =	vmul.f32 v3, v49  }
0x343: {  	v51 =	vld.idx.msk [tilespmem:v1+s0+$0x145E0 ss:$0x1], $0xffff;
	v4 =	vmul.f32 v4, v49  }
0x344: {  	v52 =	vld.idx.msk [tilespmem:v1+s0+$0x145F0 ss:$0x1], $0xffff;
	[tilespmem:v1+s0+$0x19580 ss:$0x1] =	vst.idx.msk $0xffff, v3;
	v3 =	vmul.f32 v46, v49  }
0x345: {  	v53 =	vmul.f32 v47, v49;
	[tilespmem:v1+s0+$0x19590 ss:$0x1] =	vst.idx.msk $0xffff, v4  }
0x346: {  	[tilespmem:v1+s0+$0x195A0 ss:$0x1] =	vst.idx.msk $0xffff, v3;
	v3 =	vmul.f32 v48, v49  }
0x347: {  	v54 =	vmul.f32 v50, v49;
	[tilespmem:v1+s0+$0x195B0 ss:$0x1] =	vst.idx.msk $0xffff, v53  }
0x348: {  	[tilespmem:v1+s0+$0x195C0 ss:$0x1] =	vst.idx.msk $0xffff, v3;
	v3 =	vmul.f32 v51, v49  }
0x349: {  	v55 =	vmul.f32 v52, v49;
	[tilespmem:v1+s0+$0x195D0 ss:$0x1] =	vst.idx.msk $0xffff, v54  }
0x34a: {  	[tilespmem:v1+s0+$0x195E0 ss:$0x1] =	vst.idx.msk $0xffff, v3  }
0x34b: {  	[tilespmem:v1+s0+$0x195F0 ss:$0x1] =	vst.idx.msk $0xffff, v55  }
0x34c: {  	v3 =	vld.idx.msk [tilespmem:v1+s0+$0x14600 ss:$0x1], $0xffff  }
0x34d: {  	v4 =	vld.idx.msk [tilespmem:v1+s0+$0x14610 ss:$0x1], $0xffff  }
0x34e: {  	v56 =	vld.idx.msk [tilespmem:v1+s0+$0x14620 ss:$0x1], $0xffff  }
0x34f: {  	v2 =	vbroadcast v2, $0xF;
	v57 =	vld.idx.msk [tilespmem:v1+s0+$0x14630 ss:$0x1], $0xffff  }
0x350: {  	v58 =	vld.idx.msk [tilespmem:v1+s0+$0x14640 ss:$0x1], $0xffff  }
0x351: {  	v59 =	vld.idx.msk [tilespmem:v1+s0+$0x14650 ss:$0x1], $0xffff;
	v3 =	vmul.f32 v3, v2  }
0x352: {  	v60 =	vld.idx.msk [tilespmem:v1+s0+$0x14660 ss:$0x1], $0xffff;
	v4 =	vmul.f32 v4, v2  }
0x353: {  	v61 =	vld.idx.msk [tilespmem:v1+s0+$0x14670 ss:$0x1], $0xffff;
	[tilespmem:v1+s0+$0x19600 ss:$0x1] =	vst.idx.msk $0xffff, v3;
	v3 =	vmul.f32 v56, v2  }
0x354: {  	v62 =	vmul.f32 v57, v2;
	[tilespmem:v1+s0+$0x19610 ss:$0x1] =	vst.idx.msk $0xffff, v4  }
0x355: {  	s17 =	sadd.s32 $0x1, s17;
	[tilespmem:v1+s0+$0x19620 ss:$0x1] =	vst.idx.msk $0xffff, v3;
	v3 =	vmul.f32 v58, v2  }
0x356: {  	s21 =	smul.u32 $0xA000, s19;
	p5 =	sne.s32 s17, $0x7D;
	v63 =	vmul.f32 v59, v2;
	[tilespmem:v1+s0+$0x19630 ss:$0x1] =	vst.idx.msk $0xffff, v62  }
.Ltmp6:
0x357: {  	[tilespmem:v1+s0+$0x19640 ss:$0x1] =	vst.idx.msk $0xffff, v3;
	v3 =	vmul.f32 v60, v2;
	(pc) =	sbr.rel @p5 .LBB2_6-.Ltmp6, $4  }
0x358: {  	v2 =	vmul.f32 v61, v2;
	[tilespmem:v1+s0+$0x19650 ss:$0x1] =	vst.idx.msk $0xffff, v63  }
0x359: {  	s3 =	sshrl.u32 s21, $0x2;
	[tilespmem:v1+s0+$0x19660 ss:$0x1] =	vst.idx.msk $0xffff, v3  }
0x35a: {  	s31 =	sadd.s32 $0x13A80, s7;
	s25 =	sadd.s32 $0x18E80, s3;
	[tilespmem:v1+s0+$0x19670 ss:$0x1] =	vst.idx.msk $0xffff, v2  }
0x35b: {  	[spmem:s1] =	stream.indirect.scatter.add.f32 [tilespmem:s25], [sflag:$0x4], $0x80, s31, s30, $0xb8;
	[tilespmem:$0x1DE80] =	vst v63  }
0x35c: {  	_ =	swait.ge [sflag:s29], $0x2800  }
0x35d: {  	[sflag:s29] =	ssyncset.done $0x0  }
0x35e: {  	[sflag:s29] =	ssyncadd.s32 $0xFFFFD800  }
.Ltmp7:
0x35f: {  	_ =	swait.ge [sflag:s29], $0x2800;
	(pc) =	sbr.rel @!p1 .LBB2_11-.Ltmp7, $3  }
0x360: {  	[sflag:s29] =	ssyncset.done $0x0  }
0x361: {  	[sflag:s29] =	ssyncadd.s32 $0xFFFFD800  }
0x362: {  	[bflag:$0x0] =	sbarrier.arrive $0xFFFF;
	_ =	sdelay $0x1  }
0x363: {  	s0 =	stileid.u32;
	s3 =	sshrl.u32 s18, $0x3;
	s7 =	simm.s32 $0x8  }
0x364: {  	s17 =	rddreg [dreg:$0x5];
	s19 =	simm.s32 $0x100;
	s0 =	sshll.u32 s0, $0x6  }
.Ltmp8:
0x365: {  	s20 =	simm.s32 $0x80;
	s0 =	sor.u32 $0x1C05, s0;
	(pc) =	sbr.rel .LBB2_12-.Ltmp8, $4  }
0x366: {  	[hbm:s17@s19], [sflag:s0] =	dma.strided [spmem:s3@s20], $0x2800, s7, $0x10   }
0x367: {  	_ =	swait.ge [sflag:s24], $0x2800  }
0x368: {  	[sflag:s24] =	ssyncset.done $0x0  }
0x369: {  	p5 =	por $0x0, $0x0;
	[sflag:s24] =	ssyncadd.s32 $0xFFFFD800  }
.LBB2_11:
.Ltmp9:
0x36a: {  	(pc) =	sbr.rel @p2 .LBB2_13-.Ltmp9, $2  }
0x36b: {  	_ =	sdelay $0x2  }
0x36c: {  	s3 =	simm.s32 $0xF;
	p5 =	por p0, p0;
	s0 =	rddreg [dreg:$0x4]  }
.LBB2_12:
0x36d: {  	s0 =	stileid.u32;
	s3 =	sshrl.u32 @p4 s18, $0x3  }
0x36e: {  	s7 =	simm.s32 @p4 $0x8;
	s17 =	simm.s32 @p4 $0x100;
	p6 =	por @p4 $0x1, $0x1  }
0x36f: {  	s19 =	simm.s32 @p4 $0x80;
	s0 =	sshll.u32 @p4 s0, $0x6;
	p6 =	por @!p4 p3, p3  }
0x370: {  	s20 =	rddreg [dreg:$0x6];
	s0 =	sor.u32 @p4 $0x1C05, s0;
	p5 =	por !p6, !p5  }
0x371: {  	[hbm:s20@s17], [sflag:s0] =	dma.strided @p4 [spmem:s3@s19], $0x2800, s7, $0x10   }
0x372: {  	p5 =	por !p5, !p5  }
.Ltmp10:
0x373: {  	_ = 	snop;
	(pc) =	sbr.rel @!p5 .LBB2_14-.Ltmp10, $4  }
.Ltmp11:
0x374: {  	s0 =	simm.s32 @p4 $0x5;
	(pc) =	sbr.rel @p5 .LBB2_13-.Ltmp11, $4  }
0x375: {  	_ =	swait.ge @p4 [sflag:s0], $0x2800  }
0x376: {  	[sflag:s0] =	ssyncset.done @p4 $0x0  }
0x377: {  	s3 =	stileid.u32;
	[sflag:s0] =	ssyncadd.s32 @p4 $0xFFFFD800;
	s0 =	rddreg [dreg:$0x7]  }
0x378: {  	_ = 	snop  }
.LBB2_15:
0x379: {  	_ =	sfence.sel $0x180000  }
0x37a: {  	[bflag:$0x0] =	sbarrier.arrive $0xFFFF  }
0x37b: {  	_ =	strace $0x90000047  }
0x37c: {  	s0 =	stileid.u32;
	[bflag:$0x2] =	sbarrier.arrive $0xFFFF  }
0x37d: {  	p0 =	sne.s32 s0, $0x0;
	s0 =	rddreg [dreg:$0x3]  }
0x37e: {  	s0 =	sadd.s32 @!p0 $0x100000, s0  }
0x37f: {  	[sflag:s0] =	ssyncadd.tile.s32 @!p0 $0x1;
	_ =	shalt  }
.Lfunc_end2:
_tile_overlayer_lowered:
.L_overlay_start_2:
0x380: {  	(tag) =	ssettag $0x2  }
0x381: {  	s0 =	rddreg [dreg:$0x0];
	s2 =	stileid.u32  }
0x382: {  	s1 =	rddreg [dreg:$0x1];
	p0 =	sne.s32 s2, $0x0  }
0x383: {  	s3 =	rddreg [dreg:$0x2];
	[bflag:$0x3] =	sbarrier.arrive $0xFFFF;
	s2 =	simm.s32 @!p0 $0x1C05  }
0x384: {  	[timem:s3], [sflag:s2] =	dma.local @!p0 [hbm:s0], s1  }
0x385: {  	s0 =	simm.s32 @!p0 $0x5  }
0x386: {  	_ =	swait.ge @!p0 [sflag:s0], s1  }
0x387: {  	s1 =	ssub.s32 @!p0 $0x0, s1;
	[sflag:s0] =	ssyncset.done @!p0 $0x0  }
0x388: {  	[sflag:s0] =	ssyncadd.s32 @!p0 s1  }
0x389: {  	[bflag:$0x3] =	sbarrier.arrive $0xFFFF  }
0x38a: {  	_ =	shalt  }

</sc_bundles>
